<compile_context>
chip_gen: v7x
topology: tpu7x:2x2x1
jax: 0.10.2.dev20260603
libtpu: 0.0.44.dev20260713+nightly
codegen_flags: <defaults>
</compile_context>

<pallas_src>
import jax
import jax.numpy as jnp
from jax import lax
from jax.experimental import pallas as pl
from jax.experimental.pallas import tpu as pltpu
from jax.experimental.pallas import tpu_sc as plsc

B = 16
T = 300
C = 2048
S_PAD = 2048
S_NPAD = 208
E_DEN = 16000
E_NUM = 1600
CAP_DEN = 16256
HALF = 1112
REST = 888
T_PAD = 304
NEG = -1e5
L = 16


def _sc_forward_body(ll_h, seql_h, prm_h, dsd_h, dpdf_h, dw_h,
                     nsd_h, npdf_h, nw_h, dstart_h, nstart_h,
                     ealpha_o, scales_o,
                     dsd_v, dpdf_v, dw_v, nsd_v, npdf_v, nw_v,
                     bufDA, bufDB, bufNA, bufNB, llA, llB,
                     seql_v, prm_v, scalD_v, scalN_v, invD_v, invN_v,
                     spmA, spmB, semA, semB):
    c = lax.axis_index("c")
    s = lax.axis_index("s")
    p = lax.shift_right_logical(s, 1)
    h = jnp.bitwise_and(s, 1)
    u = c * 8 + p
    is_a = h == 0
    is_b = h == 1
    lanes = lax.iota(jnp.int32, L)

    pltpu.sync_copy(seql_h, seql_v)
    pltpu.sync_copy(prm_h, prm_v)
    pltpu.sync_copy(dsd_h, dsd_v)
    pltpu.sync_copy(dpdf_h, dpdf_v)
    pltpu.sync_copy(dw_h, dw_v)
    pltpu.sync_copy(dstart_h, bufDA)

    @pl.when(is_b)
    def _():
        pltpu.sync_copy(nsd_h, nsd_v)
        pltpu.sync_copy(npdf_h, npdf_v)
        pltpu.sync_copy(nw_h, nw_v)
        pltpu.sync_copy(nstart_h, bufNA)

    seqlen = seql_v[...].at[jnp.full((L,), u, jnp.int32)].get(
        mode="promise_in_bounds")[0]
    prm = prm_v[...]
    cA = prm[0]
    startB = prm[1]
    cB = prm[2]

    @plsc.parallel_loop(0, CAP_DEN // L, unroll=4)
    def _expwd(i):
        sl = pl.ds(i * L, L)
        dw_v[sl] = jnp.exp(dw_v[sl])

    @plsc.parallel_loop(0, S_PAD // L, unroll=4)
    def _initD(i):
        sl = pl.ds(i * L, L)
        bufDA[sl] = jnp.exp(bufDA[sl])
        bufDB[sl] = jnp.zeros((L,), jnp.float32)

    @plsc.parallel_loop(0, T_PAD // L, unroll=4)
    def _ones(i):
        sl = pl.ds(i * L, L)
        scalD_v[sl] = jnp.full((L,), 1.0, jnp.float32)
        scalN_v[sl] = jnp.full((L,), 1.0, jnp.float32)

    @pl.when(is_b)
    def _():
        @plsc.parallel_loop(0, E_NUM // L, unroll=4)
        def _expwn(i):
            sl = pl.ds(i * L, L)
            nw_v[sl] = jnp.exp(nw_v[sl])

        @plsc.parallel_loop(0, S_NPAD // L)
        def _initN(i):
            sl = pl.ds(i * L, L)
            bufNA[sl] = jnp.exp(bufNA[sl])
            bufNB[sl] = jnp.zeros((L,), jnp.float32)

    invD_v[...] = jnp.full((L,), 1.0, jnp.float32)
    invN_v[...] = jnp.full((L,), 1.0, jnp.float32)
    pltpu.async_copy(ll_h.at[u, 0], llA, semA)

    def arc_pass(lo2, hi2, unroll, sdv, pdfv, wv, rbuf, wbuf, llbuf, ivec):
        @plsc.parallel_loop(lo2, hi2, unroll=unroll)
        def _arcs(i):
            base = i * 2 * L
            pp = pdfv[pl.ds(base, 2 * L)]
            p0, p1 = plsc.unpack(pp, format=plsc.PackFormat.INTERLEAVED,
                                 preferred_element_type=jnp.int32)
            for j, pj in ((0, p0), (1, p1)):
                sl = pl.ds(base + j * L, L)
                sd = sdv[sl]
                src = jnp.bitwise_and(sd, 0xFFFF)
                dst = lax.shift_right_logical(sd, 16)
                ea = plsc.load_gather(rbuf, [src])
                el = plsc.load_gather(llbuf, [pj])
                contrib = ea * wv[sl] * el * ivec
                plsc.addupdate_scatter(wbuf, [dst], contrib)

    def pow2_scale(accv):
        for sh in (8, 4, 2, 1):
            perm = jnp.bitwise_and(lanes + sh, L - 1)
            accv = jnp.maximum(
                accv, accv.at[perm].get(mode="promise_in_bounds"))
        ebits = jnp.bitwise_and(
            lax.bitcast_convert_type(accv, jnp.int32), 0x7F800000)
        s_vec = lax.bitcast_convert_type(ebits, jnp.float32)
        i_vec = lax.bitcast_convert_type(0x7F000000 - ebits, jnp.float32)
        return s_vec, i_vec

    def finish(t, rbuf, wbuf, n_chunks, scal_v, inv_v, unroll=4):
        @plsc.parallel_loop(0, n_chunks, unroll=unroll,
                            carry=jnp.zeros((L,), jnp.float32))
        def _mxz(i, acc):
            sl = pl.ds(i * L, L)
            acc = jnp.maximum(acc, wbuf[sl])
            rbuf[sl] = jnp.zeros((L,), jnp.float32)
            return acc
        s_vec, i_vec = pow2_scale(_mxz)
        plsc.store_scatter(scal_v, [jnp.full((L,), t, jnp.int32)],
                           s_vec, mask=lanes == 0)
        inv_v[...] = i_vec

    def step_pre(t, rbuf, wbuf, llbuf, parity, nrbuf, nwbuf):
        @plsc.parallel_loop(0, C // L, unroll=8)
        def _expll(i):
            sl = pl.ds(i * L, L)
            llbuf[sl] = jnp.exp(jnp.clip(llbuf[sl], -30.0, 30.0))

        ivd = invD_v[...]

        @pl.when(is_a)
        def _():
            arc_pass(0, cA >> 1, 4, dsd_v, dpdf_v, dw_v,
                     rbuf, wbuf, llbuf, ivd)
            pltpu.sync_copy(wbuf.at[pl.ds(0, HALF)],
                            spmA.at[pl.ds((p * 2 + parity) * HALF, HALF)])

        @pl.when(is_b)
        def _():
            arc_pass(startB >> 1, (startB + cB) >> 1, 4, dsd_v, dpdf_v,
                     dw_v, rbuf, wbuf, llbuf, ivd)
            pltpu.sync_copy(wbuf.at[pl.ds(HALF, REST)],
                            spmB.at[pl.ds((p * 2 + parity) * REST, REST)])
            ivn = invN_v[...]
            arc_pass(0, E_NUM // (2 * L), 2, nsd_v, npdf_v, nw_v,
                     nrbuf, nwbuf, llbuf, ivn)
            finish(t, nrbuf, nwbuf, S_NPAD // L, scalN_v, invN_v,
                   unroll=1)

    def step_post(t, rbuf, wbuf, parity):
        @pl.when(is_a)
        def _():
            pltpu.sync_copy(spmB.at[pl.ds((p * 2 + parity) * REST, REST)],
                            wbuf.at[pl.ds(HALF, REST)])

        @pl.when(is_b)
        def _():
            pltpu.sync_copy(spmA.at[pl.ds((p * 2 + parity) * HALF, HALF)],
                            wbuf.at[pl.ds(0, HALF)])

        finish(t, rbuf, wbuf, S_PAD // L, scalD_v, invD_v, unroll=8)

    def k_body(k, carry):
        t0 = 2 * k
        t1 = t0 + 1
        t2 = t0 + 2

        @pl.when(t1 < seqlen)
        def _():
            pltpu.async_copy(ll_h.at[u, t1], llB, semB)

        @pl.when(t0 < seqlen)
        def _():
            pltpu.make_async_copy(ll_h.at[u, 0], llA, semA).wait()
            step_pre(t0, bufDA, bufDB, llA, 0, bufNA, bufNB)
        plsc.subcore_barrier()

        @pl.when(t0 < seqlen)
        def _():
            step_post(t0, bufDA, bufDB, 0)

        @pl.when(t2 < seqlen)
        def _():
            pltpu.async_copy(ll_h.at[u, t2], llA, semA)

        @pl.when(t1 < seqlen)
        def _():
            pltpu.make_async_copy(ll_h.at[u, 0], llB, semB).wait()
            step_pre(t1, bufDB, bufDA, llB, 1, bufNB, bufNA)
        plsc.subcore_barrier()

        @pl.when(t1 < seqlen)
        def _():
            step_post(t1, bufDB, bufDA, 1)
        return carry

    lax.fori_loop(0, T // 2, k_body, 0)

    even = jnp.bitwise_and(seqlen, 1) == 0
    fD = invD_v[...]

    @pl.when(is_a)
    def _():
        @pl.when(even)
        def _():
            @plsc.parallel_loop(0, S_PAD // L, unroll=4)
            def _oA(i):
                sl = pl.ds(i * L, L)
                bufDA[sl] = bufDA[sl] * fD

        @pl.when(jnp.logical_not(even))
        def _():
            @plsc.parallel_loop(0, S_PAD // L, unroll=4)
            def _oB(i):
                sl = pl.ds(i * L, L)
                bufDA[sl] = bufDB[sl] * fD

        pltpu.sync_copy(bufDA, ealpha_o.at[u])
        pltpu.sync_copy(scalD_v, scales_o.at[u])

    @pl.when(is_b)
    def _():
        fN = invN_v[...]

        @plsc.parallel_loop(0, S_PAD // L, unroll=4)
        def _z(i):
            llA[pl.ds(i * L, L)] = jnp.zeros((L,), jnp.float32)

        @pl.when(even)
        def _():
            @plsc.parallel_loop(0, S_NPAD // L)
            def _oNA(i):
                sl = pl.ds(i * L, L)
                llA[sl] = bufNA[sl] * fN

        @pl.when(jnp.logical_not(even))
        def _():
            @plsc.parallel_loop(0, S_NPAD // L)
            def _oNB(i):
                sl = pl.ds(i * L, L)
                llA[sl] = bufNB[sl] * fN

        pltpu.sync_copy(llA, ealpha_o.at[16 + u])
        pltpu.sync_copy(scalN_v, scales_o.at[16 + u])


def _tc_combine_body(scales_ref, ealpha_ref, finals_ref, out_ref):
    logs = jnp.log(scales_ref[...])
    acc = jnp.sum(logs, axis=1, keepdims=True)
    ef = jnp.exp(finals_ref[...])
    ef_rows = jnp.concatenate(
        [jnp.broadcast_to(ef[0:1, :], (16, S_PAD)),
         jnp.broadcast_to(ef[1:2, :], (16, S_PAD))], axis=0)
    mass = jnp.sum(ealpha_ref[...] * ef_rows, axis=1, keepdims=True)
    llh = acc + jnp.log(mass + 1e-30)
    sign = jnp.where(
        lax.broadcasted_iota(jnp.int32, (32, 1), 0) < 16, 1.0, -1.0)
    out_ref[...] = jnp.broadcast_to(jnp.sum(llh * sign), (1, 1))


def kernel(input, seqlengths, num_src, num_dst, num_pdf, num_weight,
           num_start, num_final, den_src, den_dst, den_pdf, den_weight,
           den_start, den_final):
    order = jnp.argsort(den_src, stable=True)
    den_src = den_src[order]
    den_dst = den_dst[order]
    den_pdf = den_pdf[order]
    den_weight = den_weight[order]
    key = (den_dst >= HALF).astype(jnp.int32)
    n1 = jnp.sum(key)
    n0 = E_DEN - n1
    g0 = ((n0 + 127) // 128) * 128
    r0 = jnp.cumsum(1 - key) - 1
    r1 = jnp.cumsum(key) - 1
    pos = jnp.where(key == 0, r0, g0 + r1)
    dsd = jnp.zeros((CAP_DEN,), jnp.int32).at[pos].set(
        den_src | (den_dst << 16))
    dpdf = jnp.zeros((CAP_DEN,), jnp.int32).at[pos].set(den_pdf)
    dw = jnp.full((CAP_DEN,), NEG, jnp.float32).at[pos].set(den_weight)
    cA = g0 // 16
    startB = g0 // 16
    cB = ((n1 + 127) // 128) * 8
    params = (jnp.zeros((16,), jnp.int32)
              .at[0].set(cA).at[1].set(startB).at[2].set(cB))

    def ilv16(x):
        return x.reshape(-1, 2, L).transpose(0, 2, 1).reshape(-1).astype(
            jnp.int16)

    nsd = num_src | (num_dst << 16)
    nstart = jnp.pad(num_start, (0, S_NPAD - num_start.shape[0]),
                     constant_values=NEG)
    dstart = jnp.pad(den_start, (0, S_PAD - den_start.shape[0]),
                     constant_values=NEG)
    finals2 = jnp.stack([
        jnp.pad(den_final, (0, S_PAD - den_final.shape[0]),
                constant_values=NEG),
        jnp.pad(num_final, (0, S_PAD - num_final.shape[0]),
                constant_values=NEG)])

    mesh = plsc.VectorSubcoreMesh(core_axis_name="c", subcore_axis_name="s")
    sc_fwd = pl.kernel(
        _sc_forward_body,
        out_type=(jax.ShapeDtypeStruct((32, S_PAD), jnp.float32),
                  jax.ShapeDtypeStruct((32, T_PAD), jnp.float32)),
        mesh=mesh,
        compiler_params=pltpu.CompilerParams(needs_layout_passes=False),
        scratch_types=[
            pltpu.VMEM((CAP_DEN,), jnp.int32),
            pltpu.VMEM((CAP_DEN,), jnp.int16),
            pltpu.VMEM((CAP_DEN,), jnp.float32),
            pltpu.VMEM((E_NUM,), jnp.int32),
            pltpu.VMEM((E_NUM,), jnp.int16),
            pltpu.VMEM((E_NUM,), jnp.float32),
            pltpu.VMEM((S_PAD,), jnp.float32),
            pltpu.VMEM((S_PAD,), jnp.float32),
            pltpu.VMEM((S_NPAD,), jnp.float32),
            pltpu.VMEM((S_NPAD,), jnp.float32),
            pltpu.VMEM((C,), jnp.float32),
            pltpu.VMEM((C,), jnp.float32),
            pltpu.VMEM((L,), jnp.int32),
            pltpu.VMEM((L,), jnp.int32),
            pltpu.VMEM((T_PAD,), jnp.float32),
            pltpu.VMEM((T_PAD,), jnp.float32),
            pltpu.VMEM((L,), jnp.float32),
            pltpu.VMEM((L,), jnp.float32),
            pltpu.VMEM_SHARED((8 * 2 * HALF,), jnp.float32),
            pltpu.VMEM_SHARED((8 * 2 * REST,), jnp.float32),
            pltpu.SemaphoreType.DMA,
            pltpu.SemaphoreType.DMA,
        ],
    )
    ealpha32, scales32 = sc_fwd(input, seqlengths, params, dsd,
                                ilv16(dpdf), dw, nsd, ilv16(num_pdf),
                                num_weight, dstart, nstart)

    loss11 = pl.pallas_call(
        _tc_combine_body,
        out_shape=jax.ShapeDtypeStruct((1, 1), jnp.float32),
    )(scales32, ealpha32, finals2)
    return loss11[0, 0]

# --- scband reference (transcript-rebuilt; emitter-appended) ---
"""Pipeline reference for scband-lfmmiloss2-47038481826031 (READ-ONLY COPY).

The authoritative reference and input builder live on the scoring server;
editing this copy changes nothing except your own understanding.
"""

import jax, jax.numpy as jnp
import numpy as np

NEG = -1e5


def setup_inputs(seed: int = 0) -> dict:
    key = jax.random.key(seed)
    ks = jax.random.split(key, 16)
    B, T, C = 16, 300, 2048
    S_num, E_num = 200, 1600
    S_den, E_den = 2000, 16000
    inp = {}
    inp["input"] = jax.random.normal(ks[0], (B, T, C), dtype=jnp.float32)
    inp["seqlengths"] = jax.random.randint(ks[1], (B,), 150, T + 1, dtype=jnp.int32)
    # numerator FSM (shared across batch for this reference)
    inp["num_src"] = jax.random.randint(ks[2], (E_num,), 0, S_num, dtype=jnp.int32)
    inp["num_dst"] = jax.random.randint(ks[3], (E_num,), 0, S_num, dtype=jnp.int32)
    inp["num_pdf"] = jax.random.randint(ks[4], (E_num,), 0, C, dtype=jnp.int32)
    inp["num_weight"] = (jax.random.normal(ks[5], (E_num,), dtype=jnp.float32) * 0.1)
    inp["num_start"] = jax.nn.log_softmax(jax.random.normal(ks[6], (S_num,), dtype=jnp.float32))
    inp["num_final"] = (jax.random.normal(ks[7], (S_num,), dtype=jnp.float32) * 0.1)
    # denominator FSM (module parameter denfsms, materialized as arrays)
    inp["den_src"] = jax.random.randint(ks[8], (E_den,), 0, S_den, dtype=jnp.int32)
    inp["den_dst"] = jax.random.randint(ks[9], (E_den,), 0, S_den, dtype=jnp.int32)
    inp["den_pdf"] = jax.random.randint(ks[10], (E_den,), 0, C, dtype=jnp.int32)
    inp["den_weight"] = (jax.random.normal(ks[11], (E_den,), dtype=jnp.float32) * 0.1)
    inp["den_start"] = jax.nn.log_softmax(jax.random.normal(ks[12], (S_den,), dtype=jnp.float32))
    inp["den_final"] = (jax.random.normal(ks[13], (S_den,), dtype=jnp.float32) * 0.1)
    return inp


def _fsm_logmarginal(loglike, seqlen, src, dst, pdf, weight, start, final):
    # forward algorithm (log-space) over an arc-list FSM; one utterance
    S = start.shape[0]
    ll = jnp.clip(loglike, -30.0, 30.0)  # matches torch clamp(-30, 30)
    T = ll.shape[0]
    valid = jnp.arange(T) < seqlen

    def step(alpha, xs):
        ll_t, v = xs
        # gather alpha at arc sources, gather pdf log-likes at arc pdf-ids
        score = alpha[src] + weight + ll_t[pdf]
        # segment logsumexp into destination states
        m = jax.ops.segment_max(score, dst, num_segments=S)
        m = jnp.maximum(m, NEG)
        s = jax.ops.segment_sum(jnp.exp(score - m[dst]), dst, num_segments=S)
        new_alpha = m + jnp.log(s + 1e-30)
        alpha = jnp.where(v, new_alpha, alpha)  # freeze past seqlen
        return alpha, None

    alpha, _ = jax.lax.scan(step, start, (ll, valid))
    return jax.scipy.special.logsumexp(alpha + final)


def reference(input, seqlengths, num_src, num_dst, num_pdf, num_weight, num_start, num_final, den_src, den_dst, den_pdf, den_weight, den_start, den_final):
    den_scale = 1.0
    marg = jax.vmap(_fsm_logmarginal, in_axes=(0, 0, None, None, None, None, None, None))
    num_llh = marg(input, seqlengths, num_src, num_dst, num_pdf, num_weight, num_start, num_final).sum()
    den_llh = marg(input, seqlengths, den_src, den_dst, den_pdf, den_weight, den_start, den_final).sum()
    loss = -(num_llh - den_scale * den_llh)
    return loss

if __name__ == "__main__":
    import jax
    _d = setup_inputs()
    print(jax.jit(kernel)(*tuple(_d.values())))

</pallas_src>

<mosaic_0001>
#map = affine_map<(d0, d1) -> (0, 0, 0)>
#map1 = affine_map<(d0, d1) -> (0)>
#map2 = affine_map<(d0, d1) -> (0, 0)>
module attributes {stable_mosaic.version = 14 : i64} {
  func.func @_sc_forward_body(%arg0: i32, %arg1: i32, %arg2: memref<16x300x2048xf32, #tpu.memory_space<hbm>>, %arg3: memref<16xi32, #tpu.memory_space<hbm>>, %arg4: memref<16xi32, #tpu.memory_space<hbm>>, %arg5: memref<16256xi32, #tpu.memory_space<hbm>>, %arg6: memref<16256xi16, #tpu.memory_space<hbm>>, %arg7: memref<16256xf32, #tpu.memory_space<hbm>>, %arg8: memref<1600xi32, #tpu.memory_space<hbm>>, %arg9: memref<1600xi16, #tpu.memory_space<hbm>>, %arg10: memref<1600xf32, #tpu.memory_space<hbm>>, %arg11: memref<2048xf32, #tpu.memory_space<hbm>>, %arg12: memref<208xf32, #tpu.memory_space<hbm>>, %arg13: memref<32x2048xf32, #tpu.memory_space<hbm>>, %arg14: memref<32x304xf32, #tpu.memory_space<hbm>>, %arg15: memref<16256xi32, #tpu.memory_space<vmem>>, %arg16: memref<16256xi16, #tpu.memory_space<vmem>>, %arg17: memref<16256xf32, #tpu.memory_space<vmem>>, %arg18: memref<1600xi32, #tpu.memory_space<vmem>>, %arg19: memref<1600xi16, #tpu.memory_space<vmem>>, %arg20: memref<1600xf32, #tpu.memory_space<vmem>>, %arg21: memref<2048xf32, #tpu.memory_space<vmem>>, %arg22: memref<2048xf32, #tpu.memory_space<vmem>>, %arg23: memref<208xf32, #tpu.memory_space<vmem>>, %arg24: memref<208xf32, #tpu.memory_space<vmem>>, %arg25: memref<2048xf32, #tpu.memory_space<vmem>>, %arg26: memref<2048xf32, #tpu.memory_space<vmem>>, %arg27: memref<16xi32, #tpu.memory_space<vmem>>, %arg28: memref<16xi32, #tpu.memory_space<vmem>>, %arg29: memref<304xf32, #tpu.memory_space<vmem>>, %arg30: memref<304xf32, #tpu.memory_space<vmem>>, %arg31: memref<16xf32, #tpu.memory_space<vmem>>, %arg32: memref<16xf32, #tpu.memory_space<vmem>>, %arg33: memref<17792xf32, #tpu.memory_space<vmem_shared>>, %arg34: memref<14208xf32, #tpu.memory_space<vmem_shared>>, %arg35: memref<!tpu.dma_semaphore, #tpu.memory_space<semaphore_mem>>, %arg36: memref<!tpu.dma_semaphore, #tpu.memory_space<semaphore_mem>>) attributes {dimension_semantics = [#tpu.dimension_semantics<core_parallel>, #tpu.dimension_semantics<subcore_parallel>], iteration_bounds = array<i64: 2, 16>, scalar_prefetch = 0 : i64, scratch_operands = 22 : i64, tpu.core_type = #tpu.core_type<sc_vector_subcore>, window_params = [{transform_indices = #map}, {transform_indices = #map1}, {transform_indices = #map1}, {transform_indices = #map1}, {transform_indices = #map1}, {transform_indices = #map1}, {transform_indices = #map1}, {transform_indices = #map1}, {transform_indices = #map1}, {transform_indices = #map1}, {transform_indices = #map1}, {transform_indices = #map2}, {transform_indices = #map2}]} {
    %shift_right_logical3A = arith.constant 1 : i32
    %shift_right_logical3A_0 = arith.shrui %arg1, %shift_right_logical3A : i32
    %and3A = arith.constant 1 : i32
    %and3A_1 = arith.andi %arg1, %and3A : i32
    %mul3A = arith.constant 8 : i32
    %mul3A_2 = arith.muli %arg0, %mul3A : i32
    %add3A = arith.addi %mul3A_2, %shift_right_logical3A_0 : i32
    %eq3A = arith.constant 0 : i32
    %eq3A_3 = arith.cmpi eq, %and3A_1, %eq3A : i32
    %eq3A_4 = arith.constant 1 : i32
    %eq3A_5 = arith.cmpi eq, %and3A_1, %eq3A_4 : i32
    %iota3A = tpu.iota {dimensions = array<i32: 0>} : vector<16xi32>
    "tpu.region"() ({
      %run_scoped3A = tpu.sem_alloc : memref<!tpu.dma_semaphore, #tpu.memory_space<semaphore_mem>>
      tpu.enqueue_dma source(%arg3 : memref<16xi32, #tpu.memory_space<hbm>>) target(%arg27 : memref<16xi32, #tpu.memory_space<vmem>>) target_semaphore(%run_scoped3A : memref<!tpu.dma_semaphore, #tpu.memory_space<semaphore_mem>>)
      tpu.wait_dma2 semaphore(%run_scoped3A : memref<!tpu.dma_semaphore, #tpu.memory_space<semaphore_mem>>) src(%arg3 : memref<16xi32, #tpu.memory_space<hbm>>) dst(%arg27 : memref<16xi32, #tpu.memory_space<vmem>>)
      tpu.yield
    }) : () -> ()
    "tpu.region"() ({
      %run_scoped3A = tpu.sem_alloc : memref<!tpu.dma_semaphore, #tpu.memory_space<semaphore_mem>>
      tpu.enqueue_dma source(%arg4 : memref<16xi32, #tpu.memory_space<hbm>>) target(%arg28 : memref<16xi32, #tpu.memory_space<vmem>>) target_semaphore(%run_scoped3A : memref<!tpu.dma_semaphore, #tpu.memory_space<semaphore_mem>>)
      tpu.wait_dma2 semaphore(%run_scoped3A : memref<!tpu.dma_semaphore, #tpu.memory_space<semaphore_mem>>) src(%arg4 : memref<16xi32, #tpu.memory_space<hbm>>) dst(%arg28 : memref<16xi32, #tpu.memory_space<vmem>>)
      tpu.yield
    }) : () -> ()
    "tpu.region"() ({
      %run_scoped3A = tpu.sem_alloc : memref<!tpu.dma_semaphore, #tpu.memory_space<semaphore_mem>>
      tpu.enqueue_dma source(%arg5 : memref<16256xi32, #tpu.memory_space<hbm>>) target(%arg15 : memref<16256xi32, #tpu.memory_space<vmem>>) target_semaphore(%run_scoped3A : memref<!tpu.dma_semaphore, #tpu.memory_space<semaphore_mem>>)
      tpu.wait_dma2 semaphore(%run_scoped3A : memref<!tpu.dma_semaphore, #tpu.memory_space<semaphore_mem>>) src(%arg5 : memref<16256xi32, #tpu.memory_space<hbm>>) dst(%arg15 : memref<16256xi32, #tpu.memory_space<vmem>>)
      tpu.yield
    }) : () -> ()
    "tpu.region"() ({
      %run_scoped3A = tpu.sem_alloc : memref<!tpu.dma_semaphore, #tpu.memory_space<semaphore_mem>>
      tpu.enqueue_dma source(%arg6 : memref<16256xi16, #tpu.memory_space<hbm>>) target(%arg16 : memref<16256xi16, #tpu.memory_space<vmem>>) target_semaphore(%run_scoped3A : memref<!tpu.dma_semaphore, #tpu.memory_space<semaphore_mem>>)
      tpu.wait_dma2 semaphore(%run_scoped3A : memref<!tpu.dma_semaphore, #tpu.memory_space<semaphore_mem>>) src(%arg6 : memref<16256xi16, #tpu.memory_space<hbm>>) dst(%arg16 : memref<16256xi16, #tpu.memory_space<vmem>>)
      tpu.yield
    }) : () -> ()
    "tpu.region"() ({
      %run_scoped3A = tpu.sem_alloc : memref<!tpu.dma_semaphore, #tpu.memory_space<semaphore_mem>>
      tpu.enqueue_dma source(%arg7 : memref<16256xf32, #tpu.memory_space<hbm>>) target(%arg17 : memref<16256xf32, #tpu.memory_space<vmem>>) target_semaphore(%run_scoped3A : memref<!tpu.dma_semaphore, #tpu.memory_space<semaphore_mem>>)
      tpu.wait_dma2 semaphore(%run_scoped3A : memref<!tpu.dma_semaphore, #tpu.memory_space<semaphore_mem>>) src(%arg7 : memref<16256xf32, #tpu.memory_space<hbm>>) dst(%arg17 : memref<16256xf32, #tpu.memory_space<vmem>>)
      tpu.yield
    }) : () -> ()
    "tpu.region"() ({
      %run_scoped3A = tpu.sem_alloc : memref<!tpu.dma_semaphore, #tpu.memory_space<semaphore_mem>>
      tpu.enqueue_dma source(%arg11 : memref<2048xf32, #tpu.memory_space<hbm>>) target(%arg21 : memref<2048xf32, #tpu.memory_space<vmem>>) target_semaphore(%run_scoped3A : memref<!tpu.dma_semaphore, #tpu.memory_space<semaphore_mem>>)
      tpu.wait_dma2 semaphore(%run_scoped3A : memref<!tpu.dma_semaphore, #tpu.memory_space<semaphore_mem>>) src(%arg11 : memref<2048xf32, #tpu.memory_space<hbm>>) dst(%arg21 : memref<2048xf32, #tpu.memory_space<vmem>>)
      tpu.yield
    }) : () -> ()
    %convert_element_type3A = arith.extui %eq3A_5 : i1 to i32
    %cond3A = arith.constant 0 : i32
    %cond3A_6 = arith.cmpi ne, %convert_element_type3A, %cond3A : i32
    scf.if %cond3A_6 {
      "tpu.region"() ({
        %run_scoped3A = tpu.sem_alloc : memref<!tpu.dma_semaphore, #tpu.memory_space<semaphore_mem>>
        tpu.enqueue_dma source(%arg8 : memref<1600xi32, #tpu.memory_space<hbm>>) target(%arg18 : memref<1600xi32, #tpu.memory_space<vmem>>) target_semaphore(%run_scoped3A : memref<!tpu.dma_semaphore, #tpu.memory_space<semaphore_mem>>)
        tpu.wait_dma2 semaphore(%run_scoped3A : memref<!tpu.dma_semaphore, #tpu.memory_space<semaphore_mem>>) src(%arg8 : memref<1600xi32, #tpu.memory_space<hbm>>) dst(%arg18 : memref<1600xi32, #tpu.memory_space<vmem>>)
        tpu.yield
      }) : () -> ()
      "tpu.region"() ({
        %run_scoped3A = tpu.sem_alloc : memref<!tpu.dma_semaphore, #tpu.memory_space<semaphore_mem>>
        tpu.enqueue_dma source(%arg9 : memref<1600xi16, #tpu.memory_space<hbm>>) target(%arg19 : memref<1600xi16, #tpu.memory_space<vmem>>) target_semaphore(%run_scoped3A : memref<!tpu.dma_semaphore, #tpu.memory_space<semaphore_mem>>)
        tpu.wait_dma2 semaphore(%run_scoped3A : memref<!tpu.dma_semaphore, #tpu.memory_space<semaphore_mem>>) src(%arg9 : memref<1600xi16, #tpu.memory_space<hbm>>) dst(%arg19 : memref<1600xi16, #tpu.memory_space<vmem>>)
        tpu.yield
      }) : () -> ()
      "tpu.region"() ({
        %run_scoped3A = tpu.sem_alloc : memref<!tpu.dma_semaphore, #tpu.memory_space<semaphore_mem>>
        tpu.enqueue_dma source(%arg10 : memref<1600xf32, #tpu.memory_space<hbm>>) target(%arg20 : memref<1600xf32, #tpu.memory_space<vmem>>) target_semaphore(%run_scoped3A : memref<!tpu.dma_semaphore, #tpu.memory_space<semaphore_mem>>)
        tpu.wait_dma2 semaphore(%run_scoped3A : memref<!tpu.dma_semaphore, #tpu.memory_space<semaphore_mem>>) src(%arg10 : memref<1600xf32, #tpu.memory_space<hbm>>) dst(%arg20 : memref<1600xf32, #tpu.memory_space<vmem>>)
        tpu.yield
      }) : () -> ()
      "tpu.region"() ({
        %run_scoped3A = tpu.sem_alloc : memref<!tpu.dma_semaphore, #tpu.memory_space<semaphore_mem>>
        tpu.enqueue_dma source(%arg12 : memref<208xf32, #tpu.memory_space<hbm>>) target(%arg23 : memref<208xf32, #tpu.memory_space<vmem>>) target_semaphore(%run_scoped3A : memref<!tpu.dma_semaphore, #tpu.memory_space<semaphore_mem>>)
        tpu.wait_dma2 semaphore(%run_scoped3A : memref<!tpu.dma_semaphore, #tpu.memory_space<semaphore_mem>>) src(%arg12 : memref<208xf32, #tpu.memory_space<hbm>>) dst(%arg23 : memref<208xf32, #tpu.memory_space<vmem>>)
        tpu.yield
      }) : () -> ()
    } else {
    }
    %get3A = arith.constant 0 : index
    %get3A_7 = tpu.vector_load %arg27[%get3A] {strides = array<i32>} : memref<16xi32, #tpu.memory_space<vmem>>, vector<16xi32>,
    %broadcast_in_dim3A = vector.broadcast %add3A : i32 to vector<16xi32>
    %lt3A = arith.constant 0 : i32
    %lt3A_8 = vector.broadcast %lt3A : i32 to vector<16xi32>
    %lt3A_9 = arith.cmpi slt, %broadcast_in_dim3A, %lt3A_8 : vector<16xi32>
    %add3A_10 = arith.constant 16 : i32
    %add3A_11 = vector.broadcast %add3A_10 : i32 to vector<16xi32>
    %add3A_12 = arith.addi %broadcast_in_dim3A, %add3A_11 : vector<16xi32>
    %select_n3A = arith.select %lt3A_9, %add3A_12, %broadcast_in_dim3A : vector<16xi1>, vector<16xi32>
    %broadcast_in_dim3A_13 = vector.shape_cast %select_n3A : vector<16xi32> to vector<16x1xi32>
    %gather3A = vector.shape_cast %broadcast_in_dim3A_13 : vector<16x1xi32> to vector<16xi32>
    %gather3A_14 = tpu.dynamic_gather %get3A_7[%gather3A] in [0] : vector<16xi32>, vector<16xi32> -> vector<16xi32>
    %slice3A = vector.extract_strided_slice %gather3A_14 {offsets = [0], sizes = [1], strides = [1]} : vector<16xi32> to vector<1xi32>
    %squeeze3A = vector.extract %slice3A[0] : i32 from vector<1xi32>
    %get3A_15 = arith.constant 0 : index
    %get3A_16 = tpu.vector_load %arg28[%get3A_15] {strides = array<i32>} : memref<16xi32, #tpu.memory_space<vmem>>, vector<16xi32>,
    %slice3A_17 = vector.extract_strided_slice %get3A_16 {offsets = [0], sizes = [1], strides = [1]} : vector<16xi32> to vector<1xi32>
    %squeeze3A_18 = vector.extract %slice3A_17[0] : i32 from vector<1xi32>
    %slice3A_19 = vector.extract_strided_slice %get3A_16 {offsets = [1], sizes = [1], strides = [1]} : vector<16xi32> to vector<1xi32>
    %squeeze3A_20 = vector.extract %slice3A_19[0] : i32 from vector<1xi32>
    %slice3A_21 = vector.extract_strided_slice %get3A_16 {offsets = [2], sizes = [1], strides = [1]} : vector<16xi32> to vector<1xi32>
    %squeeze3A_22 = vector.extract %slice3A_21[0] : i32 from vector<1xi32>
    %parallel_loop3A = arith.constant 0 : i32
    %parallel_loop3A_23 = arith.constant 1016 : i32
    %parallel_loop3A_24 = arith.constant 1 : i32
    scf.for %parallel_loop3A_64 = %parallel_loop3A to %parallel_loop3A_23 step %parallel_loop3A_24  : i32 {
      %parallel_loop3A_65 = arith.constant 16 : i32
      %parallel_loop3A_66 = arith.muli %parallel_loop3A_64, %parallel_loop3A_65 : i32
      %parallel_loop3A_67 = arith.index_cast %parallel_loop3A_66 : i32 to index
      %parallel_loop3A_68 = tpu.vector_load %arg17[%parallel_loop3A_67] {strides = array<i32>} : memref<16256xf32, #tpu.memory_space<vmem>>, vector<16xf32>,
      %parallel_loop3A_69 = math.exp %parallel_loop3A_68 : vector<16xf32>
      %parallel_loop3A_70 = arith.index_cast %parallel_loop3A_66 : i32 to index
      %parallel_loop3A_71 = tpu.vector_load %arg17[%parallel_loop3A_70] {strides = array<i32>} : memref<16256xf32, #tpu.memory_space<vmem>>, vector<16xf32>,
      tpu.vector_store %arg17[%parallel_loop3A_70], %parallel_loop3A_69 {strides = array<i32>} : memref<16256xf32, #tpu.memory_space<vmem>>, vector<16xf32>,
    } {sc.loop_unroll_factor = 4 : i64, sc.parallel_access}
    %parallel_loop3A_25 = arith.constant 0 : i32
    %parallel_loop3A_26 = arith.constant 128 : i32
    %parallel_loop3A_27 = arith.constant 1 : i32
    scf.for %parallel_loop3A_64 = %parallel_loop3A_25 to %parallel_loop3A_26 step %parallel_loop3A_27  : i32 {
      %parallel_loop3A_65 = arith.constant 16 : i32
      %parallel_loop3A_66 = arith.muli %parallel_loop3A_64, %parallel_loop3A_65 : i32
      %parallel_loop3A_67 = arith.index_cast %parallel_loop3A_66 : i32 to index
      %parallel_loop3A_68 = tpu.vector_load %arg21[%parallel_loop3A_67] {strides = array<i32>} : memref<2048xf32, #tpu.memory_space<vmem>>, vector<16xf32>,
      %parallel_loop3A_69 = math.exp %parallel_loop3A_68 : vector<16xf32>
      %parallel_loop3A_70 = arith.index_cast %parallel_loop3A_66 : i32 to index
      %parallel_loop3A_71 = tpu.vector_load %arg21[%parallel_loop3A_70] {strides = array<i32>} : memref<2048xf32, #tpu.memory_space<vmem>>, vector<16xf32>,
      tpu.vector_store %arg21[%parallel_loop3A_70], %parallel_loop3A_69 {strides = array<i32>} : memref<2048xf32, #tpu.memory_space<vmem>>, vector<16xf32>,
      %parallel_loop3A_72 = arith.constant 0.000000e+00 : f32
      %parallel_loop3A_73 = vector.broadcast %parallel_loop3A_72 : f32 to vector<16xf32>
      %parallel_loop3A_74 = arith.index_cast %parallel_loop3A_66 : i32 to index
      %parallel_loop3A_75 = tpu.vector_load %arg22[%parallel_loop3A_74] {strides = array<i32>} : memref<2048xf32, #tpu.memory_space<vmem>>, vector<16xf32>,
      tpu.vector_store %arg22[%parallel_loop3A_74], %parallel_loop3A_73 {strides = array<i32>} : memref<2048xf32, #tpu.memory_space<vmem>>, vector<16xf32>,
    } {sc.loop_unroll_factor = 4 : i64, sc.parallel_access}
    %parallel_loop3A_28 = arith.constant 0 : i32
    %parallel_loop3A_29 = arith.constant 19 : i32
    %parallel_loop3A_30 = arith.constant 1 : i32
    scf.for %parallel_loop3A_64 = %parallel_loop3A_28 to %parallel_loop3A_29 step %parallel_loop3A_30  : i32 {
      %parallel_loop3A_65 = arith.constant 16 : i32
      %parallel_loop3A_66 = arith.muli %parallel_loop3A_64, %parallel_loop3A_65 : i32
      %parallel_loop3A_67 = arith.constant 1.000000e+00 : f32
      %parallel_loop3A_68 = vector.broadcast %parallel_loop3A_67 : f32 to vector<16xf32>
      %parallel_loop3A_69 = arith.index_cast %parallel_loop3A_66 : i32 to index
      %parallel_loop3A_70 = tpu.vector_load %arg29[%parallel_loop3A_69] {strides = array<i32>} : memref<304xf32, #tpu.memory_space<vmem>>, vector<16xf32>,
      tpu.vector_store %arg29[%parallel_loop3A_69], %parallel_loop3A_68 {strides = array<i32>} : memref<304xf32, #tpu.memory_space<vmem>>, vector<16xf32>,
      %parallel_loop3A_71 = arith.constant 1.000000e+00 : f32
      %parallel_loop3A_72 = vector.broadcast %parallel_loop3A_71 : f32 to vector<16xf32>
      %parallel_loop3A_73 = arith.index_cast %parallel_loop3A_66 : i32 to index
      %parallel_loop3A_74 = tpu.vector_load %arg30[%parallel_loop3A_73] {strides = array<i32>} : memref<304xf32, #tpu.memory_space<vmem>>, vector<16xf32>,
      tpu.vector_store %arg30[%parallel_loop3A_73], %parallel_loop3A_72 {strides = array<i32>} : memref<304xf32, #tpu.memory_space<vmem>>, vector<16xf32>,
    } {sc.loop_unroll_factor = 4 : i64, sc.parallel_access}
    %convert_element_type3A_31 = arith.extui %eq3A_5 : i1 to i32
    %cond3A_32 = arith.constant 0 : i32
    %cond3A_33 = arith.cmpi ne, %convert_element_type3A_31, %cond3A_32 : i32
    scf.if %cond3A_33 {
      %parallel_loop3A_64 = arith.constant 0 : i32
      %parallel_loop3A_65 = arith.constant 100 : i32
      %parallel_loop3A_66 = arith.constant 1 : i32
      scf.for %parallel_loop3A_70 = %parallel_loop3A_64 to %parallel_loop3A_65 step %parallel_loop3A_66  : i32 {
        %parallel_loop3A_71 = arith.constant 16 : i32
        %parallel_loop3A_72 = arith.muli %parallel_loop3A_70, %parallel_loop3A_71 : i32
        %parallel_loop3A_73 = arith.index_cast %parallel_loop3A_72 : i32 to index
        %parallel_loop3A_74 = tpu.vector_load %arg20[%parallel_loop3A_73] {strides = array<i32>} : memref<1600xf32, #tpu.memory_space<vmem>>, vector<16xf32>,
        %parallel_loop3A_75 = math.exp %parallel_loop3A_74 : vector<16xf32>
        %parallel_loop3A_76 = arith.index_cast %parallel_loop3A_72 : i32 to index
        %parallel_loop3A_77 = tpu.vector_load %arg20[%parallel_loop3A_76] {strides = array<i32>} : memref<1600xf32, #tpu.memory_space<vmem>>, vector<16xf32>,
        tpu.vector_store %arg20[%parallel_loop3A_76], %parallel_loop3A_75 {strides = array<i32>} : memref<1600xf32, #tpu.memory_space<vmem>>, vector<16xf32>,
      } {sc.loop_unroll_factor = 4 : i64, sc.parallel_access}
      %parallel_loop3A_67 = arith.constant 0 : i32
      %parallel_loop3A_68 = arith.constant 13 : i32
      %parallel_loop3A_69 = arith.constant 1 : i32
      scf.for %parallel_loop3A_70 = %parallel_loop3A_67 to %parallel_loop3A_68 step %parallel_loop3A_69  : i32 {
        %parallel_loop3A_71 = arith.constant 16 : i32
        %parallel_loop3A_72 = arith.muli %parallel_loop3A_70, %parallel_loop3A_71 : i32
        %parallel_loop3A_73 = arith.index_cast %parallel_loop3A_72 : i32 to index
        %parallel_loop3A_74 = tpu.vector_load %arg23[%parallel_loop3A_73] {strides = array<i32>} : memref<208xf32, #tpu.memory_space<vmem>>, vector<16xf32>,
        %parallel_loop3A_75 = math.exp %parallel_loop3A_74 : vector<16xf32>
        %parallel_loop3A_76 = arith.index_cast %parallel_loop3A_72 : i32 to index
        %parallel_loop3A_77 = tpu.vector_load %arg23[%parallel_loop3A_76] {strides = array<i32>} : memref<208xf32, #tpu.memory_space<vmem>>, vector<16xf32>,
        tpu.vector_store %arg23[%parallel_loop3A_76], %parallel_loop3A_75 {strides = array<i32>} : memref<208xf32, #tpu.memory_space<vmem>>, vector<16xf32>,
        %parallel_loop3A_78 = arith.constant 0.000000e+00 : f32
        %parallel_loop3A_79 = vector.broadcast %parallel_loop3A_78 : f32 to vector<16xf32>
        %parallel_loop3A_80 = arith.index_cast %parallel_loop3A_72 : i32 to index
        %parallel_loop3A_81 = tpu.vector_load %arg24[%parallel_loop3A_80] {strides = array<i32>} : memref<208xf32, #tpu.memory_space<vmem>>, vector<16xf32>,
        tpu.vector_store %arg24[%parallel_loop3A_80], %parallel_loop3A_79 {strides = array<i32>} : memref<208xf32, #tpu.memory_space<vmem>>, vector<16xf32>,
      } {sc.loop_unroll_factor = 1 : i64, sc.parallel_access}
    } else {
    }
    %broadcast_in_dim3A_34 = arith.constant 1.000000e+00 : f32
    %broadcast_in_dim3A_35 = vector.broadcast %broadcast_in_dim3A_34 : f32 to vector<16xf32>
    %swap3A = arith.constant 0 : index
    %swap3A_36 = tpu.vector_load %arg31[%swap3A] {strides = array<i32>} : memref<16xf32, #tpu.memory_space<vmem>>, vector<16xf32>,
    tpu.vector_store %arg31[%swap3A], %broadcast_in_dim3A_35 {strides = array<i32>} : memref<16xf32, #tpu.memory_space<vmem>>, vector<16xf32>,
    %broadcast_in_dim3A_37 = arith.constant 1.000000e+00 : f32
    %broadcast_in_dim3A_38 = vector.broadcast %broadcast_in_dim3A_37 : f32 to vector<16xf32>
    %swap3A_39 = arith.constant 0 : index
    %swap3A_40 = tpu.vector_load %arg32[%swap3A_39] {strides = array<i32>} : memref<16xf32, #tpu.memory_space<vmem>>, vector<16xf32>,
    tpu.vector_store %arg32[%swap3A_39], %broadcast_in_dim3A_38 {strides = array<i32>} : memref<16xf32, #tpu.memory_space<vmem>>, vector<16xf32>,
    %dma_start3A = arith.constant 0 : i32
    %dma_start3A_41 = arith.constant 0 : i32
    %dma_start3A_42 = tpu.memref_slice %arg2[%add3A, %dma_start3A, %dma_start3A_41] : memref<16x300x2048xf32, #tpu.memory_space<hbm>> -> memref<1x1x2048xf32, #tpu.memory_space<hbm>>
    %dma_start3A_43 = tpu.memref_squeeze %dma_start3A_42 : memref<1x1x2048xf32, #tpu.memory_space<hbm>> -> memref<2048xf32, #tpu.memory_space<hbm>>
    %dma_start3A_44 = arith.constant 0 : i32
    %dma_start3A_45 = tpu.memref_slice %arg2[%add3A, %dma_start3A, %dma_start3A_44] : memref<16x300x2048xf32, #tpu.memory_space<hbm>> -> memref<1x1x2048xf32, #tpu.memory_space<hbm>>
    %dma_start3A_46 = tpu.memref_squeeze %dma_start3A_45 : memref<1x1x2048xf32, #tpu.memory_space<hbm>> -> memref<2048xf32, #tpu.memory_space<hbm>>
    tpu.enqueue_dma source(%dma_start3A_46 : memref<2048xf32, #tpu.memory_space<hbm>>) target(%arg25 : memref<2048xf32, #tpu.memory_space<vmem>>) target_semaphore(%arg35 : memref<!tpu.dma_semaphore, #tpu.memory_space<semaphore_mem>>)
    %scan3A = arith.constant 0 : i32
    %scan3A_47 = arith.constant 0 : i32
    %scan3A_48 = arith.constant 150 : i32
    %scan3A_49 = arith.addi %scan3A_47, %scan3A_48 : i32
    %scan3A_50 = arith.constant 1 : i32
    scf.for %scan3A_64 = %scan3A_47 to %scan3A_49 step %scan3A_50  : i32 {
      %mul3A_65 = arith.constant 2 : i32
      %mul3A_66 = arith.muli %mul3A_65, %scan3A_64 : i32
      %add3A_67 = arith.constant 1 : i32
      %add3A_68 = arith.addi %mul3A_66, %add3A_67 : i32
      %add3A_69 = arith.constant 2 : i32
      %add3A_70 = arith.addi %mul3A_66, %add3A_69 : i32
      %lt3A_71 = arith.cmpi slt, %add3A_68, %squeeze3A : i32
      %convert_element_type3A_72 = arith.extui %lt3A_71 : i1 to i32
      %cond3A_73 = arith.constant 0 : i32
      %cond3A_74 = arith.cmpi ne, %convert_element_type3A_72, %cond3A_73 : i32
      scf.if %cond3A_74 {
        %dma_start3A_96 = arith.constant 0 : i32
        %dma_start3A_97 = tpu.memref_slice %arg2[%add3A, %add3A_68, %dma_start3A_96] : memref<16x300x2048xf32, #tpu.memory_space<hbm>> -> memref<1x1x2048xf32, #tpu.memory_space<hbm>>
        %dma_start3A_98 = tpu.memref_squeeze %dma_start3A_97 : memref<1x1x2048xf32, #tpu.memory_space<hbm>> -> memref<2048xf32, #tpu.memory_space<hbm>>
        %dma_start3A_99 = arith.constant 0 : i32
        %dma_start3A_100 = tpu.memref_slice %arg2[%add3A, %add3A_68, %dma_start3A_99] : memref<16x300x2048xf32, #tpu.memory_space<hbm>> -> memref<1x1x2048xf32, #tpu.memory_space<hbm>>
        %dma_start3A_101 = tpu.memref_squeeze %dma_start3A_100 : memref<1x1x2048xf32, #tpu.memory_space<hbm>> -> memref<2048xf32, #tpu.memory_space<hbm>>
        tpu.enqueue_dma source(%dma_start3A_101 : memref<2048xf32, #tpu.memory_space<hbm>>) target(%arg26 : memref<2048xf32, #tpu.memory_space<vmem>>) target_semaphore(%arg36 : memref<!tpu.dma_semaphore, #tpu.memory_space<semaphore_mem>>)
      } else {
      }
      %lt3A_75 = arith.cmpi slt, %mul3A_66, %squeeze3A : i32
      %convert_element_type3A_76 = arith.extui %lt3A_75 : i1 to i32
      %cond3A_77 = arith.constant 0 : i32
      %cond3A_78 = arith.cmpi ne, %convert_element_type3A_76, %cond3A_77 : i32
      scf.if %cond3A_78 {
        %dma_wait3A = arith.constant 0 : i32
        %dma_wait3A_96 = arith.constant 0 : i32
        %dma_wait3A_97 = tpu.memref_slice %arg2[%add3A, %dma_wait3A, %dma_wait3A_96] : memref<16x300x2048xf32, #tpu.memory_space<hbm>> -> memref<1x1x2048xf32, #tpu.memory_space<hbm>>
        %dma_wait3A_98 = tpu.memref_squeeze %dma_wait3A_97 : memref<1x1x2048xf32, #tpu.memory_space<hbm>> -> memref<2048xf32, #tpu.memory_space<hbm>>
        %dma_wait3A_99 = arith.constant 0 : i32
        %dma_wait3A_100 = tpu.memref_slice %arg2[%add3A, %dma_wait3A, %dma_wait3A_99] : memref<16x300x2048xf32, #tpu.memory_space<hbm>> -> memref<1x1x2048xf32, #tpu.memory_space<hbm>>
        %dma_wait3A_101 = tpu.memref_squeeze %dma_wait3A_100 : memref<1x1x2048xf32, #tpu.memory_space<hbm>> -> memref<2048xf32, #tpu.memory_space<hbm>>
        tpu.wait_dma2 semaphore(%arg35 : memref<!tpu.dma_semaphore, #tpu.memory_space<semaphore_mem>>) src(%dma_wait3A_101 : memref<2048xf32, #tpu.memory_space<hbm>>) dst(%arg25 : memref<2048xf32, #tpu.memory_space<vmem>>)
        %parallel_loop3A_102 = arith.constant 0 : i32
        %parallel_loop3A_103 = arith.constant 128 : i32
        %parallel_loop3A_104 = arith.constant 1 : i32
        scf.for %parallel_loop3A_113 = %parallel_loop3A_102 to %parallel_loop3A_103 step %parallel_loop3A_104  : i32 {
          %parallel_loop3A_114 = arith.constant 16 : i32
          %parallel_loop3A_115 = arith.muli %parallel_loop3A_113, %parallel_loop3A_114 : i32
          %parallel_loop3A_116 = arith.index_cast %parallel_loop3A_115 : i32 to index
          %parallel_loop3A_117 = tpu.vector_load %arg25[%parallel_loop3A_116] {strides = array<i32>} : memref<2048xf32, #tpu.memory_space<vmem>>, vector<16xf32>,
          %parallel_loop3A_118 = arith.constant -3.000000e+01 : f32
          %parallel_loop3A_119 = arith.constant 3.000000e+01 : f32
          %parallel_loop3A_120 = vector.broadcast %parallel_loop3A_118 : f32 to vector<16xf32>
          %parallel_loop3A_121 = arith.maximumf %parallel_loop3A_120, %parallel_loop3A_117 : vector<16xf32>
          %parallel_loop3A_122 = vector.broadcast %parallel_loop3A_119 : f32 to vector<16xf32>
          %parallel_loop3A_123 = arith.minimumf %parallel_loop3A_122, %parallel_loop3A_121 : vector<16xf32>
          %parallel_loop3A_124 = math.exp %parallel_loop3A_123 : vector<16xf32>
          %parallel_loop3A_125 = arith.index_cast %parallel_loop3A_115 : i32 to index
          %parallel_loop3A_126 = tpu.vector_load %arg25[%parallel_loop3A_125] {strides = array<i32>} : memref<2048xf32, #tpu.memory_space<vmem>>, vector<16xf32>,
          tpu.vector_store %arg25[%parallel_loop3A_125], %parallel_loop3A_124 {strides = array<i32>} : memref<2048xf32, #tpu.memory_space<vmem>>, vector<16xf32>,
        } {sc.loop_unroll_factor = 8 : i64, sc.parallel_access}
        %get3A_105 = arith.constant 0 : index
        %get3A_106 = tpu.vector_load %arg31[%get3A_105] {strides = array<i32>} : memref<16xf32, #tpu.memory_space<vmem>>, vector<16xf32>,
        %convert_element_type3A_107 = arith.extui %eq3A_3 : i1 to i32
        %cond3A_108 = arith.constant 0 : i32
        %cond3A_109 = arith.cmpi ne, %convert_element_type3A_107, %cond3A_108 : i32
        scf.if %cond3A_109 {
          %shift_right_arithmetic3A = arith.constant 1 : i32
          %shift_right_arithmetic3A_113 = arith.shrsi %squeeze3A_18, %shift_right_arithmetic3A : i32
          %parallel_loop3A_114 = arith.constant 0 : i32
          %parallel_loop3A_115 = arith.constant 1 : i32
          scf.for %parallel_loop3A_122 = %parallel_loop3A_114 to %shift_right_arithmetic3A_113 step %parallel_loop3A_115  : i32 {
            %parallel_loop3A_123 = arith.constant 2 : i32
            %parallel_loop3A_124 = arith.muli %parallel_loop3A_122, %parallel_loop3A_123 : i32
            %parallel_loop3A_125 = arith.constant 16 : i32
            %parallel_loop3A_126 = arith.muli %parallel_loop3A_124, %parallel_loop3A_125 : i32
            %parallel_loop3A_127 = arith.index_cast %parallel_loop3A_126 : i32 to index
            %parallel_loop3A_128 = tpu.vector_load %arg16[%parallel_loop3A_127] {strides = array<i32>} : memref<16256xi16, #tpu.memory_space<vmem>>, vector<32xi16>,
            %parallel_loop3A_129 = tpu.unpack_subelements %parallel_loop3A_128, 0 {pack_format = #tpu.pack_format<interleaved>} : vector<32xi16> -> vector<16xi32>
            %parallel_loop3A_130 = tpu.unpack_subelements %parallel_loop3A_128, 1 {pack_format = #tpu.pack_format<interleaved>} : vector<32xi16> -> vector<16xi32>
            %parallel_loop3A_131 = arith.constant 0 : i32
            %parallel_loop3A_132 = arith.addi %parallel_loop3A_126, %parallel_loop3A_131 : i32
            %parallel_loop3A_133 = arith.index_cast %parallel_loop3A_132 : i32 to index
            %parallel_loop3A_134 = tpu.vector_load %arg15[%parallel_loop3A_133] {strides = array<i32>} : memref<16256xi32, #tpu.memory_space<vmem>>, vector<16xi32>,
            %parallel_loop3A_135 = arith.constant 65535 : i32
            %parallel_loop3A_136 = vector.broadcast %parallel_loop3A_135 : i32 to vector<16xi32>
            %parallel_loop3A_137 = arith.andi %parallel_loop3A_134, %parallel_loop3A_136 : vector<16xi32>
            %parallel_loop3A_138 = arith.constant 16 : i32
            %parallel_loop3A_139 = vector.broadcast %parallel_loop3A_138 : i32 to vector<16xi32>
            %parallel_loop3A_140 = arith.shrui %parallel_loop3A_134, %parallel_loop3A_139 : vector<16xi32>
            %parallel_loop3A_141 = tpu.vector_load_idx %arg21[%parallel_loop3A_137] : memref<2048xf32, #tpu.memory_space<vmem>>[vector<16xi32>], vector<16xf32>,
            %parallel_loop3A_142 = tpu.vector_load_idx %arg25[%parallel_loop3A_129] : memref<2048xf32, #tpu.memory_space<vmem>>[vector<16xi32>], vector<16xf32>,
            %parallel_loop3A_143 = arith.index_cast %parallel_loop3A_132 : i32 to index
            %parallel_loop3A_144 = tpu.vector_load %arg17[%parallel_loop3A_143] {strides = array<i32>} : memref<16256xf32, #tpu.memory_space<vmem>>, vector<16xf32>,
            %parallel_loop3A_145 = arith.mulf %parallel_loop3A_141, %parallel_loop3A_144 : vector<16xf32>
            %parallel_loop3A_146 = arith.mulf %parallel_loop3A_145, %parallel_loop3A_142 : vector<16xf32>
            %parallel_loop3A_147 = arith.mulf %parallel_loop3A_146, %get3A_106 : vector<16xf32>
            tpu.vector_store_idx %arg22[%parallel_loop3A_140], %parallel_loop3A_147 {add = true} : memref<2048xf32, #tpu.memory_space<vmem>>[vector<16xi32>], vector<16xf32>,
            %parallel_loop3A_148 = arith.constant 16 : i32
            %parallel_loop3A_149 = arith.addi %parallel_loop3A_126, %parallel_loop3A_148 : i32
            %parallel_loop3A_150 = arith.index_cast %parallel_loop3A_149 : i32 to index
            %parallel_loop3A_151 = tpu.vector_load %arg15[%parallel_loop3A_150] {strides = array<i32>} : memref<16256xi32, #tpu.memory_space<vmem>>, vector<16xi32>,
            %parallel_loop3A_152 = arith.constant 65535 : i32
            %parallel_loop3A_153 = vector.broadcast %parallel_loop3A_152 : i32 to vector<16xi32>
            %parallel_loop3A_154 = arith.andi %parallel_loop3A_151, %parallel_loop3A_153 : vector<16xi32>
            %parallel_loop3A_155 = arith.constant 16 : i32
            %parallel_loop3A_156 = vector.broadcast %parallel_loop3A_155 : i32 to vector<16xi32>
            %parallel_loop3A_157 = arith.shrui %parallel_loop3A_151, %parallel_loop3A_156 : vector<16xi32>
            %parallel_loop3A_158 = tpu.vector_load_idx %arg21[%parallel_loop3A_154] : memref<2048xf32, #tpu.memory_space<vmem>>[vector<16xi32>], vector<16xf32>,
            %parallel_loop3A_159 = tpu.vector_load_idx %arg25[%parallel_loop3A_130] : memref<2048xf32, #tpu.memory_space<vmem>>[vector<16xi32>], vector<16xf32>,
            %parallel_loop3A_160 = arith.index_cast %parallel_loop3A_149 : i32 to index
            %parallel_loop3A_161 = tpu.vector_load %arg17[%parallel_loop3A_160] {strides = array<i32>} : memref<16256xf32, #tpu.memory_space<vmem>>, vector<16xf32>,
            %parallel_loop3A_162 = arith.mulf %parallel_loop3A_158, %parallel_loop3A_161 : vector<16xf32>
            %parallel_loop3A_163 = arith.mulf %parallel_loop3A_162, %parallel_loop3A_159 : vector<16xf32>
            %parallel_loop3A_164 = arith.mulf %parallel_loop3A_163, %get3A_106 : vector<16xf32>
            tpu.vector_store_idx %arg22[%parallel_loop3A_157], %parallel_loop3A_164 {add = true} : memref<2048xf32, #tpu.memory_space<vmem>>[vector<16xi32>], vector<16xf32>,
          } {sc.loop_unroll_factor = 4 : i64, sc.parallel_access}
          %mul3A_116 = arith.constant 2 : i32
          %mul3A_117 = arith.muli %shift_right_logical3A_0, %mul3A_116 : i32
          %add3A_118 = arith.constant 0 : i32
          %add3A_119 = arith.addi %mul3A_117, %add3A_118 : i32
          %mul3A_120 = arith.constant 1112 : i32
          %mul3A_121 = arith.muli %add3A_119, %mul3A_120 : i32
          "tpu.region"() ({
            %run_scoped3A = tpu.sem_alloc : memref<!tpu.dma_semaphore, #tpu.memory_space<semaphore_mem>>
            %dma_start3A_122 = arith.constant 0 : i32
            %dma_start3A_123 = tpu.memref_slice %arg22[%dma_start3A_122] : memref<2048xf32, #tpu.memory_space<vmem>> -> memref<1112xf32, #tpu.memory_space<vmem>>
            %dma_start3A_124 = tpu.memref_slice %arg33[%mul3A_121] : memref<17792xf32, #tpu.memory_space<vmem_shared>> -> memref<1112xf32, #tpu.memory_space<vmem_shared>>
            %dma_start3A_125 = tpu.memref_slice %arg33[%mul3A_121] : memref<17792xf32, #tpu.memory_space<vmem_shared>> -> memref<1112xf32, #tpu.memory_space<vmem_shared>>
            %dma_start3A_126 = arith.constant 0 : i32
            %dma_start3A_127 = tpu.memref_slice %arg22[%dma_start3A_126] : memref<2048xf32, #tpu.memory_space<vmem>> -> memref<1112xf32, #tpu.memory_space<vmem>>
            tpu.enqueue_dma source(%dma_start3A_127 : memref<1112xf32, #tpu.memory_space<vmem>>) target(%dma_start3A_125 : memref<1112xf32, #tpu.memory_space<vmem_shared>>) target_semaphore(%run_scoped3A : memref<!tpu.dma_semaphore, #tpu.memory_space<semaphore_mem>>)
            %dma_wait3A_128 = arith.constant 0 : i32
            %dma_wait3A_129 = tpu.memref_slice %arg22[%dma_wait3A_128] : memref<2048xf32, #tpu.memory_space<vmem>> -> memref<1112xf32, #tpu.memory_space<vmem>>
            %dma_wait3A_130 = tpu.memref_slice %arg33[%mul3A_121] : memref<17792xf32, #tpu.memory_space<vmem_shared>> -> memref<1112xf32, #tpu.memory_space<vmem_shared>>
            %dma_wait3A_131 = tpu.memref_slice %arg33[%mul3A_121] : memref<17792xf32, #tpu.memory_space<vmem_shared>> -> memref<1112xf32, #tpu.memory_space<vmem_shared>>
            %dma_wait3A_132 = arith.constant 0 : i32
            %dma_wait3A_133 = tpu.memref_slice %arg22[%dma_wait3A_132] : memref<2048xf32, #tpu.memory_space<vmem>> -> memref<1112xf32, #tpu.memory_space<vmem>>
            tpu.wait_dma2 semaphore(%run_scoped3A : memref<!tpu.dma_semaphore, #tpu.memory_space<semaphore_mem>>) src(%dma_wait3A_133 : memref<1112xf32, #tpu.memory_space<vmem>>) dst(%dma_wait3A_131 : memref<1112xf32, #tpu.memory_space<vmem_shared>>)
            tpu.yield
          }) : () -> ()
        } else {
        }
        %convert_element_type3A_110 = arith.extui %eq3A_5 : i1 to i32
        %cond3A_111 = arith.constant 0 : i32
        %cond3A_112 = arith.cmpi ne, %convert_element_type3A_110, %cond3A_111 : i32
        scf.if %cond3A_112 {
          %shift_right_arithmetic3A = arith.constant 1 : i32
          %shift_right_arithmetic3A_113 = arith.shrsi %squeeze3A_20, %shift_right_arithmetic3A : i32
          %add3A_114 = arith.addi %squeeze3A_20, %squeeze3A_22 : i32
          %shift_right_arithmetic3A_115 = arith.constant 1 : i32
          %shift_right_arithmetic3A_116 = arith.shrsi %add3A_114, %shift_right_arithmetic3A_115 : i32
          %parallel_loop3A_117 = arith.constant 1 : i32
          scf.for %parallel_loop3A_215 = %shift_right_arithmetic3A_113 to %shift_right_arithmetic3A_116 step %parallel_loop3A_117  : i32 {
            %parallel_loop3A_216 = arith.constant 2 : i32
            %parallel_loop3A_217 = arith.muli %parallel_loop3A_215, %parallel_loop3A_216 : i32
            %parallel_loop3A_218 = arith.constant 16 : i32
            %parallel_loop3A_219 = arith.muli %parallel_loop3A_217, %parallel_loop3A_218 : i32
            %parallel_loop3A_220 = arith.index_cast %parallel_loop3A_219 : i32 to index
            %parallel_loop3A_221 = tpu.vector_load %arg16[%parallel_loop3A_220] {strides = array<i32>} : memref<16256xi16, #tpu.memory_space<vmem>>, vector<32xi16>,
            %parallel_loop3A_222 = tpu.unpack_subelements %parallel_loop3A_221, 0 {pack_format = #tpu.pack_format<interleaved>} : vector<32xi16> -> vector<16xi32>
            %parallel_loop3A_223 = tpu.unpack_subelements %parallel_loop3A_221, 1 {pack_format = #tpu.pack_format<interleaved>} : vector<32xi16> -> vector<16xi32>
            %parallel_loop3A_224 = arith.constant 0 : i32
            %parallel_loop3A_225 = arith.addi %parallel_loop3A_219, %parallel_loop3A_224 : i32
            %parallel_loop3A_226 = arith.index_cast %parallel_loop3A_225 : i32 to index
            %parallel_loop3A_227 = tpu.vector_load %arg15[%parallel_loop3A_226] {strides = array<i32>} : memref<16256xi32, #tpu.memory_space<vmem>>, vector<16xi32>,
            %parallel_loop3A_228 = arith.constant 65535 : i32
            %parallel_loop3A_229 = vector.broadcast %parallel_loop3A_228 : i32 to vector<16xi32>
            %parallel_loop3A_230 = arith.andi %parallel_loop3A_227, %parallel_loop3A_229 : vector<16xi32>
            %parallel_loop3A_231 = arith.constant 16 : i32
            %parallel_loop3A_232 = vector.broadcast %parallel_loop3A_231 : i32 to vector<16xi32>
            %parallel_loop3A_233 = arith.shrui %parallel_loop3A_227, %parallel_loop3A_232 : vector<16xi32>
            %parallel_loop3A_234 = tpu.vector_load_idx %arg21[%parallel_loop3A_230] : memref<2048xf32, #tpu.memory_space<vmem>>[vector<16xi32>], vector<16xf32>,
            %parallel_loop3A_235 = tpu.vector_load_idx %arg25[%parallel_loop3A_222] : memref<2048xf32, #tpu.memory_space<vmem>>[vector<16xi32>], vector<16xf32>,
            %parallel_loop3A_236 = arith.index_cast %parallel_loop3A_225 : i32 to index
            %parallel_loop3A_237 = tpu.vector_load %arg17[%parallel_loop3A_236] {strides = array<i32>} : memref<16256xf32, #tpu.memory_space<vmem>>, vector<16xf32>,
            %parallel_loop3A_238 = arith.mulf %parallel_loop3A_234, %parallel_loop3A_237 : vector<16xf32>
            %parallel_loop3A_239 = arith.mulf %parallel_loop3A_238, %parallel_loop3A_235 : vector<16xf32>
            %parallel_loop3A_240 = arith.mulf %parallel_loop3A_239, %get3A_106 : vector<16xf32>
            tpu.vector_store_idx %arg22[%parallel_loop3A_233], %parallel_loop3A_240 {add = true} : memref<2048xf32, #tpu.memory_space<vmem>>[vector<16xi32>], vector<16xf32>,
            %parallel_loop3A_241 = arith.constant 16 : i32
            %parallel_loop3A_242 = arith.addi %parallel_loop3A_219, %parallel_loop3A_241 : i32
            %parallel_loop3A_243 = arith.index_cast %parallel_loop3A_242 : i32 to index
            %parallel_loop3A_244 = tpu.vector_load %arg15[%parallel_loop3A_243] {strides = array<i32>} : memref<16256xi32, #tpu.memory_space<vmem>>, vector<16xi32>,
            %parallel_loop3A_245 = arith.constant 65535 : i32
            %parallel_loop3A_246 = vector.broadcast %parallel_loop3A_245 : i32 to vector<16xi32>
            %parallel_loop3A_247 = arith.andi %parallel_loop3A_244, %parallel_loop3A_246 : vector<16xi32>
            %parallel_loop3A_248 = arith.constant 16 : i32
            %parallel_loop3A_249 = vector.broadcast %parallel_loop3A_248 : i32 to vector<16xi32>
            %parallel_loop3A_250 = arith.shrui %parallel_loop3A_244, %parallel_loop3A_249 : vector<16xi32>
            %parallel_loop3A_251 = tpu.vector_load_idx %arg21[%parallel_loop3A_247] : memref<2048xf32, #tpu.memory_space<vmem>>[vector<16xi32>], vector<16xf32>,
            %parallel_loop3A_252 = tpu.vector_load_idx %arg25[%parallel_loop3A_223] : memref<2048xf32, #tpu.memory_space<vmem>>[vector<16xi32>], vector<16xf32>,
            %parallel_loop3A_253 = arith.index_cast %parallel_loop3A_242 : i32 to index
            %parallel_loop3A_254 = tpu.vector_load %arg17[%parallel_loop3A_253] {strides = array<i32>} : memref<16256xf32, #tpu.memory_space<vmem>>, vector<16xf32>,
            %parallel_loop3A_255 = arith.mulf %parallel_loop3A_251, %parallel_loop3A_254 : vector<16xf32>
            %parallel_loop3A_256 = arith.mulf %parallel_loop3A_255, %parallel_loop3A_252 : vector<16xf32>
            %parallel_loop3A_257 = arith.mulf %parallel_loop3A_256, %get3A_106 : vector<16xf32>
            tpu.vector_store_idx %arg22[%parallel_loop3A_250], %parallel_loop3A_257 {add = true} : memref<2048xf32, #tpu.memory_space<vmem>>[vector<16xi32>], vector<16xf32>,
          } {sc.loop_unroll_factor = 4 : i64, sc.parallel_access}
          %mul3A_118 = arith.constant 2 : i32
          %mul3A_119 = arith.muli %shift_right_logical3A_0, %mul3A_118 : i32
          %add3A_120 = arith.constant 0 : i32
          %add3A_121 = arith.addi %mul3A_119, %add3A_120 : i32
          %mul3A_122 = arith.constant 888 : i32
          %mul3A_123 = arith.muli %add3A_121, %mul3A_122 : i32
          "tpu.region"() ({
            %run_scoped3A = tpu.sem_alloc : memref<!tpu.dma_semaphore, #tpu.memory_space<semaphore_mem>>
            %dma_start3A_215 = arith.constant 1112 : i32
            %dma_start3A_216 = tpu.memref_slice %arg22[%dma_start3A_215] : memref<2048xf32, #tpu.memory_space<vmem>> -> memref<888xf32, #tpu.memory_space<vmem>>
            %dma_start3A_217 = tpu.memref_slice %arg34[%mul3A_123] : memref<14208xf32, #tpu.memory_space<vmem_shared>> -> memref<888xf32, #tpu.memory_space<vmem_shared>>
            %dma_start3A_218 = tpu.memref_slice %arg34[%mul3A_123] : memref<14208xf32, #tpu.memory_space<vmem_shared>> -> memref<888xf32, #tpu.memory_space<vmem_shared>>
            %dma_start3A_219 = arith.constant 1112 : i32
            %dma_start3A_220 = tpu.memref_slice %arg22[%dma_start3A_219] : memref<2048xf32, #tpu.memory_space<vmem>> -> memref<888xf32, #tpu.memory_space<vmem>>
            tpu.enqueue_dma source(%dma_start3A_220 : memref<888xf32, #tpu.memory_space<vmem>>) target(%dma_start3A_218 : memref<888xf32, #tpu.memory_space<vmem_shared>>) target_semaphore(%run_scoped3A : memref<!tpu.dma_semaphore, #tpu.memory_space<semaphore_mem>>)
            %dma_wait3A_221 = arith.constant 1112 : i32
            %dma_wait3A_222 = tpu.memref_slice %arg22[%dma_wait3A_221] : memref<2048xf32, #tpu.memory_space<vmem>> -> memref<888xf32, #tpu.memory_space<vmem>>
            %dma_wait3A_223 = tpu.memref_slice %arg34[%mul3A_123] : memref<14208xf32, #tpu.memory_space<vmem_shared>> -> memref<888xf32, #tpu.memory_space<vmem_shared>>
            %dma_wait3A_224 = tpu.memref_slice %arg34[%mul3A_123] : memref<14208xf32, #tpu.memory_space<vmem_shared>> -> memref<888xf32, #tpu.memory_space<vmem_shared>>
            %dma_wait3A_225 = arith.constant 1112 : i32
            %dma_wait3A_226 = tpu.memref_slice %arg22[%dma_wait3A_225] : memref<2048xf32, #tpu.memory_space<vmem>> -> memref<888xf32, #tpu.memory_space<vmem>>
            tpu.wait_dma2 semaphore(%run_scoped3A : memref<!tpu.dma_semaphore, #tpu.memory_space<semaphore_mem>>) src(%dma_wait3A_226 : memref<888xf32, #tpu.memory_space<vmem>>) dst(%dma_wait3A_224 : memref<888xf32, #tpu.memory_space<vmem_shared>>)
            tpu.yield
          }) : () -> ()
          %get3A_124 = arith.constant 0 : index
          %get3A_125 = tpu.vector_load %arg32[%get3A_124] {strides = array<i32>} : memref<16xf32, #tpu.memory_space<vmem>>, vector<16xf32>,
          %parallel_loop3A_126 = arith.constant 0 : i32
          %parallel_loop3A_127 = arith.constant 50 : i32
          %parallel_loop3A_128 = arith.constant 1 : i32
          scf.for %parallel_loop3A_215 = %parallel_loop3A_126 to %parallel_loop3A_127 step %parallel_loop3A_128  : i32 {
            %parallel_loop3A_216 = arith.constant 2 : i32
            %parallel_loop3A_217 = arith.muli %parallel_loop3A_215, %parallel_loop3A_216 : i32
            %parallel_loop3A_218 = arith.constant 16 : i32
            %parallel_loop3A_219 = arith.muli %parallel_loop3A_217, %parallel_loop3A_218 : i32
            %parallel_loop3A_220 = arith.index_cast %parallel_loop3A_219 : i32 to index
            %parallel_loop3A_221 = tpu.vector_load %arg19[%parallel_loop3A_220] {strides = array<i32>} : memref<1600xi16, #tpu.memory_space<vmem>>, vector<32xi16>,
            %parallel_loop3A_222 = tpu.unpack_subelements %parallel_loop3A_221, 0 {pack_format = #tpu.pack_format<interleaved>} : vector<32xi16> -> vector<16xi32>
            %parallel_loop3A_223 = tpu.unpack_subelements %parallel_loop3A_221, 1 {pack_format = #tpu.pack_format<interleaved>} : vector<32xi16> -> vector<16xi32>
            %parallel_loop3A_224 = arith.constant 0 : i32
            %parallel_loop3A_225 = arith.addi %parallel_loop3A_219, %parallel_loop3A_224 : i32
            %parallel_loop3A_226 = arith.index_cast %parallel_loop3A_225 : i32 to index
            %parallel_loop3A_227 = tpu.vector_load %arg18[%parallel_loop3A_226] {strides = array<i32>} : memref<1600xi32, #tpu.memory_space<vmem>>, vector<16xi32>,
            %parallel_loop3A_228 = arith.constant 65535 : i32
            %parallel_loop3A_229 = vector.broadcast %parallel_loop3A_228 : i32 to vector<16xi32>
            %parallel_loop3A_230 = arith.andi %parallel_loop3A_227, %parallel_loop3A_229 : vector<16xi32>
            %parallel_loop3A_231 = arith.constant 16 : i32
            %parallel_loop3A_232 = vector.broadcast %parallel_loop3A_231 : i32 to vector<16xi32>
            %parallel_loop3A_233 = arith.shrui %parallel_loop3A_227, %parallel_loop3A_232 : vector<16xi32>
            %parallel_loop3A_234 = tpu.vector_load_idx %arg23[%parallel_loop3A_230] : memref<208xf32, #tpu.memory_space<vmem>>[vector<16xi32>], vector<16xf32>,
            %parallel_loop3A_235 = tpu.vector_load_idx %arg25[%parallel_loop3A_222] : memref<2048xf32, #tpu.memory_space<vmem>>[vector<16xi32>], vector<16xf32>,
            %parallel_loop3A_236 = arith.index_cast %parallel_loop3A_225 : i32 to index
            %parallel_loop3A_237 = tpu.vector_load %arg20[%parallel_loop3A_236] {strides = array<i32>} : memref<1600xf32, #tpu.memory_space<vmem>>, vector<16xf32>,
            %parallel_loop3A_238 = arith.mulf %parallel_loop3A_234, %parallel_loop3A_237 : vector<16xf32>
            %parallel_loop3A_239 = arith.mulf %parallel_loop3A_238, %parallel_loop3A_235 : vector<16xf32>
            %parallel_loop3A_240 = arith.mulf %parallel_loop3A_239, %get3A_125 : vector<16xf32>
            tpu.vector_store_idx %arg24[%parallel_loop3A_233], %parallel_loop3A_240 {add = true} : memref<208xf32, #tpu.memory_space<vmem>>[vector<16xi32>], vector<16xf32>,
            %parallel_loop3A_241 = arith.constant 16 : i32
            %parallel_loop3A_242 = arith.addi %parallel_loop3A_219, %parallel_loop3A_241 : i32
            %parallel_loop3A_243 = arith.index_cast %parallel_loop3A_242 : i32 to index
            %parallel_loop3A_244 = tpu.vector_load %arg18[%parallel_loop3A_243] {strides = array<i32>} : memref<1600xi32, #tpu.memory_space<vmem>>, vector<16xi32>,
            %parallel_loop3A_245 = arith.constant 65535 : i32
            %parallel_loop3A_246 = vector.broadcast %parallel_loop3A_245 : i32 to vector<16xi32>
            %parallel_loop3A_247 = arith.andi %parallel_loop3A_244, %parallel_loop3A_246 : vector<16xi32>
            %parallel_loop3A_248 = arith.constant 16 : i32
            %parallel_loop3A_249 = vector.broadcast %parallel_loop3A_248 : i32 to vector<16xi32>
            %parallel_loop3A_250 = arith.shrui %parallel_loop3A_244, %parallel_loop3A_249 : vector<16xi32>
            %parallel_loop3A_251 = tpu.vector_load_idx %arg23[%parallel_loop3A_247] : memref<208xf32, #tpu.memory_space<vmem>>[vector<16xi32>], vector<16xf32>,
            %parallel_loop3A_252 = tpu.vector_load_idx %arg25[%parallel_loop3A_223] : memref<2048xf32, #tpu.memory_space<vmem>>[vector<16xi32>], vector<16xf32>,
            %parallel_loop3A_253 = arith.index_cast %parallel_loop3A_242 : i32 to index
            %parallel_loop3A_254 = tpu.vector_load %arg20[%parallel_loop3A_253] {strides = array<i32>} : memref<1600xf32, #tpu.memory_space<vmem>>, vector<16xf32>,
            %parallel_loop3A_255 = arith.mulf %parallel_loop3A_251, %parallel_loop3A_254 : vector<16xf32>
            %parallel_loop3A_256 = arith.mulf %parallel_loop3A_255, %parallel_loop3A_252 : vector<16xf32>
            %parallel_loop3A_257 = arith.mulf %parallel_loop3A_256, %get3A_125 : vector<16xf32>
            tpu.vector_store_idx %arg24[%parallel_loop3A_250], %parallel_loop3A_257 {add = true} : memref<208xf32, #tpu.memory_space<vmem>>[vector<16xi32>], vector<16xf32>,
          } {sc.loop_unroll_factor = 2 : i64, sc.parallel_access}
          %broadcast_in_dim3A_129 = arith.constant 0.000000e+00 : f32
          %broadcast_in_dim3A_130 = vector.broadcast %broadcast_in_dim3A_129 : f32 to vector<16xf32>
          %parallel_loop3A_131 = arith.constant 0 : i32
          %parallel_loop3A_132 = arith.constant 13 : i32
          %parallel_loop3A_133 = arith.constant 1 : i32
          %parallel_loop3A_134 = scf.for %parallel_loop3A_215 = %parallel_loop3A_131 to %parallel_loop3A_132 step %parallel_loop3A_133 iter_args(%parallel_loop3A_216 = %broadcast_in_dim3A_130) -> (vector<16xf32>)  : i32 {
            %parallel_loop3A_217 = arith.constant 16 : i32
            %parallel_loop3A_218 = arith.muli %parallel_loop3A_215, %parallel_loop3A_217 : i32
            %parallel_loop3A_219 = arith.index_cast %parallel_loop3A_218 : i32 to index
            %parallel_loop3A_220 = tpu.vector_load %arg24[%parallel_loop3A_219] {strides = array<i32>} : memref<208xf32, #tpu.memory_space<vmem>>, vector<16xf32>,
            %parallel_loop3A_221 = arith.maximumf %parallel_loop3A_216, %parallel_loop3A_220 : vector<16xf32>
            %parallel_loop3A_222 = arith.constant 0.000000e+00 : f32
            %parallel_loop3A_223 = vector.broadcast %parallel_loop3A_222 : f32 to vector<16xf32>
            %parallel_loop3A_224 = arith.index_cast %parallel_loop3A_218 : i32 to index
            %parallel_loop3A_225 = tpu.vector_load %arg23[%parallel_loop3A_224] {strides = array<i32>} : memref<208xf32, #tpu.memory_space<vmem>>, vector<16xf32>,
            tpu.vector_store %arg23[%parallel_loop3A_224], %parallel_loop3A_223 {strides = array<i32>} : memref<208xf32, #tpu.memory_space<vmem>>, vector<16xf32>,
            scf.yield %parallel_loop3A_221 : vector<16xf32>
          } {sc.loop_unroll_factor = 1 : i64, sc.parallel_access}
          %add3A_135 = arith.constant 8 : i32
          %add3A_136 = vector.broadcast %add3A_135 : i32 to vector<16xi32>
          %add3A_137 = arith.addi %iota3A, %add3A_136 : vector<16xi32>
          %and3A_138 = arith.constant 15 : i32
          %and3A_139 = vector.broadcast %and3A_138 : i32 to vector<16xi32>
          %and3A_140 = arith.andi %add3A_137, %and3A_139 : vector<16xi32>
          %lt3A_141 = arith.constant 0 : i32
          %lt3A_142 = vector.broadcast %lt3A_141 : i32 to vector<16xi32>
          %lt3A_143 = arith.cmpi slt, %and3A_140, %lt3A_142 : vector<16xi32>
          %add3A_144 = arith.constant 16 : i32
          %add3A_145 = vector.broadcast %add3A_144 : i32 to vector<16xi32>
          %add3A_146 = arith.addi %and3A_140, %add3A_145 : vector<16xi32>
          %select_n3A_147 = arith.select %lt3A_143, %add3A_146, %and3A_140 : vector<16xi1>, vector<16xi32>
          %broadcast_in_dim3A_148 = vector.shape_cast %select_n3A_147 : vector<16xi32> to vector<16x1xi32>
          %gather3A_149 = vector.shape_cast %broadcast_in_dim3A_148 : vector<16x1xi32> to vector<16xi32>
          %gather3A_150 = tpu.dynamic_gather %parallel_loop3A_134[%gather3A_149] in [0] : vector<16xf32>, vector<16xi32> -> vector<16xf32>
          %max3A = arith.maximumf %parallel_loop3A_134, %gather3A_150 : vector<16xf32>
          %add3A_151 = arith.constant 4 : i32
          %add3A_152 = vector.broadcast %add3A_151 : i32 to vector<16xi32>
          %add3A_153 = arith.addi %iota3A, %add3A_152 : vector<16xi32>
          %and3A_154 = arith.constant 15 : i32
          %and3A_155 = vector.broadcast %and3A_154 : i32 to vector<16xi32>
          %and3A_156 = arith.andi %add3A_153, %and3A_155 : vector<16xi32>
          %lt3A_157 = arith.constant 0 : i32
          %lt3A_158 = vector.broadcast %lt3A_157 : i32 to vector<16xi32>
          %lt3A_159 = arith.cmpi slt, %and3A_156, %lt3A_158 : vector<16xi32>
          %add3A_160 = arith.constant 16 : i32
          %add3A_161 = vector.broadcast %add3A_160 : i32 to vector<16xi32>
          %add3A_162 = arith.addi %and3A_156, %add3A_161 : vector<16xi32>
          %select_n3A_163 = arith.select %lt3A_159, %add3A_162, %and3A_156 : vector<16xi1>, vector<16xi32>
          %broadcast_in_dim3A_164 = vector.shape_cast %select_n3A_163 : vector<16xi32> to vector<16x1xi32>
          %gather3A_165 = vector.shape_cast %broadcast_in_dim3A_164 : vector<16x1xi32> to vector<16xi32>
          %gather3A_166 = tpu.dynamic_gather %max3A[%gather3A_165] in [0] : vector<16xf32>, vector<16xi32> -> vector<16xf32>
          %max3A_167 = arith.maximumf %max3A, %gather3A_166 : vector<16xf32>
          %add3A_168 = arith.constant 2 : i32
          %add3A_169 = vector.broadcast %add3A_168 : i32 to vector<16xi32>
          %add3A_170 = arith.addi %iota3A, %add3A_169 : vector<16xi32>
          %and3A_171 = arith.constant 15 : i32
          %and3A_172 = vector.broadcast %and3A_171 : i32 to vector<16xi32>
          %and3A_173 = arith.andi %add3A_170, %and3A_172 : vector<16xi32>
          %lt3A_174 = arith.constant 0 : i32
          %lt3A_175 = vector.broadcast %lt3A_174 : i32 to vector<16xi32>
          %lt3A_176 = arith.cmpi slt, %and3A_173, %lt3A_175 : vector<16xi32>
          %add3A_177 = arith.constant 16 : i32
          %add3A_178 = vector.broadcast %add3A_177 : i32 to vector<16xi32>
          %add3A_179 = arith.addi %and3A_173, %add3A_178 : vector<16xi32>
          %select_n3A_180 = arith.select %lt3A_176, %add3A_179, %and3A_173 : vector<16xi1>, vector<16xi32>
          %broadcast_in_dim3A_181 = vector.shape_cast %select_n3A_180 : vector<16xi32> to vector<16x1xi32>
          %gather3A_182 = vector.shape_cast %broadcast_in_dim3A_181 : vector<16x1xi32> to vector<16xi32>
          %gather3A_183 = tpu.dynamic_gather %max3A_167[%gather3A_182] in [0] : vector<16xf32>, vector<16xi32> -> vector<16xf32>
          %max3A_184 = arith.maximumf %max3A_167, %gather3A_183 : vector<16xf32>
          %add3A_185 = arith.constant 1 : i32
          %add3A_186 = vector.broadcast %add3A_185 : i32 to vector<16xi32>
          %add3A_187 = arith.addi %iota3A, %add3A_186 : vector<16xi32>
          %and3A_188 = arith.constant 15 : i32
          %and3A_189 = vector.broadcast %and3A_188 : i32 to vector<16xi32>
          %and3A_190 = arith.andi %add3A_187, %and3A_189 : vector<16xi32>
          %lt3A_191 = arith.constant 0 : i32
          %lt3A_192 = vector.broadcast %lt3A_191 : i32 to vector<16xi32>
          %lt3A_193 = arith.cmpi slt, %and3A_190, %lt3A_192 : vector<16xi32>
          %add3A_194 = arith.constant 16 : i32
          %add3A_195 = vector.broadcast %add3A_194 : i32 to vector<16xi32>
          %add3A_196 = arith.addi %and3A_190, %add3A_195 : vector<16xi32>
          %select_n3A_197 = arith.select %lt3A_193, %add3A_196, %and3A_190 : vector<16xi1>, vector<16xi32>
          %broadcast_in_dim3A_198 = vector.shape_cast %select_n3A_197 : vector<16xi32> to vector<16x1xi32>
          %gather3A_199 = vector.shape_cast %broadcast_in_dim3A_198 : vector<16x1xi32> to vector<16xi32>
          %gather3A_200 = tpu.dynamic_gather %max3A_184[%gather3A_199] in [0] : vector<16xf32>, vector<16xi32> -> vector<16xf32>
          %max3A_201 = arith.maximumf %max3A_184, %gather3A_200 : vector<16xf32>
          %bitcast_convert_type3A = tpu.bitcast %max3A_201 : vector<16xf32> -> vector<16xi32>
          %and3A_202 = arith.constant 2139095040 : i32
          %and3A_203 = vector.broadcast %and3A_202 : i32 to vector<16xi32>
          %and3A_204 = arith.andi %bitcast_convert_type3A, %and3A_203 : vector<16xi32>
          %bitcast_convert_type3A_205 = tpu.bitcast %and3A_204 : vector<16xi32> -> vector<16xf32>
          %sub3A = arith.constant 2130706432 : i32
          %sub3A_206 = vector.broadcast %sub3A : i32 to vector<16xi32>
          %sub3A_207 = arith.subi %sub3A_206, %and3A_204 : vector<16xi32>
          %bitcast_convert_type3A_208 = tpu.bitcast %sub3A_207 : vector<16xi32> -> vector<16xf32>
          %broadcast_in_dim3A_209 = vector.broadcast %mul3A_66 : i32 to vector<16xi32>
          %eq3A_210 = arith.constant 0 : i32
          %eq3A_211 = vector.broadcast %eq3A_210 : i32 to vector<16xi32>
          %eq3A_212 = arith.cmpi eq, %iota3A, %eq3A_211 : vector<16xi32>
          tpu.vector_store_idx %arg30[%broadcast_in_dim3A_209], %bitcast_convert_type3A_205 masked %eq3A_212 : memref<304xf32, #tpu.memory_space<vmem>>[vector<16xi32>], vector<16xf32>, vector<16xi1>
          %swap3A_213 = arith.constant 0 : index
          %swap3A_214 = tpu.vector_load %arg32[%swap3A_213] {strides = array<i32>} : memref<16xf32, #tpu.memory_space<vmem>>, vector<16xf32>,
          tpu.vector_store %arg32[%swap3A_213], %bitcast_convert_type3A_208 {strides = array<i32>} : memref<16xf32, #tpu.memory_space<vmem>>, vector<16xf32>,
        } else {
        }
      } else {
      }
      %barrier3A = arith.constant 0 : index
      tpu.barrier barrier_id(%barrier3A)
      %lt3A_79 = arith.cmpi slt, %mul3A_66, %squeeze3A : i32
      %convert_element_type3A_80 = arith.extui %lt3A_79 : i1 to i32
      %cond3A_81 = arith.constant 0 : i32
      %cond3A_82 = arith.cmpi ne, %convert_element_type3A_80, %cond3A_81 : i32
      scf.if %cond3A_82 {
        %convert_element_type3A_96 = arith.extui %eq3A_3 : i1 to i32
        %cond3A_97 = arith.constant 0 : i32
        %cond3A_98 = arith.cmpi ne, %convert_element_type3A_96, %cond3A_97 : i32
        scf.if %cond3A_98 {
          %mul3A_188 = arith.constant 2 : i32
          %mul3A_189 = arith.muli %shift_right_logical3A_0, %mul3A_188 : i32
          %add3A_190 = arith.constant 0 : i32
          %add3A_191 = arith.addi %mul3A_189, %add3A_190 : i32
          %mul3A_192 = arith.constant 888 : i32
          %mul3A_193 = arith.muli %add3A_191, %mul3A_192 : i32
          "tpu.region"() ({
            %run_scoped3A = tpu.sem_alloc : memref<!tpu.dma_semaphore, #tpu.memory_space<semaphore_mem>>
            %dma_start3A_194 = arith.constant 1112 : i32
            %dma_start3A_195 = tpu.memref_slice %arg22[%dma_start3A_194] : memref<2048xf32, #tpu.memory_space<vmem>> -> memref<888xf32, #tpu.memory_space<vmem>>
            %dma_start3A_196 = tpu.memref_slice %arg34[%mul3A_193] : memref<14208xf32, #tpu.memory_space<vmem_shared>> -> memref<888xf32, #tpu.memory_space<vmem_shared>>
            %dma_start3A_197 = arith.constant 1112 : i32
            %dma_start3A_198 = tpu.memref_slice %arg22[%dma_start3A_197] : memref<2048xf32, #tpu.memory_space<vmem>> -> memref<888xf32, #tpu.memory_space<vmem>>
            %dma_start3A_199 = tpu.memref_slice %arg34[%mul3A_193] : memref<14208xf32, #tpu.memory_space<vmem_shared>> -> memref<888xf32, #tpu.memory_space<vmem_shared>>
            tpu.enqueue_dma source(%dma_start3A_199 : memref<888xf32, #tpu.memory_space<vmem_shared>>) target(%dma_start3A_198 : memref<888xf32, #tpu.memory_space<vmem>>) target_semaphore(%run_scoped3A : memref<!tpu.dma_semaphore, #tpu.memory_space<semaphore_mem>>)
            %dma_wait3A = arith.constant 1112 : i32
            %dma_wait3A_200 = tpu.memref_slice %arg22[%dma_wait3A] : memref<2048xf32, #tpu.memory_space<vmem>> -> memref<888xf32, #tpu.memory_space<vmem>>
            %dma_wait3A_201 = tpu.memref_slice %arg34[%mul3A_193] : memref<14208xf32, #tpu.memory_space<vmem_shared>> -> memref<888xf32, #tpu.memory_space<vmem_shared>>
            %dma_wait3A_202 = arith.constant 1112 : i32
            %dma_wait3A_203 = tpu.memref_slice %arg22[%dma_wait3A_202] : memref<2048xf32, #tpu.memory_space<vmem>> -> memref<888xf32, #tpu.memory_space<vmem>>
            %dma_wait3A_204 = tpu.memref_slice %arg34[%mul3A_193] : memref<14208xf32, #tpu.memory_space<vmem_shared>> -> memref<888xf32, #tpu.memory_space<vmem_shared>>
            tpu.wait_dma2 semaphore(%run_scoped3A : memref<!tpu.dma_semaphore, #tpu.memory_space<semaphore_mem>>) src(%dma_wait3A_204 : memref<888xf32, #tpu.memory_space<vmem_shared>>) dst(%dma_wait3A_203 : memref<888xf32, #tpu.memory_space<vmem>>)
            tpu.yield
          }) : () -> ()
        } else {
        }
        %convert_element_type3A_99 = arith.extui %eq3A_5 : i1 to i32
        %cond3A_100 = arith.constant 0 : i32
        %cond3A_101 = arith.cmpi ne, %convert_element_type3A_99, %cond3A_100 : i32
        scf.if %cond3A_101 {
          %mul3A_188 = arith.constant 2 : i32
          %mul3A_189 = arith.muli %shift_right_logical3A_0, %mul3A_188 : i32
          %add3A_190 = arith.constant 0 : i32
          %add3A_191 = arith.addi %mul3A_189, %add3A_190 : i32
          %mul3A_192 = arith.constant 1112 : i32
          %mul3A_193 = arith.muli %add3A_191, %mul3A_192 : i32
          "tpu.region"() ({
            %run_scoped3A = tpu.sem_alloc : memref<!tpu.dma_semaphore, #tpu.memory_space<semaphore_mem>>
            %dma_start3A_194 = arith.constant 0 : i32
            %dma_start3A_195 = tpu.memref_slice %arg22[%dma_start3A_194] : memref<2048xf32, #tpu.memory_space<vmem>> -> memref<1112xf32, #tpu.memory_space<vmem>>
            %dma_start3A_196 = tpu.memref_slice %arg33[%mul3A_193] : memref<17792xf32, #tpu.memory_space<vmem_shared>> -> memref<1112xf32, #tpu.memory_space<vmem_shared>>
            %dma_start3A_197 = arith.constant 0 : i32
            %dma_start3A_198 = tpu.memref_slice %arg22[%dma_start3A_197] : memref<2048xf32, #tpu.memory_space<vmem>> -> memref<1112xf32, #tpu.memory_space<vmem>>
            %dma_start3A_199 = tpu.memref_slice %arg33[%mul3A_193] : memref<17792xf32, #tpu.memory_space<vmem_shared>> -> memref<1112xf32, #tpu.memory_space<vmem_shared>>
            tpu.enqueue_dma source(%dma_start3A_199 : memref<1112xf32, #tpu.memory_space<vmem_shared>>) target(%dma_start3A_198 : memref<1112xf32, #tpu.memory_space<vmem>>) target_semaphore(%run_scoped3A : memref<!tpu.dma_semaphore, #tpu.memory_space<semaphore_mem>>)
            %dma_wait3A = arith.constant 0 : i32
            %dma_wait3A_200 = tpu.memref_slice %arg22[%dma_wait3A] : memref<2048xf32, #tpu.memory_space<vmem>> -> memref<1112xf32, #tpu.memory_space<vmem>>
            %dma_wait3A_201 = tpu.memref_slice %arg33[%mul3A_193] : memref<17792xf32, #tpu.memory_space<vmem_shared>> -> memref<1112xf32, #tpu.memory_space<vmem_shared>>
            %dma_wait3A_202 = arith.constant 0 : i32
            %dma_wait3A_203 = tpu.memref_slice %arg22[%dma_wait3A_202] : memref<2048xf32, #tpu.memory_space<vmem>> -> memref<1112xf32, #tpu.memory_space<vmem>>
            %dma_wait3A_204 = tpu.memref_slice %arg33[%mul3A_193] : memref<17792xf32, #tpu.memory_space<vmem_shared>> -> memref<1112xf32, #tpu.memory_space<vmem_shared>>
            tpu.wait_dma2 semaphore(%run_scoped3A : memref<!tpu.dma_semaphore, #tpu.memory_space<semaphore_mem>>) src(%dma_wait3A_204 : memref<1112xf32, #tpu.memory_space<vmem_shared>>) dst(%dma_wait3A_203 : memref<1112xf32, #tpu.memory_space<vmem>>)
            tpu.yield
          }) : () -> ()
        } else {
        }
        %broadcast_in_dim3A_102 = arith.constant 0.000000e+00 : f32
        %broadcast_in_dim3A_103 = vector.broadcast %broadcast_in_dim3A_102 : f32 to vector<16xf32>
        %parallel_loop3A_104 = arith.constant 0 : i32
        %parallel_loop3A_105 = arith.constant 128 : i32
        %parallel_loop3A_106 = arith.constant 1 : i32
        %parallel_loop3A_107 = scf.for %parallel_loop3A_188 = %parallel_loop3A_104 to %parallel_loop3A_105 step %parallel_loop3A_106 iter_args(%parallel_loop3A_189 = %broadcast_in_dim3A_103) -> (vector<16xf32>)  : i32 {
          %parallel_loop3A_190 = arith.constant 16 : i32
          %parallel_loop3A_191 = arith.muli %parallel_loop3A_188, %parallel_loop3A_190 : i32
          %parallel_loop3A_192 = arith.index_cast %parallel_loop3A_191 : i32 to index
          %parallel_loop3A_193 = tpu.vector_load %arg22[%parallel_loop3A_192] {strides = array<i32>} : memref<2048xf32, #tpu.memory_space<vmem>>, vector<16xf32>,
          %parallel_loop3A_194 = arith.maximumf %parallel_loop3A_189, %parallel_loop3A_193 : vector<16xf32>
          %parallel_loop3A_195 = arith.constant 0.000000e+00 : f32
          %parallel_loop3A_196 = vector.broadcast %parallel_loop3A_195 : f32 to vector<16xf32>
          %parallel_loop3A_197 = arith.index_cast %parallel_loop3A_191 : i32 to index
          %parallel_loop3A_198 = tpu.vector_load %arg21[%parallel_loop3A_197] {strides = array<i32>} : memref<2048xf32, #tpu.memory_space<vmem>>, vector<16xf32>,
          tpu.vector_store %arg21[%parallel_loop3A_197], %parallel_loop3A_196 {strides = array<i32>} : memref<2048xf32, #tpu.memory_space<vmem>>, vector<16xf32>,
          scf.yield %parallel_loop3A_194 : vector<16xf32>
        } {sc.loop_unroll_factor = 8 : i64, sc.parallel_access}
        %add3A_108 = arith.constant 8 : i32
        %add3A_109 = vector.broadcast %add3A_108 : i32 to vector<16xi32>
        %add3A_110 = arith.addi %iota3A, %add3A_109 : vector<16xi32>
        %and3A_111 = arith.constant 15 : i32
        %and3A_112 = vector.broadcast %and3A_111 : i32 to vector<16xi32>
        %and3A_113 = arith.andi %add3A_110, %and3A_112 : vector<16xi32>
        %lt3A_114 = arith.constant 0 : i32
        %lt3A_115 = vector.broadcast %lt3A_114 : i32 to vector<16xi32>
        %lt3A_116 = arith.cmpi slt, %and3A_113, %lt3A_115 : vector<16xi32>
        %add3A_117 = arith.constant 16 : i32
        %add3A_118 = vector.broadcast %add3A_117 : i32 to vector<16xi32>
        %add3A_119 = arith.addi %and3A_113, %add3A_118 : vector<16xi32>
        %select_n3A_120 = arith.select %lt3A_116, %add3A_119, %and3A_113 : vector<16xi1>, vector<16xi32>
        %broadcast_in_dim3A_121 = vector.shape_cast %select_n3A_120 : vector<16xi32> to vector<16x1xi32>
        %gather3A_122 = vector.shape_cast %broadcast_in_dim3A_121 : vector<16x1xi32> to vector<16xi32>
        %gather3A_123 = tpu.dynamic_gather %parallel_loop3A_107[%gather3A_122] in [0] : vector<16xf32>, vector<16xi32> -> vector<16xf32>
        %max3A = arith.maximumf %parallel_loop3A_107, %gather3A_123 : vector<16xf32>
        %add3A_124 = arith.constant 4 : i32
        %add3A_125 = vector.broadcast %add3A_124 : i32 to vector<16xi32>
        %add3A_126 = arith.addi %iota3A, %add3A_125 : vector<16xi32>
        %and3A_127 = arith.constant 15 : i32
        %and3A_128 = vector.broadcast %and3A_127 : i32 to vector<16xi32>
        %and3A_129 = arith.andi %add3A_126, %and3A_128 : vector<16xi32>
        %lt3A_130 = arith.constant 0 : i32
        %lt3A_131 = vector.broadcast %lt3A_130 : i32 to vector<16xi32>
        %lt3A_132 = arith.cmpi slt, %and3A_129, %lt3A_131 : vector<16xi32>
        %add3A_133 = arith.constant 16 : i32
        %add3A_134 = vector.broadcast %add3A_133 : i32 to vector<16xi32>
        %add3A_135 = arith.addi %and3A_129, %add3A_134 : vector<16xi32>
        %select_n3A_136 = arith.select %lt3A_132, %add3A_135, %and3A_129 : vector<16xi1>, vector<16xi32>
        %broadcast_in_dim3A_137 = vector.shape_cast %select_n3A_136 : vector<16xi32> to vector<16x1xi32>
        %gather3A_138 = vector.shape_cast %broadcast_in_dim3A_137 : vector<16x1xi32> to vector<16xi32>
        %gather3A_139 = tpu.dynamic_gather %max3A[%gather3A_138] in [0] : vector<16xf32>, vector<16xi32> -> vector<16xf32>
        %max3A_140 = arith.maximumf %max3A, %gather3A_139 : vector<16xf32>
        %add3A_141 = arith.constant 2 : i32
        %add3A_142 = vector.broadcast %add3A_141 : i32 to vector<16xi32>
        %add3A_143 = arith.addi %iota3A, %add3A_142 : vector<16xi32>
        %and3A_144 = arith.constant 15 : i32
        %and3A_145 = vector.broadcast %and3A_144 : i32 to vector<16xi32>
        %and3A_146 = arith.andi %add3A_143, %and3A_145 : vector<16xi32>
        %lt3A_147 = arith.constant 0 : i32
        %lt3A_148 = vector.broadcast %lt3A_147 : i32 to vector<16xi32>
        %lt3A_149 = arith.cmpi slt, %and3A_146, %lt3A_148 : vector<16xi32>
        %add3A_150 = arith.constant 16 : i32
        %add3A_151 = vector.broadcast %add3A_150 : i32 to vector<16xi32>
        %add3A_152 = arith.addi %and3A_146, %add3A_151 : vector<16xi32>
        %select_n3A_153 = arith.select %lt3A_149, %add3A_152, %and3A_146 : vector<16xi1>, vector<16xi32>
        %broadcast_in_dim3A_154 = vector.shape_cast %select_n3A_153 : vector<16xi32> to vector<16x1xi32>
        %gather3A_155 = vector.shape_cast %broadcast_in_dim3A_154 : vector<16x1xi32> to vector<16xi32>
        %gather3A_156 = tpu.dynamic_gather %max3A_140[%gather3A_155] in [0] : vector<16xf32>, vector<16xi32> -> vector<16xf32>
        %max3A_157 = arith.maximumf %max3A_140, %gather3A_156 : vector<16xf32>
        %add3A_158 = arith.constant 1 : i32
        %add3A_159 = vector.broadcast %add3A_158 : i32 to vector<16xi32>
        %add3A_160 = arith.addi %iota3A, %add3A_159 : vector<16xi32>
        %and3A_161 = arith.constant 15 : i32
        %and3A_162 = vector.broadcast %and3A_161 : i32 to vector<16xi32>
        %and3A_163 = arith.andi %add3A_160, %and3A_162 : vector<16xi32>
        %lt3A_164 = arith.constant 0 : i32
        %lt3A_165 = vector.broadcast %lt3A_164 : i32 to vector<16xi32>
        %lt3A_166 = arith.cmpi slt, %and3A_163, %lt3A_165 : vector<16xi32>
        %add3A_167 = arith.constant 16 : i32
        %add3A_168 = vector.broadcast %add3A_167 : i32 to vector<16xi32>
        %add3A_169 = arith.addi %and3A_163, %add3A_168 : vector<16xi32>
        %select_n3A_170 = arith.select %lt3A_166, %add3A_169, %and3A_163 : vector<16xi1>, vector<16xi32>
        %broadcast_in_dim3A_171 = vector.shape_cast %select_n3A_170 : vector<16xi32> to vector<16x1xi32>
        %gather3A_172 = vector.shape_cast %broadcast_in_dim3A_171 : vector<16x1xi32> to vector<16xi32>
        %gather3A_173 = tpu.dynamic_gather %max3A_157[%gather3A_172] in [0] : vector<16xf32>, vector<16xi32> -> vector<16xf32>
        %max3A_174 = arith.maximumf %max3A_157, %gather3A_173 : vector<16xf32>
        %bitcast_convert_type3A = tpu.bitcast %max3A_174 : vector<16xf32> -> vector<16xi32>
        %and3A_175 = arith.constant 2139095040 : i32
        %and3A_176 = vector.broadcast %and3A_175 : i32 to vector<16xi32>
        %and3A_177 = arith.andi %bitcast_convert_type3A, %and3A_176 : vector<16xi32>
        %bitcast_convert_type3A_178 = tpu.bitcast %and3A_177 : vector<16xi32> -> vector<16xf32>
        %sub3A = arith.constant 2130706432 : i32
        %sub3A_179 = vector.broadcast %sub3A : i32 to vector<16xi32>
        %sub3A_180 = arith.subi %sub3A_179, %and3A_177 : vector<16xi32>
        %bitcast_convert_type3A_181 = tpu.bitcast %sub3A_180 : vector<16xi32> -> vector<16xf32>
        %broadcast_in_dim3A_182 = vector.broadcast %mul3A_66 : i32 to vector<16xi32>
        %eq3A_183 = arith.constant 0 : i32
        %eq3A_184 = vector.broadcast %eq3A_183 : i32 to vector<16xi32>
        %eq3A_185 = arith.cmpi eq, %iota3A, %eq3A_184 : vector<16xi32>
        tpu.vector_store_idx %arg29[%broadcast_in_dim3A_182], %bitcast_convert_type3A_178 masked %eq3A_185 : memref<304xf32, #tpu.memory_space<vmem>>[vector<16xi32>], vector<16xf32>, vector<16xi1>
        %swap3A_186 = arith.constant 0 : index
        %swap3A_187 = tpu.vector_load %arg31[%swap3A_186] {strides = array<i32>} : memref<16xf32, #tpu.memory_space<vmem>>, vector<16xf32>,
        tpu.vector_store %arg31[%swap3A_186], %bitcast_convert_type3A_181 {strides = array<i32>} : memref<16xf32, #tpu.memory_space<vmem>>, vector<16xf32>,
      } else {
      }
      %lt3A_83 = arith.cmpi slt, %add3A_70, %squeeze3A : i32
      %convert_element_type3A_84 = arith.extui %lt3A_83 : i1 to i32
      %cond3A_85 = arith.constant 0 : i32
      %cond3A_86 = arith.cmpi ne, %convert_element_type3A_84, %cond3A_85 : i32
      scf.if %cond3A_86 {
        %dma_start3A_96 = arith.constant 0 : i32
        %dma_start3A_97 = tpu.memref_slice %arg2[%add3A, %add3A_70, %dma_start3A_96] : memref<16x300x2048xf32, #tpu.memory_space<hbm>> -> memref<1x1x2048xf32, #tpu.memory_space<hbm>>
        %dma_start3A_98 = tpu.memref_squeeze %dma_start3A_97 : memref<1x1x2048xf32, #tpu.memory_space<hbm>> -> memref<2048xf32, #tpu.memory_space<hbm>>
        %dma_start3A_99 = arith.constant 0 : i32
        %dma_start3A_100 = tpu.memref_slice %arg2[%add3A, %add3A_70, %dma_start3A_99] : memref<16x300x2048xf32, #tpu.memory_space<hbm>> -> memref<1x1x2048xf32, #tpu.memory_space<hbm>>
        %dma_start3A_101 = tpu.memref_squeeze %dma_start3A_100 : memref<1x1x2048xf32, #tpu.memory_space<hbm>> -> memref<2048xf32, #tpu.memory_space<hbm>>
        tpu.enqueue_dma source(%dma_start3A_101 : memref<2048xf32, #tpu.memory_space<hbm>>) target(%arg25 : memref<2048xf32, #tpu.memory_space<vmem>>) target_semaphore(%arg35 : memref<!tpu.dma_semaphore, #tpu.memory_space<semaphore_mem>>)
      } else {
      }
      %lt3A_87 = arith.cmpi slt, %add3A_68, %squeeze3A : i32
      %convert_element_type3A_88 = arith.extui %lt3A_87 : i1 to i32
      %cond3A_89 = arith.constant 0 : i32
      %cond3A_90 = arith.cmpi ne, %convert_element_type3A_88, %cond3A_89 : i32
      scf.if %cond3A_90 {
        %dma_wait3A = arith.constant 0 : i32
        %dma_wait3A_96 = arith.constant 0 : i32
        %dma_wait3A_97 = tpu.memref_slice %arg2[%add3A, %dma_wait3A, %dma_wait3A_96] : memref<16x300x2048xf32, #tpu.memory_space<hbm>> -> memref<1x1x2048xf32, #tpu.memory_space<hbm>>
        %dma_wait3A_98 = tpu.memref_squeeze %dma_wait3A_97 : memref<1x1x2048xf32, #tpu.memory_space<hbm>> -> memref<2048xf32, #tpu.memory_space<hbm>>
        %dma_wait3A_99 = arith.constant 0 : i32
        %dma_wait3A_100 = tpu.memref_slice %arg2[%add3A, %dma_wait3A, %dma_wait3A_99] : memref<16x300x2048xf32, #tpu.memory_space<hbm>> -> memref<1x1x2048xf32, #tpu.memory_space<hbm>>
        %dma_wait3A_101 = tpu.memref_squeeze %dma_wait3A_100 : memref<1x1x2048xf32, #tpu.memory_space<hbm>> -> memref<2048xf32, #tpu.memory_space<hbm>>
        tpu.wait_dma2 semaphore(%arg36 : memref<!tpu.dma_semaphore, #tpu.memory_space<semaphore_mem>>) src(%dma_wait3A_101 : memref<2048xf32, #tpu.memory_space<hbm>>) dst(%arg26 : memref<2048xf32, #tpu.memory_space<vmem>>)
        %parallel_loop3A_102 = arith.constant 0 : i32
        %parallel_loop3A_103 = arith.constant 128 : i32
        %parallel_loop3A_104 = arith.constant 1 : i32
        scf.for %parallel_loop3A_113 = %parallel_loop3A_102 to %parallel_loop3A_103 step %parallel_loop3A_104  : i32 {
          %parallel_loop3A_114 = arith.constant 16 : i32
          %parallel_loop3A_115 = arith.muli %parallel_loop3A_113, %parallel_loop3A_114 : i32
          %parallel_loop3A_116 = arith.index_cast %parallel_loop3A_115 : i32 to index
          %parallel_loop3A_117 = tpu.vector_load %arg26[%parallel_loop3A_116] {strides = array<i32>} : memref<2048xf32, #tpu.memory_space<vmem>>, vector<16xf32>,
          %parallel_loop3A_118 = arith.constant -3.000000e+01 : f32
          %parallel_loop3A_119 = arith.constant 3.000000e+01 : f32
          %parallel_loop3A_120 = vector.broadcast %parallel_loop3A_118 : f32 to vector<16xf32>
          %parallel_loop3A_121 = arith.maximumf %parallel_loop3A_120, %parallel_loop3A_117 : vector<16xf32>
          %parallel_loop3A_122 = vector.broadcast %parallel_loop3A_119 : f32 to vector<16xf32>
          %parallel_loop3A_123 = arith.minimumf %parallel_loop3A_122, %parallel_loop3A_121 : vector<16xf32>
          %parallel_loop3A_124 = math.exp %parallel_loop3A_123 : vector<16xf32>
          %parallel_loop3A_125 = arith.index_cast %parallel_loop3A_115 : i32 to index
          %parallel_loop3A_126 = tpu.vector_load %arg26[%parallel_loop3A_125] {strides = array<i32>} : memref<2048xf32, #tpu.memory_space<vmem>>, vector<16xf32>,
          tpu.vector_store %arg26[%parallel_loop3A_125], %parallel_loop3A_124 {strides = array<i32>} : memref<2048xf32, #tpu.memory_space<vmem>>, vector<16xf32>,
        } {sc.loop_unroll_factor = 8 : i64, sc.parallel_access}
        %get3A_105 = arith.constant 0 : index
        %get3A_106 = tpu.vector_load %arg31[%get3A_105] {strides = array<i32>} : memref<16xf32, #tpu.memory_space<vmem>>, vector<16xf32>,
        %convert_element_type3A_107 = arith.extui %eq3A_3 : i1 to i32
        %cond3A_108 = arith.constant 0 : i32
        %cond3A_109 = arith.cmpi ne, %convert_element_type3A_107, %cond3A_108 : i32
        scf.if %cond3A_109 {
          %shift_right_arithmetic3A = arith.constant 1 : i32
          %shift_right_arithmetic3A_113 = arith.shrsi %squeeze3A_18, %shift_right_arithmetic3A : i32
          %parallel_loop3A_114 = arith.constant 0 : i32
          %parallel_loop3A_115 = arith.constant 1 : i32
          scf.for %parallel_loop3A_122 = %parallel_loop3A_114 to %shift_right_arithmetic3A_113 step %parallel_loop3A_115  : i32 {
            %parallel_loop3A_123 = arith.constant 2 : i32
            %parallel_loop3A_124 = arith.muli %parallel_loop3A_122, %parallel_loop3A_123 : i32
            %parallel_loop3A_125 = arith.constant 16 : i32
            %parallel_loop3A_126 = arith.muli %parallel_loop3A_124, %parallel_loop3A_125 : i32
            %parallel_loop3A_127 = arith.index_cast %parallel_loop3A_126 : i32 to index
            %parallel_loop3A_128 = tpu.vector_load %arg16[%parallel_loop3A_127] {strides = array<i32>} : memref<16256xi16, #tpu.memory_space<vmem>>, vector<32xi16>,
            %parallel_loop3A_129 = tpu.unpack_subelements %parallel_loop3A_128, 0 {pack_format = #tpu.pack_format<interleaved>} : vector<32xi16> -> vector<16xi32>
            %parallel_loop3A_130 = tpu.unpack_subelements %parallel_loop3A_128, 1 {pack_format = #tpu.pack_format<interleaved>} : vector<32xi16> -> vector<16xi32>
            %parallel_loop3A_131 = arith.constant 0 : i32
            %parallel_loop3A_132 = arith.addi %parallel_loop3A_126, %parallel_loop3A_131 : i32
            %parallel_loop3A_133 = arith.index_cast %parallel_loop3A_132 : i32 to index
            %parallel_loop3A_134 = tpu.vector_load %arg15[%parallel_loop3A_133] {strides = array<i32>} : memref<16256xi32, #tpu.memory_space<vmem>>, vector<16xi32>,
            %parallel_loop3A_135 = arith.constant 65535 : i32
            %parallel_loop3A_136 = vector.broadcast %parallel_loop3A_135 : i32 to vector<16xi32>
            %parallel_loop3A_137 = arith.andi %parallel_loop3A_134, %parallel_loop3A_136 : vector<16xi32>
            %parallel_loop3A_138 = arith.constant 16 : i32
            %parallel_loop3A_139 = vector.broadcast %parallel_loop3A_138 : i32 to vector<16xi32>
            %parallel_loop3A_140 = arith.shrui %parallel_loop3A_134, %parallel_loop3A_139 : vector<16xi32>
            %parallel_loop3A_141 = tpu.vector_load_idx %arg22[%parallel_loop3A_137] : memref<2048xf32, #tpu.memory_space<vmem>>[vector<16xi32>], vector<16xf32>,
            %parallel_loop3A_142 = tpu.vector_load_idx %arg26[%parallel_loop3A_129] : memref<2048xf32, #tpu.memory_space<vmem>>[vector<16xi32>], vector<16xf32>,
            %parallel_loop3A_143 = arith.index_cast %parallel_loop3A_132 : i32 to index
            %parallel_loop3A_144 = tpu.vector_load %arg17[%parallel_loop3A_143] {strides = array<i32>} : memref<16256xf32, #tpu.memory_space<vmem>>, vector<16xf32>,
            %parallel_loop3A_145 = arith.mulf %parallel_loop3A_141, %parallel_loop3A_144 : vector<16xf32>
            %parallel_loop3A_146 = arith.mulf %parallel_loop3A_145, %parallel_loop3A_142 : vector<16xf32>
            %parallel_loop3A_147 = arith.mulf %parallel_loop3A_146, %get3A_106 : vector<16xf32>
            tpu.vector_store_idx %arg21[%parallel_loop3A_140], %parallel_loop3A_147 {add = true} : memref<2048xf32, #tpu.memory_space<vmem>>[vector<16xi32>], vector<16xf32>,
            %parallel_loop3A_148 = arith.constant 16 : i32
            %parallel_loop3A_149 = arith.addi %parallel_loop3A_126, %parallel_loop3A_148 : i32
            %parallel_loop3A_150 = arith.index_cast %parallel_loop3A_149 : i32 to index
            %parallel_loop3A_151 = tpu.vector_load %arg15[%parallel_loop3A_150] {strides = array<i32>} : memref<16256xi32, #tpu.memory_space<vmem>>, vector<16xi32>,
            %parallel_loop3A_152 = arith.constant 65535 : i32
            %parallel_loop3A_153 = vector.broadcast %parallel_loop3A_152 : i32 to vector<16xi32>
            %parallel_loop3A_154 = arith.andi %parallel_loop3A_151, %parallel_loop3A_153 : vector<16xi32>
            %parallel_loop3A_155 = arith.constant 16 : i32
            %parallel_loop3A_156 = vector.broadcast %parallel_loop3A_155 : i32 to vector<16xi32>
            %parallel_loop3A_157 = arith.shrui %parallel_loop3A_151, %parallel_loop3A_156 : vector<16xi32>
            %parallel_loop3A_158 = tpu.vector_load_idx %arg22[%parallel_loop3A_154] : memref<2048xf32, #tpu.memory_space<vmem>>[vector<16xi32>], vector<16xf32>,
            %parallel_loop3A_159 = tpu.vector_load_idx %arg26[%parallel_loop3A_130] : memref<2048xf32, #tpu.memory_space<vmem>>[vector<16xi32>], vector<16xf32>,
            %parallel_loop3A_160 = arith.index_cast %parallel_loop3A_149 : i32 to index
            %parallel_loop3A_161 = tpu.vector_load %arg17[%parallel_loop3A_160] {strides = array<i32>} : memref<16256xf32, #tpu.memory_space<vmem>>, vector<16xf32>,
            %parallel_loop3A_162 = arith.mulf %parallel_loop3A_158, %parallel_loop3A_161 : vector<16xf32>
            %parallel_loop3A_163 = arith.mulf %parallel_loop3A_162, %parallel_loop3A_159 : vector<16xf32>
            %parallel_loop3A_164 = arith.mulf %parallel_loop3A_163, %get3A_106 : vector<16xf32>
            tpu.vector_store_idx %arg21[%parallel_loop3A_157], %parallel_loop3A_164 {add = true} : memref<2048xf32, #tpu.memory_space<vmem>>[vector<16xi32>], vector<16xf32>,
          } {sc.loop_unroll_factor = 4 : i64, sc.parallel_access}
          %mul3A_116 = arith.constant 2 : i32
          %mul3A_117 = arith.muli %shift_right_logical3A_0, %mul3A_116 : i32
          %add3A_118 = arith.constant 1 : i32
          %add3A_119 = arith.addi %mul3A_117, %add3A_118 : i32
          %mul3A_120 = arith.constant 1112 : i32
          %mul3A_121 = arith.muli %add3A_119, %mul3A_120 : i32
          "tpu.region"() ({
            %run_scoped3A = tpu.sem_alloc : memref<!tpu.dma_semaphore, #tpu.memory_space<semaphore_mem>>
            %dma_start3A_122 = arith.constant 0 : i32
            %dma_start3A_123 = tpu.memref_slice %arg21[%dma_start3A_122] : memref<2048xf32, #tpu.memory_space<vmem>> -> memref<1112xf32, #tpu.memory_space<vmem>>
            %dma_start3A_124 = tpu.memref_slice %arg33[%mul3A_121] : memref<17792xf32, #tpu.memory_space<vmem_shared>> -> memref<1112xf32, #tpu.memory_space<vmem_shared>>
            %dma_start3A_125 = tpu.memref_slice %arg33[%mul3A_121] : memref<17792xf32, #tpu.memory_space<vmem_shared>> -> memref<1112xf32, #tpu.memory_space<vmem_shared>>
            %dma_start3A_126 = arith.constant 0 : i32
            %dma_start3A_127 = tpu.memref_slice %arg21[%dma_start3A_126] : memref<2048xf32, #tpu.memory_space<vmem>> -> memref<1112xf32, #tpu.memory_space<vmem>>
            tpu.enqueue_dma source(%dma_start3A_127 : memref<1112xf32, #tpu.memory_space<vmem>>) target(%dma_start3A_125 : memref<1112xf32, #tpu.memory_space<vmem_shared>>) target_semaphore(%run_scoped3A : memref<!tpu.dma_semaphore, #tpu.memory_space<semaphore_mem>>)
            %dma_wait3A_128 = arith.constant 0 : i32
            %dma_wait3A_129 = tpu.memref_slice %arg21[%dma_wait3A_128] : memref<2048xf32, #tpu.memory_space<vmem>> -> memref<1112xf32, #tpu.memory_space<vmem>>
            %dma_wait3A_130 = tpu.memref_slice %arg33[%mul3A_121] : memref<17792xf32, #tpu.memory_space<vmem_shared>> -> memref<1112xf32, #tpu.memory_space<vmem_shared>>
            %dma_wait3A_131 = tpu.memref_slice %arg33[%mul3A_121] : memref<17792xf32, #tpu.memory_space<vmem_shared>> -> memref<1112xf32, #tpu.memory_space<vmem_shared>>
            %dma_wait3A_132 = arith.constant 0 : i32
            %dma_wait3A_133 = tpu.memref_slice %arg21[%dma_wait3A_132] : memref<2048xf32, #tpu.memory_space<vmem>> -> memref<1112xf32, #tpu.memory_space<vmem>>
            tpu.wait_dma2 semaphore(%run_scoped3A : memref<!tpu.dma_semaphore, #tpu.memory_space<semaphore_mem>>) src(%dma_wait3A_133 : memref<1112xf32, #tpu.memory_space<vmem>>) dst(%dma_wait3A_131 : memref<1112xf32, #tpu.memory_space<vmem_shared>>)
            tpu.yield
          }) : () -> ()
        } else {
        }
        %convert_element_type3A_110 = arith.extui %eq3A_5 : i1 to i32
        %cond3A_111 = arith.constant 0 : i32
        %cond3A_112 = arith.cmpi ne, %convert_element_type3A_110, %cond3A_111 : i32
        scf.if %cond3A_112 {
          %shift_right_arithmetic3A = arith.constant 1 : i32
          %shift_right_arithmetic3A_113 = arith.shrsi %squeeze3A_20, %shift_right_arithmetic3A : i32
          %add3A_114 = arith.addi %squeeze3A_20, %squeeze3A_22 : i32
          %shift_right_arithmetic3A_115 = arith.constant 1 : i32
          %shift_right_arithmetic3A_116 = arith.shrsi %add3A_114, %shift_right_arithmetic3A_115 : i32
          %parallel_loop3A_117 = arith.constant 1 : i32
          scf.for %parallel_loop3A_215 = %shift_right_arithmetic3A_113 to %shift_right_arithmetic3A_116 step %parallel_loop3A_117  : i32 {
            %parallel_loop3A_216 = arith.constant 2 : i32
            %parallel_loop3A_217 = arith.muli %parallel_loop3A_215, %parallel_loop3A_216 : i32
            %parallel_loop3A_218 = arith.constant 16 : i32
            %parallel_loop3A_219 = arith.muli %parallel_loop3A_217, %parallel_loop3A_218 : i32
            %parallel_loop3A_220 = arith.index_cast %parallel_loop3A_219 : i32 to index
            %parallel_loop3A_221 = tpu.vector_load %arg16[%parallel_loop3A_220] {strides = array<i32>} : memref<16256xi16, #tpu.memory_space<vmem>>, vector<32xi16>,
            %parallel_loop3A_222 = tpu.unpack_subelements %parallel_loop3A_221, 0 {pack_format = #tpu.pack_format<interleaved>} : vector<32xi16> -> vector<16xi32>
            %parallel_loop3A_223 = tpu.unpack_subelements %parallel_loop3A_221, 1 {pack_format = #tpu.pack_format<interleaved>} : vector<32xi16> -> vector<16xi32>
            %parallel_loop3A_224 = arith.constant 0 : i32
            %parallel_loop3A_225 = arith.addi %parallel_loop3A_219, %parallel_loop3A_224 : i32
            %parallel_loop3A_226 = arith.index_cast %parallel_loop3A_225 : i32 to index
            %parallel_loop3A_227 = tpu.vector_load %arg15[%parallel_loop3A_226] {strides = array<i32>} : memref<16256xi32, #tpu.memory_space<vmem>>, vector<16xi32>,
            %parallel_loop3A_228 = arith.constant 65535 : i32
            %parallel_loop3A_229 = vector.broadcast %parallel_loop3A_228 : i32 to vector<16xi32>
            %parallel_loop3A_230 = arith.andi %parallel_loop3A_227, %parallel_loop3A_229 : vector<16xi32>
            %parallel_loop3A_231 = arith.constant 16 : i32
            %parallel_loop3A_232 = vector.broadcast %parallel_loop3A_231 : i32 to vector<16xi32>
            %parallel_loop3A_233 = arith.shrui %parallel_loop3A_227, %parallel_loop3A_232 : vector<16xi32>
            %parallel_loop3A_234 = tpu.vector_load_idx %arg22[%parallel_loop3A_230] : memref<2048xf32, #tpu.memory_space<vmem>>[vector<16xi32>], vector<16xf32>,
            %parallel_loop3A_235 = tpu.vector_load_idx %arg26[%parallel_loop3A_222] : memref<2048xf32, #tpu.memory_space<vmem>>[vector<16xi32>], vector<16xf32>,
            %parallel_loop3A_236 = arith.index_cast %parallel_loop3A_225 : i32 to index
            %parallel_loop3A_237 = tpu.vector_load %arg17[%parallel_loop3A_236] {strides = array<i32>} : memref<16256xf32, #tpu.memory_space<vmem>>, vector<16xf32>,
            %parallel_loop3A_238 = arith.mulf %parallel_loop3A_234, %parallel_loop3A_237 : vector<16xf32>
            %parallel_loop3A_239 = arith.mulf %parallel_loop3A_238, %parallel_loop3A_235 : vector<16xf32>
            %parallel_loop3A_240 = arith.mulf %parallel_loop3A_239, %get3A_106 : vector<16xf32>
            tpu.vector_store_idx %arg21[%parallel_loop3A_233], %parallel_loop3A_240 {add = true} : memref<2048xf32, #tpu.memory_space<vmem>>[vector<16xi32>], vector<16xf32>,
            %parallel_loop3A_241 = arith.constant 16 : i32
            %parallel_loop3A_242 = arith.addi %parallel_loop3A_219, %parallel_loop3A_241 : i32
            %parallel_loop3A_243 = arith.index_cast %parallel_loop3A_242 : i32 to index
            %parallel_loop3A_244 = tpu.vector_load %arg15[%parallel_loop3A_243] {strides = array<i32>} : memref<16256xi32, #tpu.memory_space<vmem>>, vector<16xi32>,
            %parallel_loop3A_245 = arith.constant 65535 : i32
            %parallel_loop3A_246 = vector.broadcast %parallel_loop3A_245 : i32 to vector<16xi32>
            %parallel_loop3A_247 = arith.andi %parallel_loop3A_244, %parallel_loop3A_246 : vector<16xi32>
            %parallel_loop3A_248 = arith.constant 16 : i32
            %parallel_loop3A_249 = vector.broadcast %parallel_loop3A_248 : i32 to vector<16xi32>
            %parallel_loop3A_250 = arith.shrui %parallel_loop3A_244, %parallel_loop3A_249 : vector<16xi32>
            %parallel_loop3A_251 = tpu.vector_load_idx %arg22[%parallel_loop3A_247] : memref<2048xf32, #tpu.memory_space<vmem>>[vector<16xi32>], vector<16xf32>,
            %parallel_loop3A_252 = tpu.vector_load_idx %arg26[%parallel_loop3A_223] : memref<2048xf32, #tpu.memory_space<vmem>>[vector<16xi32>], vector<16xf32>,
            %parallel_loop3A_253 = arith.index_cast %parallel_loop3A_242 : i32 to index
            %parallel_loop3A_254 = tpu.vector_load %arg17[%parallel_loop3A_253] {strides = array<i32>} : memref<16256xf32, #tpu.memory_space<vmem>>, vector<16xf32>,
            %parallel_loop3A_255 = arith.mulf %parallel_loop3A_251, %parallel_loop3A_254 : vector<16xf32>
            %parallel_loop3A_256 = arith.mulf %parallel_loop3A_255, %parallel_loop3A_252 : vector<16xf32>
            %parallel_loop3A_257 = arith.mulf %parallel_loop3A_256, %get3A_106 : vector<16xf32>
            tpu.vector_store_idx %arg21[%parallel_loop3A_250], %parallel_loop3A_257 {add = true} : memref<2048xf32, #tpu.memory_space<vmem>>[vector<16xi32>], vector<16xf32>,
          } {sc.loop_unroll_factor = 4 : i64, sc.parallel_access}
          %mul3A_118 = arith.constant 2 : i32
          %mul3A_119 = arith.muli %shift_right_logical3A_0, %mul3A_118 : i32
          %add3A_120 = arith.constant 1 : i32
          %add3A_121 = arith.addi %mul3A_119, %add3A_120 : i32
          %mul3A_122 = arith.constant 888 : i32
          %mul3A_123 = arith.muli %add3A_121, %mul3A_122 : i32
          "tpu.region"() ({
            %run_scoped3A = tpu.sem_alloc : memref<!tpu.dma_semaphore, #tpu.memory_space<semaphore_mem>>
            %dma_start3A_215 = arith.constant 1112 : i32
            %dma_start3A_216 = tpu.memref_slice %arg21[%dma_start3A_215] : memref<2048xf32, #tpu.memory_space<vmem>> -> memref<888xf32, #tpu.memory_space<vmem>>
            %dma_start3A_217 = tpu.memref_slice %arg34[%mul3A_123] : memref<14208xf32, #tpu.memory_space<vmem_shared>> -> memref<888xf32, #tpu.memory_space<vmem_shared>>
            %dma_start3A_218 = tpu.memref_slice %arg34[%mul3A_123] : memref<14208xf32, #tpu.memory_space<vmem_shared>> -> memref<888xf32, #tpu.memory_space<vmem_shared>>
            %dma_start3A_219 = arith.constant 1112 : i32
            %dma_start3A_220 = tpu.memref_slice %arg21[%dma_start3A_219] : memref<2048xf32, #tpu.memory_space<vmem>> -> memref<888xf32, #tpu.memory_space<vmem>>
            tpu.enqueue_dma source(%dma_start3A_220 : memref<888xf32, #tpu.memory_space<vmem>>) target(%dma_start3A_218 : memref<888xf32, #tpu.memory_space<vmem_shared>>) target_semaphore(%run_scoped3A : memref<!tpu.dma_semaphore, #tpu.memory_space<semaphore_mem>>)
            %dma_wait3A_221 = arith.constant 1112 : i32
            %dma_wait3A_222 = tpu.memref_slice %arg21[%dma_wait3A_221] : memref<2048xf32, #tpu.memory_space<vmem>> -> memref<888xf32, #tpu.memory_space<vmem>>
            %dma_wait3A_223 = tpu.memref_slice %arg34[%mul3A_123] : memref<14208xf32, #tpu.memory_space<vmem_shared>> -> memref<888xf32, #tpu.memory_space<vmem_shared>>
            %dma_wait3A_224 = tpu.memref_slice %arg34[%mul3A_123] : memref<14208xf32, #tpu.memory_space<vmem_shared>> -> memref<888xf32, #tpu.memory_space<vmem_shared>>
            %dma_wait3A_225 = arith.constant 1112 : i32
            %dma_wait3A_226 = tpu.memref_slice %arg21[%dma_wait3A_225] : memref<2048xf32, #tpu.memory_space<vmem>> -> memref<888xf32, #tpu.memory_space<vmem>>
            tpu.wait_dma2 semaphore(%run_scoped3A : memref<!tpu.dma_semaphore, #tpu.memory_space<semaphore_mem>>) src(%dma_wait3A_226 : memref<888xf32, #tpu.memory_space<vmem>>) dst(%dma_wait3A_224 : memref<888xf32, #tpu.memory_space<vmem_shared>>)
            tpu.yield
          }) : () -> ()
          %get3A_124 = arith.constant 0 : index
          %get3A_125 = tpu.vector_load %arg32[%get3A_124] {strides = array<i32>} : memref<16xf32, #tpu.memory_space<vmem>>, vector<16xf32>,
          %parallel_loop3A_126 = arith.constant 0 : i32
          %parallel_loop3A_127 = arith.constant 50 : i32
          %parallel_loop3A_128 = arith.constant 1 : i32
          scf.for %parallel_loop3A_215 = %parallel_loop3A_126 to %parallel_loop3A_127 step %parallel_loop3A_128  : i32 {
            %parallel_loop3A_216 = arith.constant 2 : i32
            %parallel_loop3A_217 = arith.muli %parallel_loop3A_215, %parallel_loop3A_216 : i32
            %parallel_loop3A_218 = arith.constant 16 : i32
            %parallel_loop3A_219 = arith.muli %parallel_loop3A_217, %parallel_loop3A_218 : i32
            %parallel_loop3A_220 = arith.index_cast %parallel_loop3A_219 : i32 to index
            %parallel_loop3A_221 = tpu.vector_load %arg19[%parallel_loop3A_220] {strides = array<i32>} : memref<1600xi16, #tpu.memory_space<vmem>>, vector<32xi16>,
            %parallel_loop3A_222 = tpu.unpack_subelements %parallel_loop3A_221, 0 {pack_format = #tpu.pack_format<interleaved>} : vector<32xi16> -> vector<16xi32>
            %parallel_loop3A_223 = tpu.unpack_subelements %parallel_loop3A_221, 1 {pack_format = #tpu.pack_format<interleaved>} : vector<32xi16> -> vector<16xi32>
            %parallel_loop3A_224 = arith.constant 0 : i32
            %parallel_loop3A_225 = arith.addi %parallel_loop3A_219, %parallel_loop3A_224 : i32
            %parallel_loop3A_226 = arith.index_cast %parallel_loop3A_225 : i32 to index
            %parallel_loop3A_227 = tpu.vector_load %arg18[%parallel_loop3A_226] {strides = array<i32>} : memref<1600xi32, #tpu.memory_space<vmem>>, vector<16xi32>,
            %parallel_loop3A_228 = arith.constant 65535 : i32
            %parallel_loop3A_229 = vector.broadcast %parallel_loop3A_228 : i32 to vector<16xi32>
            %parallel_loop3A_230 = arith.andi %parallel_loop3A_227, %parallel_loop3A_229 : vector<16xi32>
            %parallel_loop3A_231 = arith.constant 16 : i32
            %parallel_loop3A_232 = vector.broadcast %parallel_loop3A_231 : i32 to vector<16xi32>
            %parallel_loop3A_233 = arith.shrui %parallel_loop3A_227, %parallel_loop3A_232 : vector<16xi32>
            %parallel_loop3A_234 = tpu.vector_load_idx %arg24[%parallel_loop3A_230] : memref<208xf32, #tpu.memory_space<vmem>>[vector<16xi32>], vector<16xf32>,
            %parallel_loop3A_235 = tpu.vector_load_idx %arg26[%parallel_loop3A_222] : memref<2048xf32, #tpu.memory_space<vmem>>[vector<16xi32>], vector<16xf32>,
            %parallel_loop3A_236 = arith.index_cast %parallel_loop3A_225 : i32 to index
            %parallel_loop3A_237 = tpu.vector_load %arg20[%parallel_loop3A_236] {strides = array<i32>} : memref<1600xf32, #tpu.memory_space<vmem>>, vector<16xf32>,
            %parallel_loop3A_238 = arith.mulf %parallel_loop3A_234, %parallel_loop3A_237 : vector<16xf32>
            %parallel_loop3A_239 = arith.mulf %parallel_loop3A_238, %parallel_loop3A_235 : vector<16xf32>
            %parallel_loop3A_240 = arith.mulf %parallel_loop3A_239, %get3A_125 : vector<16xf32>
            tpu.vector_store_idx %arg23[%parallel_loop3A_233], %parallel_loop3A_240 {add = true} : memref<208xf32, #tpu.memory_space<vmem>>[vector<16xi32>], vector<16xf32>,
            %parallel_loop3A_241 = arith.constant 16 : i32
            %parallel_loop3A_242 = arith.addi %parallel_loop3A_219, %parallel_loop3A_241 : i32
            %parallel_loop3A_243 = arith.index_cast %parallel_loop3A_242 : i32 to index
            %parallel_loop3A_244 = tpu.vector_load %arg18[%parallel_loop3A_243] {strides = array<i32>} : memref<1600xi32, #tpu.memory_space<vmem>>, vector<16xi32>,
            %parallel_loop3A_245 = arith.constant 65535 : i32
            %parallel_loop3A_246 = vector.broadcast %parallel_loop3A_245 : i32 to vector<16xi32>
            %parallel_loop3A_247 = arith.andi %parallel_loop3A_244, %parallel_loop3A_246 : vector<16xi32>
            %parallel_loop3A_248 = arith.constant 16 : i32
            %parallel_loop3A_249 = vector.broadcast %parallel_loop3A_248 : i32 to vector<16xi32>
            %parallel_loop3A_250 = arith.shrui %parallel_loop3A_244, %parallel_loop3A_249 : vector<16xi32>
            %parallel_loop3A_251 = tpu.vector_load_idx %arg24[%parallel_loop3A_247] : memref<208xf32, #tpu.memory_space<vmem>>[vector<16xi32>], vector<16xf32>,
            %parallel_loop3A_252 = tpu.vector_load_idx %arg26[%parallel_loop3A_223] : memref<2048xf32, #tpu.memory_space<vmem>>[vector<16xi32>], vector<16xf32>,
            %parallel_loop3A_253 = arith.index_cast %parallel_loop3A_242 : i32 to index
            %parallel_loop3A_254 = tpu.vector_load %arg20[%parallel_loop3A_253] {strides = array<i32>} : memref<1600xf32, #tpu.memory_space<vmem>>, vector<16xf32>,
            %parallel_loop3A_255 = arith.mulf %parallel_loop3A_251, %parallel_loop3A_254 : vector<16xf32>
            %parallel_loop3A_256 = arith.mulf %parallel_loop3A_255, %parallel_loop3A_252 : vector<16xf32>
            %parallel_loop3A_257 = arith.mulf %parallel_loop3A_256, %get3A_125 : vector<16xf32>
            tpu.vector_store_idx %arg23[%parallel_loop3A_250], %parallel_loop3A_257 {add = true} : memref<208xf32, #tpu.memory_space<vmem>>[vector<16xi32>], vector<16xf32>,
          } {sc.loop_unroll_factor = 2 : i64, sc.parallel_access}
          %broadcast_in_dim3A_129 = arith.constant 0.000000e+00 : f32
          %broadcast_in_dim3A_130 = vector.broadcast %broadcast_in_dim3A_129 : f32 to vector<16xf32>
          %parallel_loop3A_131 = arith.constant 0 : i32
          %parallel_loop3A_132 = arith.constant 13 : i32
          %parallel_loop3A_133 = arith.constant 1 : i32
          %parallel_loop3A_134 = scf.for %parallel_loop3A_215 = %parallel_loop3A_131 to %parallel_loop3A_132 step %parallel_loop3A_133 iter_args(%parallel_loop3A_216 = %broadcast_in_dim3A_130) -> (vector<16xf32>)  : i32 {
            %parallel_loop3A_217 = arith.constant 16 : i32
            %parallel_loop3A_218 = arith.muli %parallel_loop3A_215, %parallel_loop3A_217 : i32
            %parallel_loop3A_219 = arith.index_cast %parallel_loop3A_218 : i32 to index
            %parallel_loop3A_220 = tpu.vector_load %arg23[%parallel_loop3A_219] {strides = array<i32>} : memref<208xf32, #tpu.memory_space<vmem>>, vector<16xf32>,
            %parallel_loop3A_221 = arith.maximumf %parallel_loop3A_216, %parallel_loop3A_220 : vector<16xf32>
            %parallel_loop3A_222 = arith.constant 0.000000e+00 : f32
            %parallel_loop3A_223 = vector.broadcast %parallel_loop3A_222 : f32 to vector<16xf32>
            %parallel_loop3A_224 = arith.index_cast %parallel_loop3A_218 : i32 to index
            %parallel_loop3A_225 = tpu.vector_load %arg24[%parallel_loop3A_224] {strides = array<i32>} : memref<208xf32, #tpu.memory_space<vmem>>, vector<16xf32>,
            tpu.vector_store %arg24[%parallel_loop3A_224], %parallel_loop3A_223 {strides = array<i32>} : memref<208xf32, #tpu.memory_space<vmem>>, vector<16xf32>,
            scf.yield %parallel_loop3A_221 : vector<16xf32>
          } {sc.loop_unroll_factor = 1 : i64, sc.parallel_access}
          %add3A_135 = arith.constant 8 : i32
          %add3A_136 = vector.broadcast %add3A_135 : i32 to vector<16xi32>
          %add3A_137 = arith.addi %iota3A, %add3A_136 : vector<16xi32>
          %and3A_138 = arith.constant 15 : i32
          %and3A_139 = vector.broadcast %and3A_138 : i32 to vector<16xi32>
          %and3A_140 = arith.andi %add3A_137, %and3A_139 : vector<16xi32>
          %lt3A_141 = arith.constant 0 : i32
          %lt3A_142 = vector.broadcast %lt3A_141 : i32 to vector<16xi32>
          %lt3A_143 = arith.cmpi slt, %and3A_140, %lt3A_142 : vector<16xi32>
          %add3A_144 = arith.constant 16 : i32
          %add3A_145 = vector.broadcast %add3A_144 : i32 to vector<16xi32>
          %add3A_146 = arith.addi %and3A_140, %add3A_145 : vector<16xi32>
          %select_n3A_147 = arith.select %lt3A_143, %add3A_146, %and3A_140 : vector<16xi1>, vector<16xi32>
          %broadcast_in_dim3A_148 = vector.shape_cast %select_n3A_147 : vector<16xi32> to vector<16x1xi32>
          %gather3A_149 = vector.shape_cast %broadcast_in_dim3A_148 : vector<16x1xi32> to vector<16xi32>
          %gather3A_150 = tpu.dynamic_gather %parallel_loop3A_134[%gather3A_149] in [0] : vector<16xf32>, vector<16xi32> -> vector<16xf32>
          %max3A = arith.maximumf %parallel_loop3A_134, %gather3A_150 : vector<16xf32>
          %add3A_151 = arith.constant 4 : i32
          %add3A_152 = vector.broadcast %add3A_151 : i32 to vector<16xi32>
          %add3A_153 = arith.addi %iota3A, %add3A_152 : vector<16xi32>
          %and3A_154 = arith.constant 15 : i32
          %and3A_155 = vector.broadcast %and3A_154 : i32 to vector<16xi32>
          %and3A_156 = arith.andi %add3A_153, %and3A_155 : vector<16xi32>
          %lt3A_157 = arith.constant 0 : i32
          %lt3A_158 = vector.broadcast %lt3A_157 : i32 to vector<16xi32>
          %lt3A_159 = arith.cmpi slt, %and3A_156, %lt3A_158 : vector<16xi32>
          %add3A_160 = arith.constant 16 : i32
          %add3A_161 = vector.broadcast %add3A_160 : i32 to vector<16xi32>
          %add3A_162 = arith.addi %and3A_156, %add3A_161 : vector<16xi32>
          %select_n3A_163 = arith.select %lt3A_159, %add3A_162, %and3A_156 : vector<16xi1>, vector<16xi32>
          %broadcast_in_dim3A_164 = vector.shape_cast %select_n3A_163 : vector<16xi32> to vector<16x1xi32>
          %gather3A_165 = vector.shape_cast %broadcast_in_dim3A_164 : vector<16x1xi32> to vector<16xi32>
          %gather3A_166 = tpu.dynamic_gather %max3A[%gather3A_165] in [0] : vector<16xf32>, vector<16xi32> -> vector<16xf32>
          %max3A_167 = arith.maximumf %max3A, %gather3A_166 : vector<16xf32>
          %add3A_168 = arith.constant 2 : i32
          %add3A_169 = vector.broadcast %add3A_168 : i32 to vector<16xi32>
          %add3A_170 = arith.addi %iota3A, %add3A_169 : vector<16xi32>
          %and3A_171 = arith.constant 15 : i32
          %and3A_172 = vector.broadcast %and3A_171 : i32 to vector<16xi32>
          %and3A_173 = arith.andi %add3A_170, %and3A_172 : vector<16xi32>
          %lt3A_174 = arith.constant 0 : i32
          %lt3A_175 = vector.broadcast %lt3A_174 : i32 to vector<16xi32>
          %lt3A_176 = arith.cmpi slt, %and3A_173, %lt3A_175 : vector<16xi32>
          %add3A_177 = arith.constant 16 : i32
          %add3A_178 = vector.broadcast %add3A_177 : i32 to vector<16xi32>
          %add3A_179 = arith.addi %and3A_173, %add3A_178 : vector<16xi32>
          %select_n3A_180 = arith.select %lt3A_176, %add3A_179, %and3A_173 : vector<16xi1>, vector<16xi32>
          %broadcast_in_dim3A_181 = vector.shape_cast %select_n3A_180 : vector<16xi32> to vector<16x1xi32>
          %gather3A_182 = vector.shape_cast %broadcast_in_dim3A_181 : vector<16x1xi32> to vector<16xi32>
          %gather3A_183 = tpu.dynamic_gather %max3A_167[%gather3A_182] in [0] : vector<16xf32>, vector<16xi32> -> vector<16xf32>
          %max3A_184 = arith.maximumf %max3A_167, %gather3A_183 : vector<16xf32>
          %add3A_185 = arith.constant 1 : i32
          %add3A_186 = vector.broadcast %add3A_185 : i32 to vector<16xi32>
          %add3A_187 = arith.addi %iota3A, %add3A_186 : vector<16xi32>
          %and3A_188 = arith.constant 15 : i32
          %and3A_189 = vector.broadcast %and3A_188 : i32 to vector<16xi32>
          %and3A_190 = arith.andi %add3A_187, %and3A_189 : vector<16xi32>
          %lt3A_191 = arith.constant 0 : i32
          %lt3A_192 = vector.broadcast %lt3A_191 : i32 to vector<16xi32>
          %lt3A_193 = arith.cmpi slt, %and3A_190, %lt3A_192 : vector<16xi32>
          %add3A_194 = arith.constant 16 : i32
          %add3A_195 = vector.broadcast %add3A_194 : i32 to vector<16xi32>
          %add3A_196 = arith.addi %and3A_190, %add3A_195 : vector<16xi32>
          %select_n3A_197 = arith.select %lt3A_193, %add3A_196, %and3A_190 : vector<16xi1>, vector<16xi32>
          %broadcast_in_dim3A_198 = vector.shape_cast %select_n3A_197 : vector<16xi32> to vector<16x1xi32>
          %gather3A_199 = vector.shape_cast %broadcast_in_dim3A_198 : vector<16x1xi32> to vector<16xi32>
          %gather3A_200 = tpu.dynamic_gather %max3A_184[%gather3A_199] in [0] : vector<16xf32>, vector<16xi32> -> vector<16xf32>
          %max3A_201 = arith.maximumf %max3A_184, %gather3A_200 : vector<16xf32>
          %bitcast_convert_type3A = tpu.bitcast %max3A_201 : vector<16xf32> -> vector<16xi32>
          %and3A_202 = arith.constant 2139095040 : i32
          %and3A_203 = vector.broadcast %and3A_202 : i32 to vector<16xi32>
          %and3A_204 = arith.andi %bitcast_convert_type3A, %and3A_203 : vector<16xi32>
          %bitcast_convert_type3A_205 = tpu.bitcast %and3A_204 : vector<16xi32> -> vector<16xf32>
          %sub3A = arith.constant 2130706432 : i32
          %sub3A_206 = vector.broadcast %sub3A : i32 to vector<16xi32>
          %sub3A_207 = arith.subi %sub3A_206, %and3A_204 : vector<16xi32>
          %bitcast_convert_type3A_208 = tpu.bitcast %sub3A_207 : vector<16xi32> -> vector<16xf32>
          %broadcast_in_dim3A_209 = vector.broadcast %add3A_68 : i32 to vector<16xi32>
          %eq3A_210 = arith.constant 0 : i32
          %eq3A_211 = vector.broadcast %eq3A_210 : i32 to vector<16xi32>
          %eq3A_212 = arith.cmpi eq, %iota3A, %eq3A_211 : vector<16xi32>
          tpu.vector_store_idx %arg30[%broadcast_in_dim3A_209], %bitcast_convert_type3A_205 masked %eq3A_212 : memref<304xf32, #tpu.memory_space<vmem>>[vector<16xi32>], vector<16xf32>, vector<16xi1>
          %swap3A_213 = arith.constant 0 : index
          %swap3A_214 = tpu.vector_load %arg32[%swap3A_213] {strides = array<i32>} : memref<16xf32, #tpu.memory_space<vmem>>, vector<16xf32>,
          tpu.vector_store %arg32[%swap3A_213], %bitcast_convert_type3A_208 {strides = array<i32>} : memref<16xf32, #tpu.memory_space<vmem>>, vector<16xf32>,
        } else {
        }
      } else {
      }
      %barrier3A_91 = arith.constant 0 : index
      tpu.barrier barrier_id(%barrier3A_91)
      %lt3A_92 = arith.cmpi slt, %add3A_68, %squeeze3A : i32
      %convert_element_type3A_93 = arith.extui %lt3A_92 : i1 to i32
      %cond3A_94 = arith.constant 0 : i32
      %cond3A_95 = arith.cmpi ne, %convert_element_type3A_93, %cond3A_94 : i32
      scf.if %cond3A_95 {
        %convert_element_type3A_96 = arith.extui %eq3A_3 : i1 to i32
        %cond3A_97 = arith.constant 0 : i32
        %cond3A_98 = arith.cmpi ne, %convert_element_type3A_96, %cond3A_97 : i32
        scf.if %cond3A_98 {
          %mul3A_188 = arith.constant 2 : i32
          %mul3A_189 = arith.muli %shift_right_logical3A_0, %mul3A_188 : i32
          %add3A_190 = arith.constant 1 : i32
          %add3A_191 = arith.addi %mul3A_189, %add3A_190 : i32
          %mul3A_192 = arith.constant 888 : i32
          %mul3A_193 = arith.muli %add3A_191, %mul3A_192 : i32
          "tpu.region"() ({
            %run_scoped3A = tpu.sem_alloc : memref<!tpu.dma_semaphore, #tpu.memory_space<semaphore_mem>>
            %dma_start3A_194 = arith.constant 1112 : i32
            %dma_start3A_195 = tpu.memref_slice %arg21[%dma_start3A_194] : memref<2048xf32, #tpu.memory_space<vmem>> -> memref<888xf32, #tpu.memory_space<vmem>>
            %dma_start3A_196 = tpu.memref_slice %arg34[%mul3A_193] : memref<14208xf32, #tpu.memory_space<vmem_shared>> -> memref<888xf32, #tpu.memory_space<vmem_shared>>
            %dma_start3A_197 = arith.constant 1112 : i32
            %dma_start3A_198 = tpu.memref_slice %arg21[%dma_start3A_197] : memref<2048xf32, #tpu.memory_space<vmem>> -> memref<888xf32, #tpu.memory_space<vmem>>
            %dma_start3A_199 = tpu.memref_slice %arg34[%mul3A_193] : memref<14208xf32, #tpu.memory_space<vmem_shared>> -> memref<888xf32, #tpu.memory_space<vmem_shared>>
            tpu.enqueue_dma source(%dma_start3A_199 : memref<888xf32, #tpu.memory_space<vmem_shared>>) target(%dma_start3A_198 : memref<888xf32, #tpu.memory_space<vmem>>) target_semaphore(%run_scoped3A : memref<!tpu.dma_semaphore, #tpu.memory_space<semaphore_mem>>)
            %dma_wait3A = arith.constant 1112 : i32
            %dma_wait3A_200 = tpu.memref_slice %arg21[%dma_wait3A] : memref<2048xf32, #tpu.memory_space<vmem>> -> memref<888xf32, #tpu.memory_space<vmem>>
            %dma_wait3A_201 = tpu.memref_slice %arg34[%mul3A_193] : memref<14208xf32, #tpu.memory_space<vmem_shared>> -> memref<888xf32, #tpu.memory_space<vmem_shared>>
            %dma_wait3A_202 = arith.constant 1112 : i32
            %dma_wait3A_203 = tpu.memref_slice %arg21[%dma_wait3A_202] : memref<2048xf32, #tpu.memory_space<vmem>> -> memref<888xf32, #tpu.memory_space<vmem>>
            %dma_wait3A_204 = tpu.memref_slice %arg34[%mul3A_193] : memref<14208xf32, #tpu.memory_space<vmem_shared>> -> memref<888xf32, #tpu.memory_space<vmem_shared>>
            tpu.wait_dma2 semaphore(%run_scoped3A : memref<!tpu.dma_semaphore, #tpu.memory_space<semaphore_mem>>) src(%dma_wait3A_204 : memref<888xf32, #tpu.memory_space<vmem_shared>>) dst(%dma_wait3A_203 : memref<888xf32, #tpu.memory_space<vmem>>)
            tpu.yield
          }) : () -> ()
        } else {
        }
        %convert_element_type3A_99 = arith.extui %eq3A_5 : i1 to i32
        %cond3A_100 = arith.constant 0 : i32
        %cond3A_101 = arith.cmpi ne, %convert_element_type3A_99, %cond3A_100 : i32
        scf.if %cond3A_101 {
          %mul3A_188 = arith.constant 2 : i32
          %mul3A_189 = arith.muli %shift_right_logical3A_0, %mul3A_188 : i32
          %add3A_190 = arith.constant 1 : i32
          %add3A_191 = arith.addi %mul3A_189, %add3A_190 : i32
          %mul3A_192 = arith.constant 1112 : i32
          %mul3A_193 = arith.muli %add3A_191, %mul3A_192 : i32
          "tpu.region"() ({
            %run_scoped3A = tpu.sem_alloc : memref<!tpu.dma_semaphore, #tpu.memory_space<semaphore_mem>>
            %dma_start3A_194 = arith.constant 0 : i32
            %dma_start3A_195 = tpu.memref_slice %arg21[%dma_start3A_194] : memref<2048xf32, #tpu.memory_space<vmem>> -> memref<1112xf32, #tpu.memory_space<vmem>>
            %dma_start3A_196 = tpu.memref_slice %arg33[%mul3A_193] : memref<17792xf32, #tpu.memory_space<vmem_shared>> -> memref<1112xf32, #tpu.memory_space<vmem_shared>>
            %dma_start3A_197 = arith.constant 0 : i32
            %dma_start3A_198 = tpu.memref_slice %arg21[%dma_start3A_197] : memref<2048xf32, #tpu.memory_space<vmem>> -> memref<1112xf32, #tpu.memory_space<vmem>>
            %dma_start3A_199 = tpu.memref_slice %arg33[%mul3A_193] : memref<17792xf32, #tpu.memory_space<vmem_shared>> -> memref<1112xf32, #tpu.memory_space<vmem_shared>>
            tpu.enqueue_dma source(%dma_start3A_199 : memref<1112xf32, #tpu.memory_space<vmem_shared>>) target(%dma_start3A_198 : memref<1112xf32, #tpu.memory_space<vmem>>) target_semaphore(%run_scoped3A : memref<!tpu.dma_semaphore, #tpu.memory_space<semaphore_mem>>)
            %dma_wait3A = arith.constant 0 : i32
            %dma_wait3A_200 = tpu.memref_slice %arg21[%dma_wait3A] : memref<2048xf32, #tpu.memory_space<vmem>> -> memref<1112xf32, #tpu.memory_space<vmem>>
            %dma_wait3A_201 = tpu.memref_slice %arg33[%mul3A_193] : memref<17792xf32, #tpu.memory_space<vmem_shared>> -> memref<1112xf32, #tpu.memory_space<vmem_shared>>
            %dma_wait3A_202 = arith.constant 0 : i32
            %dma_wait3A_203 = tpu.memref_slice %arg21[%dma_wait3A_202] : memref<2048xf32, #tpu.memory_space<vmem>> -> memref<1112xf32, #tpu.memory_space<vmem>>
            %dma_wait3A_204 = tpu.memref_slice %arg33[%mul3A_193] : memref<17792xf32, #tpu.memory_space<vmem_shared>> -> memref<1112xf32, #tpu.memory_space<vmem_shared>>
            tpu.wait_dma2 semaphore(%run_scoped3A : memref<!tpu.dma_semaphore, #tpu.memory_space<semaphore_mem>>) src(%dma_wait3A_204 : memref<1112xf32, #tpu.memory_space<vmem_shared>>) dst(%dma_wait3A_203 : memref<1112xf32, #tpu.memory_space<vmem>>)
            tpu.yield
          }) : () -> ()
        } else {
        }
        %broadcast_in_dim3A_102 = arith.constant 0.000000e+00 : f32
        %broadcast_in_dim3A_103 = vector.broadcast %broadcast_in_dim3A_102 : f32 to vector<16xf32>
        %parallel_loop3A_104 = arith.constant 0 : i32
        %parallel_loop3A_105 = arith.constant 128 : i32
        %parallel_loop3A_106 = arith.constant 1 : i32
        %parallel_loop3A_107 = scf.for %parallel_loop3A_188 = %parallel_loop3A_104 to %parallel_loop3A_105 step %parallel_loop3A_106 iter_args(%parallel_loop3A_189 = %broadcast_in_dim3A_103) -> (vector<16xf32>)  : i32 {
          %parallel_loop3A_190 = arith.constant 16 : i32
          %parallel_loop3A_191 = arith.muli %parallel_loop3A_188, %parallel_loop3A_190 : i32
          %parallel_loop3A_192 = arith.index_cast %parallel_loop3A_191 : i32 to index
          %parallel_loop3A_193 = tpu.vector_load %arg21[%parallel_loop3A_192] {strides = array<i32>} : memref<2048xf32, #tpu.memory_space<vmem>>, vector<16xf32>,
          %parallel_loop3A_194 = arith.maximumf %parallel_loop3A_189, %parallel_loop3A_193 : vector<16xf32>
          %parallel_loop3A_195 = arith.constant 0.000000e+00 : f32
          %parallel_loop3A_196 = vector.broadcast %parallel_loop3A_195 : f32 to vector<16xf32>
          %parallel_loop3A_197 = arith.index_cast %parallel_loop3A_191 : i32 to index
          %parallel_loop3A_198 = tpu.vector_load %arg22[%parallel_loop3A_197] {strides = array<i32>} : memref<2048xf32, #tpu.memory_space<vmem>>, vector<16xf32>,
          tpu.vector_store %arg22[%parallel_loop3A_197], %parallel_loop3A_196 {strides = array<i32>} : memref<2048xf32, #tpu.memory_space<vmem>>, vector<16xf32>,
          scf.yield %parallel_loop3A_194 : vector<16xf32>
        } {sc.loop_unroll_factor = 8 : i64, sc.parallel_access}
        %add3A_108 = arith.constant 8 : i32
        %add3A_109 = vector.broadcast %add3A_108 : i32 to vector<16xi32>
        %add3A_110 = arith.addi %iota3A, %add3A_109 : vector<16xi32>
        %and3A_111 = arith.constant 15 : i32
        %and3A_112 = vector.broadcast %and3A_111 : i32 to vector<16xi32>
        %and3A_113 = arith.andi %add3A_110, %and3A_112 : vector<16xi32>
        %lt3A_114 = arith.constant 0 : i32
        %lt3A_115 = vector.broadcast %lt3A_114 : i32 to vector<16xi32>
        %lt3A_116 = arith.cmpi slt, %and3A_113, %lt3A_115 : vector<16xi32>
        %add3A_117 = arith.constant 16 : i32
        %add3A_118 = vector.broadcast %add3A_117 : i32 to vector<16xi32>
        %add3A_119 = arith.addi %and3A_113, %add3A_118 : vector<16xi32>
        %select_n3A_120 = arith.select %lt3A_116, %add3A_119, %and3A_113 : vector<16xi1>, vector<16xi32>
        %broadcast_in_dim3A_121 = vector.shape_cast %select_n3A_120 : vector<16xi32> to vector<16x1xi32>
        %gather3A_122 = vector.shape_cast %broadcast_in_dim3A_121 : vector<16x1xi32> to vector<16xi32>
        %gather3A_123 = tpu.dynamic_gather %parallel_loop3A_107[%gather3A_122] in [0] : vector<16xf32>, vector<16xi32> -> vector<16xf32>
        %max3A = arith.maximumf %parallel_loop3A_107, %gather3A_123 : vector<16xf32>
        %add3A_124 = arith.constant 4 : i32
        %add3A_125 = vector.broadcast %add3A_124 : i32 to vector<16xi32>
        %add3A_126 = arith.addi %iota3A, %add3A_125 : vector<16xi32>
        %and3A_127 = arith.constant 15 : i32
        %and3A_128 = vector.broadcast %and3A_127 : i32 to vector<16xi32>
        %and3A_129 = arith.andi %add3A_126, %and3A_128 : vector<16xi32>
        %lt3A_130 = arith.constant 0 : i32
        %lt3A_131 = vector.broadcast %lt3A_130 : i32 to vector<16xi32>
        %lt3A_132 = arith.cmpi slt, %and3A_129, %lt3A_131 : vector<16xi32>
        %add3A_133 = arith.constant 16 : i32
        %add3A_134 = vector.broadcast %add3A_133 : i32 to vector<16xi32>
        %add3A_135 = arith.addi %and3A_129, %add3A_134 : vector<16xi32>
        %select_n3A_136 = arith.select %lt3A_132, %add3A_135, %and3A_129 : vector<16xi1>, vector<16xi32>
        %broadcast_in_dim3A_137 = vector.shape_cast %select_n3A_136 : vector<16xi32> to vector<16x1xi32>
        %gather3A_138 = vector.shape_cast %broadcast_in_dim3A_137 : vector<16x1xi32> to vector<16xi32>
        %gather3A_139 = tpu.dynamic_gather %max3A[%gather3A_138] in [0] : vector<16xf32>, vector<16xi32> -> vector<16xf32>
        %max3A_140 = arith.maximumf %max3A, %gather3A_139 : vector<16xf32>
        %add3A_141 = arith.constant 2 : i32
        %add3A_142 = vector.broadcast %add3A_141 : i32 to vector<16xi32>
        %add3A_143 = arith.addi %iota3A, %add3A_142 : vector<16xi32>
        %and3A_144 = arith.constant 15 : i32
        %and3A_145 = vector.broadcast %and3A_144 : i32 to vector<16xi32>
        %and3A_146 = arith.andi %add3A_143, %and3A_145 : vector<16xi32>
        %lt3A_147 = arith.constant 0 : i32
        %lt3A_148 = vector.broadcast %lt3A_147 : i32 to vector<16xi32>
        %lt3A_149 = arith.cmpi slt, %and3A_146, %lt3A_148 : vector<16xi32>
        %add3A_150 = arith.constant 16 : i32
        %add3A_151 = vector.broadcast %add3A_150 : i32 to vector<16xi32>
        %add3A_152 = arith.addi %and3A_146, %add3A_151 : vector<16xi32>
        %select_n3A_153 = arith.select %lt3A_149, %add3A_152, %and3A_146 : vector<16xi1>, vector<16xi32>
        %broadcast_in_dim3A_154 = vector.shape_cast %select_n3A_153 : vector<16xi32> to vector<16x1xi32>
        %gather3A_155 = vector.shape_cast %broadcast_in_dim3A_154 : vector<16x1xi32> to vector<16xi32>
        %gather3A_156 = tpu.dynamic_gather %max3A_140[%gather3A_155] in [0] : vector<16xf32>, vector<16xi32> -> vector<16xf32>
        %max3A_157 = arith.maximumf %max3A_140, %gather3A_156 : vector<16xf32>
        %add3A_158 = arith.constant 1 : i32
        %add3A_159 = vector.broadcast %add3A_158 : i32 to vector<16xi32>
        %add3A_160 = arith.addi %iota3A, %add3A_159 : vector<16xi32>
        %and3A_161 = arith.constant 15 : i32
        %and3A_162 = vector.broadcast %and3A_161 : i32 to vector<16xi32>
        %and3A_163 = arith.andi %add3A_160, %and3A_162 : vector<16xi32>
        %lt3A_164 = arith.constant 0 : i32
        %lt3A_165 = vector.broadcast %lt3A_164 : i32 to vector<16xi32>
        %lt3A_166 = arith.cmpi slt, %and3A_163, %lt3A_165 : vector<16xi32>
        %add3A_167 = arith.constant 16 : i32
        %add3A_168 = vector.broadcast %add3A_167 : i32 to vector<16xi32>
        %add3A_169 = arith.addi %and3A_163, %add3A_168 : vector<16xi32>
        %select_n3A_170 = arith.select %lt3A_166, %add3A_169, %and3A_163 : vector<16xi1>, vector<16xi32>
        %broadcast_in_dim3A_171 = vector.shape_cast %select_n3A_170 : vector<16xi32> to vector<16x1xi32>
        %gather3A_172 = vector.shape_cast %broadcast_in_dim3A_171 : vector<16x1xi32> to vector<16xi32>
        %gather3A_173 = tpu.dynamic_gather %max3A_157[%gather3A_172] in [0] : vector<16xf32>, vector<16xi32> -> vector<16xf32>
        %max3A_174 = arith.maximumf %max3A_157, %gather3A_173 : vector<16xf32>
        %bitcast_convert_type3A = tpu.bitcast %max3A_174 : vector<16xf32> -> vector<16xi32>
        %and3A_175 = arith.constant 2139095040 : i32
        %and3A_176 = vector.broadcast %and3A_175 : i32 to vector<16xi32>
        %and3A_177 = arith.andi %bitcast_convert_type3A, %and3A_176 : vector<16xi32>
        %bitcast_convert_type3A_178 = tpu.bitcast %and3A_177 : vector<16xi32> -> vector<16xf32>
        %sub3A = arith.constant 2130706432 : i32
        %sub3A_179 = vector.broadcast %sub3A : i32 to vector<16xi32>
        %sub3A_180 = arith.subi %sub3A_179, %and3A_177 : vector<16xi32>
        %bitcast_convert_type3A_181 = tpu.bitcast %sub3A_180 : vector<16xi32> -> vector<16xf32>
        %broadcast_in_dim3A_182 = vector.broadcast %add3A_68 : i32 to vector<16xi32>
        %eq3A_183 = arith.constant 0 : i32
        %eq3A_184 = vector.broadcast %eq3A_183 : i32 to vector<16xi32>
        %eq3A_185 = arith.cmpi eq, %iota3A, %eq3A_184 : vector<16xi32>
        tpu.vector_store_idx %arg29[%broadcast_in_dim3A_182], %bitcast_convert_type3A_178 masked %eq3A_185 : memref<304xf32, #tpu.memory_space<vmem>>[vector<16xi32>], vector<16xf32>, vector<16xi1>
        %swap3A_186 = arith.constant 0 : index
        %swap3A_187 = tpu.vector_load %arg31[%swap3A_186] {strides = array<i32>} : memref<16xf32, #tpu.memory_space<vmem>>, vector<16xf32>,
        tpu.vector_store %arg31[%swap3A_186], %bitcast_convert_type3A_181 {strides = array<i32>} : memref<16xf32, #tpu.memory_space<vmem>>, vector<16xf32>,
      } else {
      }
    }
    %scan3A_51 = arith.constant 150 : i32
    %and3A_52 = arith.constant 1 : i32
    %and3A_53 = arith.andi %squeeze3A, %and3A_52 : i32
    %eq3A_54 = arith.constant 0 : i32
    %eq3A_55 = arith.cmpi eq, %and3A_53, %eq3A_54 : i32
    %get3A_56 = arith.constant 0 : index
    %get3A_57 = tpu.vector_load %arg31[%get3A_56] {strides = array<i32>} : memref<16xf32, #tpu.memory_space<vmem>>, vector<16xf32>,
    %convert_element_type3A_58 = arith.extui %eq3A_3 : i1 to i32
    %cond3A_59 = arith.constant 0 : i32
    %cond3A_60 = arith.cmpi ne, %convert_element_type3A_58, %cond3A_59 : i32
    scf.if %cond3A_60 {
      %convert_element_type3A_64 = arith.extui %eq3A_55 : i1 to i32
      %cond3A_65 = arith.constant 0 : i32
      %cond3A_66 = arith.cmpi ne, %convert_element_type3A_64, %cond3A_65 : i32
      scf.if %cond3A_66 {
        %parallel_loop3A_71 = arith.constant 0 : i32
        %parallel_loop3A_72 = arith.constant 128 : i32
        %parallel_loop3A_73 = arith.constant 1 : i32
        scf.for %parallel_loop3A_74 = %parallel_loop3A_71 to %parallel_loop3A_72 step %parallel_loop3A_73  : i32 {
          %parallel_loop3A_75 = arith.constant 16 : i32
          %parallel_loop3A_76 = arith.muli %parallel_loop3A_74, %parallel_loop3A_75 : i32
          %parallel_loop3A_77 = arith.index_cast %parallel_loop3A_76 : i32 to index
          %parallel_loop3A_78 = tpu.vector_load %arg21[%parallel_loop3A_77] {strides = array<i32>} : memref<2048xf32, #tpu.memory_space<vmem>>, vector<16xf32>,
          %parallel_loop3A_79 = arith.mulf %parallel_loop3A_78, %get3A_57 : vector<16xf32>
          %parallel_loop3A_80 = arith.index_cast %parallel_loop3A_76 : i32 to index
          %parallel_loop3A_81 = tpu.vector_load %arg21[%parallel_loop3A_80] {strides = array<i32>} : memref<2048xf32, #tpu.memory_space<vmem>>, vector<16xf32>,
          tpu.vector_store %arg21[%parallel_loop3A_80], %parallel_loop3A_79 {strides = array<i32>} : memref<2048xf32, #tpu.memory_space<vmem>>, vector<16xf32>,
        } {sc.loop_unroll_factor = 4 : i64, sc.parallel_access}
      } else {
      }
      %not3A = arith.constant true
      %not3A_67 = arith.xori %eq3A_55, %not3A : i1
      %convert_element_type3A_68 = arith.extui %not3A_67 : i1 to i32
      %cond3A_69 = arith.constant 0 : i32
      %cond3A_70 = arith.cmpi ne, %convert_element_type3A_68, %cond3A_69 : i32
      scf.if %cond3A_70 {
        %parallel_loop3A_71 = arith.constant 0 : i32
        %parallel_loop3A_72 = arith.constant 128 : i32
        %parallel_loop3A_73 = arith.constant 1 : i32
        scf.for %parallel_loop3A_74 = %parallel_loop3A_71 to %parallel_loop3A_72 step %parallel_loop3A_73  : i32 {
          %parallel_loop3A_75 = arith.constant 16 : i32
          %parallel_loop3A_76 = arith.muli %parallel_loop3A_74, %parallel_loop3A_75 : i32
          %parallel_loop3A_77 = arith.index_cast %parallel_loop3A_76 : i32 to index
          %parallel_loop3A_78 = tpu.vector_load %arg22[%parallel_loop3A_77] {strides = array<i32>} : memref<2048xf32, #tpu.memory_space<vmem>>, vector<16xf32>,
          %parallel_loop3A_79 = arith.mulf %parallel_loop3A_78, %get3A_57 : vector<16xf32>
          %parallel_loop3A_80 = arith.index_cast %parallel_loop3A_76 : i32 to index
          %parallel_loop3A_81 = tpu.vector_load %arg21[%parallel_loop3A_80] {strides = array<i32>} : memref<2048xf32, #tpu.memory_space<vmem>>, vector<16xf32>,
          tpu.vector_store %arg21[%parallel_loop3A_80], %parallel_loop3A_79 {strides = array<i32>} : memref<2048xf32, #tpu.memory_space<vmem>>, vector<16xf32>,
        } {sc.loop_unroll_factor = 4 : i64, sc.parallel_access}
      } else {
      }
      "tpu.region"() ({
        %run_scoped3A = tpu.sem_alloc : memref<!tpu.dma_semaphore, #tpu.memory_space<semaphore_mem>>
        %dma_start3A_71 = arith.constant 0 : i32
        %dma_start3A_72 = tpu.memref_slice %arg13[%add3A, %dma_start3A_71] : memref<32x2048xf32, #tpu.memory_space<hbm>> -> memref<1x2048xf32, #tpu.memory_space<hbm>>
        %dma_start3A_73 = tpu.memref_squeeze %dma_start3A_72 : memref<1x2048xf32, #tpu.memory_space<hbm>> -> memref<2048xf32, #tpu.memory_space<hbm>>
        %dma_start3A_74 = arith.constant 0 : i32
        %dma_start3A_75 = tpu.memref_slice %arg13[%add3A, %dma_start3A_74] : memref<32x2048xf32, #tpu.memory_space<hbm>> -> memref<1x2048xf32, #tpu.memory_space<hbm>>
        %dma_start3A_76 = tpu.memref_squeeze %dma_start3A_75 : memref<1x2048xf32, #tpu.memory_space<hbm>> -> memref<2048xf32, #tpu.memory_space<hbm>>
        tpu.enqueue_dma source(%arg21 : memref<2048xf32, #tpu.memory_space<vmem>>) target(%dma_start3A_76 : memref<2048xf32, #tpu.memory_space<hbm>>) target_semaphore(%run_scoped3A : memref<!tpu.dma_semaphore, #tpu.memory_space<semaphore_mem>>)
        %dma_wait3A = arith.constant 0 : i32
        %dma_wait3A_77 = tpu.memref_slice %arg13[%add3A, %dma_wait3A] : memref<32x2048xf32, #tpu.memory_space<hbm>> -> memref<1x2048xf32, #tpu.memory_space<hbm>>
        %dma_wait3A_78 = tpu.memref_squeeze %dma_wait3A_77 : memref<1x2048xf32, #tpu.memory_space<hbm>> -> memref<2048xf32, #tpu.memory_space<hbm>>
        %dma_wait3A_79 = arith.constant 0 : i32
        %dma_wait3A_80 = tpu.memref_slice %arg13[%add3A, %dma_wait3A_79] : memref<32x2048xf32, #tpu.memory_space<hbm>> -> memref<1x2048xf32, #tpu.memory_space<hbm>>
        %dma_wait3A_81 = tpu.memref_squeeze %dma_wait3A_80 : memref<1x2048xf32, #tpu.memory_space<hbm>> -> memref<2048xf32, #tpu.memory_space<hbm>>
        tpu.wait_dma2 semaphore(%run_scoped3A : memref<!tpu.dma_semaphore, #tpu.memory_space<semaphore_mem>>) src(%arg21 : memref<2048xf32, #tpu.memory_space<vmem>>) dst(%dma_wait3A_81 : memref<2048xf32, #tpu.memory_space<hbm>>)
        tpu.yield
      }) : () -> ()
      "tpu.region"() ({
        %run_scoped3A = tpu.sem_alloc : memref<!tpu.dma_semaphore, #tpu.memory_space<semaphore_mem>>
        %dma_start3A_71 = arith.constant 0 : i32
        %dma_start3A_72 = tpu.memref_slice %arg14[%add3A, %dma_start3A_71] : memref<32x304xf32, #tpu.memory_space<hbm>> -> memref<1x304xf32, #tpu.memory_space<hbm>>
        %dma_start3A_73 = tpu.memref_squeeze %dma_start3A_72 : memref<1x304xf32, #tpu.memory_space<hbm>> -> memref<304xf32, #tpu.memory_space<hbm>>
        %dma_start3A_74 = arith.constant 0 : i32
        %dma_start3A_75 = tpu.memref_slice %arg14[%add3A, %dma_start3A_74] : memref<32x304xf32, #tpu.memory_space<hbm>> -> memref<1x304xf32, #tpu.memory_space<hbm>>
        %dma_start3A_76 = tpu.memref_squeeze %dma_start3A_75 : memref<1x304xf32, #tpu.memory_space<hbm>> -> memref<304xf32, #tpu.memory_space<hbm>>
        tpu.enqueue_dma source(%arg29 : memref<304xf32, #tpu.memory_space<vmem>>) target(%dma_start3A_76 : memref<304xf32, #tpu.memory_space<hbm>>) target_semaphore(%run_scoped3A : memref<!tpu.dma_semaphore, #tpu.memory_space<semaphore_mem>>)
        %dma_wait3A = arith.constant 0 : i32
        %dma_wait3A_77 = tpu.memref_slice %arg14[%add3A, %dma_wait3A] : memref<32x304xf32, #tpu.memory_space<hbm>> -> memref<1x304xf32, #tpu.memory_space<hbm>>
        %dma_wait3A_78 = tpu.memref_squeeze %dma_wait3A_77 : memref<1x304xf32, #tpu.memory_space<hbm>> -> memref<304xf32, #tpu.memory_space<hbm>>
        %dma_wait3A_79 = arith.constant 0 : i32
        %dma_wait3A_80 = tpu.memref_slice %arg14[%add3A, %dma_wait3A_79] : memref<32x304xf32, #tpu.memory_space<hbm>> -> memref<1x304xf32, #tpu.memory_space<hbm>>
        %dma_wait3A_81 = tpu.memref_squeeze %dma_wait3A_80 : memref<1x304xf32, #tpu.memory_space<hbm>> -> memref<304xf32, #tpu.memory_space<hbm>>
        tpu.wait_dma2 semaphore(%run_scoped3A : memref<!tpu.dma_semaphore, #tpu.memory_space<semaphore_mem>>) src(%arg29 : memref<304xf32, #tpu.memory_space<vmem>>) dst(%dma_wait3A_81 : memref<304xf32, #tpu.memory_space<hbm>>)
        tpu.yield
      }) : () -> ()
    } else {
    }
    %convert_element_type3A_61 = arith.extui %eq3A_5 : i1 to i32
    %cond3A_62 = arith.constant 0 : i32
    %cond3A_63 = arith.cmpi ne, %convert_element_type3A_61, %cond3A_62 : i32
    scf.if %cond3A_63 {
      %get3A_64 = arith.constant 0 : index
      %get3A_65 = tpu.vector_load %arg32[%get3A_64] {strides = array<i32>} : memref<16xf32, #tpu.memory_space<vmem>>, vector<16xf32>,
      %parallel_loop3A_66 = arith.constant 0 : i32
      %parallel_loop3A_67 = arith.constant 128 : i32
      %parallel_loop3A_68 = arith.constant 1 : i32
      scf.for %parallel_loop3A_80 = %parallel_loop3A_66 to %parallel_loop3A_67 step %parallel_loop3A_68  : i32 {
        %parallel_loop3A_81 = arith.constant 0.000000e+00 : f32
        %parallel_loop3A_82 = vector.broadcast %parallel_loop3A_81 : f32 to vector<16xf32>
        %parallel_loop3A_83 = arith.constant 16 : i32
        %parallel_loop3A_84 = arith.muli %parallel_loop3A_80, %parallel_loop3A_83 : i32
        %parallel_loop3A_85 = arith.index_cast %parallel_loop3A_84 : i32 to index
        %parallel_loop3A_86 = tpu.vector_load %arg25[%parallel_loop3A_85] {strides = array<i32>} : memref<2048xf32, #tpu.memory_space<vmem>>, vector<16xf32>,
        tpu.vector_store %arg25[%parallel_loop3A_85], %parallel_loop3A_82 {strides = array<i32>} : memref<2048xf32, #tpu.memory_space<vmem>>, vector<16xf32>,
      } {sc.loop_unroll_factor = 4 : i64, sc.parallel_access}
      %convert_element_type3A_69 = arith.extui %eq3A_55 : i1 to i32
      %cond3A_70 = arith.constant 0 : i32
      %cond3A_71 = arith.cmpi ne, %convert_element_type3A_69, %cond3A_70 : i32
      scf.if %cond3A_71 {
        %parallel_loop3A_80 = arith.constant 0 : i32
        %parallel_loop3A_81 = arith.constant 13 : i32
        %parallel_loop3A_82 = arith.constant 1 : i32
        scf.for %parallel_loop3A_83 = %parallel_loop3A_80 to %parallel_loop3A_81 step %parallel_loop3A_82  : i32 {
          %parallel_loop3A_84 = arith.constant 16 : i32
          %parallel_loop3A_85 = arith.muli %parallel_loop3A_83, %parallel_loop3A_84 : i32
          %parallel_loop3A_86 = arith.index_cast %parallel_loop3A_85 : i32 to index
          %parallel_loop3A_87 = tpu.vector_load %arg23[%parallel_loop3A_86] {strides = array<i32>} : memref<208xf32, #tpu.memory_space<vmem>>, vector<16xf32>,
          %parallel_loop3A_88 = arith.mulf %parallel_loop3A_87, %get3A_65 : vector<16xf32>
          %parallel_loop3A_89 = arith.index_cast %parallel_loop3A_85 : i32 to index
          %parallel_loop3A_90 = tpu.vector_load %arg25[%parallel_loop3A_89] {strides = array<i32>} : memref<2048xf32, #tpu.memory_space<vmem>>, vector<16xf32>,
          tpu.vector_store %arg25[%parallel_loop3A_89], %parallel_loop3A_88 {strides = array<i32>} : memref<2048xf32, #tpu.memory_space<vmem>>, vector<16xf32>,
        } {sc.loop_unroll_factor = 1 : i64, sc.parallel_access}
      } else {
      }
      %not3A = arith.constant true
      %not3A_72 = arith.xori %eq3A_55, %not3A : i1
      %convert_element_type3A_73 = arith.extui %not3A_72 : i1 to i32
      %cond3A_74 = arith.constant 0 : i32
      %cond3A_75 = arith.cmpi ne, %convert_element_type3A_73, %cond3A_74 : i32
      scf.if %cond3A_75 {
        %parallel_loop3A_80 = arith.constant 0 : i32
        %parallel_loop3A_81 = arith.constant 13 : i32
        %parallel_loop3A_82 = arith.constant 1 : i32
        scf.for %parallel_loop3A_83 = %parallel_loop3A_80 to %parallel_loop3A_81 step %parallel_loop3A_82  : i32 {
          %parallel_loop3A_84 = arith.constant 16 : i32
          %parallel_loop3A_85 = arith.muli %parallel_loop3A_83, %parallel_loop3A_84 : i32
          %parallel_loop3A_86 = arith.index_cast %parallel_loop3A_85 : i32 to index
          %parallel_loop3A_87 = tpu.vector_load %arg24[%parallel_loop3A_86] {strides = array<i32>} : memref<208xf32, #tpu.memory_space<vmem>>, vector<16xf32>,
          %parallel_loop3A_88 = arith.mulf %parallel_loop3A_87, %get3A_65 : vector<16xf32>
          %parallel_loop3A_89 = arith.index_cast %parallel_loop3A_85 : i32 to index
          %parallel_loop3A_90 = tpu.vector_load %arg25[%parallel_loop3A_89] {strides = array<i32>} : memref<2048xf32, #tpu.memory_space<vmem>>, vector<16xf32>,
          tpu.vector_store %arg25[%parallel_loop3A_89], %parallel_loop3A_88 {strides = array<i32>} : memref<2048xf32, #tpu.memory_space<vmem>>, vector<16xf32>,
        } {sc.loop_unroll_factor = 1 : i64, sc.parallel_access}
      } else {
      }
      %add3A_76 = arith.constant 16 : i32
      %add3A_77 = arith.addi %add3A_76, %add3A : i32
      "tpu.region"() ({
        %run_scoped3A = tpu.sem_alloc : memref<!tpu.dma_semaphore, #tpu.memory_space<semaphore_mem>>
        %dma_start3A_80 = arith.constant 0 : i32
        %dma_start3A_81 = tpu.memref_slice %arg13[%add3A_77, %dma_start3A_80] : memref<32x2048xf32, #tpu.memory_space<hbm>> -> memref<1x2048xf32, #tpu.memory_space<hbm>>
        %dma_start3A_82 = tpu.memref_squeeze %dma_start3A_81 : memref<1x2048xf32, #tpu.memory_space<hbm>> -> memref<2048xf32, #tpu.memory_space<hbm>>
        %dma_start3A_83 = arith.constant 0 : i32
        %dma_start3A_84 = tpu.memref_slice %arg13[%add3A_77, %dma_start3A_83] : memref<32x2048xf32, #tpu.memory_space<hbm>> -> memref<1x2048xf32, #tpu.memory_space<hbm>>
        %dma_start3A_85 = tpu.memref_squeeze %dma_start3A_84 : memref<1x2048xf32, #tpu.memory_space<hbm>> -> memref<2048xf32, #tpu.memory_space<hbm>>
        tpu.enqueue_dma source(%arg25 : memref<2048xf32, #tpu.memory_space<vmem>>) target(%dma_start3A_85 : memref<2048xf32, #tpu.memory_space<hbm>>) target_semaphore(%run_scoped3A : memref<!tpu.dma_semaphore, #tpu.memory_space<semaphore_mem>>)
        %dma_wait3A = arith.constant 0 : i32
        %dma_wait3A_86 = tpu.memref_slice %arg13[%add3A_77, %dma_wait3A] : memref<32x2048xf32, #tpu.memory_space<hbm>> -> memref<1x2048xf32, #tpu.memory_space<hbm>>
        %dma_wait3A_87 = tpu.memref_squeeze %dma_wait3A_86 : memref<1x2048xf32, #tpu.memory_space<hbm>> -> memref<2048xf32, #tpu.memory_space<hbm>>
        %dma_wait3A_88 = arith.constant 0 : i32
        %dma_wait3A_89 = tpu.memref_slice %arg13[%add3A_77, %dma_wait3A_88] : memref<32x2048xf32, #tpu.memory_space<hbm>> -> memref<1x2048xf32, #tpu.memory_space<hbm>>
        %dma_wait3A_90 = tpu.memref_squeeze %dma_wait3A_89 : memref<1x2048xf32, #tpu.memory_space<hbm>> -> memref<2048xf32, #tpu.memory_space<hbm>>
        tpu.wait_dma2 semaphore(%run_scoped3A : memref<!tpu.dma_semaphore, #tpu.memory_space<semaphore_mem>>) src(%arg25 : memref<2048xf32, #tpu.memory_space<vmem>>) dst(%dma_wait3A_90 : memref<2048xf32, #tpu.memory_space<hbm>>)
        tpu.yield
      }) : () -> ()
      %add3A_78 = arith.constant 16 : i32
      %add3A_79 = arith.addi %add3A_78, %add3A : i32
      "tpu.region"() ({
        %run_scoped3A = tpu.sem_alloc : memref<!tpu.dma_semaphore, #tpu.memory_space<semaphore_mem>>
        %dma_start3A_80 = arith.constant 0 : i32
        %dma_start3A_81 = tpu.memref_slice %arg14[%add3A_79, %dma_start3A_80] : memref<32x304xf32, #tpu.memory_space<hbm>> -> memref<1x304xf32, #tpu.memory_space<hbm>>
        %dma_start3A_82 = tpu.memref_squeeze %dma_start3A_81 : memref<1x304xf32, #tpu.memory_space<hbm>> -> memref<304xf32, #tpu.memory_space<hbm>>
        %dma_start3A_83 = arith.constant 0 : i32
        %dma_start3A_84 = tpu.memref_slice %arg14[%add3A_79, %dma_start3A_83] : memref<32x304xf32, #tpu.memory_space<hbm>> -> memref<1x304xf32, #tpu.memory_space<hbm>>
        %dma_start3A_85 = tpu.memref_squeeze %dma_start3A_84 : memref<1x304xf32, #tpu.memory_space<hbm>> -> memref<304xf32, #tpu.memory_space<hbm>>
        tpu.enqueue_dma source(%arg30 : memref<304xf32, #tpu.memory_space<vmem>>) target(%dma_start3A_85 : memref<304xf32, #tpu.memory_space<hbm>>) target_semaphore(%run_scoped3A : memref<!tpu.dma_semaphore, #tpu.memory_space<semaphore_mem>>)
        %dma_wait3A = arith.constant 0 : i32
        %dma_wait3A_86 = tpu.memref_slice %arg14[%add3A_79, %dma_wait3A] : memref<32x304xf32, #tpu.memory_space<hbm>> -> memref<1x304xf32, #tpu.memory_space<hbm>>
        %dma_wait3A_87 = tpu.memref_squeeze %dma_wait3A_86 : memref<1x304xf32, #tpu.memory_space<hbm>> -> memref<304xf32, #tpu.memory_space<hbm>>
        %dma_wait3A_88 = arith.constant 0 : i32
        %dma_wait3A_89 = tpu.memref_slice %arg14[%add3A_79, %dma_wait3A_88] : memref<32x304xf32, #tpu.memory_space<hbm>> -> memref<1x304xf32, #tpu.memory_space<hbm>>
        %dma_wait3A_90 = tpu.memref_squeeze %dma_wait3A_89 : memref<1x304xf32, #tpu.memory_space<hbm>> -> memref<304xf32, #tpu.memory_space<hbm>>
        tpu.wait_dma2 semaphore(%run_scoped3A : memref<!tpu.dma_semaphore, #tpu.memory_space<semaphore_mem>>) src(%arg30 : memref<304xf32, #tpu.memory_space<vmem>>) dst(%dma_wait3A_90 : memref<304xf32, #tpu.memory_space<hbm>>)
        tpu.yield
      }) : () -> ()
    } else {
    }
    return
  }
}

module attributes {stable_mosaic.version = 14 : i64} {
  func.func @_tc_combine_body(%arg0: memref<32x304xf32, #tpu.memory_space<vmem>>, %arg1: memref<32x2048xf32, #tpu.memory_space<vmem>>, %arg2: memref<2x2048xf32, #tpu.memory_space<vmem>>, %arg3: memref<1x1xf32, #tpu.memory_space<vmem>>) attributes {dimension_semantics = [], scalar_prefetch = 0 : i64, scratch_operands = 0 : i64, tpu.core_type = #tpu.core_type<tc>} {
    %get3A = arith.constant 0 : index
    %get3A_0 = arith.constant 0 : index
    %get3A_1 = vector.load %arg0[%get3A, %get3A_0] : memref<32x304xf32, #tpu.memory_space<vmem>>, vector<32x304xf32>
    %log3A = math.log %get3A_1 : vector<32x304xf32>
    %reduce_sum3A = arith.constant dense<0.000000e+00> : vector<32xf32>
    %reduce_sum3A_2 = vector.multi_reduction <add>, %log3A, %reduce_sum3A [1] : vector<32x304xf32> to vector<32xf32>
    %broadcast_in_dim3A = vector.shape_cast %reduce_sum3A_2 : vector<32xf32> to vector<32x1xf32>
    %get3A_3 = arith.constant 0 : index
    %get3A_4 = arith.constant 0 : index
    %get3A_5 = vector.load %arg2[%get3A_3, %get3A_4] : memref<2x2048xf32, #tpu.memory_space<vmem>>, vector<2x2048xf32>
    %exp3A = math.exp %get3A_5 : vector<2x2048xf32>
    %slice3A = vector.extract_strided_slice %exp3A {offsets = [0, 0], sizes = [1, 2048], strides = [1, 1]} : vector<2x2048xf32> to vector<1x2048xf32>
    %broadcast_in_dim3A_6 = vector.shape_cast %slice3A : vector<1x2048xf32> to vector<1x2048xf32>
    %broadcast_in_dim3A_7 = vector.broadcast %broadcast_in_dim3A_6 : vector<1x2048xf32> to vector<16x2048xf32>
    %slice3A_8 = vector.extract_strided_slice %exp3A {offsets = [1, 0], sizes = [1, 2048], strides = [1, 1]} : vector<2x2048xf32> to vector<1x2048xf32>
    %broadcast_in_dim3A_9 = vector.shape_cast %slice3A_8 : vector<1x2048xf32> to vector<1x2048xf32>
    %broadcast_in_dim3A_10 = vector.broadcast %broadcast_in_dim3A_9 : vector<1x2048xf32> to vector<16x2048xf32>
    %concatenate3A = tpu.concatenate %broadcast_in_dim3A_7, %broadcast_in_dim3A_10 in 0 : vector<16x2048xf32>, vector<16x2048xf32> -> vector<32x2048xf32>
    %get3A_11 = arith.constant 0 : index
    %get3A_12 = arith.constant 0 : index
    %get3A_13 = vector.load %arg1[%get3A_11, %get3A_12] : memref<32x2048xf32, #tpu.memory_space<vmem>>, vector<32x2048xf32>
    %mul3A = arith.mulf %get3A_13, %concatenate3A : vector<32x2048xf32>
    %reduce_sum3A_14 = arith.constant dense<0.000000e+00> : vector<32xf32>
    %reduce_sum3A_15 = vector.multi_reduction <add>, %mul3A, %reduce_sum3A_14 [1] : vector<32x2048xf32> to vector<32xf32>
    %broadcast_in_dim3A_16 = vector.shape_cast %reduce_sum3A_15 : vector<32xf32> to vector<32x1xf32>
    %add3A = arith.constant 1.000000e-30 : f32
    %add3A_17 = vector.broadcast %add3A : f32 to vector<32x1xf32>
    %add3A_18 = arith.addf %broadcast_in_dim3A_16, %add3A_17 : vector<32x1xf32>
    %log3A_19 = math.log %add3A_18 : vector<32x1xf32>
    %add3A_20 = arith.addf %broadcast_in_dim3A, %log3A_19 : vector<32x1xf32>
    %iota3A = tpu.iota {dimensions = array<i32: 0>} : vector<32x1xi32>
    %lt3A = arith.constant 16 : i32
    %lt3A_21 = vector.broadcast %lt3A : i32 to vector<32x1xi32>
    %lt3A_22 = arith.cmpi slt, %iota3A, %lt3A_21 : vector<32x1xi32>
    %jit3A = arith.constant 1.000000e+00 : f32
    %jit3A_23 = arith.constant -1.000000e+00 : f32
    %broadcast_in_dim3A_24 = vector.broadcast %jit3A : f32 to vector<32x1xf32>
    %broadcast_in_dim3A_25 = vector.broadcast %jit3A_23 : f32 to vector<32x1xf32>
    %select_n3A = arith.select %lt3A_22, %broadcast_in_dim3A_24, %broadcast_in_dim3A_25 : vector<32x1xi1>, vector<32x1xf32>
    %mul3A_26 = arith.mulf %add3A_20, %select_n3A : vector<32x1xf32>
    %reduce_sum3A_27 = vector.shape_cast %mul3A_26 : vector<32x1xf32> to vector<1x32x1xf32>
    %reduce_sum3A_28 = arith.constant dense<0.000000e+00> : vector<1xf32>
    %reduce_sum3A_29 = vector.multi_reduction <add>, %reduce_sum3A_27, %reduce_sum3A_28 [1, 2] : vector<1x32x1xf32> to vector<1xf32>
    %reduce_sum3A_30 = vector.shape_cast %reduce_sum3A_29 : vector<1xf32> to vector<1x1x1xf32>
    %reduce_sum3A_31 = vector.extract %reduce_sum3A_30[0, 0, 0] : f32 from vector<1x1x1xf32>
    %broadcast_in_dim3A_32 = vector.broadcast %reduce_sum3A_31 : f32 to vector<1x1xf32>
    %swap3A = arith.constant 0 : index
    %swap3A_33 = arith.constant 0 : index
    %swap3A_34 = vector.load %arg3[%swap3A, %swap3A_33] : memref<1x1xf32, #tpu.memory_space<vmem>>, vector<1x1xf32>
    tpu.vector_store %arg3[%swap3A, %swap3A_33], %broadcast_in_dim3A_32 {strides = array<i32>} : memref<1x1xf32, #tpu.memory_space<vmem>>, vector<1x1xf32>,
    return
  }
}

</mosaic_0001>

<sc_bundles>
// kernel: gather_offload_async_start.1
scs
__scs_entry_jumppad:
0x0: {  	(pc) =	sbr.rel $0x88, $3  }
0x1: {  	(tag) =	ssettag $0x0;
	lr =	simm.s32 $0x1  }
0x2: {  	[smem:$0x3F93] =	sst lr;
	_ =	strace $0xD0000000  }
0x3: {  	_ = 	snop  }
0x4: {  	_ = 	snop  }
0x5: {  	_ = 	snop  }
0x6: {  	_ = 	snop  }
0x7: {  	_ = 	snop  }
__scs_overlays_trampoline_lowered:
0x8: {  	[smem:$0x3FA2] =	sst s0  }
0x9: {  	[smem:$0x3FA3] =	sst s1  }
0xa: {  	[smem:$0x3FA4] =	sst s2  }
0xb: {  	[smem:$0x3FA5] =	sst s3  }
0xc: {  	[smem:$0x3FA6] =	sst s4  }
0xd: {  	[smem:$0x3FA7] =	sst s5  }
0xe: {  	[smem:$0x3FA8] =	sst s6  }
0xf: {  	[smem:$0x3FA9] =	sst s7  }
0x10: {  	[smem:$0x3FAA] =	sst s8  }
0x11: {  	[smem:$0x3FAB] =	sst s9;
	s0 =	simm.s32 @!p0 $0x0  }
0x12: {  	s1 =	sld [smem:$0x3F91];
	s0 =	simm.s32 @p0 $0x1  }
0x13: {  	[smem:$0x3FAC] =	sst s0;
	s0 =	simm.s32 @!p1 $0x0  }
0x14: {  	s2 =	sld [smem:$0x3F90];
	s0 =	simm.s32 @p1 $0x1  }
0x15: {  	[smem:$0x3FAD] =	sst s0;
	s0 =	simm.s32 @!p2 $0x0  }
0x16: {  	s3 =	sld [smem:$0x3FDB];
	s0 =	simm.s32 @p2 $0x1  }
0x17: {  	s4 =	simm.s32 $0x1BF5;
	[smem:$0x3FAF] =	sst s0  }
0x18: {  	s0 =	sld [smem:$0x3F92];
	_ =	swait.ge [sflag:s4], $0x0  }
0x19: {  	s7 =	sld [smem:$0x3F93]  }
0x1a: {  	s8 =	sadd.s32 $0xFFFFE003, lr  }
0x1b: {  	s9 =	sadd.s32 $0xFFFFFEF7, lr;
	s5 =	simm.s32 $0xFFFFFFFF;
	p2 =	slt.u32 s8, $0xFFFFF086  }
0x1c: {  	p1 =	slt.u32 s9, $0xF7A;
	s5 =	simm.s32 @!p2 $0x0  }
0x1d: {  	s5 =	simm.s32 @p1 $0x1;
	p0 =	seq.s32 s7, s2  }
0x1e: {  	s7 =	smul.u32 @!p0 $0xF7A, s2;
	p2 =	seq.s32 @!p0 s5, $0x0  }
0x1f: {  	s9 =	smul.u32 $0xF7A, s1;
	s8 =	simm.s32 @!p0 $0x1BF5;
	p2 =	por !p2, p0  }
0x20: {  	[sflag:s8] =	ssyncset.s32 @!p0 $0xFFFFF086;
	s6 =	sadd.s32 @!p0 s3, s7;
	s7 =	simm.s32 @!p0 $0x108  }
0x21: {  	s3 =	sadd.s32 s3, s9;
	s6 =	sadd.s32 @!p0 $0x88, s6;
	s7 =	simm.s32 @p2 $0x1082  }
0x22: {  	[simem:s7], [sflag:s8] =	dma.local @!p0 [hbm:s6], $0xF7A  }
0x23: {  	s9 =	sor.u32 $0xD0000000, s2;
	s6 =	simm.s32 $0x108;
	_ =	swait.ge @!p0 [sflag:s8], $0x0  }
0x24: {  	s3 =	sadd.s32 $0x88, s3;
	s6 =	simm.s32 @!p1 $0x1082;
	[sflag:s4] =	ssyncset.s32 $0xFFFFF086  }
0x25: {  	[simem:s6], [sflag:s4] =	dma.local [hbm:s3], $0xF7A  }
0x26: {  	[smem:$0x3F93] =	sst s1;
	(tag) =	ssettag s2;
	_ =	strace s9  }
0x27: {  	s1 =	sld [smem:$0x3FA3]  }
0x28: {  	s2 =	sld [smem:$0x3FA4]  }
0x29: {  	s4 =	sld [smem:$0x3FA6]  }
0x2a: {  	p0 =	seq.s32 s5, $0x0;
	s5 =	sld [smem:$0x3FA7]  }
0x2b: {  	s6 =	sld [smem:$0x3FA8]  }
0x2c: {  	s7 =	sld [smem:$0x3FA9]  }
0x2d: {  	s3 =	simm.s32 $0x108;
	s8 =	sld [smem:$0x3FAA]  }
0x2e: {  	s3 =	simm.s32 @!p0 $0x1082;
	s9 =	sld [smem:$0x3FAB]  }
0x2f: {  	lr =	sadd.s32 s0, s3;
	s0 =	sld [smem:$0x3FA2]  }
0x30: {  	s3 =	sld [smem:$0x3FA5]  }
0x31: {  	[smem:$0x3FAE] =	sst s10  }
0x32: {  	s10 =	sld [smem:$0x3FAC];
	_ =	sdelay $0x3  }
0x33: {  	p0 =	seq.s32 s10, $0x1;
	s10 =	sld [smem:$0x3FAE];
	_ =	sdelay $0x3  }
0x34: {  	[smem:$0x3FAE] =	sst s10  }
0x35: {  	s10 =	sld [smem:$0x3FAD];
	_ =	sdelay $0x3  }
0x36: {  	p1 =	seq.s32 s10, $0x1;
	s10 =	sld [smem:$0x3FAE];
	_ =	sdelay $0x3  }
0x37: {  	[smem:$0x3FAE] =	sst s10  }
0x38: {  	s10 =	sld [smem:$0x3FAF]  }
0x39: {  	_ = 	snop;
	(pc) =	sbr.ind lr, $3  }
0x3a: {  	_ = 	snop  }
0x3b: {  	_ = 	snop  }
0x3c: {  	p2 =	seq.s32 s10, $0x1;
	s10 =	sld [smem:$0x3FAE]  }
0x3d: {  	_ =	shalt  }
0x3e: {  	_ =	shalt  }
0x3f: {  	_ =	shalt  }
0x40: {  	_ =	shalt  }
0x41: {  	_ =	shalt  }
0x42: {  	_ =	shalt  }
0x43: {  	_ =	shalt  }
0x44: {  	_ =	shalt  }
0x45: {  	_ =	shalt  }
0x46: {  	_ =	shalt  }
0x47: {  	_ =	shalt  }
0x48: {  	_ =	shalt  }
0x49: {  	_ =	shalt  }
0x4a: {  	_ =	shalt  }
0x4b: {  	_ =	shalt  }
0x4c: {  	_ =	shalt  }
0x4d: {  	_ =	shalt  }
0x4e: {  	_ =	shalt  }
0x4f: {  	_ =	shalt  }
0x50: {  	_ =	shalt  }
0x51: {  	_ =	shalt  }
0x52: {  	_ =	shalt  }
0x53: {  	_ =	shalt  }
0x54: {  	_ =	shalt  }
0x55: {  	_ =	shalt  }
0x56: {  	_ =	shalt  }
0x57: {  	_ =	shalt  }
0x58: {  	_ =	shalt  }
0x59: {  	_ =	shalt  }
0x5a: {  	_ =	shalt  }
0x5b: {  	_ =	shalt  }
0x5c: {  	_ =	shalt  }
0x5d: {  	_ =	shalt  }
0x5e: {  	_ =	shalt  }
0x5f: {  	_ =	shalt  }
0x60: {  	_ =	shalt  }
0x61: {  	_ =	shalt  }
0x62: {  	_ =	shalt  }
0x63: {  	_ =	shalt  }
0x64: {  	_ =	shalt  }
0x65: {  	_ =	shalt  }
0x66: {  	_ =	shalt  }
0x67: {  	_ =	shalt  }
0x68: {  	_ =	shalt  }
0x69: {  	_ =	shalt  }
0x6a: {  	_ =	shalt  }
0x6b: {  	_ =	shalt  }
0x6c: {  	_ =	shalt  }
0x6d: {  	_ =	shalt  }
0x6e: {  	_ =	shalt  }
0x6f: {  	_ =	shalt  }
0x70: {  	_ =	shalt  }
0x71: {  	_ =	shalt  }
0x72: {  	_ =	shalt  }
0x73: {  	_ =	shalt  }
0x74: {  	_ =	shalt  }
0x75: {  	_ =	shalt  }
0x76: {  	_ =	shalt  }
0x77: {  	_ =	shalt  }
0x78: {  	_ =	shalt  }
0x79: {  	_ =	shalt  }
0x7a: {  	_ =	shalt  }
0x7b: {  	_ =	shalt  }
0x7c: {  	_ =	shalt  }
0x7d: {  	_ =	shalt  }
0x7e: {  	_ =	shalt  }
0x7f: {  	_ =	shalt  }
0x80: {  	_ =	shalt  }
0x81: {  	_ =	shalt  }
0x82: {  	_ =	shalt  }
0x83: {  	_ =	shalt  }
0x84: {  	_ =	shalt  }
0x85: {  	_ =	shalt  }
0x86: {  	_ =	shalt  }
0x87: {  	_ =	shalt  }
.Lfunc_end0:
.L_simem_size_0:
called_computation.1_lowered:
.L_overlay_start_0:
0x88: {  	s2 =	sld [smem:$0x3FD9]  }
0x89: {  	s3 =	sld [smem:$0x3FFE];
	_ =	sdelay $0x1  }
0x8a: {  	s1 =	srdreg.scid  }
0x8b: {  	s0 =	sand.u32 $0x1, s1  }
0x8c: {  	s17 =	sshll.u32 s0, $0xA;
	s2 =	sadd.s32 s3, s2  }
0x8d: {  	s2 =	sadd.s32 s2, s17  }
0x8e: {  	[smem:$0x3FBA] =	sst s2  }
0x8f: {  	_ = 	snop  }
0x90: {  	s2 =	sld [smem:$0x3FC0];
	(tm) =	ssettm $0x1  }
0x91: {  	s18 =	sld [smem:$0x3FFB];
	_ =	sdelay $0x3  }
0x92: {  	_ =	strace s18  }
0x93: {  	s3 =	sld [smem:$0x3FFC];
	_ =	sdelay $0x3  }
0x94: {  	_ =	strace s3  }
0x95: {  	s3 =	sld [smem:$0x3FFD];
	_ =	sdelay $0x3  }
0x96: {  	_ =	strace s3  }
0x97: {  	_ =	strace $0x8FFFFFFF  }
0x98: {  	s19 =	sld [smem:$0x3FDB];
	_ =	sdelay $0x1  }
0x99: {  	s4 =	simm.s32 $_scs_section_size  }
0x9a: {  	s5 =	simm.s32 $_size__tile_overlayer_lowered;
	s6 =	simm.s32 $_tile_overlayer_lowered  }
0x9b: {  	s22 =	simm.s32 $0x1BFF;
	s21 =	sshll.u32 s6, $0x1;
	s3 =	sadd.s32 s4, s19  }
0x9c: {  	s7 =	simm.s32 $0x0;
	s20 =	sshll.u32 s5, $0x1;
	s5 =	sadd.s32 s21, s3  }
0x9d: {  	[timem:s7], [sflag:s22] =	dma.local [hbm:s5], s20  }
0x9e: {  	_ =	swait.ge [sflag:s22], s20  }
0x9f: {  	s4 =	ssub.s32 $0x0, s20;
	[sflag:s22] =	ssyncset.done $0x0  }
0xa0: {  	[sflag:s22] =	ssyncadd.s32 s4;
	_ =	sdelay $0x1  }
0xa1: {  	s23 =	simm.s32 $0x1B8B  }
0xa2: {  	_ =	swait.ge [sflag:s23], $0x1  }
0xa3: {  	[sflag:s23] =	ssyncset.done $0x0  }
0xa4: {  	s25 =	simm.s32 $0x1B8E;
	s24 =	sld [smem:$0x3FFE];
	[sflag:s23] =	ssyncadd.s32 $0xFFFFFFFF  }
0xa5: {  	s26 =	simm.s32 $execute0_lowered;
	[smem:$0x3FD2] =	sst s25  }
0xa6: {  	s5 =	sshll.u32 s26, $0x1;
	_ =	strace $0x80000046;
	[dreg:$0x1] =	wrdreg $0xFFFFFFFF  }
0xa7: {  	s28 =	simm.s32 $_size_execute0_lowered;
	s3 =	sadd.s32 s3, s5;
	[dreg:$0x0] =	wrdreg $0x0  }
0xa8: {  	s5 =	sshll.u32 s28, $0x1;
	[dreg:$0x2] =	wrdreg s3  }
0xa9: {  	[dreg:$0x3] =	wrdreg s5  }
0xaa: {  	[dreg:$0x4] =	wrdreg $0xC0  }
0xab: {  	_ =	task [dreg:s7], $0x5FFFF  }
0xac: {  	[dreg:$0x1] =	wrdreg $0xFFFFFFFF  }
0xad: {  	[dreg:$0x0] =	wrdreg $0x60  }
0xae: {  	[dreg:$0x2] =	wrdreg s2  }
0xaf: {  	[dreg:$0x3] =	wrdreg s24  }
0xb0: {  	[dreg:$0x4] =	wrdreg $0x9  }
0xb1: {  	_ =	task.clear_ibuf [dreg:s7], $0x5FFFF;
	_ =	strace $0x90000046  }
0xb2: {  	s29 =	simm.s32 $0x9;
	_ =	strace $0x80000048  }
0xb3: {  	_ =	swait.ge [sflag:s29], $0x1  }
0xb4: {  	[sflag:s29] =	ssyncadd.s32 $0xFFFFFFFF  }
0xb5: {  	_ =	strace $0x90000048  }
0xb6: {  	_ =	sfence  }
0xb7: {  	s30 =	sld [smem:$0x0];
	_ =	sdelay $0x2  }
0xb8: {  	s31 =	sshll.u32 s1, $0xD;
	s1 =	sshrl.u32 s1, $0x2  }
0xb9: {  	s3 =	sand.u32 $0x4000, s31;
	s1 =	sadd.s32 s1, s30  }
0xba: {  	s0 =	sor.u32 s3, s0;
	s1 =	sshll.u32 s1, $0x11  }
0xbb: {  	s0 =	sor.u32 s1, s0  }
0xbc: {  	s0 =	sadd.s32 $0x8F2B, s0  }
0xbd: {  	[sflag:s0] =	ssyncadd.remote.s32 $0x1  }
0xbe: {  	_ =	sfence.sel $0xFFFF  }
0xbf: {  	[dreg:$0x0] =	wrdreg $0xFFFFFFFF;
	(pc) =	sbr.abs _section_cstart, $3  }
0xc0: {  	[dreg:$0x1] =	wrdreg $0xFFFFFFFF  }
0xc1: {  	_ =	task.clear_ibuf [dreg:s7], $0x2FFFF;
	_ =	strace $0x9FFFFFFF  }
0xc2: {  	(tm) =	ssettm $0x7FFFFFFF  }
0xc3: {  	_ =	shalt  }
tec
execute0_lowered:
.L_overlay_start_1:
0x0: {  	(tag) =	ssettag $0x1  }
0x1: {  	s2 =	rddreg [dreg:$0x0]  }
0x2: {  	s0 =	stileid.u32;
	s1 =	srdreg.scid  }
0x3: {  	s3 =	rddreg [dreg:$0x1];
	s8 =	simm.s32 $0x1;
	s9 =	simm.s32 $0x3  }
0x4: {  	s10 =	simm.s32 $0x0;
	s4 =	sand.u32 $0x1, s1;
	s5 =	sshll.u32 s0, $0x1  }
0x5: {  	s13 =	simm.s32 $0x0;
	s12 =	simm.s32 $0x0;
	s6 =	sor.u32 s5, s4  }
0x6: {  	s1 =	rddreg [dreg:$0x2];
	_ =	strace $0x80000047;
	s4 =	smul.u32 $0x190, s6  }
0x7: {  	s5 =	simm.s32 $0x1;
	p0 =	slt.u32 s6, $0x9;
	s6 =	simm.s32 $0x3200  }
.Ltmp0:
0x8: {  	s6 =	simm.s32 @!p0 $0x0;
	s7 =	ssub.s32 $0x3E80, s4;
	(pc) =	sbr.rel .LBB2_1-.Ltmp0, $4  }
0x9: {  	s8 =	simm.s32 @!p0 $0x0;
	p0 =	sne.s32 s7, s6;
	s7 =	simm.s32 $0x1  }
0xa: {  	[sflag:s5] =	ssyncpa.u1 $0x0;
	s6 =	simm.s32 $0x2;
	s7 =	simm.s32 @!p0 $0x0  }
0xb: {  	s11 =	smov.u32 s4;
	[sflag:s6] =	ssyncpa.u1 $0x0;
	s7 =	sadd.s32 s8, s7  }
0xc: {  	vm0 =	vmmov $0xffff;
	s8 =	sadd.s32 $0x130E00, s3;
	[sflag:s9] =	ssyncpa.u1 $0x0;
	s9 =	sadd.s32 $0x1, s7  }
.LBB2_4:
0xd: {  	v2 =	vnsel vm1, $0x0, v2  }
0xe: {  	vm1 =	vgt.s32 v0, $0x0;
	v2 =	vmin.u32 v2, $0x3E7F  }
0xf: {  	v0 =	vnsel vm1, $0x0, v0  }
0x10: {  	v0 =	vmin.u32 v0, $0x3E7F  }
0x11: {  	[tilespmem:s18], [sflag:$0x1] =	stream.indirect_vreg.gather [hbm4b:s2+s10], $0x1, v1, vm0, $0x4038;
	[tilespmem:$0x640] =	vst v63  }
0x12: {  	(ifvalue) =	ssetifvalue $0x7FFFFFFF  }
0x13: {  	[tilespmem:s15], [sflag:$0x1] =	stream.indirect_vreg.gather [hbm4b:s2+s10], $0x1, v2, vm0, $0x4038;
	[tilespmem:$0x640] =	vst v63  }
0x14: {  	s29 =	sadd.s32 $0x10, s15;
	(ifvalue) =	ssetifvalue $0x7FFFFFFF  }
0x15: {  	[tilespmem:s29], [sflag:$0x1] =	stream.indirect_vreg.gather [hbm4b:s2+s10], $0x1, v0, vm0, $0x4038;
	[tilespmem:$0x640] =	vst v63  }
0x16: {  	_ =	swait.ge [sflag:s5], $0x190  }
0x17: {  	s30 =	sshrl.u32 s13, $0x3;
	[sflag:s5] =	ssyncset.done $0x0  }
0x18: {  	s31 =	sand.u32 $0x7, s13;
	s15 =	sadd.s32 s8, s30;
	[sflag:s5] =	ssyncadd.s32 $0xFFFFFE70  }
0x19: {  	[hbm4b:s15+s31] =	stream.linear.scatter [tilespmem:s14], [sflag:$0x3], $0x190, $0x38;
	[tilespmem:$0x640] =	vst v63  }
.LBB2_5:
0x1a: {  	s15 =	sadd.s32 $0x3200, s11  }
0x1b: {  	p1 =	sgt.s32 s15, $0x3E7F  }
0x1c: {  	s15 =	smov.u32 @p1 s4;
	p1 =	sne.s32 s12, s9  }
.Ltmp1:
0x1d: {  	p0 =	slt.u32 s12, $0x2;
	(pc) =	sbr.rel @!p1 .LBB2_6-.Ltmp1, $4  }
0x1e: {  	s14 =	simm.s32 @!p0 $0x3  }
0x1f: {  	_ =	swait.ge @!p0 [sflag:s14], $0x190  }
0x20: {  	s16 =	sadd.s32 $0x1, s12;
	s13 =	smov.u32 s11;
	[sflag:s14] =	ssyncset.done @!p0 $0x0  }
0x21: {  	s12 =	smov.u32 s16;
	s11 =	smov.u32 s15;
	[sflag:s14] =	ssyncadd.s32 @!p0 $0xFFFFFE70  }
.LBB2_1:
0x22: {  	p0 =	sge.u32 s12, s7  }
0x23: {  	s14 =	sxor.u32 @!p0 $0x1, s12  }
0x24: {  	s14 =	smul.u32 @!p0 $0x640, s14  }
0x25: {  	s31 =	sadd.s32 $0xFFFFFFFF, s12;
	s15 =	sshrl.u32 @!p0 s11, $0x3  }
0x26: {  	s16 =	sand.u32 @!p0 $0x7, s11;
	s15 =	sadd.s32 @!p0 s3, s15;
	s14 =	sshra.s32 @!p0 s14, $0x2  }
0x27: {  	[tilespmem:s14], [sflag:$0x2] =	stream.linear.gather @!p0 [hbm4b:s15+s16], $0x190, $0x38;
	[tilespmem:$0x640] =	vst v63  }
0x28: {  	p0 =	sge.u32 s31, s7  }
.Ltmp2:
0x29: {  	_ = 	snop;
	(pc) =	sbr.rel @p0 .LBB2_5-.Ltmp2, $1  }
0x2a: {  	_ =	sdelay $0x3  }
0x2b: {  	s14 =	sand.u32 $0x1, s12  }
0x2c: {  	_ =	swait.ge [sflag:s6], $0x190;
	p0 =	seq.s32 s14, $0x1;
	s14 =	simm.s32 $0x190  }
0x2d: {  	[sflag:s6] =	ssyncset.done $0x0;
	s14 =	simm.s32 @!p0 $0x0  }
0x2e: {  	[sflag:s6] =	ssyncadd.s32 $0xFFFFFE70;
	(ifvalue) =	ssetifvalue $0x7FFFFFFF;
	v0 =	vld.msk [tilespmem:s14+$0x0 ss:$0x1], $0xffff;
	_ =	sdelay $0x4  }
0x2f: {  	s15 =	sadd.s32 $0x10, s14;
	vm1 =	vgt.s32 v0, $0x0  }
0x30: {  	v2 =	vld.msk [tilespmem:s15+$0x0 ss:$0x1], $0xffff;
	v1 =	vnsel vm1, $0x0, v0  }
0x31: {  	v1 =	vmin.u32 v1, $0x3E7F;
	_ =	sdelay $0x2  }
0x32: {  	s17 =	simm.s32 $0x20;
	s14 =	sadd.s32 $0x320, s14;
	s16 =	sadd.s32 $0x10, s15  }
0x33: {  	s15 =	sadd.s32 $0x10, s14;
	s18 =	smov.u32 s14;
	v0 =	vld.msk [tilespmem:s16+$0x0 ss:$0x1], $0xffff;
	vm1 =	vgt.s32 v2, $0x0;
	(ifvalue) =	ssetifvalue $0x7FFFFFFF  }
.LBB2_3:
0x34: {  	[tilespmem:s18], [sflag:$0x1] =	stream.indirect_vreg.gather [hbm4b:s2+s10], $0x1, v1, vm0, $0x4038;
	[tilespmem:$0x640] =	vst v63  }
0x35: {  	s17 =	sadd.s32 $0x10, s17  }
0x36: {  	v2 =	vnsel vm1, $0x0, v2;
	p0 =	slt.u32 s17, $0x180  }
.Ltmp3:
0x37: {  	s18 =	smov.u32 s15;
	v1 =	vmin.u32 v2, $0x3E7F;
	(pc) =	sbr.rel @p0 .LBB2_3-.Ltmp3, $3  }
0x38: {  	_ =	sdelay $0x1  }
0x39: {  	s16 =	sadd.s32 $0x10, s16  }
0x3a: {  	vm1 =	vgt.s32 v0, $0x0;
	s15 =	sadd.s32 $0x10, s15;
	v2 =	vmov v0;
	(ifvalue) =	ssetifvalue $0x7FFFFFFF;
	v0 =	vld.msk [tilespmem:s16+$0x0 ss:$0x1], $0xffff  }
.Ltmp4:
0x3b: {  	_ = 	snop;
	(pc) =	sbr.rel .LBB2_4-.Ltmp4, $1  }
0x3c: {  	_ =	sdelay $0x3  }
.LBB2_6:
0x3d: {  	_ =	sfence.sel $0x180000  }
0x3e: {  	s2 =	simm.s32 $0x2;
	[bflag:$0x0] =	sbarrier.arrive $0xFFFF  }
0x3f: {  	s30 =	simm.s32 $0x3;
	[sflag:s2] =	ssyncpa.u1 $0x1  }
0x40: {  	s31 =	simm.s32 $0x1;
	[sflag:s30] =	ssyncpa.u1 $0x1  }
0x41: {  	[sflag:s31] =	ssyncpa.u1 $0x1  }
0x42: {  	p0 =	sne.s32 s0, $0x0;
	_ =	strace $0x90000047  }
0x43: {  	s0 =	sadd.s32 @!p0 $0x100000, s1;
	[bflag:$0x2] =	sbarrier.arrive $0xFFFF  }
0x44: {  	[sflag:s0] =	ssyncadd.tile.s32 @!p0 $0x1;
	_ =	shalt  }
.Lfunc_end2:
_tile_overlayer_lowered:
.L_overlay_start_2:
0x45: {  	(tag) =	ssettag $0x2  }
0x46: {  	s0 =	rddreg [dreg:$0x0];
	s2 =	stileid.u32  }
0x47: {  	s1 =	rddreg [dreg:$0x1];
	p0 =	sne.s32 s2, $0x0  }
0x48: {  	s3 =	rddreg [dreg:$0x2];
	[bflag:$0x3] =	sbarrier.arrive $0xFFFF;
	s2 =	simm.s32 @!p0 $0x1C01  }
0x49: {  	[timem:s3], [sflag:s2] =	dma.local @!p0 [hbm:s0], s1  }
0x4a: {  	s0 =	simm.s32 @!p0 $0x1  }
0x4b: {  	_ =	swait.ge @!p0 [sflag:s0], s1  }
0x4c: {  	s1 =	ssub.s32 @!p0 $0x0, s1;
	[sflag:s0] =	ssyncset.done @!p0 $0x0  }
0x4d: {  	[sflag:s0] =	ssyncadd.s32 @!p0 s1  }
0x4e: {  	[bflag:$0x3] =	sbarrier.arrive $0xFFFF  }
0x4f: {  	_ =	shalt  }

// kernel: gather_offload_async_start.2
scs
__scs_entry_jumppad:
0x0: {  	(pc) =	sbr.rel $0x88, $3  }
0x1: {  	(tag) =	ssettag $0x0;
	lr =	simm.s32 $0x1  }
0x2: {  	[smem:$0x3F93] =	sst lr;
	_ =	strace $0xD0000000  }
0x3: {  	_ = 	snop  }
0x4: {  	_ = 	snop  }
0x5: {  	_ = 	snop  }
0x6: {  	_ = 	snop  }
0x7: {  	_ = 	snop  }
__scs_overlays_trampoline_lowered:
0x8: {  	[smem:$0x3FA2] =	sst s0  }
0x9: {  	[smem:$0x3FA3] =	sst s1  }
0xa: {  	[smem:$0x3FA4] =	sst s2  }
0xb: {  	[smem:$0x3FA5] =	sst s3  }
0xc: {  	[smem:$0x3FA6] =	sst s4  }
0xd: {  	[smem:$0x3FA7] =	sst s5  }
0xe: {  	[smem:$0x3FA8] =	sst s6  }
0xf: {  	[smem:$0x3FA9] =	sst s7  }
0x10: {  	[smem:$0x3FAA] =	sst s8  }
0x11: {  	[smem:$0x3FAB] =	sst s9;
	s0 =	simm.s32 @!p0 $0x0  }
0x12: {  	s1 =	sld [smem:$0x3F91];
	s0 =	simm.s32 @p0 $0x1  }
0x13: {  	[smem:$0x3FAC] =	sst s0;
	s0 =	simm.s32 @!p1 $0x0  }
0x14: {  	s2 =	sld [smem:$0x3F90];
	s0 =	simm.s32 @p1 $0x1  }
0x15: {  	[smem:$0x3FAD] =	sst s0;
	s0 =	simm.s32 @!p2 $0x0  }
0x16: {  	s3 =	sld [smem:$0x3FDB];
	s0 =	simm.s32 @p2 $0x1  }
0x17: {  	s4 =	simm.s32 $0x1BF5;
	[smem:$0x3FAF] =	sst s0  }
0x18: {  	s0 =	sld [smem:$0x3F92];
	_ =	swait.ge [sflag:s4], $0x0  }
0x19: {  	s7 =	sld [smem:$0x3F93]  }
0x1a: {  	s8 =	sadd.s32 $0xFFFFE003, lr  }
0x1b: {  	s9 =	sadd.s32 $0xFFFFFEF7, lr;
	s5 =	simm.s32 $0xFFFFFFFF;
	p2 =	slt.u32 s8, $0xFFFFF086  }
0x1c: {  	p1 =	slt.u32 s9, $0xF7A;
	s5 =	simm.s32 @!p2 $0x0  }
0x1d: {  	s5 =	simm.s32 @p1 $0x1;
	p0 =	seq.s32 s7, s2  }
0x1e: {  	s7 =	smul.u32 @!p0 $0xF7A, s2;
	p2 =	seq.s32 @!p0 s5, $0x0  }
0x1f: {  	s9 =	smul.u32 $0xF7A, s1;
	s8 =	simm.s32 @!p0 $0x1BF5;
	p2 =	por !p2, p0  }
0x20: {  	[sflag:s8] =	ssyncset.s32 @!p0 $0xFFFFF086;
	s6 =	sadd.s32 @!p0 s3, s7;
	s7 =	simm.s32 @!p0 $0x108  }
0x21: {  	s3 =	sadd.s32 s3, s9;
	s6 =	sadd.s32 @!p0 $0x88, s6;
	s7 =	simm.s32 @p2 $0x1082  }
0x22: {  	[simem:s7], [sflag:s8] =	dma.local @!p0 [hbm:s6], $0xF7A  }
0x23: {  	s9 =	sor.u32 $0xD0000000, s2;
	s6 =	simm.s32 $0x108;
	_ =	swait.ge @!p0 [sflag:s8], $0x0  }
0x24: {  	s3 =	sadd.s32 $0x88, s3;
	s6 =	simm.s32 @!p1 $0x1082;
	[sflag:s4] =	ssyncset.s32 $0xFFFFF086  }
0x25: {  	[simem:s6], [sflag:s4] =	dma.local [hbm:s3], $0xF7A  }
0x26: {  	[smem:$0x3F93] =	sst s1;
	(tag) =	ssettag s2;
	_ =	strace s9  }
0x27: {  	s1 =	sld [smem:$0x3FA3]  }
0x28: {  	s2 =	sld [smem:$0x3FA4]  }
0x29: {  	s4 =	sld [smem:$0x3FA6]  }
0x2a: {  	p0 =	seq.s32 s5, $0x0;
	s5 =	sld [smem:$0x3FA7]  }
0x2b: {  	s6 =	sld [smem:$0x3FA8]  }
0x2c: {  	s7 =	sld [smem:$0x3FA9]  }
0x2d: {  	s3 =	simm.s32 $0x108;
	s8 =	sld [smem:$0x3FAA]  }
0x2e: {  	s3 =	simm.s32 @!p0 $0x1082;
	s9 =	sld [smem:$0x3FAB]  }
0x2f: {  	lr =	sadd.s32 s0, s3;
	s0 =	sld [smem:$0x3FA2]  }
0x30: {  	s3 =	sld [smem:$0x3FA5]  }
0x31: {  	[smem:$0x3FAE] =	sst s10  }
0x32: {  	s10 =	sld [smem:$0x3FAC];
	_ =	sdelay $0x3  }
0x33: {  	p0 =	seq.s32 s10, $0x1;
	s10 =	sld [smem:$0x3FAE];
	_ =	sdelay $0x3  }
0x34: {  	[smem:$0x3FAE] =	sst s10  }
0x35: {  	s10 =	sld [smem:$0x3FAD];
	_ =	sdelay $0x3  }
0x36: {  	p1 =	seq.s32 s10, $0x1;
	s10 =	sld [smem:$0x3FAE];
	_ =	sdelay $0x3  }
0x37: {  	[smem:$0x3FAE] =	sst s10  }
0x38: {  	s10 =	sld [smem:$0x3FAF]  }
0x39: {  	_ = 	snop;
	(pc) =	sbr.ind lr, $3  }
0x3a: {  	_ = 	snop  }
0x3b: {  	_ = 	snop  }
0x3c: {  	p2 =	seq.s32 s10, $0x1;
	s10 =	sld [smem:$0x3FAE]  }
0x3d: {  	_ =	shalt  }
0x3e: {  	_ =	shalt  }
0x3f: {  	_ =	shalt  }
0x40: {  	_ =	shalt  }
0x41: {  	_ =	shalt  }
0x42: {  	_ =	shalt  }
0x43: {  	_ =	shalt  }
0x44: {  	_ =	shalt  }
0x45: {  	_ =	shalt  }
0x46: {  	_ =	shalt  }
0x47: {  	_ =	shalt  }
0x48: {  	_ =	shalt  }
0x49: {  	_ =	shalt  }
0x4a: {  	_ =	shalt  }
0x4b: {  	_ =	shalt  }
0x4c: {  	_ =	shalt  }
0x4d: {  	_ =	shalt  }
0x4e: {  	_ =	shalt  }
0x4f: {  	_ =	shalt  }
0x50: {  	_ =	shalt  }
0x51: {  	_ =	shalt  }
0x52: {  	_ =	shalt  }
0x53: {  	_ =	shalt  }
0x54: {  	_ =	shalt  }
0x55: {  	_ =	shalt  }
0x56: {  	_ =	shalt  }
0x57: {  	_ =	shalt  }
0x58: {  	_ =	shalt  }
0x59: {  	_ =	shalt  }
0x5a: {  	_ =	shalt  }
0x5b: {  	_ =	shalt  }
0x5c: {  	_ =	shalt  }
0x5d: {  	_ =	shalt  }
0x5e: {  	_ =	shalt  }
0x5f: {  	_ =	shalt  }
0x60: {  	_ =	shalt  }
0x61: {  	_ =	shalt  }
0x62: {  	_ =	shalt  }
0x63: {  	_ =	shalt  }
0x64: {  	_ =	shalt  }
0x65: {  	_ =	shalt  }
0x66: {  	_ =	shalt  }
0x67: {  	_ =	shalt  }
0x68: {  	_ =	shalt  }
0x69: {  	_ =	shalt  }
0x6a: {  	_ =	shalt  }
0x6b: {  	_ =	shalt  }
0x6c: {  	_ =	shalt  }
0x6d: {  	_ =	shalt  }
0x6e: {  	_ =	shalt  }
0x6f: {  	_ =	shalt  }
0x70: {  	_ =	shalt  }
0x71: {  	_ =	shalt  }
0x72: {  	_ =	shalt  }
0x73: {  	_ =	shalt  }
0x74: {  	_ =	shalt  }
0x75: {  	_ =	shalt  }
0x76: {  	_ =	shalt  }
0x77: {  	_ =	shalt  }
0x78: {  	_ =	shalt  }
0x79: {  	_ =	shalt  }
0x7a: {  	_ =	shalt  }
0x7b: {  	_ =	shalt  }
0x7c: {  	_ =	shalt  }
0x7d: {  	_ =	shalt  }
0x7e: {  	_ =	shalt  }
0x7f: {  	_ =	shalt  }
0x80: {  	_ =	shalt  }
0x81: {  	_ =	shalt  }
0x82: {  	_ =	shalt  }
0x83: {  	_ =	shalt  }
0x84: {  	_ =	shalt  }
0x85: {  	_ =	shalt  }
0x86: {  	_ =	shalt  }
0x87: {  	_ =	shalt  }
.Lfunc_end0:
.L_simem_size_0:
called_computation.2_lowered:
.L_overlay_start_0:
0x88: {  	s2 =	sld [smem:$0x3FD9]  }
0x89: {  	s3 =	sld [smem:$0x3FFE];
	_ =	sdelay $0x1  }
0x8a: {  	s1 =	srdreg.scid  }
0x8b: {  	s0 =	sand.u32 $0x1, s1  }
0x8c: {  	s17 =	sshll.u32 s0, $0xA;
	s2 =	sadd.s32 s3, s2  }
0x8d: {  	s2 =	sadd.s32 s2, s17  }
0x8e: {  	[smem:$0x3FBA] =	sst s2  }
0x8f: {  	_ = 	snop  }
0x90: {  	s2 =	sld [smem:$0x3FBF];
	(tm) =	ssettm $0x1  }
0x91: {  	s18 =	sld [smem:$0x3FFB];
	_ =	sdelay $0x3  }
0x92: {  	_ =	strace s18  }
0x93: {  	s3 =	sld [smem:$0x3FFC];
	_ =	sdelay $0x3  }
0x94: {  	_ =	strace s3  }
0x95: {  	s3 =	sld [smem:$0x3FFD];
	_ =	sdelay $0x3  }
0x96: {  	_ =	strace s3  }
0x97: {  	_ =	strace $0x8FFFFFFF  }
0x98: {  	s19 =	sld [smem:$0x3FDB];
	_ =	sdelay $0x1  }
0x99: {  	s4 =	simm.s32 $_scs_section_size  }
0x9a: {  	s5 =	simm.s32 $_size__tile_overlayer_lowered;
	s6 =	simm.s32 $_tile_overlayer_lowered  }
0x9b: {  	s22 =	simm.s32 $0x1BFF;
	s21 =	sshll.u32 s6, $0x1;
	s3 =	sadd.s32 s4, s19  }
0x9c: {  	s7 =	simm.s32 $0x0;
	s20 =	sshll.u32 s5, $0x1;
	s5 =	sadd.s32 s21, s3  }
0x9d: {  	[timem:s7], [sflag:s22] =	dma.local [hbm:s5], s20  }
0x9e: {  	_ =	swait.ge [sflag:s22], s20  }
0x9f: {  	s4 =	ssub.s32 $0x0, s20;
	[sflag:s22] =	ssyncset.done $0x0  }
0xa0: {  	[sflag:s22] =	ssyncadd.s32 s4;
	_ =	sdelay $0x1  }
0xa1: {  	s23 =	simm.s32 $0x1B8B  }
0xa2: {  	_ =	swait.ge [sflag:s23], $0x1  }
0xa3: {  	[sflag:s23] =	ssyncset.done $0x0  }
0xa4: {  	s25 =	simm.s32 $0x1B8E;
	s24 =	sld [smem:$0x3FFE];
	[sflag:s23] =	ssyncadd.s32 $0xFFFFFFFF  }
0xa5: {  	s26 =	simm.s32 $execute0_lowered;
	[smem:$0x3FD2] =	sst s25  }
0xa6: {  	s5 =	sshll.u32 s26, $0x1;
	_ =	strace $0x80000049;
	[dreg:$0x1] =	wrdreg $0xFFFFFFFF  }
0xa7: {  	s28 =	simm.s32 $_size_execute0_lowered;
	s3 =	sadd.s32 s3, s5;
	[dreg:$0x0] =	wrdreg $0x0  }
0xa8: {  	s5 =	sshll.u32 s28, $0x1;
	[dreg:$0x2] =	wrdreg s3  }
0xa9: {  	[dreg:$0x3] =	wrdreg s5  }
0xaa: {  	[dreg:$0x4] =	wrdreg $0xC0  }
0xab: {  	_ =	task [dreg:s7], $0x5FFFF  }
0xac: {  	[dreg:$0x1] =	wrdreg $0xFFFFFFFF  }
0xad: {  	[dreg:$0x0] =	wrdreg $0x60  }
0xae: {  	[dreg:$0x2] =	wrdreg s2  }
0xaf: {  	[dreg:$0x3] =	wrdreg s24  }
0xb0: {  	[dreg:$0x4] =	wrdreg $0x9  }
0xb1: {  	_ =	task.clear_ibuf [dreg:s7], $0x5FFFF;
	_ =	strace $0x90000049  }
0xb2: {  	s29 =	simm.s32 $0x9;
	_ =	strace $0x8000004B  }
0xb3: {  	_ =	swait.ge [sflag:s29], $0x1  }
0xb4: {  	[sflag:s29] =	ssyncadd.s32 $0xFFFFFFFF  }
0xb5: {  	_ =	strace $0x9000004B  }
0xb6: {  	_ =	sfence  }
0xb7: {  	s30 =	sld [smem:$0x0];
	_ =	sdelay $0x2  }
0xb8: {  	s31 =	sshll.u32 s1, $0xD;
	s1 =	sshrl.u32 s1, $0x2  }
0xb9: {  	s3 =	sand.u32 $0x4000, s31;
	s1 =	sadd.s32 s1, s30  }
0xba: {  	s0 =	sor.u32 s3, s0;
	s1 =	sshll.u32 s1, $0x11  }
0xbb: {  	s0 =	sor.u32 s1, s0  }
0xbc: {  	s0 =	sadd.s32 $0x8F2B, s0  }
0xbd: {  	[sflag:s0] =	ssyncadd.remote.s32 $0x1  }
0xbe: {  	_ =	sfence.sel $0xFFFF  }
0xbf: {  	[dreg:$0x0] =	wrdreg $0xFFFFFFFF;
	(pc) =	sbr.abs _section_cstart, $3  }
0xc0: {  	[dreg:$0x1] =	wrdreg $0xFFFFFFFF  }
0xc1: {  	_ =	task.clear_ibuf [dreg:s7], $0x2FFFF;
	_ =	strace $0x9FFFFFFF  }
0xc2: {  	(tm) =	ssettm $0x7FFFFFFF  }
0xc3: {  	_ =	shalt  }
tec
execute0_lowered:
.L_overlay_start_1:
0x0: {  	(tag) =	ssettag $0x1  }
0x1: {  	s2 =	rddreg [dreg:$0x0]  }
0x2: {  	s0 =	stileid.u32;
	s1 =	srdreg.scid  }
0x3: {  	s3 =	rddreg [dreg:$0x1];
	s8 =	simm.s32 $0x1;
	s9 =	simm.s32 $0x3  }
0x4: {  	s10 =	simm.s32 $0x0;
	s4 =	sand.u32 $0x1, s1;
	s5 =	sshll.u32 s0, $0x1  }
0x5: {  	s13 =	simm.s32 $0x0;
	s12 =	simm.s32 $0x0;
	s6 =	sor.u32 s5, s4  }
0x6: {  	s1 =	rddreg [dreg:$0x2];
	_ =	strace $0x8000004A;
	s4 =	smul.u32 $0x190, s6  }
0x7: {  	s5 =	simm.s32 $0x1;
	p0 =	slt.u32 s6, $0x9;
	s6 =	simm.s32 $0x3200  }
.Ltmp0:
0x8: {  	s6 =	simm.s32 @!p0 $0x0;
	s7 =	ssub.s32 $0x3E80, s4;
	(pc) =	sbr.rel .LBB2_1-.Ltmp0, $4  }
0x9: {  	s8 =	simm.s32 @!p0 $0x0;
	p0 =	sne.s32 s7, s6;
	s7 =	simm.s32 $0x1  }
0xa: {  	[sflag:s5] =	ssyncpa.u1 $0x0;
	s6 =	simm.s32 $0x2;
	s7 =	simm.s32 @!p0 $0x0  }
0xb: {  	s11 =	smov.u32 s4;
	[sflag:s6] =	ssyncpa.u1 $0x0;
	s7 =	sadd.s32 s8, s7  }
0xc: {  	vm0 =	vmmov $0xffff;
	s8 =	sadd.s32 $0x131800, s3;
	[sflag:s9] =	ssyncpa.u1 $0x0;
	s9 =	sadd.s32 $0x1, s7  }
.LBB2_4:
0xd: {  	v2 =	vnsel vm1, $0x0, v2  }
0xe: {  	vm1 =	vgt.s32 v0, $0x0;
	v2 =	vmin.u32 v2, $0x3E7F  }
0xf: {  	v0 =	vnsel vm1, $0x0, v0  }
0x10: {  	v0 =	vmin.u32 v0, $0x3E7F  }
0x11: {  	[tilespmem:s18], [sflag:$0x1] =	stream.indirect_vreg.gather [hbm4b:s2+s10], $0x1, v1, vm0, $0x4038;
	[tilespmem:$0x640] =	vst v63  }
0x12: {  	(ifvalue) =	ssetifvalue $0x7FFFFFFF  }
0x13: {  	[tilespmem:s15], [sflag:$0x1] =	stream.indirect_vreg.gather [hbm4b:s2+s10], $0x1, v2, vm0, $0x4038;
	[tilespmem:$0x640] =	vst v63  }
0x14: {  	s29 =	sadd.s32 $0x10, s15;
	(ifvalue) =	ssetifvalue $0x7FFFFFFF  }
0x15: {  	[tilespmem:s29], [sflag:$0x1] =	stream.indirect_vreg.gather [hbm4b:s2+s10], $0x1, v0, vm0, $0x4038;
	[tilespmem:$0x640] =	vst v63  }
0x16: {  	_ =	swait.ge [sflag:s5], $0x190  }
0x17: {  	s30 =	sshrl.u32 s13, $0x3;
	[sflag:s5] =	ssyncset.done $0x0  }
0x18: {  	s31 =	sand.u32 $0x7, s13;
	s15 =	sadd.s32 s8, s30;
	[sflag:s5] =	ssyncadd.s32 $0xFFFFFE70  }
0x19: {  	[hbm4b:s15+s31] =	stream.linear.scatter [tilespmem:s14], [sflag:$0x3], $0x190, $0x38;
	[tilespmem:$0x640] =	vst v63  }
.LBB2_5:
0x1a: {  	s15 =	sadd.s32 $0x3200, s11  }
0x1b: {  	p1 =	sgt.s32 s15, $0x3E7F  }
0x1c: {  	s15 =	smov.u32 @p1 s4;
	p1 =	sne.s32 s12, s9  }
.Ltmp1:
0x1d: {  	p0 =	slt.u32 s12, $0x2;
	(pc) =	sbr.rel @!p1 .LBB2_6-.Ltmp1, $4  }
0x1e: {  	s14 =	simm.s32 @!p0 $0x3  }
0x1f: {  	_ =	swait.ge @!p0 [sflag:s14], $0x190  }
0x20: {  	s16 =	sadd.s32 $0x1, s12;
	s13 =	smov.u32 s11;
	[sflag:s14] =	ssyncset.done @!p0 $0x0  }
0x21: {  	s12 =	smov.u32 s16;
	s11 =	smov.u32 s15;
	[sflag:s14] =	ssyncadd.s32 @!p0 $0xFFFFFE70  }
.LBB2_1:
0x22: {  	p0 =	sge.u32 s12, s7  }
0x23: {  	s14 =	sxor.u32 @!p0 $0x1, s12  }
0x24: {  	s14 =	smul.u32 @!p0 $0x640, s14  }
0x25: {  	s31 =	sadd.s32 $0xFFFFFFFF, s12;
	s15 =	sshrl.u32 @!p0 s11, $0x3  }
0x26: {  	s16 =	sand.u32 @!p0 $0x7, s11;
	s15 =	sadd.s32 @!p0 s3, s15;
	s14 =	sshra.s32 @!p0 s14, $0x2  }
0x27: {  	[tilespmem:s14], [sflag:$0x2] =	stream.linear.gather @!p0 [hbm4b:s15+s16], $0x190, $0x38;
	[tilespmem:$0x640] =	vst v63  }
0x28: {  	p0 =	sge.u32 s31, s7  }
.Ltmp2:
0x29: {  	_ = 	snop;
	(pc) =	sbr.rel @p0 .LBB2_5-.Ltmp2, $1  }
0x2a: {  	_ =	sdelay $0x3  }
0x2b: {  	s14 =	sand.u32 $0x1, s12  }
0x2c: {  	_ =	swait.ge [sflag:s6], $0x190;
	p0 =	seq.s32 s14, $0x1;
	s14 =	simm.s32 $0x190  }
0x2d: {  	[sflag:s6] =	ssyncset.done $0x0;
	s14 =	simm.s32 @!p0 $0x0  }
0x2e: {  	[sflag:s6] =	ssyncadd.s32 $0xFFFFFE70;
	(ifvalue) =	ssetifvalue $0x7FFFFFFF;
	v0 =	vld.msk [tilespmem:s14+$0x0 ss:$0x1], $0xffff;
	_ =	sdelay $0x4  }
0x2f: {  	s15 =	sadd.s32 $0x10, s14;
	vm1 =	vgt.s32 v0, $0x0  }
0x30: {  	v2 =	vld.msk [tilespmem:s15+$0x0 ss:$0x1], $0xffff;
	v1 =	vnsel vm1, $0x0, v0  }
0x31: {  	v1 =	vmin.u32 v1, $0x3E7F;
	_ =	sdelay $0x2  }
0x32: {  	s17 =	simm.s32 $0x20;
	s14 =	sadd.s32 $0x320, s14;
	s16 =	sadd.s32 $0x10, s15  }
0x33: {  	s15 =	sadd.s32 $0x10, s14;
	s18 =	smov.u32 s14;
	v0 =	vld.msk [tilespmem:s16+$0x0 ss:$0x1], $0xffff;
	vm1 =	vgt.s32 v2, $0x0;
	(ifvalue) =	ssetifvalue $0x7FFFFFFF  }
.LBB2_3:
0x34: {  	[tilespmem:s18], [sflag:$0x1] =	stream.indirect_vreg.gather [hbm4b:s2+s10], $0x1, v1, vm0, $0x4038;
	[tilespmem:$0x640] =	vst v63  }
0x35: {  	s17 =	sadd.s32 $0x10, s17  }
0x36: {  	v2 =	vnsel vm1, $0x0, v2;
	p0 =	slt.u32 s17, $0x180  }
.Ltmp3:
0x37: {  	s18 =	smov.u32 s15;
	v1 =	vmin.u32 v2, $0x3E7F;
	(pc) =	sbr.rel @p0 .LBB2_3-.Ltmp3, $3  }
0x38: {  	_ =	sdelay $0x1  }
0x39: {  	s16 =	sadd.s32 $0x10, s16  }
0x3a: {  	vm1 =	vgt.s32 v0, $0x0;
	s15 =	sadd.s32 $0x10, s15;
	v2 =	vmov v0;
	(ifvalue) =	ssetifvalue $0x7FFFFFFF;
	v0 =	vld.msk [tilespmem:s16+$0x0 ss:$0x1], $0xffff  }
.Ltmp4:
0x3b: {  	_ = 	snop;
	(pc) =	sbr.rel .LBB2_4-.Ltmp4, $1  }
0x3c: {  	_ =	sdelay $0x3  }
.LBB2_6:
0x3d: {  	_ =	sfence.sel $0x180000  }
0x3e: {  	s2 =	simm.s32 $0x2;
	[bflag:$0x0] =	sbarrier.arrive $0xFFFF  }
0x3f: {  	s30 =	simm.s32 $0x3;
	[sflag:s2] =	ssyncpa.u1 $0x1  }
0x40: {  	s31 =	simm.s32 $0x1;
	[sflag:s30] =	ssyncpa.u1 $0x1  }
0x41: {  	[sflag:s31] =	ssyncpa.u1 $0x1  }
0x42: {  	p0 =	sne.s32 s0, $0x0;
	_ =	strace $0x9000004A  }
0x43: {  	s0 =	sadd.s32 @!p0 $0x100000, s1;
	[bflag:$0x2] =	sbarrier.arrive $0xFFFF  }
0x44: {  	[sflag:s0] =	ssyncadd.tile.s32 @!p0 $0x1;
	_ =	shalt  }
.Lfunc_end2:
_tile_overlayer_lowered:
.L_overlay_start_2:
0x45: {  	(tag) =	ssettag $0x2  }
0x46: {  	s0 =	rddreg [dreg:$0x0];
	s2 =	stileid.u32  }
0x47: {  	s1 =	rddreg [dreg:$0x1];
	p0 =	sne.s32 s2, $0x0  }
0x48: {  	s3 =	rddreg [dreg:$0x2];
	[bflag:$0x3] =	sbarrier.arrive $0xFFFF;
	s2 =	simm.s32 @!p0 $0x1C01  }
0x49: {  	[timem:s3], [sflag:s2] =	dma.local @!p0 [hbm:s0], s1  }
0x4a: {  	s0 =	simm.s32 @!p0 $0x1  }
0x4b: {  	_ =	swait.ge @!p0 [sflag:s0], s1  }
0x4c: {  	s1 =	ssub.s32 @!p0 $0x0, s1;
	[sflag:s0] =	ssyncset.done @!p0 $0x0  }
0x4d: {  	[sflag:s0] =	ssyncadd.s32 @!p0 s1  }
0x4e: {  	[bflag:$0x3] =	sbarrier.arrive $0xFFFF  }
0x4f: {  	_ =	shalt  }

// kernel: gather_offload_async_start.3
scs
__scs_entry_jumppad:
0x0: {  	(pc) =	sbr.rel $0x88, $3  }
0x1: {  	(tag) =	ssettag $0x0;
	lr =	simm.s32 $0x1  }
0x2: {  	[smem:$0x3F93] =	sst lr;
	_ =	strace $0xD0000000  }
0x3: {  	_ = 	snop  }
0x4: {  	_ = 	snop  }
0x5: {  	_ = 	snop  }
0x6: {  	_ = 	snop  }
0x7: {  	_ = 	snop  }
__scs_overlays_trampoline_lowered:
0x8: {  	[smem:$0x3FA2] =	sst s0  }
0x9: {  	[smem:$0x3FA3] =	sst s1  }
0xa: {  	[smem:$0x3FA4] =	sst s2  }
0xb: {  	[smem:$0x3FA5] =	sst s3  }
0xc: {  	[smem:$0x3FA6] =	sst s4  }
0xd: {  	[smem:$0x3FA7] =	sst s5  }
0xe: {  	[smem:$0x3FA8] =	sst s6  }
0xf: {  	[smem:$0x3FA9] =	sst s7  }
0x10: {  	[smem:$0x3FAA] =	sst s8  }
0x11: {  	[smem:$0x3FAB] =	sst s9;
	s0 =	simm.s32 @!p0 $0x0  }
0x12: {  	s1 =	sld [smem:$0x3F91];
	s0 =	simm.s32 @p0 $0x1  }
0x13: {  	[smem:$0x3FAC] =	sst s0;
	s0 =	simm.s32 @!p1 $0x0  }
0x14: {  	s2 =	sld [smem:$0x3F90];
	s0 =	simm.s32 @p1 $0x1  }
0x15: {  	[smem:$0x3FAD] =	sst s0;
	s0 =	simm.s32 @!p2 $0x0  }
0x16: {  	s3 =	sld [smem:$0x3FDB];
	s0 =	simm.s32 @p2 $0x1  }
0x17: {  	s4 =	simm.s32 $0x1BF5;
	[smem:$0x3FAF] =	sst s0  }
0x18: {  	s0 =	sld [smem:$0x3F92];
	_ =	swait.ge [sflag:s4], $0x0  }
0x19: {  	s7 =	sld [smem:$0x3F93]  }
0x1a: {  	s8 =	sadd.s32 $0xFFFFE003, lr  }
0x1b: {  	s9 =	sadd.s32 $0xFFFFFEF7, lr;
	s5 =	simm.s32 $0xFFFFFFFF;
	p2 =	slt.u32 s8, $0xFFFFF086  }
0x1c: {  	p1 =	slt.u32 s9, $0xF7A;
	s5 =	simm.s32 @!p2 $0x0  }
0x1d: {  	s5 =	simm.s32 @p1 $0x1;
	p0 =	seq.s32 s7, s2  }
0x1e: {  	s7 =	smul.u32 @!p0 $0xF7A, s2;
	p2 =	seq.s32 @!p0 s5, $0x0  }
0x1f: {  	s9 =	smul.u32 $0xF7A, s1;
	s8 =	simm.s32 @!p0 $0x1BF5;
	p2 =	por !p2, p0  }
0x20: {  	[sflag:s8] =	ssyncset.s32 @!p0 $0xFFFFF086;
	s6 =	sadd.s32 @!p0 s3, s7;
	s7 =	simm.s32 @!p0 $0x108  }
0x21: {  	s3 =	sadd.s32 s3, s9;
	s6 =	sadd.s32 @!p0 $0x88, s6;
	s7 =	simm.s32 @p2 $0x1082  }
0x22: {  	[simem:s7], [sflag:s8] =	dma.local @!p0 [hbm:s6], $0xF7A  }
0x23: {  	s9 =	sor.u32 $0xD0000000, s2;
	s6 =	simm.s32 $0x108;
	_ =	swait.ge @!p0 [sflag:s8], $0x0  }
0x24: {  	s3 =	sadd.s32 $0x88, s3;
	s6 =	simm.s32 @!p1 $0x1082;
	[sflag:s4] =	ssyncset.s32 $0xFFFFF086  }
0x25: {  	[simem:s6], [sflag:s4] =	dma.local [hbm:s3], $0xF7A  }
0x26: {  	[smem:$0x3F93] =	sst s1;
	(tag) =	ssettag s2;
	_ =	strace s9  }
0x27: {  	s1 =	sld [smem:$0x3FA3]  }
0x28: {  	s2 =	sld [smem:$0x3FA4]  }
0x29: {  	s4 =	sld [smem:$0x3FA6]  }
0x2a: {  	p0 =	seq.s32 s5, $0x0;
	s5 =	sld [smem:$0x3FA7]  }
0x2b: {  	s6 =	sld [smem:$0x3FA8]  }
0x2c: {  	s7 =	sld [smem:$0x3FA9]  }
0x2d: {  	s3 =	simm.s32 $0x108;
	s8 =	sld [smem:$0x3FAA]  }
0x2e: {  	s3 =	simm.s32 @!p0 $0x1082;
	s9 =	sld [smem:$0x3FAB]  }
0x2f: {  	lr =	sadd.s32 s0, s3;
	s0 =	sld [smem:$0x3FA2]  }
0x30: {  	s3 =	sld [smem:$0x3FA5]  }
0x31: {  	[smem:$0x3FAE] =	sst s10  }
0x32: {  	s10 =	sld [smem:$0x3FAC];
	_ =	sdelay $0x3  }
0x33: {  	p0 =	seq.s32 s10, $0x1;
	s10 =	sld [smem:$0x3FAE];
	_ =	sdelay $0x3  }
0x34: {  	[smem:$0x3FAE] =	sst s10  }
0x35: {  	s10 =	sld [smem:$0x3FAD];
	_ =	sdelay $0x3  }
0x36: {  	p1 =	seq.s32 s10, $0x1;
	s10 =	sld [smem:$0x3FAE];
	_ =	sdelay $0x3  }
0x37: {  	[smem:$0x3FAE] =	sst s10  }
0x38: {  	s10 =	sld [smem:$0x3FAF]  }
0x39: {  	_ = 	snop;
	(pc) =	sbr.ind lr, $3  }
0x3a: {  	_ = 	snop  }
0x3b: {  	_ = 	snop  }
0x3c: {  	p2 =	seq.s32 s10, $0x1;
	s10 =	sld [smem:$0x3FAE]  }
0x3d: {  	_ =	shalt  }
0x3e: {  	_ =	shalt  }
0x3f: {  	_ =	shalt  }
0x40: {  	_ =	shalt  }
0x41: {  	_ =	shalt  }
0x42: {  	_ =	shalt  }
0x43: {  	_ =	shalt  }
0x44: {  	_ =	shalt  }
0x45: {  	_ =	shalt  }
0x46: {  	_ =	shalt  }
0x47: {  	_ =	shalt  }
0x48: {  	_ =	shalt  }
0x49: {  	_ =	shalt  }
0x4a: {  	_ =	shalt  }
0x4b: {  	_ =	shalt  }
0x4c: {  	_ =	shalt  }
0x4d: {  	_ =	shalt  }
0x4e: {  	_ =	shalt  }
0x4f: {  	_ =	shalt  }
0x50: {  	_ =	shalt  }
0x51: {  	_ =	shalt  }
0x52: {  	_ =	shalt  }
0x53: {  	_ =	shalt  }
0x54: {  	_ =	shalt  }
0x55: {  	_ =	shalt  }
0x56: {  	_ =	shalt  }
0x57: {  	_ =	shalt  }
0x58: {  	_ =	shalt  }
0x59: {  	_ =	shalt  }
0x5a: {  	_ =	shalt  }
0x5b: {  	_ =	shalt  }
0x5c: {  	_ =	shalt  }
0x5d: {  	_ =	shalt  }
0x5e: {  	_ =	shalt  }
0x5f: {  	_ =	shalt  }
0x60: {  	_ =	shalt  }
0x61: {  	_ =	shalt  }
0x62: {  	_ =	shalt  }
0x63: {  	_ =	shalt  }
0x64: {  	_ =	shalt  }
0x65: {  	_ =	shalt  }
0x66: {  	_ =	shalt  }
0x67: {  	_ =	shalt  }
0x68: {  	_ =	shalt  }
0x69: {  	_ =	shalt  }
0x6a: {  	_ =	shalt  }
0x6b: {  	_ =	shalt  }
0x6c: {  	_ =	shalt  }
0x6d: {  	_ =	shalt  }
0x6e: {  	_ =	shalt  }
0x6f: {  	_ =	shalt  }
0x70: {  	_ =	shalt  }
0x71: {  	_ =	shalt  }
0x72: {  	_ =	shalt  }
0x73: {  	_ =	shalt  }
0x74: {  	_ =	shalt  }
0x75: {  	_ =	shalt  }
0x76: {  	_ =	shalt  }
0x77: {  	_ =	shalt  }
0x78: {  	_ =	shalt  }
0x79: {  	_ =	shalt  }
0x7a: {  	_ =	shalt  }
0x7b: {  	_ =	shalt  }
0x7c: {  	_ =	shalt  }
0x7d: {  	_ =	shalt  }
0x7e: {  	_ =	shalt  }
0x7f: {  	_ =	shalt  }
0x80: {  	_ =	shalt  }
0x81: {  	_ =	shalt  }
0x82: {  	_ =	shalt  }
0x83: {  	_ =	shalt  }
0x84: {  	_ =	shalt  }
0x85: {  	_ =	shalt  }
0x86: {  	_ =	shalt  }
0x87: {  	_ =	shalt  }
.Lfunc_end0:
.L_simem_size_0:
called_computation.3_lowered:
.L_overlay_start_0:
0x88: {  	s2 =	sld [smem:$0x3FD9]  }
0x89: {  	s3 =	sld [smem:$0x3FFE];
	_ =	sdelay $0x1  }
0x8a: {  	s1 =	srdreg.scid  }
0x8b: {  	s0 =	sand.u32 $0x1, s1  }
0x8c: {  	s17 =	sshll.u32 s0, $0xA;
	s2 =	sadd.s32 s3, s2  }
0x8d: {  	s2 =	sadd.s32 s2, s17  }
0x8e: {  	[smem:$0x3FBA] =	sst s2  }
0x8f: {  	_ = 	snop  }
0x90: {  	s2 =	sld [smem:$0x3FBE];
	(tm) =	ssettm $0x1  }
0x91: {  	s18 =	sld [smem:$0x3FFB];
	_ =	sdelay $0x3  }
0x92: {  	_ =	strace s18  }
0x93: {  	s3 =	sld [smem:$0x3FFC];
	_ =	sdelay $0x3  }
0x94: {  	_ =	strace s3  }
0x95: {  	s3 =	sld [smem:$0x3FFD];
	_ =	sdelay $0x3  }
0x96: {  	_ =	strace s3  }
0x97: {  	_ =	strace $0x8FFFFFFF  }
0x98: {  	s19 =	sld [smem:$0x3FDB];
	_ =	sdelay $0x1  }
0x99: {  	s4 =	simm.s32 $_scs_section_size  }
0x9a: {  	s5 =	simm.s32 $_size__tile_overlayer_lowered;
	s6 =	simm.s32 $_tile_overlayer_lowered  }
0x9b: {  	s22 =	simm.s32 $0x1BFF;
	s21 =	sshll.u32 s6, $0x1;
	s3 =	sadd.s32 s4, s19  }
0x9c: {  	s7 =	simm.s32 $0x0;
	s20 =	sshll.u32 s5, $0x1;
	s5 =	sadd.s32 s21, s3  }
0x9d: {  	[timem:s7], [sflag:s22] =	dma.local [hbm:s5], s20  }
0x9e: {  	_ =	swait.ge [sflag:s22], s20  }
0x9f: {  	s4 =	ssub.s32 $0x0, s20;
	[sflag:s22] =	ssyncset.done $0x0  }
0xa0: {  	[sflag:s22] =	ssyncadd.s32 s4;
	_ =	sdelay $0x1  }
0xa1: {  	s23 =	simm.s32 $0x1B8B  }
0xa2: {  	_ =	swait.ge [sflag:s23], $0x1  }
0xa3: {  	[sflag:s23] =	ssyncset.done $0x0  }
0xa4: {  	s25 =	simm.s32 $0x1B8E;
	s24 =	sld [smem:$0x3FFE];
	[sflag:s23] =	ssyncadd.s32 $0xFFFFFFFF  }
0xa5: {  	s26 =	simm.s32 $execute0_lowered;
	[smem:$0x3FD2] =	sst s25  }
0xa6: {  	s5 =	sshll.u32 s26, $0x1;
	_ =	strace $0x8000004F;
	[dreg:$0x1] =	wrdreg $0xFFFFFFFF  }
0xa7: {  	s28 =	simm.s32 $_size_execute0_lowered;
	s3 =	sadd.s32 s3, s5;
	[dreg:$0x0] =	wrdreg $0x0  }
0xa8: {  	s5 =	sshll.u32 s28, $0x1;
	[dreg:$0x2] =	wrdreg s3  }
0xa9: {  	[dreg:$0x3] =	wrdreg s5  }
0xaa: {  	[dreg:$0x4] =	wrdreg $0xC0  }
0xab: {  	_ =	task [dreg:s7], $0x5FFFF  }
0xac: {  	[dreg:$0x1] =	wrdreg $0xFFFFFFFF  }
0xad: {  	[dreg:$0x0] =	wrdreg $0x60  }
0xae: {  	[dreg:$0x2] =	wrdreg s2  }
0xaf: {  	[dreg:$0x3] =	wrdreg s24  }
0xb0: {  	[dreg:$0x4] =	wrdreg $0x9  }
0xb1: {  	_ =	task.clear_ibuf [dreg:s7], $0x5FFFF;
	_ =	strace $0x9000004F  }
0xb2: {  	s29 =	simm.s32 $0x9;
	_ =	strace $0x80000051  }
0xb3: {  	_ =	swait.ge [sflag:s29], $0x1  }
0xb4: {  	[sflag:s29] =	ssyncadd.s32 $0xFFFFFFFF  }
0xb5: {  	_ =	strace $0x90000051  }
0xb6: {  	_ =	sfence  }
0xb7: {  	s30 =	sld [smem:$0x0];
	_ =	sdelay $0x2  }
0xb8: {  	s31 =	sshll.u32 s1, $0xD;
	s1 =	sshrl.u32 s1, $0x2  }
0xb9: {  	s3 =	sand.u32 $0x4000, s31;
	s1 =	sadd.s32 s1, s30  }
0xba: {  	s0 =	sor.u32 s3, s0;
	s1 =	sshll.u32 s1, $0x11  }
0xbb: {  	s0 =	sor.u32 s1, s0  }
0xbc: {  	s0 =	sadd.s32 $0x8F2B, s0  }
0xbd: {  	[sflag:s0] =	ssyncadd.remote.s32 $0x1  }
0xbe: {  	_ =	sfence.sel $0xFFFF  }
0xbf: {  	[dreg:$0x0] =	wrdreg $0xFFFFFFFF;
	(pc) =	sbr.abs _section_cstart, $3  }
0xc0: {  	[dreg:$0x1] =	wrdreg $0xFFFFFFFF  }
0xc1: {  	_ =	task.clear_ibuf [dreg:s7], $0x2FFFF;
	_ =	strace $0x9FFFFFFF  }
0xc2: {  	(tm) =	ssettm $0x7FFFFFFF  }
0xc3: {  	_ =	shalt  }
tec
execute0_lowered:
.L_overlay_start_1:
0x0: {  	(tag) =	ssettag $0x1  }
0x1: {  	s2 =	rddreg [dreg:$0x0]  }
0x2: {  	s0 =	stileid.u32;
	s1 =	srdreg.scid  }
0x3: {  	s3 =	rddreg [dreg:$0x1];
	s8 =	simm.s32 $0x1;
	s9 =	simm.s32 $0x3  }
0x4: {  	s10 =	simm.s32 $0x0;
	s4 =	sand.u32 $0x1, s1;
	s5 =	sshll.u32 s0, $0x1  }
0x5: {  	s13 =	simm.s32 $0x0;
	s12 =	simm.s32 $0x0;
	s6 =	sor.u32 s5, s4  }
0x6: {  	s1 =	rddreg [dreg:$0x2];
	_ =	strace $0x80000050;
	s4 =	smul.u32 $0x190, s6  }
0x7: {  	s5 =	simm.s32 $0x1;
	p0 =	slt.u32 s6, $0x9;
	s6 =	simm.s32 $0x3200  }
.Ltmp0:
0x8: {  	s6 =	simm.s32 @!p0 $0x0;
	s7 =	ssub.s32 $0x3E80, s4;
	(pc) =	sbr.rel .LBB2_1-.Ltmp0, $4  }
0x9: {  	s8 =	simm.s32 @!p0 $0x0;
	p0 =	sne.s32 s7, s6;
	s7 =	simm.s32 $0x1  }
0xa: {  	[sflag:s5] =	ssyncpa.u1 $0x0;
	s6 =	simm.s32 $0x2;
	s7 =	simm.s32 @!p0 $0x0  }
0xb: {  	s11 =	smov.u32 s4;
	[sflag:s6] =	ssyncpa.u1 $0x0;
	s7 =	sadd.s32 s8, s7  }
0xc: {  	vm0 =	vmmov $0xffff;
	s8 =	sadd.s32 $0x132400, s3;
	[sflag:s9] =	ssyncpa.u1 $0x0;
	s9 =	sadd.s32 $0x1, s7  }
.LBB2_4:
0xd: {  	v2 =	vnsel vm1, $0x0, v2  }
0xe: {  	vm1 =	vgt.s32 v0, $0x0;
	v2 =	vmin.u32 v2, $0x3E7F  }
0xf: {  	v0 =	vnsel vm1, $0x0, v0  }
0x10: {  	v0 =	vmin.u32 v0, $0x3E7F  }
0x11: {  	[tilespmem:s18], [sflag:$0x1] =	stream.indirect_vreg.gather [hbm4b:s2+s10], $0x1, v1, vm0, $0x4038;
	[tilespmem:$0x640] =	vst v63  }
0x12: {  	(ifvalue) =	ssetifvalue $0x7FFFFFFF  }
0x13: {  	[tilespmem:s15], [sflag:$0x1] =	stream.indirect_vreg.gather [hbm4b:s2+s10], $0x1, v2, vm0, $0x4038;
	[tilespmem:$0x640] =	vst v63  }
0x14: {  	s29 =	sadd.s32 $0x10, s15;
	(ifvalue) =	ssetifvalue $0x7FFFFFFF  }
0x15: {  	[tilespmem:s29], [sflag:$0x1] =	stream.indirect_vreg.gather [hbm4b:s2+s10], $0x1, v0, vm0, $0x4038;
	[tilespmem:$0x640] =	vst v63  }
0x16: {  	_ =	swait.ge [sflag:s5], $0x190  }
0x17: {  	s30 =	sshrl.u32 s13, $0x3;
	[sflag:s5] =	ssyncset.done $0x0  }
0x18: {  	s31 =	sand.u32 $0x7, s13;
	s15 =	sadd.s32 s8, s30;
	[sflag:s5] =	ssyncadd.s32 $0xFFFFFE70  }
0x19: {  	[hbm4b:s15+s31] =	stream.linear.scatter [tilespmem:s14], [sflag:$0x3], $0x190, $0x38;
	[tilespmem:$0x640] =	vst v63  }
.LBB2_5:
0x1a: {  	s15 =	sadd.s32 $0x3200, s11  }
0x1b: {  	p1 =	sgt.s32 s15, $0x3E7F  }
0x1c: {  	s15 =	smov.u32 @p1 s4;
	p1 =	sne.s32 s12, s9  }
.Ltmp1:
0x1d: {  	p0 =	slt.u32 s12, $0x2;
	(pc) =	sbr.rel @!p1 .LBB2_6-.Ltmp1, $4  }
0x1e: {  	s14 =	simm.s32 @!p0 $0x3  }
0x1f: {  	_ =	swait.ge @!p0 [sflag:s14], $0x190  }
0x20: {  	s16 =	sadd.s32 $0x1, s12;
	s13 =	smov.u32 s11;
	[sflag:s14] =	ssyncset.done @!p0 $0x0  }
0x21: {  	s12 =	smov.u32 s16;
	s11 =	smov.u32 s15;
	[sflag:s14] =	ssyncadd.s32 @!p0 $0xFFFFFE70  }
.LBB2_1:
0x22: {  	p0 =	sge.u32 s12, s7  }
0x23: {  	s14 =	sxor.u32 @!p0 $0x1, s12  }
0x24: {  	s14 =	smul.u32 @!p0 $0x640, s14  }
0x25: {  	s31 =	sadd.s32 $0xFFFFFFFF, s12;
	s15 =	sshrl.u32 @!p0 s11, $0x3  }
0x26: {  	s16 =	sand.u32 @!p0 $0x7, s11;
	s15 =	sadd.s32 @!p0 s3, s15;
	s14 =	sshra.s32 @!p0 s14, $0x2  }
0x27: {  	[tilespmem:s14], [sflag:$0x2] =	stream.linear.gather @!p0 [hbm4b:s15+s16], $0x190, $0x38;
	[tilespmem:$0x640] =	vst v63  }
0x28: {  	p0 =	sge.u32 s31, s7  }
.Ltmp2:
0x29: {  	_ = 	snop;
	(pc) =	sbr.rel @p0 .LBB2_5-.Ltmp2, $1  }
0x2a: {  	_ =	sdelay $0x3  }
0x2b: {  	s14 =	sand.u32 $0x1, s12  }
0x2c: {  	_ =	swait.ge [sflag:s6], $0x190;
	p0 =	seq.s32 s14, $0x1;
	s14 =	simm.s32 $0x190  }
0x2d: {  	[sflag:s6] =	ssyncset.done $0x0;
	s14 =	simm.s32 @!p0 $0x0  }
0x2e: {  	[sflag:s6] =	ssyncadd.s32 $0xFFFFFE70;
	(ifvalue) =	ssetifvalue $0x7FFFFFFF;
	v0 =	vld.msk [tilespmem:s14+$0x0 ss:$0x1], $0xffff;
	_ =	sdelay $0x4  }
0x2f: {  	s15 =	sadd.s32 $0x10, s14;
	vm1 =	vgt.s32 v0, $0x0  }
0x30: {  	v2 =	vld.msk [tilespmem:s15+$0x0 ss:$0x1], $0xffff;
	v1 =	vnsel vm1, $0x0, v0  }
0x31: {  	v1 =	vmin.u32 v1, $0x3E7F;
	_ =	sdelay $0x2  }
0x32: {  	s17 =	simm.s32 $0x20;
	s14 =	sadd.s32 $0x320, s14;
	s16 =	sadd.s32 $0x10, s15  }
0x33: {  	s15 =	sadd.s32 $0x10, s14;
	s18 =	smov.u32 s14;
	v0 =	vld.msk [tilespmem:s16+$0x0 ss:$0x1], $0xffff;
	vm1 =	vgt.s32 v2, $0x0;
	(ifvalue) =	ssetifvalue $0x7FFFFFFF  }
.LBB2_3:
0x34: {  	[tilespmem:s18], [sflag:$0x1] =	stream.indirect_vreg.gather [hbm4b:s2+s10], $0x1, v1, vm0, $0x4038;
	[tilespmem:$0x640] =	vst v63  }
0x35: {  	s17 =	sadd.s32 $0x10, s17  }
0x36: {  	v2 =	vnsel vm1, $0x0, v2;
	p0 =	slt.u32 s17, $0x180  }
.Ltmp3:
0x37: {  	s18 =	smov.u32 s15;
	v1 =	vmin.u32 v2, $0x3E7F;
	(pc) =	sbr.rel @p0 .LBB2_3-.Ltmp3, $3  }
0x38: {  	_ =	sdelay $0x1  }
0x39: {  	s16 =	sadd.s32 $0x10, s16  }
0x3a: {  	vm1 =	vgt.s32 v0, $0x0;
	s15 =	sadd.s32 $0x10, s15;
	v2 =	vmov v0;
	(ifvalue) =	ssetifvalue $0x7FFFFFFF;
	v0 =	vld.msk [tilespmem:s16+$0x0 ss:$0x1], $0xffff  }
.Ltmp4:
0x3b: {  	_ = 	snop;
	(pc) =	sbr.rel .LBB2_4-.Ltmp4, $1  }
0x3c: {  	_ =	sdelay $0x3  }
.LBB2_6:
0x3d: {  	_ =	sfence.sel $0x180000  }
0x3e: {  	s2 =	simm.s32 $0x2;
	[bflag:$0x0] =	sbarrier.arrive $0xFFFF  }
0x3f: {  	s30 =	simm.s32 $0x3;
	[sflag:s2] =	ssyncpa.u1 $0x1  }
0x40: {  	s31 =	simm.s32 $0x1;
	[sflag:s30] =	ssyncpa.u1 $0x1  }
0x41: {  	[sflag:s31] =	ssyncpa.u1 $0x1  }
0x42: {  	p0 =	sne.s32 s0, $0x0;
	_ =	strace $0x90000050  }
0x43: {  	s0 =	sadd.s32 @!p0 $0x100000, s1;
	[bflag:$0x2] =	sbarrier.arrive $0xFFFF  }
0x44: {  	[sflag:s0] =	ssyncadd.tile.s32 @!p0 $0x1;
	_ =	shalt  }
.Lfunc_end2:
_tile_overlayer_lowered:
.L_overlay_start_2:
0x45: {  	(tag) =	ssettag $0x2  }
0x46: {  	s0 =	rddreg [dreg:$0x0];
	s2 =	stileid.u32  }
0x47: {  	s1 =	rddreg [dreg:$0x1];
	p0 =	sne.s32 s2, $0x0  }
0x48: {  	s3 =	rddreg [dreg:$0x2];
	[bflag:$0x3] =	sbarrier.arrive $0xFFFF;
	s2 =	simm.s32 @!p0 $0x1C01  }
0x49: {  	[timem:s3], [sflag:s2] =	dma.local @!p0 [hbm:s0], s1  }
0x4a: {  	s0 =	simm.s32 @!p0 $0x1  }
0x4b: {  	_ =	swait.ge @!p0 [sflag:s0], s1  }
0x4c: {  	s1 =	ssub.s32 @!p0 $0x0, s1;
	[sflag:s0] =	ssyncset.done @!p0 $0x0  }
0x4d: {  	[sflag:s0] =	ssyncadd.s32 @!p0 s1  }
0x4e: {  	[bflag:$0x3] =	sbarrier.arrive $0xFFFF  }
0x4f: {  	_ =	shalt  }

// kernel: gather_offload_async_start
scs
__scs_entry_jumppad:
0x0: {  	(pc) =	sbr.rel $0x88, $3  }
0x1: {  	(tag) =	ssettag $0x0;
	lr =	simm.s32 $0x1  }
0x2: {  	[smem:$0x3F93] =	sst lr;
	_ =	strace $0xD0000000  }
0x3: {  	_ = 	snop  }
0x4: {  	_ = 	snop  }
0x5: {  	_ = 	snop  }
0x6: {  	_ = 	snop  }
0x7: {  	_ = 	snop  }
__scs_overlays_trampoline_lowered:
0x8: {  	[smem:$0x3FA2] =	sst s0  }
0x9: {  	[smem:$0x3FA3] =	sst s1  }
0xa: {  	[smem:$0x3FA4] =	sst s2  }
0xb: {  	[smem:$0x3FA5] =	sst s3  }
0xc: {  	[smem:$0x3FA6] =	sst s4  }
0xd: {  	[smem:$0x3FA7] =	sst s5  }
0xe: {  	[smem:$0x3FA8] =	sst s6  }
0xf: {  	[smem:$0x3FA9] =	sst s7  }
0x10: {  	[smem:$0x3FAA] =	sst s8  }
0x11: {  	[smem:$0x3FAB] =	sst s9;
	s0 =	simm.s32 @!p0 $0x0  }
0x12: {  	s1 =	sld [smem:$0x3F91];
	s0 =	simm.s32 @p0 $0x1  }
0x13: {  	[smem:$0x3FAC] =	sst s0;
	s0 =	simm.s32 @!p1 $0x0  }
0x14: {  	s2 =	sld [smem:$0x3F90];
	s0 =	simm.s32 @p1 $0x1  }
0x15: {  	[smem:$0x3FAD] =	sst s0;
	s0 =	simm.s32 @!p2 $0x0  }
0x16: {  	s3 =	sld [smem:$0x3FDB];
	s0 =	simm.s32 @p2 $0x1  }
0x17: {  	s4 =	simm.s32 $0x1BF5;
	[smem:$0x3FAF] =	sst s0  }
0x18: {  	s0 =	sld [smem:$0x3F92];
	_ =	swait.ge [sflag:s4], $0x0  }
0x19: {  	s7 =	sld [smem:$0x3F93]  }
0x1a: {  	s8 =	sadd.s32 $0xFFFFE003, lr  }
0x1b: {  	s9 =	sadd.s32 $0xFFFFFEF7, lr;
	s5 =	simm.s32 $0xFFFFFFFF;
	p2 =	slt.u32 s8, $0xFFFFF086  }
0x1c: {  	p1 =	slt.u32 s9, $0xF7A;
	s5 =	simm.s32 @!p2 $0x0  }
0x1d: {  	s5 =	simm.s32 @p1 $0x1;
	p0 =	seq.s32 s7, s2  }
0x1e: {  	s7 =	smul.u32 @!p0 $0xF7A, s2;
	p2 =	seq.s32 @!p0 s5, $0x0  }
0x1f: {  	s9 =	smul.u32 $0xF7A, s1;
	s8 =	simm.s32 @!p0 $0x1BF5;
	p2 =	por !p2, p0  }
0x20: {  	[sflag:s8] =	ssyncset.s32 @!p0 $0xFFFFF086;
	s6 =	sadd.s32 @!p0 s3, s7;
	s7 =	simm.s32 @!p0 $0x108  }
0x21: {  	s3 =	sadd.s32 s3, s9;
	s6 =	sadd.s32 @!p0 $0x88, s6;
	s7 =	simm.s32 @p2 $0x1082  }
0x22: {  	[simem:s7], [sflag:s8] =	dma.local @!p0 [hbm:s6], $0xF7A  }
0x23: {  	s9 =	sor.u32 $0xD0000000, s2;
	s6 =	simm.s32 $0x108;
	_ =	swait.ge @!p0 [sflag:s8], $0x0  }
0x24: {  	s3 =	sadd.s32 $0x88, s3;
	s6 =	simm.s32 @!p1 $0x1082;
	[sflag:s4] =	ssyncset.s32 $0xFFFFF086  }
0x25: {  	[simem:s6], [sflag:s4] =	dma.local [hbm:s3], $0xF7A  }
0x26: {  	[smem:$0x3F93] =	sst s1;
	(tag) =	ssettag s2;
	_ =	strace s9  }
0x27: {  	s1 =	sld [smem:$0x3FA3]  }
0x28: {  	s2 =	sld [smem:$0x3FA4]  }
0x29: {  	s4 =	sld [smem:$0x3FA6]  }
0x2a: {  	p0 =	seq.s32 s5, $0x0;
	s5 =	sld [smem:$0x3FA7]  }
0x2b: {  	s6 =	sld [smem:$0x3FA8]  }
0x2c: {  	s7 =	sld [smem:$0x3FA9]  }
0x2d: {  	s3 =	simm.s32 $0x108;
	s8 =	sld [smem:$0x3FAA]  }
0x2e: {  	s3 =	simm.s32 @!p0 $0x1082;
	s9 =	sld [smem:$0x3FAB]  }
0x2f: {  	lr =	sadd.s32 s0, s3;
	s0 =	sld [smem:$0x3FA2]  }
0x30: {  	s3 =	sld [smem:$0x3FA5]  }
0x31: {  	[smem:$0x3FAE] =	sst s10  }
0x32: {  	s10 =	sld [smem:$0x3FAC];
	_ =	sdelay $0x3  }
0x33: {  	p0 =	seq.s32 s10, $0x1;
	s10 =	sld [smem:$0x3FAE];
	_ =	sdelay $0x3  }
0x34: {  	[smem:$0x3FAE] =	sst s10  }
0x35: {  	s10 =	sld [smem:$0x3FAD];
	_ =	sdelay $0x3  }
0x36: {  	p1 =	seq.s32 s10, $0x1;
	s10 =	sld [smem:$0x3FAE];
	_ =	sdelay $0x3  }
0x37: {  	[smem:$0x3FAE] =	sst s10  }
0x38: {  	s10 =	sld [smem:$0x3FAF]  }
0x39: {  	_ = 	snop;
	(pc) =	sbr.ind lr, $3  }
0x3a: {  	_ = 	snop  }
0x3b: {  	_ = 	snop  }
0x3c: {  	p2 =	seq.s32 s10, $0x1;
	s10 =	sld [smem:$0x3FAE]  }
0x3d: {  	_ =	shalt  }
0x3e: {  	_ =	shalt  }
0x3f: {  	_ =	shalt  }
0x40: {  	_ =	shalt  }
0x41: {  	_ =	shalt  }
0x42: {  	_ =	shalt  }
0x43: {  	_ =	shalt  }
0x44: {  	_ =	shalt  }
0x45: {  	_ =	shalt  }
0x46: {  	_ =	shalt  }
0x47: {  	_ =	shalt  }
0x48: {  	_ =	shalt  }
0x49: {  	_ =	shalt  }
0x4a: {  	_ =	shalt  }
0x4b: {  	_ =	shalt  }
0x4c: {  	_ =	shalt  }
0x4d: {  	_ =	shalt  }
0x4e: {  	_ =	shalt  }
0x4f: {  	_ =	shalt  }
0x50: {  	_ =	shalt  }
0x51: {  	_ =	shalt  }
0x52: {  	_ =	shalt  }
0x53: {  	_ =	shalt  }
0x54: {  	_ =	shalt  }
0x55: {  	_ =	shalt  }
0x56: {  	_ =	shalt  }
0x57: {  	_ =	shalt  }
0x58: {  	_ =	shalt  }
0x59: {  	_ =	shalt  }
0x5a: {  	_ =	shalt  }
0x5b: {  	_ =	shalt  }
0x5c: {  	_ =	shalt  }
0x5d: {  	_ =	shalt  }
0x5e: {  	_ =	shalt  }
0x5f: {  	_ =	shalt  }
0x60: {  	_ =	shalt  }
0x61: {  	_ =	shalt  }
0x62: {  	_ =	shalt  }
0x63: {  	_ =	shalt  }
0x64: {  	_ =	shalt  }
0x65: {  	_ =	shalt  }
0x66: {  	_ =	shalt  }
0x67: {  	_ =	shalt  }
0x68: {  	_ =	shalt  }
0x69: {  	_ =	shalt  }
0x6a: {  	_ =	shalt  }
0x6b: {  	_ =	shalt  }
0x6c: {  	_ =	shalt  }
0x6d: {  	_ =	shalt  }
0x6e: {  	_ =	shalt  }
0x6f: {  	_ =	shalt  }
0x70: {  	_ =	shalt  }
0x71: {  	_ =	shalt  }
0x72: {  	_ =	shalt  }
0x73: {  	_ =	shalt  }
0x74: {  	_ =	shalt  }
0x75: {  	_ =	shalt  }
0x76: {  	_ =	shalt  }
0x77: {  	_ =	shalt  }
0x78: {  	_ =	shalt  }
0x79: {  	_ =	shalt  }
0x7a: {  	_ =	shalt  }
0x7b: {  	_ =	shalt  }
0x7c: {  	_ =	shalt  }
0x7d: {  	_ =	shalt  }
0x7e: {  	_ =	shalt  }
0x7f: {  	_ =	shalt  }
0x80: {  	_ =	shalt  }
0x81: {  	_ =	shalt  }
0x82: {  	_ =	shalt  }
0x83: {  	_ =	shalt  }
0x84: {  	_ =	shalt  }
0x85: {  	_ =	shalt  }
0x86: {  	_ =	shalt  }
0x87: {  	_ =	shalt  }
.Lfunc_end0:
.L_simem_size_0:
called_computation_lowered:
.L_overlay_start_0:
0x88: {  	s2 =	sld [smem:$0x3FD9]  }
0x89: {  	s3 =	sld [smem:$0x3FFE];
	_ =	sdelay $0x1  }
0x8a: {  	s1 =	srdreg.scid  }
0x8b: {  	s0 =	sand.u32 $0x1, s1  }
0x8c: {  	s17 =	sshll.u32 s0, $0xA;
	s2 =	sadd.s32 s3, s2  }
0x8d: {  	s2 =	sadd.s32 s2, s17  }
0x8e: {  	[smem:$0x3FBA] =	sst s2  }
0x8f: {  	_ = 	snop  }
0x90: {  	s2 =	sld [smem:$0x3FC1];
	(tm) =	ssettm $0x1  }
0x91: {  	s18 =	sld [smem:$0x3FFB];
	_ =	sdelay $0x3  }
0x92: {  	_ =	strace s18  }
0x93: {  	s3 =	sld [smem:$0x3FFC];
	_ =	sdelay $0x3  }
0x94: {  	_ =	strace s3  }
0x95: {  	s3 =	sld [smem:$0x3FFD];
	_ =	sdelay $0x3  }
0x96: {  	_ =	strace s3  }
0x97: {  	_ =	strace $0x8FFFFFFF  }
0x98: {  	s19 =	sld [smem:$0x3FDB];
	_ =	sdelay $0x1  }
0x99: {  	s4 =	simm.s32 $_scs_section_size  }
0x9a: {  	s5 =	simm.s32 $_size__tile_overlayer_lowered;
	s6 =	simm.s32 $_tile_overlayer_lowered  }
0x9b: {  	s22 =	simm.s32 $0x1BFF;
	s21 =	sshll.u32 s6, $0x1;
	s3 =	sadd.s32 s4, s19  }
0x9c: {  	s7 =	simm.s32 $0x0;
	s20 =	sshll.u32 s5, $0x1;
	s5 =	sadd.s32 s21, s3  }
0x9d: {  	[timem:s7], [sflag:s22] =	dma.local [hbm:s5], s20  }
0x9e: {  	_ =	swait.ge [sflag:s22], s20  }
0x9f: {  	s4 =	ssub.s32 $0x0, s20;
	[sflag:s22] =	ssyncset.done $0x0  }
0xa0: {  	[sflag:s22] =	ssyncadd.s32 s4;
	_ =	sdelay $0x1  }
0xa1: {  	s23 =	simm.s32 $0x1B8B  }
0xa2: {  	_ =	swait.ge [sflag:s23], $0x1  }
0xa3: {  	[sflag:s23] =	ssyncset.done $0x0  }
0xa4: {  	s25 =	simm.s32 $0x1B8E;
	s24 =	sld [smem:$0x3FFE];
	[sflag:s23] =	ssyncadd.s32 $0xFFFFFFFF  }
0xa5: {  	s26 =	simm.s32 $execute0_lowered;
	[smem:$0x3FD2] =	sst s25  }
0xa6: {  	s5 =	sshll.u32 s26, $0x1;
	_ =	strace $0x8000004C;
	[dreg:$0x1] =	wrdreg $0xFFFFFFFF  }
0xa7: {  	s28 =	simm.s32 $_size_execute0_lowered;
	s3 =	sadd.s32 s3, s5;
	[dreg:$0x0] =	wrdreg $0x0  }
0xa8: {  	s5 =	sshll.u32 s28, $0x1;
	[dreg:$0x2] =	wrdreg s3  }
0xa9: {  	[dreg:$0x3] =	wrdreg s5  }
0xaa: {  	[dreg:$0x4] =	wrdreg $0xC0  }
0xab: {  	_ =	task [dreg:s7], $0x5FFFF  }
0xac: {  	[dreg:$0x1] =	wrdreg $0xFFFFFFFF  }
0xad: {  	[dreg:$0x0] =	wrdreg $0x60  }
0xae: {  	[dreg:$0x2] =	wrdreg s2  }
0xaf: {  	[dreg:$0x3] =	wrdreg s24  }
0xb0: {  	[dreg:$0x4] =	wrdreg $0x9  }
0xb1: {  	_ =	task.clear_ibuf [dreg:s7], $0x5FFFF;
	_ =	strace $0x9000004C  }
0xb2: {  	s29 =	simm.s32 $0x9;
	_ =	strace $0x8000004E  }
0xb3: {  	_ =	swait.ge [sflag:s29], $0x1  }
0xb4: {  	[sflag:s29] =	ssyncadd.s32 $0xFFFFFFFF  }
0xb5: {  	_ =	strace $0x9000004E  }
0xb6: {  	_ =	sfence  }
0xb7: {  	s30 =	sld [smem:$0x0];
	_ =	sdelay $0x2  }
0xb8: {  	s31 =	sshll.u32 s1, $0xD;
	s1 =	sshrl.u32 s1, $0x2  }
0xb9: {  	s3 =	sand.u32 $0x4000, s31;
	s1 =	sadd.s32 s1, s30  }
0xba: {  	s0 =	sor.u32 s3, s0;
	s1 =	sshll.u32 s1, $0x11  }
0xbb: {  	s0 =	sor.u32 s1, s0  }
0xbc: {  	s0 =	sadd.s32 $0x8F2B, s0  }
0xbd: {  	[sflag:s0] =	ssyncadd.remote.s32 $0x1  }
0xbe: {  	_ =	sfence.sel $0xFFFF  }
0xbf: {  	[dreg:$0x0] =	wrdreg $0xFFFFFFFF;
	(pc) =	sbr.abs _section_cstart, $3  }
0xc0: {  	[dreg:$0x1] =	wrdreg $0xFFFFFFFF  }
0xc1: {  	_ =	task.clear_ibuf [dreg:s7], $0x2FFFF;
	_ =	strace $0x9FFFFFFF  }
0xc2: {  	(tm) =	ssettm $0x7FFFFFFF  }
0xc3: {  	_ =	shalt  }
tec
execute0_lowered:
.L_overlay_start_1:
0x0: {  	(tag) =	ssettag $0x1  }
0x1: {  	s2 =	rddreg [dreg:$0x0]  }
0x2: {  	s0 =	stileid.u32;
	s1 =	srdreg.scid  }
0x3: {  	s3 =	rddreg [dreg:$0x1];
	s8 =	simm.s32 $0x1;
	s9 =	simm.s32 $0x3  }
0x4: {  	s10 =	simm.s32 $0x0;
	s4 =	sand.u32 $0x1, s1;
	s5 =	sshll.u32 s0, $0x1  }
0x5: {  	s13 =	simm.s32 $0x0;
	s12 =	simm.s32 $0x0;
	s6 =	sor.u32 s5, s4  }
0x6: {  	s1 =	rddreg [dreg:$0x2];
	_ =	strace $0x8000004D;
	s4 =	smul.u32 $0x190, s6  }
0x7: {  	s5 =	simm.s32 $0x1;
	p0 =	slt.u32 s6, $0x9;
	s6 =	simm.s32 $0x3200  }
.Ltmp0:
0x8: {  	s6 =	simm.s32 @!p0 $0x0;
	s7 =	ssub.s32 $0x3E80, s4;
	(pc) =	sbr.rel .LBB2_1-.Ltmp0, $4  }
0x9: {  	s8 =	simm.s32 @!p0 $0x0;
	p0 =	sne.s32 s7, s6;
	s7 =	simm.s32 $0x1  }
0xa: {  	[sflag:s5] =	ssyncpa.u1 $0x0;
	s6 =	simm.s32 $0x2;
	s7 =	simm.s32 @!p0 $0x0  }
0xb: {  	s11 =	smov.u32 s4;
	[sflag:s6] =	ssyncpa.u1 $0x0;
	s7 =	sadd.s32 s8, s7  }
0xc: {  	vm0 =	vmmov $0xffff;
	s8 =	sadd.s32 $0x131800, s3;
	[sflag:s9] =	ssyncpa.u1 $0x0;
	s9 =	sadd.s32 $0x1, s7  }
.LBB2_4:
0xd: {  	v2 =	vnsel vm1, $0x0, v2  }
0xe: {  	vm1 =	vgt.s32 v0, $0x0;
	v2 =	vmin.u32 v2, $0x3E7F  }
0xf: {  	v0 =	vnsel vm1, $0x0, v0  }
0x10: {  	v0 =	vmin.u32 v0, $0x3E7F  }
0x11: {  	[tilespmem:s18], [sflag:$0x1] =	stream.indirect_vreg.gather [hbm4b:s2+s10], $0x1, v1, vm0, $0x4038;
	[tilespmem:$0x640] =	vst v63  }
0x12: {  	(ifvalue) =	ssetifvalue $0x7FFFFFFF  }
0x13: {  	[tilespmem:s15], [sflag:$0x1] =	stream.indirect_vreg.gather [hbm4b:s2+s10], $0x1, v2, vm0, $0x4038;
	[tilespmem:$0x640] =	vst v63  }
0x14: {  	s29 =	sadd.s32 $0x10, s15;
	(ifvalue) =	ssetifvalue $0x7FFFFFFF  }
0x15: {  	[tilespmem:s29], [sflag:$0x1] =	stream.indirect_vreg.gather [hbm4b:s2+s10], $0x1, v0, vm0, $0x4038;
	[tilespmem:$0x640] =	vst v63  }
0x16: {  	_ =	swait.ge [sflag:s5], $0x190  }
0x17: {  	s30 =	sshrl.u32 s13, $0x3;
	[sflag:s5] =	ssyncset.done $0x0  }
0x18: {  	s31 =	sand.u32 $0x7, s13;
	s15 =	sadd.s32 s8, s30;
	[sflag:s5] =	ssyncadd.s32 $0xFFFFFE70  }
0x19: {  	[hbm4b:s15+s31] =	stream.linear.scatter [tilespmem:s14], [sflag:$0x3], $0x190, $0x38;
	[tilespmem:$0x640] =	vst v63  }
.LBB2_5:
0x1a: {  	s15 =	sadd.s32 $0x3200, s11  }
0x1b: {  	p1 =	sgt.s32 s15, $0x3E7F  }
0x1c: {  	s15 =	smov.u32 @p1 s4;
	p1 =	sne.s32 s12, s9  }
.Ltmp1:
0x1d: {  	p0 =	slt.u32 s12, $0x2;
	(pc) =	sbr.rel @!p1 .LBB2_6-.Ltmp1, $4  }
0x1e: {  	s14 =	simm.s32 @!p0 $0x3  }
0x1f: {  	_ =	swait.ge @!p0 [sflag:s14], $0x190  }
0x20: {  	s16 =	sadd.s32 $0x1, s12;
	s13 =	smov.u32 s11;
	[sflag:s14] =	ssyncset.done @!p0 $0x0  }
0x21: {  	s12 =	smov.u32 s16;
	s11 =	smov.u32 s15;
	[sflag:s14] =	ssyncadd.s32 @!p0 $0xFFFFFE70  }
.LBB2_1:
0x22: {  	p0 =	sge.u32 s12, s7  }
0x23: {  	s14 =	sxor.u32 @!p0 $0x1, s12  }
0x24: {  	s14 =	smul.u32 @!p0 $0x640, s14  }
0x25: {  	s31 =	sadd.s32 $0xFFFFFFFF, s12;
	s15 =	sshrl.u32 @!p0 s11, $0x3  }
0x26: {  	s16 =	sand.u32 @!p0 $0x7, s11;
	s15 =	sadd.s32 @!p0 s3, s15;
	s14 =	sshra.s32 @!p0 s14, $0x2  }
0x27: {  	[tilespmem:s14], [sflag:$0x2] =	stream.linear.gather @!p0 [hbm4b:s15+s16], $0x190, $0x38;
	[tilespmem:$0x640] =	vst v63  }
0x28: {  	p0 =	sge.u32 s31, s7  }
.Ltmp2:
0x29: {  	_ = 	snop;
	(pc) =	sbr.rel @p0 .LBB2_5-.Ltmp2, $1  }
0x2a: {  	_ =	sdelay $0x3  }
0x2b: {  	s14 =	sand.u32 $0x1, s12  }
0x2c: {  	_ =	swait.ge [sflag:s6], $0x190;
	p0 =	seq.s32 s14, $0x1;
	s14 =	simm.s32 $0x190  }
0x2d: {  	[sflag:s6] =	ssyncset.done $0x0;
	s14 =	simm.s32 @!p0 $0x0  }
0x2e: {  	[sflag:s6] =	ssyncadd.s32 $0xFFFFFE70;
	(ifvalue) =	ssetifvalue $0x7FFFFFFF;
	v0 =	vld.msk [tilespmem:s14+$0x0 ss:$0x1], $0xffff;
	_ =	sdelay $0x4  }
0x2f: {  	s15 =	sadd.s32 $0x10, s14;
	vm1 =	vgt.s32 v0, $0x0  }
0x30: {  	v2 =	vld.msk [tilespmem:s15+$0x0 ss:$0x1], $0xffff;
	v1 =	vnsel vm1, $0x0, v0  }
0x31: {  	v1 =	vmin.u32 v1, $0x3E7F;
	_ =	sdelay $0x2  }
0x32: {  	s17 =	simm.s32 $0x20;
	s14 =	sadd.s32 $0x320, s14;
	s16 =	sadd.s32 $0x10, s15  }
0x33: {  	s15 =	sadd.s32 $0x10, s14;
	s18 =	smov.u32 s14;
	v0 =	vld.msk [tilespmem:s16+$0x0 ss:$0x1], $0xffff;
	vm1 =	vgt.s32 v2, $0x0;
	(ifvalue) =	ssetifvalue $0x7FFFFFFF  }
.LBB2_3:
0x34: {  	[tilespmem:s18], [sflag:$0x1] =	stream.indirect_vreg.gather [hbm4b:s2+s10], $0x1, v1, vm0, $0x4038;
	[tilespmem:$0x640] =	vst v63  }
0x35: {  	s17 =	sadd.s32 $0x10, s17  }
0x36: {  	v2 =	vnsel vm1, $0x0, v2;
	p0 =	slt.u32 s17, $0x180  }
.Ltmp3:
0x37: {  	s18 =	smov.u32 s15;
	v1 =	vmin.u32 v2, $0x3E7F;
	(pc) =	sbr.rel @p0 .LBB2_3-.Ltmp3, $3  }
0x38: {  	_ =	sdelay $0x1  }
0x39: {  	s16 =	sadd.s32 $0x10, s16  }
0x3a: {  	vm1 =	vgt.s32 v0, $0x0;
	s15 =	sadd.s32 $0x10, s15;
	v2 =	vmov v0;
	(ifvalue) =	ssetifvalue $0x7FFFFFFF;
	v0 =	vld.msk [tilespmem:s16+$0x0 ss:$0x1], $0xffff  }
.Ltmp4:
0x3b: {  	_ = 	snop;
	(pc) =	sbr.rel .LBB2_4-.Ltmp4, $1  }
0x3c: {  	_ =	sdelay $0x3  }
.LBB2_6:
0x3d: {  	_ =	sfence.sel $0x180000  }
0x3e: {  	s2 =	simm.s32 $0x2;
	[bflag:$0x0] =	sbarrier.arrive $0xFFFF  }
0x3f: {  	s30 =	simm.s32 $0x3;
	[sflag:s2] =	ssyncpa.u1 $0x1  }
0x40: {  	s31 =	simm.s32 $0x1;
	[sflag:s30] =	ssyncpa.u1 $0x1  }
0x41: {  	[sflag:s31] =	ssyncpa.u1 $0x1  }
0x42: {  	p0 =	sne.s32 s0, $0x0;
	_ =	strace $0x9000004D  }
0x43: {  	s0 =	sadd.s32 @!p0 $0x100000, s1;
	[bflag:$0x2] =	sbarrier.arrive $0xFFFF  }
0x44: {  	[sflag:s0] =	ssyncadd.tile.s32 @!p0 $0x1;
	_ =	shalt  }
.Lfunc_end2:
_tile_overlayer_lowered:
.L_overlay_start_2:
0x45: {  	(tag) =	ssettag $0x2  }
0x46: {  	s0 =	rddreg [dreg:$0x0];
	s2 =	stileid.u32  }
0x47: {  	s1 =	rddreg [dreg:$0x1];
	p0 =	sne.s32 s2, $0x0  }
0x48: {  	s3 =	rddreg [dreg:$0x2];
	[bflag:$0x3] =	sbarrier.arrive $0xFFFF;
	s2 =	simm.s32 @!p0 $0x1C01  }
0x49: {  	[timem:s3], [sflag:s2] =	dma.local @!p0 [hbm:s0], s1  }
0x4a: {  	s0 =	simm.s32 @!p0 $0x1  }
0x4b: {  	_ =	swait.ge @!p0 [sflag:s0], s1  }
0x4c: {  	s1 =	ssub.s32 @!p0 $0x0, s1;
	[sflag:s0] =	ssyncset.done @!p0 $0x0  }
0x4d: {  	[sflag:s0] =	ssyncadd.s32 @!p0 s1  }
0x4e: {  	[bflag:$0x3] =	sbarrier.arrive $0xFFFF  }
0x4f: {  	_ =	shalt  }

// kernel: kernel.4.cloned.1.call-start
scs
__scs_entry_jumppad:
0x0: {  	(pc) =	sbr.rel $0x88, $3  }
0x1: {  	(tag) =	ssettag $0x0;
	lr =	simm.s32 $0x1  }
0x2: {  	[smem:$0x3F93] =	sst lr;
	_ =	strace $0xD0000000  }
0x3: {  	_ = 	snop  }
0x4: {  	_ = 	snop  }
0x5: {  	_ = 	snop  }
0x6: {  	_ = 	snop  }
0x7: {  	_ = 	snop  }
__scs_overlays_trampoline_lowered:
0x8: {  	[smem:$0x3FA2] =	sst s0  }
0x9: {  	[smem:$0x3FA3] =	sst s1  }
0xa: {  	[smem:$0x3FA4] =	sst s2  }
0xb: {  	[smem:$0x3FA5] =	sst s3  }
0xc: {  	[smem:$0x3FA6] =	sst s4  }
0xd: {  	[smem:$0x3FA7] =	sst s5  }
0xe: {  	[smem:$0x3FA8] =	sst s6  }
0xf: {  	[smem:$0x3FA9] =	sst s7  }
0x10: {  	[smem:$0x3FAA] =	sst s8  }
0x11: {  	[smem:$0x3FAB] =	sst s9;
	s0 =	simm.s32 @!p0 $0x0  }
0x12: {  	s1 =	sld [smem:$0x3F91];
	s0 =	simm.s32 @p0 $0x1  }
0x13: {  	[smem:$0x3FAC] =	sst s0;
	s0 =	simm.s32 @!p1 $0x0  }
0x14: {  	s2 =	sld [smem:$0x3F90];
	s0 =	simm.s32 @p1 $0x1  }
0x15: {  	[smem:$0x3FAD] =	sst s0;
	s0 =	simm.s32 @!p2 $0x0  }
0x16: {  	s3 =	sld [smem:$0x3FDB];
	s0 =	simm.s32 @p2 $0x1  }
0x17: {  	s4 =	simm.s32 $0x1BF5;
	[smem:$0x3FAF] =	sst s0  }
0x18: {  	s0 =	sld [smem:$0x3F92];
	_ =	swait.ge [sflag:s4], $0x0  }
0x19: {  	s7 =	sld [smem:$0x3F93]  }
0x1a: {  	s8 =	sadd.s32 $0xFFFFE003, lr  }
0x1b: {  	s9 =	sadd.s32 $0xFFFFFEF7, lr;
	s5 =	simm.s32 $0xFFFFFFFF;
	p2 =	slt.u32 s8, $0xFFFFF086  }
0x1c: {  	p1 =	slt.u32 s9, $0xF7A;
	s5 =	simm.s32 @!p2 $0x0  }
0x1d: {  	s5 =	simm.s32 @p1 $0x1;
	p0 =	seq.s32 s7, s2  }
0x1e: {  	s7 =	smul.u32 @!p0 $0xF7A, s2;
	p2 =	seq.s32 @!p0 s5, $0x0  }
0x1f: {  	s9 =	smul.u32 $0xF7A, s1;
	s8 =	simm.s32 @!p0 $0x1BF5;
	p2 =	por !p2, p0  }
0x20: {  	[sflag:s8] =	ssyncset.s32 @!p0 $0xFFFFF086;
	s6 =	sadd.s32 @!p0 s3, s7;
	s7 =	simm.s32 @!p0 $0x108  }
0x21: {  	s3 =	sadd.s32 s3, s9;
	s6 =	sadd.s32 @!p0 $0x88, s6;
	s7 =	simm.s32 @p2 $0x1082  }
0x22: {  	[simem:s7], [sflag:s8] =	dma.local @!p0 [hbm:s6], $0xF7A  }
0x23: {  	s9 =	sor.u32 $0xD0000000, s2;
	s6 =	simm.s32 $0x108;
	_ =	swait.ge @!p0 [sflag:s8], $0x0  }
0x24: {  	s3 =	sadd.s32 $0x88, s3;
	s6 =	simm.s32 @!p1 $0x1082;
	[sflag:s4] =	ssyncset.s32 $0xFFFFF086  }
0x25: {  	[simem:s6], [sflag:s4] =	dma.local [hbm:s3], $0xF7A  }
0x26: {  	[smem:$0x3F93] =	sst s1;
	(tag) =	ssettag s2;
	_ =	strace s9  }
0x27: {  	s1 =	sld [smem:$0x3FA3]  }
0x28: {  	s2 =	sld [smem:$0x3FA4]  }
0x29: {  	s4 =	sld [smem:$0x3FA6]  }
0x2a: {  	p0 =	seq.s32 s5, $0x0;
	s5 =	sld [smem:$0x3FA7]  }
0x2b: {  	s6 =	sld [smem:$0x3FA8]  }
0x2c: {  	s7 =	sld [smem:$0x3FA9]  }
0x2d: {  	s3 =	simm.s32 $0x108;
	s8 =	sld [smem:$0x3FAA]  }
0x2e: {  	s3 =	simm.s32 @!p0 $0x1082;
	s9 =	sld [smem:$0x3FAB]  }
0x2f: {  	lr =	sadd.s32 s0, s3;
	s0 =	sld [smem:$0x3FA2]  }
0x30: {  	s3 =	sld [smem:$0x3FA5]  }
0x31: {  	[smem:$0x3FAE] =	sst s10  }
0x32: {  	s10 =	sld [smem:$0x3FAC];
	_ =	sdelay $0x3  }
0x33: {  	p0 =	seq.s32 s10, $0x1;
	s10 =	sld [smem:$0x3FAE];
	_ =	sdelay $0x3  }
0x34: {  	[smem:$0x3FAE] =	sst s10  }
0x35: {  	s10 =	sld [smem:$0x3FAD];
	_ =	sdelay $0x3  }
0x36: {  	p1 =	seq.s32 s10, $0x1;
	s10 =	sld [smem:$0x3FAE];
	_ =	sdelay $0x3  }
0x37: {  	[smem:$0x3FAE] =	sst s10  }
0x38: {  	s10 =	sld [smem:$0x3FAF]  }
0x39: {  	_ = 	snop;
	(pc) =	sbr.ind lr, $3  }
0x3a: {  	_ = 	snop  }
0x3b: {  	_ = 	snop  }
0x3c: {  	p2 =	seq.s32 s10, $0x1;
	s10 =	sld [smem:$0x3FAE]  }
0x3d: {  	_ =	shalt  }
0x3e: {  	_ =	shalt  }
0x3f: {  	_ =	shalt  }
0x40: {  	_ =	shalt  }
0x41: {  	_ =	shalt  }
0x42: {  	_ =	shalt  }
0x43: {  	_ =	shalt  }
0x44: {  	_ =	shalt  }
0x45: {  	_ =	shalt  }
0x46: {  	_ =	shalt  }
0x47: {  	_ =	shalt  }
0x48: {  	_ =	shalt  }
0x49: {  	_ =	shalt  }
0x4a: {  	_ =	shalt  }
0x4b: {  	_ =	shalt  }
0x4c: {  	_ =	shalt  }
0x4d: {  	_ =	shalt  }
0x4e: {  	_ =	shalt  }
0x4f: {  	_ =	shalt  }
0x50: {  	_ =	shalt  }
0x51: {  	_ =	shalt  }
0x52: {  	_ =	shalt  }
0x53: {  	_ =	shalt  }
0x54: {  	_ =	shalt  }
0x55: {  	_ =	shalt  }
0x56: {  	_ =	shalt  }
0x57: {  	_ =	shalt  }
0x58: {  	_ =	shalt  }
0x59: {  	_ =	shalt  }
0x5a: {  	_ =	shalt  }
0x5b: {  	_ =	shalt  }
0x5c: {  	_ =	shalt  }
0x5d: {  	_ =	shalt  }
0x5e: {  	_ =	shalt  }
0x5f: {  	_ =	shalt  }
0x60: {  	_ =	shalt  }
0x61: {  	_ =	shalt  }
0x62: {  	_ =	shalt  }
0x63: {  	_ =	shalt  }
0x64: {  	_ =	shalt  }
0x65: {  	_ =	shalt  }
0x66: {  	_ =	shalt  }
0x67: {  	_ =	shalt  }
0x68: {  	_ =	shalt  }
0x69: {  	_ =	shalt  }
0x6a: {  	_ =	shalt  }
0x6b: {  	_ =	shalt  }
0x6c: {  	_ =	shalt  }
0x6d: {  	_ =	shalt  }
0x6e: {  	_ =	shalt  }
0x6f: {  	_ =	shalt  }
0x70: {  	_ =	shalt  }
0x71: {  	_ =	shalt  }
0x72: {  	_ =	shalt  }
0x73: {  	_ =	shalt  }
0x74: {  	_ =	shalt  }
0x75: {  	_ =	shalt  }
0x76: {  	_ =	shalt  }
0x77: {  	_ =	shalt  }
0x78: {  	_ =	shalt  }
0x79: {  	_ =	shalt  }
0x7a: {  	_ =	shalt  }
0x7b: {  	_ =	shalt  }
0x7c: {  	_ =	shalt  }
0x7d: {  	_ =	shalt  }
0x7e: {  	_ =	shalt  }
0x7f: {  	_ =	shalt  }
0x80: {  	_ =	shalt  }
0x81: {  	_ =	shalt  }
0x82: {  	_ =	shalt  }
0x83: {  	_ =	shalt  }
0x84: {  	_ =	shalt  }
0x85: {  	_ =	shalt  }
0x86: {  	_ =	shalt  }
0x87: {  	_ =	shalt  }
.Lfunc_end0:
.L_simem_size_0:
called_computation.4_lowered:
.L_overlay_start_0:
0x88: {  	s2 =	sld [smem:$0x3FD9]  }
0x89: {  	s3 =	sld [smem:$0x3FFE];
	_ =	sdelay $0x1  }
0x8a: {  	s1 =	srdreg.scid  }
0x8b: {  	s0 =	sand.u32 $0x1, s1  }
0x8c: {  	s17 =	sshll.u32 s0, $0xA;
	s2 =	sadd.s32 s3, s2  }
0x8d: {  	s2 =	sadd.s32 s2, s17  }
0x8e: {  	[smem:$0x3FBA] =	sst s2  }
0x8f: {  	_ = 	snop  }
0x90: {  	s2 =	sld [smem:$0x3FC8]  }
0x91: {  	s18 =	sld [smem:$0x3FC4]  }
0x92: {  	s4 =	sld [smem:$0x3FD0];
	(tm) =	ssettm $0x1  }
0x93: {  	s5 =	sld [smem:$0x3FFB];
	_ =	sdelay $0x3  }
0x94: {  	_ =	strace s5  }
0x95: {  	s5 =	sld [smem:$0x3FFC];
	_ =	sdelay $0x3  }
0x96: {  	_ =	strace s5  }
0x97: {  	s5 =	sld [smem:$0x3FFD];
	_ =	sdelay $0x3  }
0x98: {  	_ =	strace s5  }
0x99: {  	_ =	strace $0x8FFFFFFF  }
0x9a: {  	s19 =	sld [smem:$0x3FDB];
	_ =	sdelay $0x1  }
0x9b: {  	s6 =	simm.s32 $_scs_section_size  }
0x9c: {  	s7 =	simm.s32 $_size__tile_overlayer_lowered;
	s8 =	simm.s32 $_tile_overlayer_lowered  }
0x9d: {  	s22 =	simm.s32 $0x1BFF;
	s21 =	sshll.u32 s8, $0x1;
	s5 =	sadd.s32 s6, s19  }
0x9e: {  	s9 =	simm.s32 $0x0;
	s20 =	sshll.u32 s7, $0x1;
	s7 =	sadd.s32 s21, s5  }
0x9f: {  	[timem:s9], [sflag:s22] =	dma.local [hbm:s7], s20  }
0xa0: {  	_ =	swait.ge [sflag:s22], s20  }
0xa1: {  	s6 =	ssub.s32 $0x0, s20;
	[sflag:s22] =	ssyncset.done $0x0  }
0xa2: {  	[sflag:s22] =	ssyncadd.s32 s6;
	_ =	sdelay $0x1  }
0xa3: {  	s23 =	simm.s32 $0x1B8B  }
0xa4: {  	_ =	swait.ge [sflag:s23], $0x1  }
0xa5: {  	[sflag:s23] =	ssyncset.done $0x0  }
0xa6: {  	s25 =	simm.s32 $0x1B8E;
	s24 =	sld [smem:$0x3FFE];
	[sflag:s23] =	ssyncadd.s32 $0xFFFFFFFF  }
0xa7: {  	s26 =	simm.s32 $execute0_lowered;
	[smem:$0x3FD2] =	sst s25  }
0xa8: {  	s7 =	sshll.u32 s26, $0x1;
	_ =	strace $0x80000052;
	[dreg:$0x1] =	wrdreg $0xFFFFFFFF  }
0xa9: {  	s28 =	simm.s32 $_size_execute0_lowered;
	s5 =	sadd.s32 s5, s7;
	[dreg:$0x0] =	wrdreg $0x0  }
0xaa: {  	s7 =	sshll.u32 s28, $0x1;
	[dreg:$0x2] =	wrdreg s5  }
0xab: {  	[dreg:$0x3] =	wrdreg s7  }
0xac: {  	[dreg:$0x4] =	wrdreg $0xC0  }
0xad: {  	_ =	task [dreg:s9], $0x5FFFF  }
0xae: {  	[dreg:$0x1] =	wrdreg $0xFFFFFFFF  }
0xaf: {  	[dreg:$0x0] =	wrdreg $0x60  }
0xb0: {  	[dreg:$0x2] =	wrdreg s24  }
0xb1: {  	[dreg:$0x3] =	wrdreg s2  }
0xb2: {  	[dreg:$0x4] =	wrdreg s4  }
0xb3: {  	[dreg:$0x5] =	wrdreg s18  }
0xb4: {  	[dreg:$0x6] =	wrdreg $0xD6800  }
0xb5: {  	[dreg:$0x7] =	wrdreg $0xDAD80  }
0xb6: {  	[dreg:$0x8] =	wrdreg $0x9  }
0xb7: {  	_ =	task.clear_ibuf [dreg:s9], $0x9FFFF;
	_ =	strace $0x90000052  }
0xb8: {  	s29 =	simm.s32 $0x9;
	_ =	strace $0x80000054  }
0xb9: {  	_ =	swait.ge [sflag:s29], $0x1  }
0xba: {  	[sflag:s29] =	ssyncadd.s32 $0xFFFFFFFF  }
0xbb: {  	_ =	strace $0x90000054  }
0xbc: {  	_ =	sfence  }
0xbd: {  	s30 =	sld [smem:$0x0];
	_ =	sdelay $0x2  }
0xbe: {  	s31 =	sshll.u32 s1, $0xD;
	s1 =	sshrl.u32 s1, $0x2  }
0xbf: {  	s3 =	sand.u32 $0x4000, s31;
	s1 =	sadd.s32 s1, s30  }
0xc0: {  	s0 =	sor.u32 s3, s0;
	s1 =	sshll.u32 s1, $0x11  }
0xc1: {  	s0 =	sor.u32 s1, s0  }
0xc2: {  	s0 =	sadd.s32 $0x8F2B, s0  }
0xc3: {  	[sflag:s0] =	ssyncadd.remote.s32 $0x1  }
0xc4: {  	_ =	sfence.sel $0xFFFF  }
0xc5: {  	[dreg:$0x0] =	wrdreg $0xFFFFFFFF;
	(pc) =	sbr.abs _section_cstart, $3  }
0xc6: {  	[dreg:$0x1] =	wrdreg $0xFFFFFFFF  }
0xc7: {  	_ =	task.clear_ibuf [dreg:s9], $0x2FFFF;
	_ =	strace $0x9FFFFFFF  }
0xc8: {  	(tm) =	ssettm $0x7FFFFFFF  }
0xc9: {  	_ =	shalt  }
tec
execute0_lowered:
.L_overlay_start_1:
0x0: {  	(tag) =	ssettag $0x1  }
0x1: {  	s12 =	rddreg [dreg:$0x0]  }
0x2: {  	s0 =	rddreg [dreg:$0x4]  }
0x3: {  	s1 =	rddreg [dreg:$0x5]  }
0x4: {  	s2 =	simm.s32 $0x0;
	s23 =	srdreg.scid;
	s11 =	stileid.u32  }
0x5: {  	s31 =	simm.s32 $0x3;
	s29 =	simm.s32 $0xD280;
	[smem:$0x7FF] =	sst s2  }
0x6: {  	s7 =	sadd.s32 $0x800, s12;
	s22 =	sadd.s32 $0x130E00, s12;
	s3 =	sadd.s32 $0x132000, s12  }
0x7: {  	s2 =	sand.u32 $0x1, s23;
	s24 =	sadd.s32 $0x131600, s12;
	s4 =	sshrl.u32 s11, $0x1  }
0x8: {  	s5 =	sadd.s32 $0x130800, s12;
	_ =	strace $0x80000053;
	[dreg:$0x7] =	wrdreg s22  }
0x9: {  	s8 =	sadd.s32 $0x130A00, s12;
	s10 =	smul.u32 $0xDE0, s11;
	[dreg:$0x8] =	wrdreg s3  }
0xa: {  	s30 =	sand.u32 $0x1, s11;
	s11 =	smul.u32 $0x1160, s11;
	[dreg:$0x9] =	wrdreg s24  }
0xb: {  	s25 =	ssub.s32 $0x2, s2;
	[dreg:$0xa] =	wrdreg s5;
	s6 =	smul.u32 $0x1BC0, s4  }
0xc: {  	[dreg:$0xb] =	wrdreg s8;
	s28 =	smul.u32 $0x22C0, s4;
	s9 =	sshll.u32 s2, $0x3  }
0xd: {  	s13 =	sor.u32 $0x2, s2;
	s18 =	smul.u32 $0xC00, s2;
	s19 =	sshll.u32 s2, $0xE  }
0xe: {  	s22 =	sadd.s32 $0x130C00, s12;
	p0 =	seq.s32 s30, $0x0;
	p1 =	sne.s32 s30, $0x0  }
0xf: {  	s24 =	sadd.s32 $0x132400, s12;
	s8 =	simm.s32 $0x80;
	s2 =	simm.s32 $0xB780  }
0x10: {  	s26 =	sshrl.u32 s25, $0x1;
	s9 =	sor.u32 s4, s9;
	s10 =	sshrl.u32 s10, $0x2  }
0x11: {  	s11 =	sshrl.u32 s11, $0x2;
	s4 =	sshll.u32 s4, $0x7;
	[dreg:$0x14] =	wrdreg s22  }
0x12: {  	s15 =	smul.u32 $0xC00, s13;
	[dreg:$0x15] =	wrdreg s24;
	s20 =	sor.u32 s19, s4  }
0x13: {  	s16 =	sshll.u32 s13, $0xE;
	s21 =	sor.u32 s18, s4;
	[dreg:$0x12] =	wrdreg s20  }
0x14: {  	s3 =	ssub.s32 s25, s26;
	s26 =	sadd.s32 $0x131800, s12;
	[dreg:$0x13] =	wrdreg s21  }
0x15: {  	v0 =	vimm.s32 $0xFEDCBA98;
	v1 =	vimm.s32 $0x76543210;
	v3 =	vimm.s32 $0x3210FEDC;
	s6 =	sshrl.u32 s6, $0x2;
	s14 =	sadd.s32 s10, s1;
	[dreg:$0x18] =	wrdreg s26  }
0x16: {  	v4 =	vimm.s32 $0xBA987654;
	v5 =	vimm.s32 $0x10FEDCBA;
	v0 =	vunpack.c.l.s4.s8 v0;
	s5 =	sshrl.u32 s28, $0x2;
	s6 =	sadd.s32 s6, s1;
	[dreg:$0xe] =	wrdreg s14  }
0x17: {  	v6 =	vimm.s32 $0x98765432;
	v7 =	vimm.s32 $0xFEDCBA9;
	s17 =	smul.u32 $0x98000, s9;
	s5 =	sadd.s32 s5, s0;
	[dreg:$0xc] =	wrdreg s6  }
0x18: {  	v8 =	vimm.s32 $0x87654321;
	v2 =	vunpack.c.0.s8.s32 v0;
	v0 =	vmov s9;
	s9 =	simm.s32 $0xC980;
	s1 =	sor.u32 s4, s16;
	[dreg:$0xd] =	wrdreg s5  }
0x19: {  	v1 =	vunpack.c.l.s4.s8 v1;
	v3 =	vunpack.c.l.s4.s8 v3;
	v4 =	vunpack.c.l.s4.s8 v4;
	s25 =	smax.u32 s3, $0x1;
	s30 =	sadd.s32 $0x378, s14;
	[dreg:$0x10] =	wrdreg s1  }
0x1a: {  	v5 =	vunpack.c.l.s4.s8 v5;
	v6 =	vunpack.c.l.s4.s8 v6;
	v7 =	vunpack.c.l.s4.s8 v7;
	s3 =	simm.s32 $0xAF80;
	s6 =	sadd.s32 s11, s0;
	[dreg:$0x17] =	wrdreg s25  }
.Ltmp0:
0x1b: {  	v8 =	vunpack.c.l.s4.s8 v8;
	v1 =	vunpack.c.0.s8.s32 v1;
	v3 =	vunpack.c.0.s8.s32 v3;
	s0 =	sor.u32 s4, s15;
	[dreg:$0x1a] =	wrdreg s30;
	(pc) =	sbr.rel .LBB2_1-.Ltmp0, $4  }
0x1c: {  	v4 =	vunpack.c.0.s8.s32 v4;
	v5 =	vunpack.c.0.s8.s32 v5;
	v6 =	vunpack.c.0.s8.s32 v6;
	s16 =	simm.s32 $0x400;
	s23 =	sshrl.u32 s17, $0x3;
	[dreg:$0x11] =	wrdreg s0  }
0x1d: {  	v7 =	vunpack.c.0.s8.s32 v7;
	v8 =	vunpack.c.0.s8.s32 v8;
	v2 =	vand.u32 $0xF, v2;
	s20 =	simm.s32 $0xBF80;
	s0 =	sadd.s32 s7, s23;
	[dreg:$0xf] =	wrdreg s6  }
0x1e: {  	s21 =	simm.s32 $0xC080;
	v1 =	vcombine.low v2, v1;
	v2 =	vcombine.low v4, v3;
	v3 =	vimm.f32 $0.0e+00;
	s28 =	sadd.s32 $0x458, s6;
	[dreg:$0x16] =	wrdreg s0  }
0x1f: {  	v4 =	vcombine.low v6, v5;
	v5 =	vimm.f32 $1.000000000e+00;
	v6 =	vcombine.low v8, v7;
	s11 =	simm.s32 $0x0;
	[dreg:$0x19] =	wrdreg s28;
	s0 =	simm.s32 $0xC180  }
.LBB2_97:
0x20: {  	v7 =	vmul.f32 v8, v7;
	_ =	sdelay $0x1  }
0x21: {  	[tilespmem:s1+$0xC180] =	vst v7  }
0x22: {  	s5 =	rddreg [dreg:$0x10]  }
0x23: {  	s10 =	rddreg [dreg:$0x11]  }
0x24: {  	s4 =	simm.s32 $0xC180;
	s1 =	simm.s32 $0xD400;
	s11 =	rddreg [dreg:$0x1b]  }
.LBB2_101:
0x25: {  	s5 =	sshrl.u32 s5, $0x3;
	s6 =	rddreg [dreg:$0x15]  }
0x26: {  	s5 =	sadd.s32 s6, s5  }
0x27: {  	[hbm4b:s5+s8] =	stream.strided.scatter [tilespmem:s4], [sflag:$0x3], $0x800, s16, s8, $0x38;
	[tilespmem:$0xDE50] =	vst v63  }
0x28: {  	_ =	swait.ge [sflag:s31], $0x800  }
0x29: {  	s26 =	sshrl.u32 s10, $0x3;
	[sflag:s31] =	ssyncset.done $0x0;
	s28 =	rddreg [dreg:$0x18]  }
0x2a: {  	s4 =	sadd.s32 s28, s26;
	[sflag:s31] =	ssyncadd.s32 $0xFFFFF800  }
0x2b: {  	[hbm4b:s4+s8] =	stream.strided.scatter [tilespmem:s1], [sflag:$0x3], $0x180, s16, s8, $0x38;
	[tilespmem:$0xDE50] =	vst v63  }
0x2c: {  	_ =	swait.ge [sflag:s31], $0x180  }
0x2d: {  	s11 =	sadd.s32 $0x1, s11;
	s30 =	rddreg [dreg:$0x17]  }
0x2e: {  	p2 =	sne.s32 s11, s30  }
.Ltmp1:
0x2f: {  	_ = 	snop;
	(pc) =	sbr.rel @!p2 .LBB2_102-.Ltmp1, $3  }
0x30: {  	_ =	sdelay $0x1  }
0x31: {  	[sflag:s31] =	ssyncset.done $0x0  }
0x32: {  	[sflag:s31] =	ssyncadd.s32 $0xFFFFFE80  }
.LBB2_1:
0x33: {  	[dreg:$0x1b] =	wrdreg s11  }
0x34: {  	s1 =	rddreg [dreg:$0x1];
	s4 =	simm.s32 $0x0;
	s5 =	simm.s32 $0xD180  }
0x35: {  	[tilespmem:s5], [sflag:$0x3] =	stream.linear.gather [hbm4b:s1+s4], $0x80, $0x38;
	[tilespmem:$0xDE50] =	vst v63  }
0x36: {  	_ =	swait.ge [sflag:s31], $0x80  }
0x37: {  	[sflag:s31] =	ssyncset.done $0x0  }
0x38: {  	[sflag:s31] =	ssyncadd.s32 $0xFFFFFF80  }
0x39: {  	s22 =	simm.s32 $0xD200;
	s19 =	rddreg [dreg:$0x2]  }
0x3a: {  	[tilespmem:s22], [sflag:$0x3] =	stream.linear.gather [hbm4b:s19+s4], $0x80, $0x38;
	[tilespmem:$0xDE50] =	vst v63  }
0x3b: {  	_ =	swait.ge [sflag:s31], $0x80  }
0x3c: {  	[sflag:s31] =	ssyncset.done $0x0  }
0x3d: {  	s23 =	rddreg [dreg:$0x7];
	[sflag:s31] =	ssyncadd.s32 $0xFFFFFF80  }
0x3e: {  	[tilespmem:s4], [sflag:$0x3] =	stream.linear.gather [hbm4b:s23+s4], $0x3F80, $0x38;
	[tilespmem:$0xDE50] =	vst v63  }
0x3f: {  	_ =	swait.ge [sflag:s31], $0x3F80  }
0x40: {  	[sflag:s31] =	ssyncset.done $0x0  }
0x41: {  	s25 =	simm.s32 $0x3F80;
	s24 =	rddreg [dreg:$0x8];
	[sflag:s31] =	ssyncadd.s32 $0xFFFFC080  }
0x42: {  	[tilespmem:s25], [sflag:$0x3] =	stream.linear.gather [hbm4b:s24+s4], $0x2000, $0x38;
	[tilespmem:$0xDE50] =	vst v63  }
0x43: {  	_ =	swait.ge [sflag:s31], $0x2000  }
0x44: {  	[sflag:s31] =	ssyncset.done $0x0  }
0x45: {  	[sflag:s31] =	ssyncadd.s32 $0xFFFFE000  }
0x46: {  	s28 =	simm.s32 $0x5F80;
	s26 =	rddreg [dreg:$0x0]  }
0x47: {  	[tilespmem:s28], [sflag:$0x3] =	stream.linear.gather [hbm4b:s26+s4], $0x3F80, $0x38;
	[tilespmem:$0xDE50] =	vst v63  }
0x48: {  	_ =	swait.ge [sflag:s31], $0x3F80  }
0x49: {  	[sflag:s31] =	ssyncset.done $0x0  }
0x4a: {  	s30 =	rddreg [dreg:$0xb];
	[sflag:s31] =	ssyncadd.s32 $0xFFFFC080  }
0x4b: {  	[tilespmem:s3], [sflag:$0x3] =	stream.linear.gather [hbm4b:s30+s4], $0x800, $0x38;
	[tilespmem:$0xDE50] =	vst v63  }
0x4c: {  	_ =	swait.ge [sflag:s31], $0x800  }
0x4d: {  	s1 =	simm.s32 @!p0 $0x0;
	[sflag:s31] =	ssyncset.done $0x0  }
0x4e: {  	s4 =	simm.s32 @!p0 $0x9F00;
	s5 =	rddreg [dreg:$0x9];
	[sflag:s31] =	ssyncadd.s32 $0xFFFFF800  }
0x4f: {  	[tilespmem:s4], [sflag:$0x3] =	stream.linear.gather @!p0 [hbm4b:s5+s1], $0x680, $0x38;
	[tilespmem:$0xDE50] =	vst v63  }
0x50: {  	s4 =	simm.s32 @!p0 $0x3  }
0x51: {  	_ =	swait.ge @!p0 [sflag:s4], $0x680  }
0x52: {  	[sflag:s4] =	ssyncset.done @!p0 $0x0  }
0x53: {  	s5 =	simm.s32 @!p0 $0xA580;
	s6 =	rddreg [dreg:$0xa];
	[sflag:s4] =	ssyncadd.s32 @!p0 $0xFFFFF980  }
0x54: {  	[tilespmem:s5], [sflag:$0x3] =	stream.linear.gather @!p0 [hbm4b:s6+s1], $0x380, $0x38;
	[tilespmem:$0xDE50] =	vst v63  }
0x55: {  	_ =	swait.ge @!p0 [sflag:s4], $0x380  }
0x56: {  	[sflag:s4] =	ssyncset.done @!p0 $0x0  }
0x57: {  	[sflag:s4] =	ssyncadd.s32 @!p0 $0xFFFFFC80  }
0x58: {  	s5 =	simm.s32 @!p0 $0xA900;
	s6 =	rddreg [dreg:$0x3]  }
0x59: {  	[tilespmem:s5], [sflag:$0x3] =	stream.linear.gather @!p0 [hbm4b:s6+s1], $0x680, $0x38;
	[tilespmem:$0xDE50] =	vst v63  }
0x5a: {  	_ =	swait.ge @!p0 [sflag:s4], $0x680  }
0x5b: {  	[sflag:s4] =	ssyncset.done @!p0 $0x0  }
0x5c: {  	s5 =	simm.s32 @!p0 $0xBF80;
	s6 =	rddreg [dreg:$0x14];
	[sflag:s4] =	ssyncadd.s32 @!p0 $0xFFFFF980  }
0x5d: {  	[tilespmem:s5], [sflag:$0x3] =	stream.linear.gather @!p0 [hbm4b:s6+s1], $0x100, $0x38;
	[tilespmem:$0xDE50] =	vst v63  }
0x5e: {  	_ =	swait.ge @!p0 [sflag:s4], $0x100  }
0x5f: {  	[sflag:s4] =	ssyncset.done @!p0 $0x0  }
0x60: {  	s10 =	simm.s32 $0x5FA0;
	[sflag:s4] =	ssyncadd.s32 @!p0 $0xFFFFFF00  }
0x61: {  	v7 =	vld [tilespmem:s10+$0x0]  }
0x62: {  	v8 =	vld [tilespmem:s10+$0xFFFFFFE0];
	_ =	sdelay $0x2  }
0x63: {  	v9 =	vld [tilespmem:s10+$0xFFFFFFF0]  }
0x64: {  	s4 =	simm.s32 $0x5FE0;
	v10 =	vld [tilespmem:s10+$0x10];
	v7 =	vmul.f32 $1.442695020e+00, v7  }
0x65: {  	v11 =	vld [tilespmem:s4+$0x0];
	v8 =	vmul.f32 $1.442695020e+00, v8  }
0x66: {  	(erf) = vpow2.f32 v7;
	v7 =	vld [tilespmem:s4+$0xFFFFFFE0]  }
0x67: {  	(erf) = vpow2.f32 v8;
	v8 =	vld [tilespmem:s4+$0xFFFFFFF0]  }
0x68: {  	v12 =	vld [tilespmem:s4+$0x10];
	v9 =	vmul.f32 $1.442695020e+00, v9  }
0x69: {  	v10 =	vmul.f32 $1.442695020e+00, v10  }
0x6a: {  	v13 =	vld [tilespmem:$0xD180];
	(erf) = vpow2.f32 v9;
	v9 =	vmul.f32 $1.442695020e+00, v11  }
0x6b: {  	s11 =	simm.s32 $0x6020;
	(erf) = vpow2.f32 v10;
	v10 =	vmul.f32 $1.442695020e+00, v7  }
0x6c: {  	v14 =	vld [tilespmem:s11+$0x0];
	(erf) = vpow2.f32 v9;
	v11 =	vmul.f32 $1.442695020e+00, v8  }
0x6d: {  	v12 =	vmul.f32 $1.442695020e+00, v12;
	v9 =	vld [tilespmem:s11+$0xFFFFFFE0];
	(erf) = vpow2.f32 v10  }
0x6e: {  	(erf) = vpow2.f32 v11  }
0x6f: {  	v8 =	vperm.xlane v13, v0;
	v10 =	vld [tilespmem:s11+$0xFFFFFFF0];
	v13 =	vpop (erf);
	(erf) = vpow2.f32 v12  }
0x70: {  	v11 =	vld [tilespmem:s11+$0x10]  }
0x71: {  	s12 =	simm.s32 $0x8;
	s13 =	simm.s32 $0x6060;
	v7 =	vld [tilespmem:$0xD200];
	v12 =	vmul.f32 $1.442695020e+00, v14;
	[tilespmem:s10+$0x0] =	vst v13;
	v13 =	vpop (erf)  }
.LBB2_2:
0x72: {  	s12 =	sadd.s32 $0x4, s12;
	v15 =	vmul.f32 $1.442695020e+00, v9  }
0x73: {  	v14 =	vld [tilespmem:s13+$0x0];
	[tilespmem:s10+$0xFFFFFFE0] =	vst v13;
	s1 =	simm.s32 $0xB7A0;
	s5 =	simm.s32 $0xAFA0;
	v13 =	vpop (erf);
	p2 =	slt.u32 s12, $0x3F4  }
.Ltmp2:
0x74: {  	v9 =	vld [tilespmem:s13+$0xFFFFFFE0];
	v16 =	vmul.f32 $1.442695020e+00, v10;
	(erf) = vpow2.f32 v12;
	[tilespmem:s10+$0xFFFFFFF0] =	vst v13;
	v12 =	vpop (erf);
	(pc) =	sbr.rel @p2 .LBB2_2-.Ltmp2, $4  }
0x75: {  	v10 =	vld [tilespmem:s13+$0xFFFFFFF0];
	v17 =	vmul.f32 $1.442695020e+00, v11;
	(erf) = vpow2.f32 v15;
	[tilespmem:s10+$0x10] =	vst v12;
	s10 =	smov.u32 s4;
	s4 =	smov.u32 s11;
	s11 =	smov.u32 s13  }
0x76: {  	v11 =	vld [tilespmem:s13+$0x10];
	(erf) = vpow2.f32 v16  }
0x77: {  	(erf) = vpow2.f32 v17;
	v13 =	vpop (erf)  }
0x78: {  	s13 =	sadd.s32 $0x40, s13;
	v12 =	vmul.f32 $1.442695020e+00, v14;
	[tilespmem:s10+$0x0] =	vst v13;
	v13 =	vpop (erf)  }
0x79: {  	v9 =	vmul.f32 $1.442695020e+00, v9  }
0x7a: {  	v10 =	vmul.f32 $1.442695020e+00, v10;
	(erf) = vpow2.f32 v12  }
0x7b: {  	v11 =	vmul.f32 $1.442695020e+00, v11;
	(erf) = vpow2.f32 v9  }
0x7c: {  	(erf) = vpow2.f32 v10  }
0x7d: {  	[tilespmem:s10+$0xFFFFFFE0] =	vst v13;
	v9 =	vpop (erf);
	(erf) = vpow2.f32 v11  }
0x7e: {  	v10 =	vpop (erf);
	[tilespmem:s10+$0xFFFFFFF0] =	vst v9  }
0x7f: {  	[tilespmem:s10+$0x10] =	vst v10;
	v9 =	vpop (erf)  }
0x80: {  	[tilespmem:s4+$0x0] =	vst v9;
	v9 =	vpop (erf)  }
0x81: {  	[tilespmem:s4+$0xFFFFFFE0] =	vst v9;
	v9 =	vpop (erf)  }
0x82: {  	[tilespmem:s4+$0xFFFFFFF0] =	vst v9;
	v9 =	vpop (erf)  }
0x83: {  	[tilespmem:s4+$0x10] =	vst v9;
	v9 =	vpop (erf)  }
0x84: {  	[tilespmem:s11+$0x0] =	vst v9;
	v9 =	vpop (erf)  }
0x85: {  	[tilespmem:s11+$0xFFFFFFE0] =	vst v9;
	v9 =	vpop (erf)  }
0x86: {  	[tilespmem:s11+$0xFFFFFFF0] =	vst v9;
	v9 =	vpop (erf)  }
0x87: {  	[tilespmem:s11+$0x10] =	vst v9  }
0x88: {  	v9 =	vld [tilespmem:s5+$0x10]  }
0x89: {  	v10 =	vld [tilespmem:s5+$0xFFFFFFF0]  }
0x8a: {  	v11 =	vld [tilespmem:s5+$0x0]  }
0x8b: {  	v58 =	vld [tilespmem:s5+$0xFFFFFFE0];
	_ =	sdelay $0x1  }
0x8c: {  	v9 =	vmul.f32 $1.442695020e+00, v9  }
0x8d: {  	v10 =	vmul.f32 $1.442695020e+00, v10  }
0x8e: {  	v11 =	vmul.f32 $1.442695020e+00, v11;
	(erf) = vpow2.f32 v9  }
0x8f: {  	v9 =	vmul.f32 $1.442695020e+00, v58;
	(erf) = vpow2.f32 v10  }
0x90: {  	s10 =	simm.s32 $0xAFE0;
	(erf) = vpow2.f32 v11  }
0x91: {  	(erf) = vpow2.f32 v9;
	v9 =	vld [tilespmem:s10+$0x10]  }
0x92: {  	v10 =	vld [tilespmem:s10+$0xFFFFFFF0]  }
0x93: {  	v11 =	vld [tilespmem:s10+$0x0]  }
0x94: {  	v59 =	vld [tilespmem:s10+$0xFFFFFFE0];
	_ =	sdelay $0x1  }
0x95: {  	v9 =	vmul.f32 $1.442695020e+00, v9  }
0x96: {  	s4 =	simm.s32 $0xB020;
	v10 =	vmul.f32 $1.442695020e+00, v10  }
0x97: {  	v14 =	vld [tilespmem:s4+$0x10];
	(erf) = vpow2.f32 v9;
	v9 =	vmul.f32 $1.442695020e+00, v11  }
0x98: {  	v60 =	vpop (erf);
	(erf) = vpow2.f32 v10;
	v10 =	vmul.f32 $1.442695020e+00, v59  }
0x99: {  	v16 =	vld [tilespmem:s4+$0xFFFFFFF0];
	v15 =	vpop (erf);
	[tilespmem:s5+$0x10] =	vst v60;
	(erf) = vpow2.f32 v9  }
0x9a: {  	v17 =	vld [tilespmem:s4+$0x0];
	v61 =	vpop (erf);
	[tilespmem:s5+$0xFFFFFFF0] =	vst v15;
	(erf) = vpow2.f32 v10  }
0x9b: {  	[tilespmem:s1+$0x10] =	vst v3;
	v9 =	vld [tilespmem:s4+$0xFFFFFFE0]  }
0x9c: {  	v63 =	vmul.f32 $1.442695020e+00, v14;
	[tilespmem:s1+$0xFFFFFFF0] =	vst v3  }
0x9d: {  	v62 =	vpop (erf);
	[tilespmem:s5+$0x0] =	vst v61  }
0x9e: {  	v11 =	vmul.f32 $1.442695020e+00, v16;
	[tilespmem:s5+$0xFFFFFFE0] =	vst v62;
	(erf) = vpow2.f32 v63  }
0x9f: {  	s12 =	simm.s32 $0xB060;
	s11 =	simm.s32 $0x8;
	v10 =	vmul.f32 $1.442695020e+00, v17;
	[tilespmem:s1+$0xFFFFFFE0] =	vst v3  }
.LBB2_4:
0xa0: {  	v12 =	vld [tilespmem:s12+$0x10];
	v9 =	vmul.f32 $1.442695020e+00, v9;
	(erf) = vpow2.f32 v11;
	v11 =	vpop (erf);
	[tilespmem:s1+$0x0] =	vst v3  }
0xa1: {  	s11 =	sadd.s32 $0x4, s11;
	s1 =	sadd.s32 $0x40, s1;
	v13 =	vld [tilespmem:s12+$0xFFFFFFF0];
	(erf) = vpow2.f32 v10;
	[tilespmem:s10+$0x10] =	vst v11;
	v10 =	vpop (erf)  }
0xa2: {  	p2 =	slt.u32 s11, $0x7C;
	v14 =	vld [tilespmem:s12+$0x0];
	(erf) = vpow2.f32 v9;
	[tilespmem:s1+$0x10] =	vst v3;
	v15 =	vpop (erf)  }
.Ltmp3:
0xa3: {  	v9 =	vld [tilespmem:s12+$0xFFFFFFE0];
	[tilespmem:s10+$0xFFFFFFF0] =	vst v10;
	v10 =	vpop (erf);
	(pc) =	sbr.rel @p2 .LBB2_4-.Ltmp3, $4  }
0xa4: {  	[tilespmem:s10+$0xFFFFFFE0] =	vst v10  }
0xa5: {  	v12 =	vmul.f32 $1.442695020e+00, v12;
	[tilespmem:s1+$0xFFFFFFE0] =	vst v3  }
0xa6: {  	v11 =	vmul.f32 $1.442695020e+00, v13;
	[tilespmem:s1+$0xFFFFFFF0] =	vst v3  }
0xa7: {  	v10 =	vmul.f32 $1.442695020e+00, v14;
	(erf) = vpow2.f32 v12;
	[tilespmem:s10+$0x0] =	vst v15;
	s10 =	smov.u32 s4;
	s4 =	smov.u32 s12;
	s12 =	sadd.s32 $0x40, s12  }
0xa8: {  	v9 =	vmul.f32 $1.442695020e+00, v9;
	(erf) = vpow2.f32 v11;
	v11 =	vpop (erf);
	[tilespmem:s1+$0x0] =	vst v3  }
0xa9: {  	s30 =	sadd.s32 $0x40, s1;
	[tilespmem:s10+$0x10] =	vst v11  }
0xaa: {  	(erf) = vpow2.f32 v10;
	v10 =	vpop (erf);
	[tilespmem:s30+$0x10] =	vst v3  }
0xab: {  	[tilespmem:s10+$0xFFFFFFF0] =	vst v10  }
0xac: {  	(erf) = vpow2.f32 v9;
	[tilespmem:s30+$0xFFFFFFF0] =	vst v3;
	v9 =	vpop (erf)  }
0xad: {  	v10 =	vpop (erf);
	[tilespmem:s10+$0x0] =	vst v9  }
0xae: {  	[tilespmem:s10+$0xFFFFFFE0] =	vst v10  }
0xaf: {  	[tilespmem:s30+$0x0] =	vst v3  }
0xb0: {  	[tilespmem:s30+$0xFFFFFFE0] =	vst v3;
	v9 =	vpop (erf)  }
0xb1: {  	s1 =	sadd.s32 $0x40, s30;
	[tilespmem:s4+$0x10] =	vst v9  }
0xb2: {  	v9 =	vpop (erf);
	[tilespmem:s1+$0x10] =	vst v3  }
0xb3: {  	[tilespmem:s4+$0xFFFFFFF0] =	vst v9  }
0xb4: {  	v10 =	vpop (erf);
	[tilespmem:s1+$0xFFFFFFF0] =	vst v3  }
0xb5: {  	v9 =	vpop (erf);
	[tilespmem:s4+$0x0] =	vst v10  }
0xb6: {  	[tilespmem:s4+$0xFFFFFFE0] =	vst v9  }
0xb7: {  	[tilespmem:s1+$0x0] =	vst v3  }
0xb8: {  	s5 =	simm.s32 $0xD2A0;
	[tilespmem:s1+$0xFFFFFFE0] =	vst v3  }
0xb9: {  	[tilespmem:s5+$0xFFFFFFF0] =	vst v5  }
0xba: {  	[tilespmem:s5+$0x0] =	vst v5  }
0xbb: {  	p2 =	por $0x1, $0x1;
	[tilespmem:s5+$0x10] =	vst v5  }
.Ltmp4:
0xbc: {  	s4 =	simm.s32 $0xD420;
	[tilespmem:s5+$0xFFFFFFE0] =	vst v5;
	(pc) =	sbr.rel @!p2 .LBB2_7-.Ltmp4, $4  }
0xbd: {  	[tilespmem:s4+$0xFFFFFFF0] =	vst v5  }
0xbe: {  	[tilespmem:s4+$0x0] =	vst v5  }
0xbf: {  	[tilespmem:s4+$0x10] =	vst v5  }
0xc0: {  	s10 =	simm.s32 $0xD2E0;
	s1 =	simm.s32 $0x0;
	s5 =	simm.s32 $0x0;
	[tilespmem:s4+$0xFFFFFFE0] =	vst v5  }
.LBB2_6:
0xc1: {  	[tilespmem:s10+$0xFFFFFFF0] =	vst v5;
	s4 =	sadd.s32 $0x40, s4  }
0xc2: {  	s5 =	sadd.s32 $0x4, s5;
	[tilespmem:s4+$0xFFFFFFF0] =	vst v5  }
0xc3: {  	p2 =	slt.u32 s5, $0xC;
	[tilespmem:s10+$0x0] =	vst v5  }
.Ltmp5:
0xc4: {  	[tilespmem:s4+$0x0] =	vst v5;
	(pc) =	sbr.rel @p2 .LBB2_6-.Ltmp5, $4  }
0xc5: {  	[tilespmem:s10+$0x10] =	vst v5  }
0xc6: {  	[tilespmem:s4+$0x10] =	vst v5  }
0xc7: {  	[tilespmem:s10+$0xFFFFFFE0] =	vst v5  }
0xc8: {  	s10 =	sadd.s32 $0x40, s10;
	[tilespmem:s4+$0xFFFFFFE0] =	vst v5  }
.LBB2_7:
0xc9: {  	p2 =	sne.s32 s1, $0x80  }
.Ltmp6:
0xca: {  	_ = 	snop;
	(pc) =	sbr.rel @p2 .LBB2_7-.Ltmp6, $4  }
0xcb: {  	_ = 	snop  }
0xcc: {  	s4 =	sshra.s32 s1, $0x2  }
0xcd: {  	[tilespmem:s4+$0xD380] =	vst v5  }
0xce: {  	s1 =	sadd.s32 $0x40, s1;
	[tilespmem:s4+$0xD500] =	vst v5  }
0xcf: {  	(v2sf) =	vpush v8, $0x0  }
0xd0: {  	(v2sf) =	vpush v7, $0x0  }
0xd1: {  	(v2sf) =	vpush v7, $0x1  }
0xd2: {  	(v2sf) =	vpush v7, $0x2;
	_ =	sdelay $0xa  }
.Ltmp7:
0xd3: {  	_ = 	snop;
	(pc) =	sbr.rel @p0 .LBB2_14-.Ltmp7, $4  }
0xd4: {  	s12 =	spop (v2sf)  }
0xd5: {  	s1 =	spop (v2sf)  }
0xd6: {  	s4 =	spop (v2sf)  }
0xd7: {  	s5 =	spop (v2sf)  }
0xd8: {  	s11 =	simm.s32 $0xA920  }
0xd9: {  	v7 =	vld [tilespmem:s11+$0x0]  }
0xda: {  	v8 =	vld [tilespmem:s11+$0xFFFFFFE0];
	_ =	sdelay $0x2  }
0xdb: {  	v9 =	vld [tilespmem:s11+$0xFFFFFFF0]  }
0xdc: {  	s10 =	simm.s32 $0xA960;
	v10 =	vld [tilespmem:s11+$0x10];
	v7 =	vmul.f32 $1.442695020e+00, v7  }
0xdd: {  	v11 =	vld [tilespmem:s10+$0x0];
	v8 =	vmul.f32 $1.442695020e+00, v8  }
0xde: {  	(erf) = vpow2.f32 v7;
	v7 =	vld [tilespmem:s10+$0xFFFFFFE0]  }
0xdf: {  	(erf) = vpow2.f32 v8;
	v8 =	vld [tilespmem:s10+$0xFFFFFFF0]  }
0xe0: {  	v12 =	vld [tilespmem:s10+$0x10];
	v9 =	vmul.f32 $1.442695020e+00, v9  }
0xe1: {  	v10 =	vmul.f32 $1.442695020e+00, v10  }
0xe2: {  	(erf) = vpow2.f32 v9;
	v9 =	vmul.f32 $1.442695020e+00, v11  }
0xe3: {  	s13 =	simm.s32 $0xA9A0;
	(erf) = vpow2.f32 v10;
	v10 =	vmul.f32 $1.442695020e+00, v7  }
0xe4: {  	v11 =	vld [tilespmem:s13+$0x0];
	(erf) = vpow2.f32 v9;
	v13 =	vmul.f32 $1.442695020e+00, v8  }
0xe5: {  	v12 =	vmul.f32 $1.442695020e+00, v12;
	(erf) = vpow2.f32 v10  }
0xe6: {  	v7 =	vld [tilespmem:s13+$0xFFFFFFE0];
	(erf) = vpow2.f32 v13  }
0xe7: {  	v8 =	vld [tilespmem:s13+$0xFFFFFFF0];
	v63 =	vpop (erf);
	(erf) = vpow2.f32 v12  }
0xe8: {  	v9 =	vld [tilespmem:s13+$0x10]  }
0xe9: {  	s14 =	simm.s32 $0x8;
	s15 =	simm.s32 $0xA9E0;
	v10 =	vmul.f32 $1.442695020e+00, v11;
	[tilespmem:s11+$0x0] =	vst v63;
	v11 =	vpop (erf)  }
.LBB2_10:
0xea: {  	s14 =	sadd.s32 $0x4, s14  }
0xeb: {  	v12 =	vld [tilespmem:s15+$0x0];
	v13 =	vmul.f32 $1.442695020e+00, v7;
	[tilespmem:s11+$0xFFFFFFE0] =	vst v11;
	v11 =	vpop (erf);
	p2 =	slt.u32 s14, $0x60  }
.Ltmp8:
0xec: {  	v7 =	vld [tilespmem:s15+$0xFFFFFFE0];
	v14 =	vmul.f32 $1.442695020e+00, v8;
	(erf) = vpow2.f32 v10;
	[tilespmem:s11+$0xFFFFFFF0] =	vst v11;
	v10 =	vpop (erf);
	(pc) =	sbr.rel @p2 .LBB2_10-.Ltmp8, $4  }
0xed: {  	v8 =	vld [tilespmem:s15+$0xFFFFFFF0];
	v15 =	vmul.f32 $1.442695020e+00, v9;
	(erf) = vpow2.f32 v13;
	[tilespmem:s11+$0x10] =	vst v10;
	s11 =	smov.u32 s10;
	s10 =	smov.u32 s13;
	s13 =	smov.u32 s15  }
0xee: {  	v9 =	vld [tilespmem:s15+$0x10];
	(erf) = vpow2.f32 v14  }
0xef: {  	(erf) = vpow2.f32 v15;
	v11 =	vpop (erf)  }
0xf0: {  	s15 =	sadd.s32 $0x40, s15;
	v10 =	vmul.f32 $1.442695020e+00, v12;
	[tilespmem:s11+$0x0] =	vst v11;
	v11 =	vpop (erf)  }
0xf1: {  	v7 =	vmul.f32 $1.442695020e+00, v7  }
0xf2: {  	v8 =	vmul.f32 $1.442695020e+00, v8;
	(erf) = vpow2.f32 v10  }
0xf3: {  	v9 =	vmul.f32 $1.442695020e+00, v9;
	(erf) = vpow2.f32 v7  }
0xf4: {  	(erf) = vpow2.f32 v8  }
0xf5: {  	[tilespmem:s11+$0xFFFFFFE0] =	vst v11;
	v7 =	vpop (erf);
	(erf) = vpow2.f32 v9  }
0xf6: {  	v8 =	vpop (erf);
	[tilespmem:s11+$0xFFFFFFF0] =	vst v7  }
0xf7: {  	[tilespmem:s11+$0x10] =	vst v8;
	v7 =	vpop (erf)  }
0xf8: {  	[tilespmem:s10+$0x0] =	vst v7;
	v7 =	vpop (erf)  }
0xf9: {  	[tilespmem:s10+$0xFFFFFFE0] =	vst v7;
	v7 =	vpop (erf)  }
0xfa: {  	[tilespmem:s10+$0xFFFFFFF0] =	vst v7;
	v7 =	vpop (erf)  }
0xfb: {  	[tilespmem:s10+$0x10] =	vst v7;
	v7 =	vpop (erf)  }
0xfc: {  	[tilespmem:s13+$0x0] =	vst v7;
	v7 =	vpop (erf)  }
0xfd: {  	[tilespmem:s13+$0xFFFFFFE0] =	vst v7;
	v7 =	vpop (erf)  }
0xfe: {  	[tilespmem:s13+$0xFFFFFFF0] =	vst v7;
	v7 =	vpop (erf)  }
0xff: {  	s11 =	simm.s32 $0x0;
	[tilespmem:s13+$0x10] =	vst v7  }
0x100: {  	v7 =	vld [tilespmem:s11+$0xBF80];
	_ =	sdelay $0x4  }
0x101: {  	v7 =	vmul.f32 $1.442695020e+00, v7  }
0x102: {  	s10 =	simm.s32 $0x10  }
0x103: {  	(erf) = vpow2.f32 v7;
	v7 =	vld [tilespmem:s10+$0xBF80];
	_ =	sdelay $0x4  }
0x104: {  	s13 =	simm.s32 $0x20;
	v8 =	vmul.f32 $1.442695020e+00, v7  }
0x105: {  	v7 =	vld [tilespmem:s13+$0xBF80]  }
0x106: {  	(erf) = vpow2.f32 v8  }
0x107: {  	[tilespmem:s11+$0xC080] =	vst v3  }
0x108: {  	[tilespmem:s10+$0xC080] =	vst v3  }
0x109: {  	s14 =	simm.s32 $0xC0;
	[tilespmem:s13+$0xC080] =	vst v3;
	v8 =	vpop (erf)  }
.LBB2_12:
0x10a: {  	s15 =	sshra.s32 s14, $0x2;
	p2 =	sne.s32 s14, $0x300;
	s14 =	sadd.s32 $0x40, s14;
	v9 =	vmul.f32 $1.442695020e+00, v7;
	[tilespmem:s11+$0xBF80] =	vst v8  }
.Ltmp9:
0x10b: {  	s11 =	smov.u32 s10;
	s10 =	smov.u32 s13;
	v7 =	vld [tilespmem:s15+$0xBF80];
	[tilespmem:s15+$0xC080] =	vst v3;
	(pc) =	sbr.rel @p2 .LBB2_12-.Ltmp9, $2  }
0x10c: {  	s13 =	smov.u32 s15;
	(erf) = vpow2.f32 v9;
	_ =	sdelay $0x2  }
0x10d: {  	v8 =	vpop (erf)  }
0x10e: {  	v7 =	vmul.f32 $1.442695020e+00, v7;
	_ =	sdelay $0x1  }
0x10f: {  	(erf) = vpow2.f32 v7;
	_ =	sdelay $0x7  }
0x110: {  	[tilespmem:s11+$0xBF80] =	vst v8;
	v7 =	vpop (erf)  }
0x111: {  	[tilespmem:s10+$0xBF80] =	vst v7;
	v7 =	vpop (erf)  }
0x112: {  	[tilespmem:s13+$0xBF80] =	vst v7  }
.LBB2_14:
0x113: {  	[tilespmem:$0xD580] =	vst v5  }
0x114: {  	[tilespmem:$0xD600] =	vst v5;
	s6 =	rddreg [dreg:$0x16];
	s5 =	sadd.s32 s5, s4  }
0x115: {  	[tilespmem:s0], [sflag:$0x1] =	stream.strided.gather [hbm4b:s6+s8], $0x800, s16, s8, $0x38;
	[tilespmem:$0xDE50] =	vst v63  }
0x116: {  	s23 =	sshra.s32 s1, $0x1;
	s6 =	sshra.s32 s4, $0x1;
	s10 =	sshra.s32 s5, $0x1  }
0x117: {  	s15 =	sshrl.u32 s23, $0x1E;
	s4 =	ssub.s32 s10, s6;
	s18 =	sshll.u32 s6, $0x7  }
0x118: {  	s30 =	sshll.u32 s6, $0x5;
	s22 =	sshll.u32 s10, $0x5;
	s13 =	sshra.s32 s4, $0x1F  }
0x119: {  	[dreg:$0x1c] =	wrdreg s6;
	s11 =	sshra.s32 s18, $0x2;
	s5 =	sshrl.u32 s13, $0x1E  }
0x11a: {  	s13 =	sshll.u32 s10, $0x7;
	s14 =	sadd.s32 s5, s4;
	s5 =	sadd.s32 s15, s23  }
0x11b: {  	s15 =	sshll.u32 s10, $0x6;
	s1 =	sand.u32 $0xFFFFFFFC, s14;
	s25 =	sand.u32 $0xFFFFFFFC, s5  }
0x11c: {  	s5 =	sadd.s32 $0x40, s11;
	s11 =	sadd.s32 $0x5FC0, s11;
	s16 =	ssub.s32 s4, s1  }
0x11d: {  	s26 =	sadd.s32 s6, s1;
	s1 =	ssub.s32 s23, s25;
	p2 =	slt.s32 s25, $0x1  }
0x11e: {  	s14 =	sshll.u32 s16, $0x7;
	s19 =	sshll.u32 s16, $0x6;
	[dreg:$0x1d] =	wrdreg s16  }
0x11f: {  	s18 =	sshll.u32 s16, $0x5;
	s16 =	sshll.u32 s23, $0x7;
	s8 =	simm.s32 @!p2 $0x0  }
0x120: {  	s13 =	ssub.s32 s13, s14;
	s24 =	ssub.s32 s15, s19;
	s28 =	ssub.s32 s22, s18  }
0x121: {  	s18 =	sshll.u32 s1, $0x7;
	s19 =	sshll.u32 s23, $0x6;
	s22 =	sshll.u32 s1, $0x6  }
0x122: {  	s8 =	simm.s32 @p2 $0x1;
	p2 =	slt.s32 s1, $0x1;
	[dreg:$0x1e] =	wrdreg s24  }
0x123: {  	s13 =	sshra.s32 s13, $0x2;
	[dreg:$0x1f] =	wrdreg s28;
	s24 =	sshll.u32 s23, $0x5  }
0x124: {  	s28 =	sshll.u32 s1, $0x5;
	s19 =	ssub.s32 s19, s22;
	[smem:$0x7FC] =	sst s8  }
0x125: {  	s1 =	simm.s32 @!p2 $0x0;
	s14 =	sadd.s32 $0x5F90, s13;
	[smem:$0x7F8] =	sst s19  }
0x126: {  	s15 =	sor.u32 $0x10, s13;
	s13 =	ssub.s32 s16, s18;
	[smem:$0x7F6] =	sst s14  }
.Ltmp10:
0x127: {  	s22 =	ssub.s32 s24, s28;
	[smem:$0x7F7] =	sst s15;
	(pc) =	sbr.rel .LBB2_15-.Ltmp10, $4  }
0x128: {  	s1 =	simm.s32 @p2 $0x1;
	s13 =	sshra.s32 s13, $0x2;
	[smem:$0x7F9] =	sst s22  }
0x129: {  	s4 =	sshll.u32 s6, $0x6;
	[smem:$0x7FD] =	sst s1;
	s24 =	sadd.s32 $0x5F90, s13  }
0x12a: {  	p4 =	sge.s32 s6, s26;
	s28 =	sor.u32 $0x10, s13;
	[smem:$0x7FA] =	sst s24  }
0x12b: {  	p5 =	sge.s32 s26, s10;
	s14 =	simm.s32 $0x0;
	[smem:$0x7FB] =	sst s28  }
.LBB2_82:
0x12c: {  	[bflag:$0x0] =	sbarrier.arrive $0xFFFF  }
.LBB2_83:
0x12d: {  	s14 =	sadd.s32 $0x1, s14  }
0x12e: {  	p2 =	sne.s32 s14, $0x96  }
.Ltmp11:
0x12f: {  	_ = 	snop;
	(pc) =	sbr.rel @!p2 .LBB2_84-.Ltmp11, $1  }
0x130: {  	_ =	sdelay $0x3  }
.LBB2_15:
0x131: {  	s19 =	sshllo.u32 s14, $0x1  }
0x132: {  	p6 =	sge.s32 s19, s12  }
0x133: {  	s22 =	sshll.u32 s14, $0x1;
	s1 =	sshll.u32 @!p6 s14, $0xC  }
0x134: {  	p2 =	sge.s32 s22, s12;
	s10 =	sshll.u32 @!p6 s19, $0x7;
	s1 =	sand.u32 @!p6 $0xFC000, s1  }
.Ltmp12:
0x135: {  	s10 =	sand.u32 @!p6 $0x380, s10;
	s1 =	sadd.s32 @!p6 s17, s1;
	(pc) =	sbr.rel @p2 .LBB2_48-.Ltmp12, $4  }
0x136: {  	s1 =	sor.u32 @!p6 s1, s10  }
0x137: {  	s13 =	simm.s32 @!p6 $0x400;
	s1 =	sshrl.u32 @!p6 s1, $0x3  }
0x138: {  	s15 =	simm.s32 @!p6 $0xC980;
	s10 =	simm.s32 @!p6 $0x80;
	s1 =	sadd.s32 @!p6 s7, s1  }
0x139: {  	[tilespmem:s15], [sflag:$0x2] =	stream.strided.gather @!p6 [hbm4b:s1+s10], $0x800, s13, s10, $0x38;
	[tilespmem:$0xDE50] =	vst v63  }
0x13a: {  	s1 =	simm.s32 $0x1  }
0x13b: {  	_ =	swait.ge [sflag:s1], $0x800  }
0x13c: {  	[sflag:s1] =	ssyncset.done $0x0  }
0x13d: {  	s16 =	simm.s32 $0xC1C0;
	[sflag:s1] =	ssyncadd.s32 $0xFFFFF800  }
0x13e: {  	v7 =	vld [tilespmem:s16+$0xFFFFFFD0]  }
0x13f: {  	v8 =	vld [tilespmem:s16+$0x30]  }
0x140: {  	v9 =	vld [tilespmem:s16+$0x20]  }
0x141: {  	v10 =	vld [tilespmem:s16+$0x10]  }
0x142: {  	v11 =	vld [tilespmem:s16+$0xFFFFFFF0]  }
0x143: {  	v12 =	vld [tilespmem:s16+$0xFFFFFFC0]  }
0x144: {  	v13 =	vld [tilespmem:s16+$0x0]  }
0x145: {  	s15 =	simm.s32 $0xC240;
	v14 =	vld [tilespmem:s16+$0xFFFFFFE0]  }
0x146: {  	v15 =	vld [tilespmem:s15+$0xFFFFFFD0]  }
0x147: {  	v17 =	vld [tilespmem:s15+$0x20];
	_ =	sdelay $0x1  }
0x148: {  	v7 =	vmax.f32 v7, $-3.000000000e+01  }
0x149: {  	v9 =	vmax.f32 v9, $-3.000000000e+01;
	v8 =	vmax.f32 v8, $-3.000000000e+01;
	v11 =	vmax.f32 v11, $-3.000000000e+01  }
0x14a: {  	v12 =	vmax.f32 v12, $-3.000000000e+01;
	v10 =	vmax.f32 v10, $-3.000000000e+01;
	v13 =	vmax.f32 v13, $-3.000000000e+01  }
0x14b: {  	v14 =	vmax.f32 v14, $-3.000000000e+01;
	v15 =	vmax.f32 v15, $-3.000000000e+01;
	v17 =	vmax.f32 v17, $-3.000000000e+01  }
0x14c: {  	v7 =	vmin.f32 v7, $3.000000000e+01;
	v9 =	vmin.f32 v9, $3.000000000e+01;
	v8 =	vmin.f32 v8, $3.000000000e+01  }
0x14d: {  	v16 =	vld [tilespmem:s15+$0x30];
	v13 =	vmin.f32 v13, $3.000000000e+01;
	v9 =	vmul.f32 $1.442695020e+00, v9;
	v7 =	vmul.f32 $1.442695020e+00, v7  }
0x14e: {  	v10 =	vmin.f32 v10, $3.000000000e+01;
	v8 =	vmul.f32 $1.442695020e+00, v8;
	v13 =	vmul.f32 $1.442695020e+00, v13  }
0x14f: {  	v18 =	vld [tilespmem:s15+$0x10];
	v14 =	vmin.f32 v14, $3.000000000e+01;
	v10 =	vmul.f32 $1.442695020e+00, v10;
	(erf) = vpow2.f32 v9  }
0x150: {  	v11 =	vmin.f32 v11, $3.000000000e+01;
	v14 =	vmul.f32 $1.442695020e+00, v14;
	v9 =	vld [tilespmem:s15+$0xFFFFFFF0];
	(erf) = vpow2.f32 v7  }
0x151: {  	v12 =	vmin.f32 v12, $3.000000000e+01;
	v11 =	vmul.f32 $1.442695020e+00, v11;
	v7 =	vld [tilespmem:s15+$0xFFFFFFC0];
	(erf) = vpow2.f32 v10  }
0x152: {  	v16 =	vmax.f32 v16, $-3.000000000e+01;
	v12 =	vmul.f32 $1.442695020e+00, v12;
	v10 =	vld [tilespmem:s15+$0x0];
	(erf) = vpow2.f32 v8  }
0x153: {  	v8 =	vmin.f32 v15, $3.000000000e+01;
	v15 =	vmin.f32 v17, $3.000000000e+01;
	(erf) = vpow2.f32 v11;
	v11 =	vld [tilespmem:s15+$0xFFFFFFE0]  }
0x154: {  	v16 =	vmin.f32 v16, $3.000000000e+01;
	v15 =	vmul.f32 $1.442695020e+00, v15;
	v8 =	vmul.f32 $1.442695020e+00, v8  }
0x155: {  	s28 =	simm.s32 $0xC2C0;
	v9 =	vmax.f32 v9, $-3.000000000e+01;
	(erf) = vpow2.f32 v13;
	v13 =	vmul.f32 $1.442695020e+00, v16  }
0x156: {  	v17 =	vmax.f32 v7, $-3.000000000e+01;
	v7 =	vmax.f32 v18, $-3.000000000e+01;
	v18 =	vld [tilespmem:s28+$0xFFFFFFD0];
	(erf) = vpow2.f32 v14  }
0x157: {  	v16 =	vld [tilespmem:s28+$0x30];
	v19 =	vmin.f32 v9, $3.000000000e+01;
	v10 =	vmax.f32 v10, $-3.000000000e+01;
	v7 =	vmin.f32 v7, $3.000000000e+01  }
0x158: {  	v14 =	vld [tilespmem:s28+$0x20];
	(erf) = vpow2.f32 v12;
	v9 =	vmax.f32 v11, $-3.000000000e+01;
	v11 =	vmul.f32 $1.442695020e+00, v7  }
0x159: {  	v20 =	vld [tilespmem:s28+$0x10];
	v10 =	vmin.f32 v10, $3.000000000e+01;
	(erf) = vpow2.f32 v15  }
0x15a: {  	v12 =	vpop (erf);
	v7 =	vmul.f32 $1.442695020e+00, v10;
	v10 =	vld [tilespmem:s28+$0xFFFFFFF0];
	(erf) = vpow2.f32 v8;
	v9 =	vmin.f32 v9, $3.000000000e+01  }
0x15b: {  	[tilespmem:s16+$0x20] =	vst v12;
	v8 =	vpop (erf);
	v12 =	vmin.f32 v17, $3.000000000e+01;
	v17 =	vld [tilespmem:s28+$0xFFFFFFC0];
	(erf) = vpow2.f32 v11;
	v15 =	vmax.f32 v18, $-3.000000000e+01  }
0x15c: {  	[tilespmem:s16+$0xFFFFFFD0] =	vst v8;
	v8 =	vmul.f32 $1.442695020e+00, v12;
	v12 =	vmul.f32 $1.442695020e+00, v19;
	v18 =	vmin.f32 v15, $3.000000000e+01;
	v15 =	vld [tilespmem:s28+$0x0];
	v11 =	vpop (erf)  }
0x15d: {  	v16 =	vmax.f32 v16, $-3.000000000e+01;
	v14 =	vmax.f32 v14, $-3.000000000e+01;
	(erf) = vpow2.f32 v13;
	[tilespmem:s16+$0x10] =	vst v11;
	v11 =	vpop (erf)  }
0x15e: {  	v9 =	vmul.f32 $1.442695020e+00, v9;
	v13 =	vmin.f32 v14, $3.000000000e+01;
	(erf) = vpow2.f32 v12;
	[tilespmem:s16+$0x30] =	vst v11;
	v11 =	vpop (erf)  }
0x15f: {  	v16 =	vmin.f32 v16, $3.000000000e+01;
	v13 =	vmul.f32 $1.442695020e+00, v13;
	v12 =	vmul.f32 $1.442695020e+00, v18;
	[tilespmem:s16+$0xFFFFFFF0] =	vst v11;
	v19 =	vpop (erf);
	v11 =	vld [tilespmem:s28+$0xFFFFFFE0]  }
0x160: {  	s10 =	simm.s32 $0xC340;
	s1 =	simm.s32 $0x10;
	v14 =	vmax.f32 v10, $-3.000000000e+01;
	v10 =	vmax.f32 v17, $-3.000000000e+01;
	v17 =	vmax.f32 v20, $-3.000000000e+01;
	[tilespmem:s16+$0x0] =	vst v19;
	v18 =	vpop (erf)  }
.LBB2_17:
0x161: {  	v19 =	vld [tilespmem:s10+$0xFFFFFFD0];
	s1 =	sadd.s32 $0x8, s1;
	v15 =	vmax.f32 v15, $-3.000000000e+01;
	v16 =	vmul.f32 $1.442695020e+00, v16;
	(erf) = vpow2.f32 v7;
	[tilespmem:s16+$0xFFFFFFE0] =	vst v18;
	v7 =	vpop (erf)  }
0x162: {  	v17 =	vmin.f32 v17, $3.000000000e+01;
	v18 =	vld [tilespmem:s10+$0x30];
	p2 =	slt.u32 s1, $0x78;
	v15 =	vmin.f32 v15, $3.000000000e+01;
	(erf) = vpow2.f32 v9;
	v9 =	vpop (erf);
	[tilespmem:s16+$0xFFFFFFC0] =	vst v7;
	s16 =	smov.u32 s15;
	s15 =	smov.u32 s28  }
0x163: {  	v14 =	vmin.f32 v14, $3.000000000e+01;
	s28 =	smov.u32 s10;
	v20 =	vld [tilespmem:s10+$0x20];
	v7 =	vmul.f32 $1.442695020e+00, v15;
	[tilespmem:s16+$0x20] =	vst v9;
	(erf) = vpow2.f32 v8;
	v8 =	vpop (erf)  }
0x164: {  	v15 =	vmul.f32 $1.442695020e+00, v17;
	v21 =	vld [tilespmem:s10+$0x10];
	v9 =	vmax.f32 v11, $-3.000000000e+01;
	(erf) = vpow2.f32 v13;
	[tilespmem:s16+$0xFFFFFFD0] =	vst v8;
	v8 =	vpop (erf)  }
0x165: {  	v10 =	vmin.f32 v10, $3.000000000e+01;
	v13 =	vld [tilespmem:s10+$0xFFFFFFF0];
	v9 =	vmin.f32 v9, $3.000000000e+01;
	(erf) = vpow2.f32 v12;
	[tilespmem:s16+$0x10] =	vst v8  }
0x166: {  	v12 =	vld [tilespmem:s10+$0xFFFFFFC0];
	v17 =	vmax.f32 v19, $-3.000000000e+01;
	v9 =	vmul.f32 $1.442695020e+00, v9;
	(erf) = vpow2.f32 v15;
	v11 =	vpop (erf)  }
.Ltmp13:
0x167: {  	v8 =	vmul.f32 $1.442695020e+00, v10;
	v10 =	vmul.f32 $1.442695020e+00, v14;
	v15 =	vld [tilespmem:s10+$0x0];
	[tilespmem:s16+$0x30] =	vst v11;
	v11 =	vpop (erf);
	(pc) =	sbr.rel @p2 .LBB2_17-.Ltmp13, $4  }
0x168: {  	v19 =	vmax.f32 v18, $-3.000000000e+01;
	v14 =	vmax.f32 v20, $-3.000000000e+01;
	(erf) = vpow2.f32 v16;
	[tilespmem:s16+$0xFFFFFFF0] =	vst v11  }
0x169: {  	v17 =	vmin.f32 v17, $3.000000000e+01;
	v16 =	vmin.f32 v14, $3.000000000e+01;
	(erf) = vpow2.f32 v10  }
0x16a: {  	v11 =	vld [tilespmem:s10+$0xFFFFFFE0];
	v14 =	vmax.f32 v13, $-3.000000000e+01;
	v13 =	vmul.f32 $1.442695020e+00, v16;
	v16 =	vmin.f32 v19, $3.000000000e+01;
	v18 =	vpop (erf)  }
0x16b: {  	s10 =	sadd.s32 $0x80, s10;
	v10 =	vmax.f32 v12, $-3.000000000e+01;
	v12 =	vmul.f32 $1.442695020e+00, v17;
	v17 =	vmax.f32 v21, $-3.000000000e+01;
	[tilespmem:s16+$0x0] =	vst v18;
	v18 =	vpop (erf)  }
0x16c: {  	(erf) = vpow2.f32 v7  }
0x16d: {  	v7 =	vmul.f32 $1.442695020e+00, v16;
	v55 =	vmin.f32 v17, $3.000000000e+01;
	(erf) = vpow2.f32 v9  }
0x16e: {  	v14 =	vmin.f32 v14, $3.000000000e+01;
	v9 =	vmul.f32 $1.442695020e+00, v55;
	(erf) = vpow2.f32 v8  }
0x16f: {  	[tilespmem:s16+$0xFFFFFFE0] =	vst v18;
	v56 =	vpop (erf);
	v59 =	vmul.f32 $1.442695020e+00, v14;
	v8 =	vmax.f32 v15, $-3.000000000e+01;
	(erf) = vpow2.f32 v13  }
0x170: {  	v57 =	vpop (erf);
	[tilespmem:s16+$0xFFFFFFC0] =	vst v56;
	v8 =	vmin.f32 v8, $3.000000000e+01;
	v11 =	vmax.f32 v11, $-3.000000000e+01;
	(erf) = vpow2.f32 v12  }
0x171: {  	[tilespmem:s15+$0x20] =	vst v57;
	v58 =	vpop (erf);
	v8 =	vmul.f32 $1.442695020e+00, v8;
	v11 =	vmin.f32 v11, $3.000000000e+01;
	(erf) = vpow2.f32 v9  }
0x172: {  	[tilespmem:s15+$0xFFFFFFD0] =	vst v58;
	v60 =	vpop (erf);
	v61 =	vmul.f32 $1.442695020e+00, v11;
	(erf) = vpow2.f32 v7;
	v7 =	vmin.f32 v10, $3.000000000e+01  }
0x173: {  	[tilespmem:s15+$0x10] =	vst v60;
	v62 =	vpop (erf);
	(erf) = vpow2.f32 v59;
	v7 =	vmul.f32 $1.442695020e+00, v7  }
0x174: {  	[tilespmem:s15+$0x30] =	vst v62;
	v63 =	vpop (erf);
	(erf) = vpow2.f32 v8  }
0x175: {  	[tilespmem:s15+$0xFFFFFFF0] =	vst v63;
	v8 =	vpop (erf);
	(erf) = vpow2.f32 v61  }
0x176: {  	[tilespmem:s15+$0x0] =	vst v8;
	v8 =	vpop (erf);
	(erf) = vpow2.f32 v7  }
0x177: {  	v7 =	vpop (erf);
	[tilespmem:s15+$0xFFFFFFE0] =	vst v8  }
0x178: {  	v8 =	vpop (erf);
	[tilespmem:s15+$0xFFFFFFC0] =	vst v7  }
0x179: {  	[tilespmem:s28+$0x20] =	vst v8;
	v7 =	vpop (erf)  }
0x17a: {  	[tilespmem:s28+$0xFFFFFFD0] =	vst v7;
	v7 =	vpop (erf)  }
0x17b: {  	[tilespmem:s28+$0x10] =	vst v7;
	v7 =	vpop (erf)  }
0x17c: {  	[tilespmem:s28+$0x30] =	vst v7;
	v7 =	vpop (erf)  }
0x17d: {  	[tilespmem:s28+$0xFFFFFFF0] =	vst v7;
	v7 =	vpop (erf)  }
0x17e: {  	[tilespmem:s28+$0x0] =	vst v7;
	v7 =	vpop (erf)  }
0x17f: {  	[tilespmem:s28+$0xFFFFFFE0] =	vst v7;
	v7 =	vpop (erf)  }
.Ltmp14:
0x180: {  	[tilespmem:s28+$0xFFFFFFC0] =	vst v7;
	(pc) =	sbr.rel @p1 .LBB2_33-.Ltmp14, $1  }
0x181: {  	v7 =	vld [tilespmem:$0xD580];
	_ =	sdelay $0x3  }
0x182: {  	s1 =	sld [smem:$0x7FC];
	_ =	sdelay $0x2  }
0x183: {  	p2 =	seq.s32 s1, $0x1  }
.Ltmp15:
0x184: {  	_ = 	snop;
	(pc) =	sbr.rel @p2 .LBB2_27-.Ltmp15, $1  }
0x185: {  	_ =	sdelay $0x3  }
0x186: {  	s13 =	simm.s32 $0x0  }
0x187: {  	s13 =	sand.u32 $0x1, s13  }
0x188: {  	s10 =	simm.s32 $0x40;
	s13 =	sadd.s32 $0x0, s13  }
0x189: {  	v8 =	vld [tilespmem:s10+$0x20];
	s16 =	sor.u32 $0xC0, s13  }
0x18a: {  	s16 =	sshra.s32 s16, $0x1  }
0x18b: {  	v10 =	vld [tilespmem:s16+$0x3F80]  }
0x18c: {  	s15 =	simm.s32 $0x0;
	v11 =	vld [tilespmem:s10+$0xFFFFFFC0]  }
0x18d: {  	s15 =	sand.u32 $0xFFFFFF80, s15;
	v12 =	vld [tilespmem:s10+$0xFFFFFFE0]  }
0x18e: {  	v9 =	vld [tilespmem:s15+$0x3F80];
	v13 =	vand.u32 $0xFFFF, v8  }
0x18f: {  	s1 =	simm.s32 $0x5FC0;
	v15 =	vld [tilespmem:s10+$0x0]  }
0x190: {  	v21 =	vld [tilespmem:s1+$0x20];
	s13 =	sor.u32 $0x80, s13;
	v17 =	vunpack.i.l.s16.s32 v10  }
0x191: {  	v18 =	vld [tilespmem:s15+$0x3FA0];
	s13 =	sshra.s32 s13, $0x1;
	v19 =	vand.u32 $0xFFFF, v11  }
0x192: {  	v16 =	vld [tilespmem:s13+$0x3F80];
	v20 =	vand.u32 $0xFFFF, v12  }
0x193: {  	v14 =	vunpack.i.l.s16.s32 v9;
	v13 =	vld.idx.msk [tilespmem:v13+s3+$0x0], $0xffff  }
0x194: {  	v25 =	vld [tilespmem:s1+$0xFFFFFFC0];
	v22 =	vand.u32 $0xFFFF, v15  }
0x195: {  	v17 =	vld.idx.msk [tilespmem:v17+s0+$0x0], $0xffff  }
0x196: {  	v19 =	vld.idx.msk [tilespmem:v19+s3+$0x0], $0xffff  }
0x197: {  	v23 =	vunpack.i.l.s16.s32 v16;
	v20 =	vld.idx.msk [tilespmem:v20+s3+$0x0], $0xffff  }
0x198: {  	v24 =	vunpack.i.l.s16.s32 v18;
	v14 =	vld.idx.msk [tilespmem:v14+s0+$0x0], $0xffff;
	v13 =	vmul.f32 v21, v13  }
0x199: {  	v8 =	vshrl.u32 v8, $0x10;
	v21 =	vld.idx.msk [tilespmem:v22+s3+$0x0], $0xffff  }
0x19a: {  	v22 =	vld [tilespmem:s1+$0x0];
	v13 =	vmul.f32 v13, v17  }
0x19b: {  	v17 =	vld [tilespmem:s1+$0xFFFFFFE0]  }
0x19c: {  	v23 =	vld.idx.msk [tilespmem:v23+s0+$0x0], $0xffff;
	v19 =	vmul.f32 v25, v19;
	v13 =	vmul.f32 v13, v7  }
0x19d: {  	v11 =	vshrl.u32 v11, $0x10;
	v24 =	vld.idx.msk [tilespmem:v24+s0+$0x0], $0xffff  }
0x19e: {  	[tilespmem:v8+s2+$0x0] =	vst.idx.add.f32.msk $0xffff, v13;
	v8 =	vmul.f32 v19, v14  }
0x19f: {  	v13 =	vmul.f32 v22, v21;
	v21 =	vld [tilespmem:s10+$0x30]  }
0x1a0: {  	v14 =	vshrl.u32 v15, $0x10;
	v15 =	vmul.f32 v17, v20;
	v8 =	vmul.f32 v8, v7  }
0x1a1: {  	v12 =	vshrl.u32 v12, $0x10;
	v25 =	vld [tilespmem:s1+$0x30];
	v13 =	vmul.f32 v13, v23  }
0x1a2: {  	v15 =	vmul.f32 v15, v24;
	[tilespmem:v11+s2+$0x0] =	vst.idx.add.f32.msk $0xffff, v8  }
0x1a3: {  	v8 =	vmul.f32 v13, v7;
	v11 =	vld [tilespmem:s10+$0xFFFFFFD0]  }
0x1a4: {  	v13 =	vmul.f32 v15, v7;
	v17 =	vld [tilespmem:s1+$0xFFFFFFD0];
	v15 =	vand.u32 $0xFFFF, v21  }
0x1a5: {  	[tilespmem:v14+s2+$0x0] =	vst.idx.add.f32.msk $0xffff, v8;
	v8 =	vunpack.i.u.s16.s32 v10  }
0x1a6: {  	[tilespmem:v12+s2+$0x0] =	vst.idx.add.f32.msk $0xffff, v13  }
0x1a7: {  	v16 =	vunpack.i.u.s16.s32 v16;
	v19 =	vld [tilespmem:s10+$0xFFFFFFF0]  }
0x1a8: {  	v14 =	vld [tilespmem:s10+$0x10];
	v10 =	vand.u32 $0xFFFF, v11  }
0x1a9: {  	p3 =	sgt.s32 s25, $0x4;
	v24 =	vld.idx.msk [tilespmem:v15+s3+$0x0], $0xffff  }
.Ltmp16:
0x1aa: {  	v20 =	vld.idx.msk [tilespmem:v8+s0+$0x0], $0xffff;
	(pc) =	sbr.rel @!p3 .LBB2_21-.Ltmp16, $4  }
0x1ab: {  	v15 =	vld [tilespmem:s1+$0x10]  }
0x1ac: {  	v21 =	vshrl.u32 v21, $0x10;
	v8 =	vshrl.u32 v19, $0x10;
	v23 =	vand.u32 $0xFFFF, v19;
	v19 =	vld.idx.msk [tilespmem:v16+s0+$0x0], $0xffff  }
0x1ad: {  	v12 =	vunpack.i.u.s16.s32 v9;
	v13 =	vunpack.i.u.s16.s32 v18;
	v9 =	vshrl.u32 v11, $0x10;
	v18 =	vld.idx.msk [tilespmem:v10+s3+$0x0], $0xffff  }
0x1ae: {  	p2 =	por $0x0, $0x0;
	v22 =	vand.u32 $0xFFFF, v14;
	v10 =	vshrl.u32 v14, $0x10;
	v14 =	vld [tilespmem:s1+$0xFFFFFFF0];
	v24 =	vmul.f32 v25, v24  }
0x1af: {  	_ =	sdelay $0x3  }
0x1b0: {  	v11 =	vld.idx.msk [tilespmem:v22+s3+$0x0], $0xffff  }
0x1b1: {  	v12 =	vld.idx.msk [tilespmem:v12+s0+$0x0], $0xffff  }
0x1b2: {  	s1 =	simm.s32 $0x1;
	s15 =	simm.s32 $0xC0;
	v16 =	vmul.f32 v24, v20;
	v20 =	vld.idx.msk [tilespmem:v23+s3+$0x0], $0xffff  }
0x1b3: {  	s1 =	sand.u32 $0x1, s1;
	v22 =	vld [tilespmem:s15+$0x20]  }
0x1b4: {  	v24 =	vld [tilespmem:s15+$0xFFFFFFE0];
	s1 =	sadd.s32 $0x80, s1;
	v16 =	vmul.f32 v16, v7  }
0x1b5: {  	v26 =	vld [tilespmem:s15+$0x0];
	s13 =	sor.u32 $0xC0, s1  }
0x1b6: {  	s13 =	sshra.s32 s13, $0x1;
	[tilespmem:v21+s2+$0x0] =	vst.idx.add.f32.msk $0xffff, v16  }
0x1b7: {  	s10 =	simm.s32 $0x40;
	s16 =	simm.s32 $0x6040;
	v16 =	vld [tilespmem:s13+$0x3F80]  }
0x1b8: {  	s10 =	sand.u32 $0xFFFFFF80, s10;
	v33 =	vld [tilespmem:s16+$0x20]  }
0x1b9: {  	v23 =	vld [tilespmem:s10+$0x3F80]  }
0x1ba: {  	v21 =	vld [tilespmem:s15+$0xFFFFFFC0];
	v25 =	vand.u32 $0xFFFF, v22  }
0x1bb: {  	v29 =	vld [tilespmem:s10+$0x3FA0];
	v32 =	vand.u32 $0xFFFF, v24  }
0x1bc: {  	v61 =	vld [tilespmem:s16+$0xFFFFFFC0];
	s1 =	sor.u32 $0x80, s1;
	v30 =	vunpack.i.l.s16.s32 v16  }
0x1bd: {  	v17 =	vmul.f32 v17, v18;
	v18 =	vld [tilespmem:s16+$0xFFFFFFE0];
	s1 =	sshra.s32 s1, $0x1;
	v34 =	vand.u32 $0xFFFF, v26  }
0x1be: {  	v28 =	vld [tilespmem:s1+$0x3F80];
	v27 =	vunpack.i.l.s16.s32 v23  }
0x1bf: {  	v31 =	vand.u32 $0xFFFF, v21;
	v25 =	vld.idx.msk [tilespmem:v25+s3+$0x0], $0xffff  }
0x1c0: {  	v36 =	vunpack.i.l.s16.s32 v29;
	v32 =	vld.idx.msk [tilespmem:v32+s3+$0x0], $0xffff  }
0x1c1: {  	v30 =	vld.idx.msk [tilespmem:v30+s0+$0x0], $0xffff  }
0x1c2: {  	v34 =	vld.idx.msk [tilespmem:v34+s3+$0x0], $0xffff  }
0x1c3: {  	v35 =	vunpack.i.l.s16.s32 v28;
	v27 =	vld.idx.msk [tilespmem:v27+s0+$0x0], $0xffff  }
0x1c4: {  	v31 =	vld.idx.msk [tilespmem:v31+s3+$0x0], $0xffff;
	v25 =	vmul.f32 v33, v25  }
0x1c5: {  	v11 =	vmul.f32 v15, v11;
	v12 =	vmul.f32 v17, v12;
	v22 =	vshrl.u32 v22, $0x10;
	v63 =	vld.idx.msk [tilespmem:v36+s0+$0x0], $0xffff  }
0x1c6: {  	v15 =	vmul.f32 v25, v30;
	v25 =	vld [tilespmem:s16+$0x0]  }
0x1c7: {  	v11 =	vmul.f32 v11, v19;
	v12 =	vmul.f32 v12, v7  }
0x1c8: {  	v19 =	vld.idx.msk [tilespmem:v35+s0+$0x0], $0xffff;
	v18 =	vmul.f32 v18, v32;
	v15 =	vmul.f32 v15, v7  }
0x1c9: {  	v24 =	vshrl.u32 v24, $0x10;
	[tilespmem:v9+s2+$0x0] =	vst.idx.add.f32.msk $0xffff, v12;
	v62 =	vmul.f32 v61, v31  }
0x1ca: {  	v11 =	vmul.f32 v11, v7;
	v21 =	vshrl.u32 v21, $0x10;
	v9 =	vmul.f32 v18, v63;
	[tilespmem:v22+s2+$0x0] =	vst.idx.add.f32.msk $0xffff, v15  }
0x1cb: {  	v15 =	vmul.f32 v62, v27;
	v17 =	vmul.f32 v25, v34;
	v25 =	vld [tilespmem:s15+$0x30]  }
0x1cc: {  	v13 =	vld.idx.msk [tilespmem:v13+s0+$0x0], $0xffff;
	v9 =	vmul.f32 v9, v7;
	v22 =	vshrl.u32 v26, $0x10  }
0x1cd: {  	[tilespmem:v10+s2+$0x0] =	vst.idx.add.f32.msk $0xffff, v11;
	v10 =	vmul.f32 v15, v7;
	v11 =	vmul.f32 v17, v19  }
0x1ce: {  	[tilespmem:v24+s2+$0x0] =	vst.idx.add.f32.msk $0xffff, v9  }
0x1cf: {  	[tilespmem:v21+s2+$0x0] =	vst.idx.add.f32.msk $0xffff, v10;
	v10 =	vmul.f32 v11, v7  }
0x1d0: {  	v18 =	vld [tilespmem:s15+$0xFFFFFFD0];
	v11 =	vand.u32 $0xFFFF, v25  }
0x1d1: {  	[tilespmem:v22+s2+$0x0] =	vst.idx.add.f32.msk $0xffff, v10  }
0x1d2: {  	v9 =	vunpack.i.u.s16.s32 v16;
	v16 =	vld [tilespmem:s15+$0x10]  }
0x1d3: {  	v19 =	vld [tilespmem:s15+$0xFFFFFFF0]  }
0x1d4: {  	v24 =	vld [tilespmem:s16+$0x30]  }
0x1d5: {  	v10 =	vand.u32 $0xFFFF, v18;
	v21 =	vld.idx.msk [tilespmem:v11+s3+$0x0], $0xffff  }
0x1d6: {  	p3 =	sgt.s32 s25, $0x8;
	v26 =	vunpack.i.u.s16.s32 v28;
	v17 =	vld [tilespmem:s16+$0xFFFFFFD0];
	v11 =	vmul.f32 v14, v20  }
.Ltmp17:
0x1d7: {  	v20 =	vld.idx.msk [tilespmem:v9+s0+$0x0], $0xffff;
	v22 =	vand.u32 $0xFFFF, v16;
	(pc) =	sbr.rel @!p3 .LBB2_23-.Ltmp17, $4  }
0x1d8: {  	v12 =	vunpack.i.u.s16.s32 v23;
	v15 =	vld [tilespmem:s16+$0x10];
	v23 =	vand.u32 $0xFFFF, v19;
	v9 =	vmul.f32 v11, v13  }
0x1d9: {  	v14 =	vld [tilespmem:s16+$0xFFFFFFF0];
	v13 =	vunpack.i.u.s16.s32 v29  }
0x1da: {  	v11 =	vmul.f32 v9, v7;
	v9 =	vshrl.u32 v18, $0x10;
	v18 =	vld.idx.msk [tilespmem:v10+s3+$0x0], $0xffff;
	v24 =	vmul.f32 v24, v21  }
0x1db: {  	s18 =	simm.s32 $0x8;
	s28 =	simm.s32 $0x100;
	p2 =	por $0x1, $0x1;
	v10 =	vshrl.u32 v16, $0x10;
	v16 =	vshrl.u32 v19, $0x10;
	v19 =	vld.idx.msk [tilespmem:v26+s0+$0x0], $0xffff;
	v21 =	vshrl.u32 v25, $0x10  }
.LBB2_24:
0x1dc: {  	s1 =	sshrl.u32 s28, $0x7;
	s10 =	sshra.s32 s28, $0x1;
	s18 =	sadd.s32 $0x4, s18;
	v22 =	vld.idx.msk [tilespmem:v22+s3+$0x0], $0xffff;
	v20 =	vmul.f32 v24, v20  }
0x1dd: {  	s1 =	sand.u32 $0x1, s1;
	s10 =	sand.u32 $0xFFFFFF80, s10;
	p3 =	slt.s32 s18, s25;
	v23 =	vld.idx.msk [tilespmem:v23+s3+$0x0], $0xffff  }
0x1de: {  	s15 =	sadd.s32 $0x80, s15;
	v24 =	vld [tilespmem:s10+$0x3F80];
	s1 =	sadd.s32 s1, s28;
	v20 =	vmul.f32 v20, v7  }
0x1df: {  	v17 =	vmul.f32 v17, v18;
	s13 =	sor.u32 $0x80, s1;
	s1 =	sor.u32 $0xC0, s1;
	v25 =	vld [tilespmem:s15+$0x20]  }
0x1e0: {  	s13 =	sshra.s32 s13, $0x1;
	s1 =	sshra.s32 s1, $0x1;
	[tilespmem:v21+s2+$0x0] =	vst.idx.add.f32.msk $0xffff, v20  }
0x1e1: {  	v18 =	vld [tilespmem:s1+$0x3F80]  }
0x1e2: {  	v15 =	vmul.f32 v15, v22;
	v20 =	vld [tilespmem:s15+$0xFFFFFFC0]  }
0x1e3: {  	v14 =	vmul.f32 v14, v23;
	v21 =	vunpack.i.u.s16.s32 v24;
	v22 =	vunpack.i.l.s16.s32 v24;
	v24 =	vld [tilespmem:s15+$0xFFFFFFE0]  }
0x1e4: {  	v15 =	vmul.f32 v15, v19;
	v23 =	vld [tilespmem:s15+$0x0];
	v26 =	vand.u32 $0xFFFF, v25  }
0x1e5: {  	v19 =	vld [tilespmem:s13+$0x3F80]  }
0x1e6: {  	v15 =	vmul.f32 v15, v7;
	v27 =	vld [tilespmem:s10+$0x3FA0];
	v28 =	vunpack.i.l.s16.s32 v18  }
0x1e7: {  	v29 =	vshrl.u32 v20, $0x10;
	v20 =	vand.u32 $0xFFFF, v20;
	v30 =	vld.idx.msk [tilespmem:v12+s0+$0x0], $0xffff;
	v12 =	vmov v21  }
0x1e8: {  	v21 =	vld.idx.msk [tilespmem:v22+s0+$0x0], $0xffff;
	v22 =	vshrl.u32 v24, $0x10;
	v24 =	vand.u32 $0xFFFF, v24  }
0x1e9: {  	s16 =	sadd.s32 $0x80, s16;
	v31 =	vshrl.u32 v23, $0x10;
	v23 =	vand.u32 $0xFFFF, v23;
	v26 =	vld.idx.msk [tilespmem:v26+s3+$0x0], $0xffff  }
0x1ea: {  	v32 =	vunpack.i.u.s16.s32 v19;
	v19 =	vunpack.i.l.s16.s32 v19;
	v33 =	vld [tilespmem:s16+$0x20]  }
0x1eb: {  	v34 =	vunpack.i.u.s16.s32 v27;
	v27 =	vunpack.i.l.s16.s32 v27;
	v28 =	vld.idx.msk [tilespmem:v28+s0+$0x0], $0xffff  }
0x1ec: {  	v20 =	vld.idx.msk [tilespmem:v20+s3+$0x0], $0xffff  }
0x1ed: {  	v17 =	vmul.f32 v17, v30;
	v24 =	vld.idx.msk [tilespmem:v24+s3+$0x0], $0xffff  }
0x1ee: {  	v23 =	vld.idx.msk [tilespmem:v23+s3+$0x0], $0xffff  }
0x1ef: {  	v17 =	vmul.f32 v17, v7;
	v30 =	vld [tilespmem:s16+$0xFFFFFFC0];
	v26 =	vmul.f32 v33, v26  }
0x1f0: {  	v25 =	vshrl.u32 v25, $0x10;
	v33 =	vld [tilespmem:s16+$0xFFFFFFE0]  }
0x1f1: {  	v35 =	vld [tilespmem:s16+$0x0];
	v26 =	vmul.f32 v26, v28  }
0x1f2: {  	v19 =	vld.idx.msk [tilespmem:v19+s0+$0x0], $0xffff  }
0x1f3: {  	v27 =	vld.idx.msk [tilespmem:v27+s0+$0x0], $0xffff;
	v26 =	vmul.f32 v26, v7  }
0x1f4: {  	v20 =	vmul.f32 v30, v20;
	v28 =	vld.idx.msk [tilespmem:v13+s0+$0x0], $0xffff;
	v13 =	vmov v34  }
0x1f5: {  	v24 =	vmul.f32 v33, v24;
	[tilespmem:v25+s2+$0x0] =	vst.idx.add.f32.msk $0xffff, v26  }
0x1f6: {  	v20 =	vmul.f32 v20, v21;
	v21 =	vmul.f32 v35, v23;
	v25 =	vld [tilespmem:s15+$0x30]  }
0x1f7: {  	[tilespmem:v10+s2+$0x0] =	vst.idx.add.f32.msk $0xffff, v15  }
0x1f8: {  	v10 =	vmul.f32 v20, v7;
	v15 =	vmul.f32 v21, v19;
	[tilespmem:v9+s2+$0x0] =	vst.idx.add.f32.msk $0xffff, v17  }
0x1f9: {  	v9 =	vmul.f32 v24, v27;
	[tilespmem:v8+s2+$0x0] =	vst.idx.add.f32.msk $0xffff, v11;
	v8 =	vmov v16  }
0x1fa: {  	v11 =	vmul.f32 v14, v28;
	[tilespmem:v29+s2+$0x0] =	vst.idx.add.f32.msk $0xffff, v10;
	v10 =	vmul.f32 v15, v7  }
0x1fb: {  	v9 =	vmul.f32 v9, v7;
	v14 =	vld [tilespmem:s15+$0xFFFFFFD0];
	v15 =	vand.u32 $0xFFFF, v25  }
0x1fc: {  	v11 =	vmul.f32 v11, v7;
	[tilespmem:v31+s2+$0x0] =	vst.idx.add.f32.msk $0xffff, v10  }
0x1fd: {  	v10 =	vunpack.i.u.s16.s32 v18;
	[tilespmem:v22+s2+$0x0] =	vst.idx.add.f32.msk $0xffff, v9  }
0x1fe: {  	v16 =	vld [tilespmem:s15+$0x10]  }
0x1ff: {  	v18 =	vld [tilespmem:s15+$0xFFFFFFF0]  }
0x200: {  	v9 =	vshrl.u32 v14, $0x10;
	v14 =	vand.u32 $0xFFFF, v14;
	v19 =	vld.idx.msk [tilespmem:v15+s3+$0x0], $0xffff  }
0x201: {  	v21 =	vld [tilespmem:s16+$0x30]  }
0x202: {  	v20 =	vld.idx.msk [tilespmem:v10+s0+$0x0], $0xffff  }
.Ltmp18:
0x203: {  	v10 =	vshrl.u32 v16, $0x10;
	v22 =	vand.u32 $0xFFFF, v16;
	v15 =	vld [tilespmem:s16+$0x10];
	(pc) =	sbr.rel @p3 .LBB2_24-.Ltmp18, $4  }
0x204: {  	v17 =	vld [tilespmem:s16+$0xFFFFFFD0];
	v16 =	vshrl.u32 v18, $0x10;
	v23 =	vand.u32 $0xFFFF, v18  }
0x205: {  	v18 =	vld.idx.msk [tilespmem:v14+s3+$0x0], $0xffff  }
0x206: {  	v14 =	vld [tilespmem:s16+$0xFFFFFFF0];
	v24 =	vmul.f32 v21, v19  }
0x207: {  	s28 =	sadd.s32 $0x80, s28;
	v21 =	vshrl.u32 v25, $0x10;
	v19 =	vld.idx.msk [tilespmem:v32+s0+$0x0], $0xffff  }
0x208: {  	v25 =	vmov v8;
	v8 =	vmov v16  }
.LBB2_26:
0x209: {  	_ =	sdelay $0x3  }
0x20a: {  	v16 =	vld.idx.msk [tilespmem:v22+s3+$0x0], $0xffff  }
0x20b: {  	v60 =	vld.idx.msk [tilespmem:v23+s3+$0x0], $0xffff  }
0x20c: {  	v12 =	vld.idx.msk [tilespmem:v12+s0+$0x0], $0xffff;
	_ =	sdelay $0x1  }
0x20d: {  	v13 =	vld.idx.msk [tilespmem:v13+s0+$0x0], $0xffff  }
0x20e: {  	v61 =	vmul.f32 v17, v18  }
0x20f: {  	v20 =	vmul.f32 v24, v20;
	v15 =	vmul.f32 v15, v16  }
0x210: {  	v14 =	vmul.f32 v14, v60;
	v12 =	vmul.f32 v61, v12  }
0x211: {  	v62 =	vmul.f32 v20, v7;
	v15 =	vmul.f32 v15, v19  }
0x212: {  	[tilespmem:v25+s2+$0x0] =	vst.idx.add.f32.msk @p2 $0xffff, v11;
	v12 =	vmul.f32 v12, v7;
	v13 =	vmul.f32 v14, v13  }
0x213: {  	[tilespmem:v21+s2+$0x0] =	vst.idx.add.f32.msk $0xffff, v62;
	v15 =	vmul.f32 v15, v7  }
0x214: {  	[tilespmem:v9+s2+$0x0] =	vst.idx.add.f32.msk $0xffff, v12;
	v63 =	vmul.f32 v13, v7  }
0x215: {  	[tilespmem:v10+s2+$0x0] =	vst.idx.add.f32.msk $0xffff, v15  }
0x216: {  	[tilespmem:v8+s2+$0x0] =	vst.idx.add.f32.msk $0xffff, v63  }
.LBB2_27:
0x217: {  	s6 =	sld [smem:$0x7FD];
	_ =	sdelay $0x2  }
0x218: {  	p2 =	seq.s32 s6, $0x1  }
.Ltmp19:
0x219: {  	_ = 	snop;
	(pc) =	sbr.rel @p2 .LBB2_29-.Ltmp19, $4  }
0x21a: {  	s13 =	sld [smem:$0x7F9]  }
0x21b: {  	s15 =	sld [smem:$0x7F8]  }
0x21c: {  	s1 =	sld [smem:$0x7FB]  }
0x21d: {  	s10 =	sld [smem:$0x7FA];
	s16 =	smov.u32 s25  }
.LBB2_28:
0x21e: {  	s18 =	sand.u32 $0xFFFFFF00, s13;
	s28 =	sand.u32 $0xC0, s15  }
0x21f: {  	v8 =	vld [tilespmem:s1+$0xFFFFFFF0];
	s18 =	sshra.s32 s18, $0x1;
	s28 =	sshrl.u32 s28, $0x1  }
0x220: {  	s18 =	sor.u32 s28, s18  }
0x221: {  	v9 =	vld [tilespmem:s18+$0x3F80];
	_ =	sdelay $0x2  }
0x222: {  	v10 =	vand.u32 $0xFFFF, v8;
	_ =	sdelay $0x1  }
0x223: {  	v11 =	vunpack.i.l.s16.s32 v9;
	_ =	sdelay $0x1  }
0x224: {  	v12 =	vld [tilespmem:s10+$0xFFFFFFF0]  }
0x225: {  	v10 =	vld.idx.msk [tilespmem:v10+s3+$0x0], $0xffff;
	_ =	sdelay $0x1  }
0x226: {  	v11 =	vld.idx.msk [tilespmem:v11+s0+$0x0], $0xffff;
	_ =	sdelay $0x2  }
0x227: {  	v10 =	vmul.f32 v12, v10  }
0x228: {  	v8 =	vshrl.u32 v8, $0x10  }
0x229: {  	v10 =	vmul.f32 v10, v11;
	_ =	sdelay $0x1  }
0x22a: {  	v10 =	vmul.f32 v10, v7;
	_ =	sdelay $0x1  }
0x22b: {  	[tilespmem:v8+s2+$0x0] =	vst.idx.add.f32.msk $0xffff, v10  }
0x22c: {  	v8 =	vld [tilespmem:s1+$0x0];
	_ =	sdelay $0x4  }
0x22d: {  	v62 =	vand.u32 $0xFFFF, v8;
	_ =	sdelay $0x1  }
0x22e: {  	v9 =	vunpack.i.u.s16.s32 v9;
	_ =	sdelay $0x1  }
0x22f: {  	v63 =	vld [tilespmem:s10+$0x0]  }
0x230: {  	v10 =	vld.idx.msk [tilespmem:v62+s3+$0x0], $0xffff;
	_ =	sdelay $0x1  }
0x231: {  	v9 =	vld.idx.msk [tilespmem:v9+s0+$0x0], $0xffff;
	_ =	sdelay $0x2  }
0x232: {  	s16 =	sadd.s32 $0x1, s16;
	v10 =	vmul.f32 v63, v10  }
0x233: {  	p2 =	slt.s32 s16, s23;
	v8 =	vshrl.u32 v8, $0x10  }
.Ltmp20:
0x234: {  	v9 =	vmul.f32 v10, v9;
	(pc) =	sbr.rel @p2 .LBB2_28-.Ltmp20, $4  }
0x235: {  	_ = 	snop  }
0x236: {  	v9 =	vmul.f32 v9, v7  }
0x237: {  	s15 =	sadd.s32 $0x40, s15  }
0x238: {  	s13 =	sadd.s32 $0x20, s13;
	s10 =	sadd.s32 $0x20, s10;
	s1 =	sadd.s32 $0x20, s1;
	[tilespmem:v8+s2+$0x0] =	vst.idx.add.f32.msk $0xffff, v9  }
.LBB2_29:
0x239: {  	s1 =	rddreg [dreg:$0xd]  }
0x23a: {  	[spmem:s1] =	stream.linear.scatter [tilespmem:s2], [sflag:$0x3], $0x458, $0x38;
	[tilespmem:$0xDE50] =	vst v63  }
0x23b: {  	_ =	swait.ge [sflag:s31], $0x458  }
0x23c: {  	[sflag:s31] =	ssyncset.done $0x0  }
0x23d: {  	[sflag:s31] =	ssyncadd.s32 $0xFFFFFBA8  }
0x23e: {  	[bflag:$0x0] =	sbarrier.arrive $0xFFFF  }
.Ltmp21:
0x23f: {  	s6 =	simm.s32 $0xBBD8;
	s28 =	rddreg [dreg:$0xc];
	(pc) =	sbr.rel .LBB2_30-.Ltmp21, $4  }
0x240: {  	[tilespmem:s6], [sflag:$0x3] =	stream.linear.gather [spmem:s28], $0x378, $0x38;
	[tilespmem:$0xDE50] =	vst v63  }
0x241: {  	_ =	swait.ge [sflag:s31], $0x378  }
0x242: {  	[sflag:s31] =	ssyncset.done $0x0  }
0x243: {  	[sflag:s31] =	ssyncadd.s32 $0xFFFFFC88  }
.LBB2_48:
.Ltmp22:
0x244: {  	(pc) =	sbr.rel .LBB2_49-.Ltmp22, $2  }
0x245: {  	_ =	sdelay $0x1  }
0x246: {  	[bflag:$0x0] =	sbarrier.arrive $0xFFFF;
	_ =	sdelay $0x1  }
.LBB2_33:
.Ltmp23:
0x247: {  	(pc) =	sbr.rel @p4 .LBB2_34-.Ltmp23, $1  }
0x248: {  	_ =	sdelay $0x3  }
0x249: {  	s1 =	sadd.s32 $0x60, s30;
	s10 =	sadd.s32 $0xC0, s4  }
0x24a: {  	s1 =	sand.u32 $0xFFFFFF00, s1;
	s10 =	sand.u32 $0xC0, s10  }
0x24b: {  	v8 =	vld [tilespmem:s5+$0x20];
	s1 =	sshra.s32 s1, $0x1;
	s10 =	sshrl.u32 s10, $0x1  }
0x24c: {  	v10 =	vld [tilespmem:s5+$0xFFFFFFC0];
	s1 =	sor.u32 s10, s1  }
0x24d: {  	s24 =	sadd.s32 $0x20, s30;
	s13 =	sadd.s32 $0x40, s4;
	s15 =	sadd.s32 $0x40, s30;
	v9 =	vld [tilespmem:s1+$0x3F80]  }
0x24e: {  	s8 =	sadd.s32 $0x80, s4;
	v11 =	vld [tilespmem:s5+$0xFFFFFFE0];
	s16 =	sand.u32 $0xC0, s4;
	s18 =	sand.u32 $0xFFFFFF00, s30  }
0x24f: {  	v12 =	vld [tilespmem:s5+$0x0];
	s28 =	sand.u32 $0xFFFFFF00, s24;
	s6 =	sand.u32 $0xC0, s13;
	s15 =	sand.u32 $0xFFFFFF00, s15  }
0x250: {  	v21 =	vld [tilespmem:s11+$0x20];
	s13 =	sand.u32 $0xC0, s8;
	s10 =	sshrl.u32 s6, $0x1;
	s1 =	sshra.s32 s28, $0x1;
	v13 =	vand.u32 $0xFFFF, v8  }
0x251: {  	v25 =	vld [tilespmem:s11+$0xFFFFFFC0];
	s15 =	sshra.s32 s15, $0x1;
	s13 =	sshrl.u32 s13, $0x1;
	s1 =	sor.u32 s10, s1  }
0x252: {  	s18 =	sshra.s32 s18, $0x1;
	s16 =	sshrl.u32 s16, $0x1;
	s13 =	sor.u32 s13, s15;
	v14 =	vld [tilespmem:s1+$0x3F80];
	v15 =	vunpack.i.l.s16.s32 v9  }
0x253: {  	s24 =	sor.u32 s16, s18;
	v17 =	vld [tilespmem:s13+$0x3F80];
	v16 =	vand.u32 $0xFFFF, v10  }
0x254: {  	v19 =	vld [tilespmem:s24+$0x3F80];
	v18 =	vand.u32 $0xFFFF, v11  }
0x255: {  	v20 =	vand.u32 $0xFFFF, v12;
	v13 =	vld.idx.msk [tilespmem:v13+s3+$0x0], $0xffff  }
0x256: {  	v26 =	vld [tilespmem:s11+$0x0]  }
0x257: {  	v22 =	vunpack.i.l.s16.s32 v14;
	v15 =	vld.idx.msk [tilespmem:v15+s0+$0x0], $0xffff  }
0x258: {  	v23 =	vunpack.i.l.s16.s32 v17;
	v16 =	vld.idx.msk [tilespmem:v16+s3+$0x0], $0xffff  }
0x259: {  	v24 =	vunpack.i.l.s16.s32 v19;
	v18 =	vld.idx.msk [tilespmem:v18+s3+$0x0], $0xffff  }
0x25a: {  	v20 =	vld.idx.msk [tilespmem:v20+s3+$0x0], $0xffff;
	v13 =	vmul.f32 v21, v13  }
0x25b: {  	v21 =	vld [tilespmem:s11+$0xFFFFFFE0]  }
0x25c: {  	v8 =	vshrl.u32 v8, $0x10;
	v13 =	vmul.f32 v13, v15;
	v15 =	vld.idx.msk [tilespmem:v22+s0+$0x0], $0xffff  }
0x25d: {  	v22 =	vld.idx.msk [tilespmem:v23+s0+$0x0], $0xffff  }
0x25e: {  	v23 =	vld.idx.msk [tilespmem:v24+s0+$0x0], $0xffff  }
0x25f: {  	v13 =	vmul.f32 v13, v7;
	_ =	sdelay $0x1  }
0x260: {  	v16 =	vmul.f32 v25, v16;
	[tilespmem:v8+s2+$0x0] =	vst.idx.add.f32.msk $0xffff, v13  }
0x261: {  	v10 =	vshrl.u32 v10, $0x10;
	v8 =	vmul.f32 v21, v18;
	v13 =	vld [tilespmem:s5+$0x30]  }
0x262: {  	v11 =	vshrl.u32 v11, $0x10;
	v18 =	vmul.f32 v26, v20;
	v16 =	vmul.f32 v16, v23  }
0x263: {  	v12 =	vshrl.u32 v12, $0x10;
	v8 =	vmul.f32 v8, v15  }
0x264: {  	v15 =	vmul.f32 v18, v22;
	v16 =	vmul.f32 v16, v7  }
0x265: {  	v8 =	vmul.f32 v8, v7  }
0x266: {  	v15 =	vmul.f32 v15, v7;
	[tilespmem:v10+s2+$0x0] =	vst.idx.add.f32.msk $0xffff, v16;
	v18 =	vand.u32 $0xFFFF, v13  }
0x267: {  	[tilespmem:v11+s2+$0x0] =	vst.idx.add.f32.msk $0xffff, v8  }
0x268: {  	[tilespmem:v12+s2+$0x0] =	vst.idx.add.f32.msk $0xffff, v15;
	v8 =	vunpack.i.u.s16.s32 v9  }
0x269: {  	v12 =	vld [tilespmem:s11+$0x30]  }
0x26a: {  	v11 =	vld [tilespmem:s5+$0xFFFFFFF0]  }
0x26b: {  	s28 =	rddreg [dreg:$0x1c];
	v9 =	vld.idx.msk [tilespmem:v18+s3+$0x0], $0xffff  }
0x26c: {  	v20 =	vld [tilespmem:s5+$0x10];
	s16 =	sadd.s32 $0x4, s28  }
0x26d: {  	p3 =	slt.s32 s16, s26;
	v15 =	vld.idx.msk [tilespmem:v8+s0+$0x0], $0xffff;
	v8 =	vunpack.i.u.s16.s32 v14  }
.Ltmp24:
0x26e: {  	v10 =	vld [tilespmem:s11+$0x10];
	(pc) =	sbr.rel @!p3 .LBB2_42-.Ltmp24, $4  }
0x26f: {  	v18 =	vld [tilespmem:s5+$0xFFFFFFD0]  }
0x270: {  	v19 =	vunpack.i.u.s16.s32 v19;
	v16 =	vunpack.i.u.s16.s32 v17;
	v14 =	vld [tilespmem:s11+$0xFFFFFFF0];
	v21 =	vmul.f32 v12, v9  }
0x271: {  	s29 =	sadd.s32 $0x80, s30;
	v23 =	vshrl.u32 v13, $0x10;
	v22 =	vand.u32 $0xFFFF, v11;
	v9 =	vshrl.u32 v11, $0x10;
	v12 =	vld [tilespmem:s11+$0xFFFFFFD0]  }
0x272: {  	p2 =	por $0x0, $0x0;
	s18 =	sadd.s32 $0x100, s4;
	s1 =	sadd.s32 $0x80, s5;
	v17 =	vld.idx.msk [tilespmem:v8+s0+$0x0], $0xffff;
	v8 =	vshrl.u32 v20, $0x10;
	v20 =	vand.u32 $0xFFFF, v20;
	v24 =	vmul.f32 v21, v15  }
0x273: {  	s10 =	sadd.s32 $0x60, s29;
	s13 =	sadd.s32 $0xC0, s18  }
0x274: {  	s10 =	sand.u32 $0xFFFFFF00, s10;
	s13 =	sand.u32 $0xC0, s13  }
0x275: {  	v11 =	vld [tilespmem:s1+$0x20];
	s10 =	sshra.s32 s10, $0x1;
	s13 =	sshrl.u32 s13, $0x1  }
0x276: {  	s10 =	sor.u32 s13, s10  }
0x277: {  	v13 =	vld [tilespmem:s10+$0x3F80];
	_ =	sdelay $0x1  }
0x278: {  	v21 =	vld [tilespmem:s1+$0xFFFFFFC0];
	s15 =	sadd.s32 $0x40, s18;
	s8 =	sand.u32 $0xC0, s18;
	v24 =	vmul.f32 v24, v7;
	s13 =	sadd.s32 $0x20, s29  }
0x279: {  	v25 =	vld [tilespmem:s1+$0xFFFFFFE0];
	s24 =	sand.u32 $0xFFFFFF00, s29;
	s10 =	sand.u32 $0xFFFFFF00, s13;
	s13 =	sand.u32 $0xC0, s15;
	v15 =	vand.u32 $0xFFFF, v11  }
0x27a: {  	s8 =	sshrl.u32 s8, $0x1;
	[tilespmem:v23+s2+$0x0] =	vst.idx.add.f32.msk $0xffff, v24;
	s10 =	sshra.s32 s10, $0x1;
	s13 =	sshrl.u32 s13, $0x1  }
0x27b: {  	v24 =	vld [tilespmem:s1+$0x0];
	s15 =	sadd.s32 $0x80, s11;
	s10 =	sor.u32 s13, s10;
	s13 =	sshra.s32 s24, $0x1;
	v23 =	vunpack.i.l.s16.s32 v13  }
0x27c: {  	v26 =	vld [tilespmem:s15+$0x20];
	s8 =	sor.u32 s8, s13  }
0x27d: {  	v32 =	vld [tilespmem:s8+$0x3F80]  }
0x27e: {  	s28 =	sadd.s32 $0x40, s29;
	s6 =	sadd.s32 $0x80, s18;
	v15 =	vld.idx.msk [tilespmem:v15+s3+$0x0], $0xffff  }
0x27f: {  	v22 =	vld.idx.msk [tilespmem:v22+s3+$0x0], $0xffff;
	s28 =	sand.u32 $0xFFFFFF00, s28;
	s6 =	sand.u32 $0xC0, s6  }
0x280: {  	s28 =	sshra.s32 s28, $0x1;
	s6 =	sshrl.u32 s6, $0x1;
	v23 =	vld.idx.msk [tilespmem:v23+s0+$0x0], $0xffff  }
0x281: {  	v20 =	vld.idx.msk [tilespmem:v20+s3+$0x0], $0xffff;
	s6 =	sor.u32 s6, s28;
	v30 =	vand.u32 $0xFFFF, v24  }
0x282: {  	v31 =	vld [tilespmem:s6+$0x3F80];
	v27 =	vand.u32 $0xFFFF, v21  }
0x283: {  	v29 =	vld [tilespmem:s10+$0x3F80];
	v34 =	vunpack.i.l.s16.s32 v32;
	v15 =	vmul.f32 v26, v15  }
0x284: {  	v11 =	vshrl.u32 v11, $0x10;
	v33 =	vld [tilespmem:s15+$0xFFFFFFC0]  }
0x285: {  	v35 =	vld [tilespmem:s15+$0xFFFFFFE0];
	v15 =	vmul.f32 v15, v23  }
0x286: {  	v28 =	vand.u32 $0xFFFF, v25;
	v61 =	vld.idx.msk [tilespmem:v30+s3+$0x0], $0xffff  }
0x287: {  	v62 =	vunpack.i.l.s16.s32 v31;
	v26 =	vld.idx.msk [tilespmem:v27+s3+$0x0], $0xffff;
	v15 =	vmul.f32 v15, v7  }
0x288: {  	v14 =	vmul.f32 v14, v22;
	v22 =	vld.idx.msk [tilespmem:v34+s0+$0x0], $0xffff;
	v23 =	vunpack.i.l.s16.s32 v29  }
0x289: {  	[tilespmem:v11+s2+$0x0] =	vst.idx.add.f32.msk $0xffff, v15  }
0x28a: {  	v11 =	vld [tilespmem:s15+$0x0]  }
0x28b: {  	v27 =	vld.idx.msk [tilespmem:v28+s3+$0x0], $0xffff  }
0x28c: {  	v14 =	vmul.f32 v14, v17;
	v30 =	vld.idx.msk [tilespmem:v62+s0+$0x0], $0xffff  }
0x28d: {  	v17 =	vshrl.u32 v24, $0x10;
	v24 =	vmul.f32 v33, v26;
	v23 =	vld.idx.msk [tilespmem:v23+s0+$0x0], $0xffff  }
0x28e: {  	v21 =	vshrl.u32 v21, $0x10;
	v14 =	vmul.f32 v14, v7;
	v63 =	vld [tilespmem:s1+$0x30]  }
0x28f: {  	v16 =	vld.idx.msk [tilespmem:v16+s0+$0x0], $0xffff;
	v15 =	vand.u32 $0xFFFF, v18;
	v22 =	vmul.f32 v24, v22;
	v11 =	vmul.f32 v11, v61  }
0x290: {  	v19 =	vld.idx.msk [tilespmem:v19+s0+$0x0], $0xffff;
	v27 =	vmul.f32 v35, v27  }
0x291: {  	v25 =	vshrl.u32 v25, $0x10;
	[tilespmem:v9+s2+$0x0] =	vst.idx.add.f32.msk $0xffff, v14;
	v14 =	vmul.f32 v22, v7;
	v11 =	vmul.f32 v11, v30  }
0x292: {  	v10 =	vmul.f32 v10, v20;
	v20 =	vld [tilespmem:s15+$0x30];
	v23 =	vmul.f32 v27, v23  }
0x293: {  	[tilespmem:v21+s2+$0x0] =	vst.idx.add.f32.msk $0xffff, v14;
	v9 =	vmul.f32 v11, v7;
	v11 =	vand.u32 $0xFFFF, v63  }
0x294: {  	v15 =	vld.idx.msk [tilespmem:v15+s3+$0x0], $0xffff;
	v23 =	vmul.f32 v23, v7  }
0x295: {  	[tilespmem:v17+s2+$0x0] =	vst.idx.add.f32.msk $0xffff, v9;
	v9 =	vunpack.i.u.s16.s32 v13  }
0x296: {  	[tilespmem:v25+s2+$0x0] =	vst.idx.add.f32.msk $0xffff, v23  }
0x297: {  	v17 =	vld [tilespmem:s1+$0xFFFFFFF0]  }
0x298: {  	v21 =	vld.idx.msk [tilespmem:v11+s3+$0x0], $0xffff  }
0x299: {  	s16 =	sadd.s32 $0x4, s16;
	v26 =	vld [tilespmem:s1+$0x10]  }
0x29a: {  	p3 =	slt.s32 s16, s26;
	v12 =	vmul.f32 v12, v15;
	v25 =	vunpack.i.u.s16.s32 v29;
	v24 =	vld.idx.msk [tilespmem:v9+s0+$0x0], $0xffff  }
.Ltmp25:
0x29b: {  	v23 =	vshrl.u32 v63, $0x10;
	v11 =	vshrl.u32 v18, $0x10;
	v18 =	vld [tilespmem:s1+$0xFFFFFFD0];
	(pc) =	sbr.rel @!p3 .LBB2_44-.Ltmp25, $4  }
0x29c: {  	v14 =	vld [tilespmem:s15+$0xFFFFFFF0];
	v9 =	vmul.f32 v10, v16;
	v10 =	vmul.f32 v12, v19;
	v16 =	vunpack.i.u.s16.s32 v31  }
0x29d: {  	v19 =	vunpack.i.u.s16.s32 v32;
	v22 =	vand.u32 $0xFFFF, v17;
	v12 =	vld [tilespmem:s15+$0xFFFFFFD0];
	v27 =	vmul.f32 v20, v21  }
0x29e: {  	p2 =	por $0x1, $0x1;
	v13 =	vmul.f32 v9, v7;
	v15 =	vmul.f32 v10, v7;
	v10 =	vld [tilespmem:s15+$0x10];
	v9 =	vshrl.u32 v17, $0x10  }
0x29f: {  	s28 =	sadd.s32 $0x100, s18;
	s29 =	sadd.s32 $0x80, s29;
	s18 =	sadd.s32 $0x80, s1;
	v17 =	vld.idx.msk [tilespmem:v25+s0+$0x0], $0xffff;
	v21 =	vshrl.u32 v26, $0x10;
	v20 =	vand.u32 $0xFFFF, v26;
	v24 =	vmul.f32 v27, v24  }
.LBB2_45:
0x2a0: {  	v25 =	vld [tilespmem:s18+$0xFFFFFFC0];
	s1 =	sadd.s32 $0x60, s29;
	s6 =	sadd.s32 $0xC0, s28;
	s16 =	sadd.s32 $0x4, s16;
	v26 =	vshrl.u32 v18, $0x10;
	v18 =	vand.u32 $0xFFFF, v18  }
0x2a1: {  	v27 =	vld [tilespmem:s18+$0xFFFFFFE0];
	s1 =	sand.u32 $0xFFFFFF00, s1;
	s6 =	sand.u32 $0xC0, s6;
	p3 =	slt.s32 s16, s26;
	v24 =	vmul.f32 v24, v7  }
0x2a2: {  	s8 =	sadd.s32 $0x20, s29;
	s1 =	sshra.s32 s1, $0x1;
	s6 =	sshrl.u32 s6, $0x1;
	v28 =	vld [tilespmem:s18+$0x20]  }
0x2a3: {  	s10 =	sadd.s32 $0x40, s28;
	s13 =	sadd.s32 $0x40, s29;
	s1 =	sor.u32 s6, s1;
	[tilespmem:v23+s2+$0x0] =	vst.idx.add.f32.msk $0xffff, v24  }
0x2a4: {  	s6 =	sand.u32 $0xFFFFFF00, s8;
	s8 =	sand.u32 $0xC0, s10;
	s10 =	sadd.s32 $0x80, s28;
	v23 =	vld [tilespmem:s1+$0x3F80]  }
0x2a5: {  	s13 =	sand.u32 $0xFFFFFF00, s13;
	s1 =	sand.u32 $0xC0, s28;
	s10 =	sand.u32 $0xC0, s10;
	v24 =	vshrl.u32 v25, $0x10;
	v25 =	vand.u32 $0xFFFF, v25;
	v29 =	vld [tilespmem:s18+$0x0]  }
0x2a6: {  	s24 =	sand.u32 $0xFFFFFF00, s29;
	s6 =	sshra.s32 s6, $0x1;
	s8 =	sshrl.u32 s8, $0x1;
	v30 =	vshrl.u32 v27, $0x10;
	v27 =	vand.u32 $0xFFFF, v27;
	v22 =	vld.idx.msk [tilespmem:v22+s3+$0x0], $0xffff  }
0x2a7: {  	s24 =	sshra.s32 s24, $0x1;
	s13 =	sshra.s32 s13, $0x1;
	s10 =	sshrl.u32 s10, $0x1;
	v31 =	vand.u32 $0xFFFF, v28;
	v20 =	vld.idx.msk [tilespmem:v20+s3+$0x0], $0xffff  }
0x2a8: {  	s1 =	sshrl.u32 s1, $0x1;
	s6 =	sor.u32 s8, s6;
	s8 =	sor.u32 s10, s13;
	v18 =	vld.idx.msk [tilespmem:v18+s3+$0x0], $0xffff  }
0x2a9: {  	s1 =	sor.u32 s1, s24;
	v32 =	vld [tilespmem:s6+$0x3F80];
	v33 =	vunpack.i.l.s16.s32 v23  }
0x2aa: {  	v34 =	vld [tilespmem:s8+$0x3F80];
	v35 =	vshrl.u32 v29, $0x10;
	v29 =	vand.u32 $0xFFFF, v29  }
0x2ab: {  	v36 =	vld [tilespmem:s1+$0x3F80]  }
0x2ac: {  	s15 =	sadd.s32 $0x80, s15;
	v14 =	vmul.f32 v14, v22;
	v31 =	vld.idx.msk [tilespmem:v31+s3+$0x0], $0xffff  }
0x2ad: {  	v10 =	vmul.f32 v10, v20;
	v22 =	vld [tilespmem:s15+$0x20]  }
0x2ae: {  	v12 =	vmul.f32 v12, v18;
	v20 =	vunpack.i.u.s16.s32 v32;
	v32 =	vunpack.i.l.s16.s32 v32;
	v33 =	vld.idx.msk [tilespmem:v33+s0+$0x0], $0xffff  }
0x2af: {  	v14 =	vmul.f32 v14, v17;
	v18 =	vld.idx.msk [tilespmem:v25+s3+$0x0], $0xffff;
	v25 =	vunpack.i.u.s16.s32 v34;
	v34 =	vunpack.i.l.s16.s32 v34  }
0x2b0: {  	v17 =	vunpack.i.u.s16.s32 v36;
	v36 =	vunpack.i.l.s16.s32 v36;
	v27 =	vld.idx.msk [tilespmem:v27+s3+$0x0], $0xffff  }
0x2b1: {  	v14 =	vmul.f32 v14, v7;
	v29 =	vld.idx.msk [tilespmem:v29+s3+$0x0], $0xffff  }
0x2b2: {  	v37 =	vld [tilespmem:s15+$0xFFFFFFC0];
	v22 =	vmul.f32 v22, v31  }
0x2b3: {  	v28 =	vshrl.u32 v28, $0x10;
	v31 =	vld [tilespmem:s15+$0xFFFFFFE0]  }
0x2b4: {  	v38 =	vld [tilespmem:s15+$0x0];
	v22 =	vmul.f32 v22, v33  }
0x2b5: {  	v32 =	vld.idx.msk [tilespmem:v32+s0+$0x0], $0xffff  }
0x2b6: {  	v33 =	vld.idx.msk [tilespmem:v34+s0+$0x0], $0xffff;
	v22 =	vmul.f32 v22, v7  }
0x2b7: {  	v34 =	vld.idx.msk [tilespmem:v36+s0+$0x0], $0xffff;
	v18 =	vmul.f32 v37, v18  }
0x2b8: {  	v27 =	vmul.f32 v31, v27;
	[tilespmem:v28+s2+$0x0] =	vst.idx.add.f32.msk $0xffff, v22  }
0x2b9: {  	v22 =	vmul.f32 v38, v29;
	v28 =	vld [tilespmem:s18+$0x30]  }
0x2ba: {  	v29 =	vld.idx.msk [tilespmem:v16+s0+$0x0], $0xffff;
	v16 =	vmov v25  }
0x2bb: {  	v25 =	vmul.f32 v27, v32;
	v27 =	vld.idx.msk [tilespmem:v19+s0+$0x0], $0xffff;
	v19 =	vmov v17  }
0x2bc: {  	v17 =	vmul.f32 v22, v33;
	[tilespmem:v9+s2+$0x0] =	vst.idx.add.f32.msk $0xffff, v14  }
0x2bd: {  	v9 =	vmul.f32 v18, v34;
	v14 =	vmul.f32 v25, v7;
	[tilespmem:v8+s2+$0x0] =	vst.idx.add.f32.msk $0xffff, v13;
	v8 =	vmov v21  }
0x2be: {  	v13 =	vmul.f32 v17, v7;
	v17 =	vand.u32 $0xFFFF, v28;
	[tilespmem:v11+s2+$0x0] =	vst.idx.add.f32.msk $0xffff, v15;
	v11 =	vmov v26  }
0x2bf: {  	v9 =	vmul.f32 v9, v7;
	[tilespmem:v30+s2+$0x0] =	vst.idx.add.f32.msk $0xffff, v14  }
0x2c0: {  	v14 =	vunpack.i.u.s16.s32 v23;
	v10 =	vmul.f32 v10, v29;
	[tilespmem:v35+s2+$0x0] =	vst.idx.add.f32.msk $0xffff, v13  }
0x2c1: {  	[tilespmem:v24+s2+$0x0] =	vst.idx.add.f32.msk $0xffff, v9;
	v9 =	vmul.f32 v12, v27  }
0x2c2: {  	v13 =	vmul.f32 v10, v7;
	v12 =	vld [tilespmem:s18+$0xFFFFFFF0]  }
0x2c3: {  	v17 =	vld.idx.msk [tilespmem:v17+s3+$0x0], $0xffff;
	v15 =	vmul.f32 v9, v7  }
0x2c4: {  	v21 =	vld [tilespmem:s15+$0x30]  }
0x2c5: {  	v24 =	vld.idx.msk [tilespmem:v14+s0+$0x0], $0xffff  }
0x2c6: {  	v25 =	vld [tilespmem:s18+$0x10]  }
.Ltmp26:
0x2c7: {  	v18 =	vld [tilespmem:s18+$0xFFFFFFD0];
	v9 =	vshrl.u32 v12, $0x10;
	v22 =	vand.u32 $0xFFFF, v12;
	(pc) =	sbr.rel @p3 .LBB2_45-.Ltmp26, $4  }
0x2c8: {  	v14 =	vld [tilespmem:s15+$0xFFFFFFF0]  }
0x2c9: {  	v10 =	vld [tilespmem:s15+$0x10];
	v26 =	vmul.f32 v21, v17  }
0x2ca: {  	v23 =	vshrl.u32 v28, $0x10;
	v12 =	vld [tilespmem:s15+$0xFFFFFFD0]  }
0x2cb: {  	s29 =	sadd.s32 $0x80, s29;
	s28 =	sadd.s32 $0x100, s28;
	s18 =	sadd.s32 $0x80, s18;
	v17 =	vld.idx.msk [tilespmem:v20+s0+$0x0], $0xffff;
	v21 =	vshrl.u32 v25, $0x10;
	v20 =	vand.u32 $0xFFFF, v25;
	v24 =	vmul.f32 v26, v24  }
0x2cc: {  	v25 =	vmov v8;
	v8 =	vmov v21  }
.LBB2_47:
0x2cd: {  	_ = 	snop  }
0x2ce: {  	v21 =	vand.u32 $0xFFFF, v18;
	_ =	sdelay $0x2  }
0x2cf: {  	v22 =	vld.idx.msk [tilespmem:v22+s3+$0x0], $0xffff  }
0x2d0: {  	v20 =	vld.idx.msk [tilespmem:v20+s3+$0x0], $0xffff  }
0x2d1: {  	v21 =	vld.idx.msk [tilespmem:v21+s3+$0x0], $0xffff  }
0x2d2: {  	v16 =	vld.idx.msk [tilespmem:v16+s0+$0x0], $0xffff  }
0x2d3: {  	v19 =	vld.idx.msk [tilespmem:v19+s0+$0x0], $0xffff  }
0x2d4: {  	v14 =	vmul.f32 v14, v22  }
0x2d5: {  	v10 =	vmul.f32 v10, v20  }
0x2d6: {  	v14 =	vmul.f32 v14, v17;
	v12 =	vmul.f32 v12, v21  }
0x2d7: {  	v61 =	vmul.f32 v24, v7;
	v62 =	vshrl.u32 v18, $0x10;
	[tilespmem:v25+s2+$0x0] =	vst.idx.add.f32.msk @p2 $0xffff, v13;
	v10 =	vmul.f32 v10, v16  }
0x2d8: {  	[tilespmem:v11+s2+$0x0] =	vst.idx.add.f32.msk @p2 $0xffff, v15;
	v14 =	vmul.f32 v14, v7;
	v63 =	vmul.f32 v12, v19  }
0x2d9: {  	[tilespmem:v23+s2+$0x0] =	vst.idx.add.f32.msk $0xffff, v61;
	v10 =	vmul.f32 v10, v7  }
0x2da: {  	[tilespmem:v9+s2+$0x0] =	vst.idx.add.f32.msk $0xffff, v14;
	v9 =	vmul.f32 v63, v7  }
0x2db: {  	[tilespmem:v8+s2+$0x0] =	vst.idx.add.f32.msk $0xffff, v10  }
0x2dc: {  	[tilespmem:v62+s2+$0x0] =	vst.idx.add.f32.msk $0xffff, v9  }
.LBB2_34:
.Ltmp27:
0x2dd: {  	s1 =	sld [smem:$0x7F7];
	(pc) =	sbr.rel @p5 .LBB2_36-.Ltmp27, $4  }
0x2de: {  	s10 =	sld [smem:$0x7F6]  }
0x2df: {  	s13 =	rddreg [dreg:$0x1f]  }
0x2e0: {  	s15 =	rddreg [dreg:$0x1e]  }
0x2e1: {  	s16 =	rddreg [dreg:$0x1d]  }
.LBB2_35:
0x2e2: {  	s6 =	sand.u32 $0xFFFFFF00, s13;
	s8 =	sand.u32 $0xC0, s15  }
0x2e3: {  	v8 =	vld [tilespmem:s1+$0xFFFFFFF0];
	s6 =	sshra.s32 s6, $0x1;
	s8 =	sshrl.u32 s8, $0x1  }
0x2e4: {  	s6 =	sor.u32 s8, s6  }
0x2e5: {  	v9 =	vld [tilespmem:s6+$0x3F80];
	_ =	sdelay $0x2  }
0x2e6: {  	v10 =	vand.u32 $0xFFFF, v8;
	_ =	sdelay $0x1  }
0x2e7: {  	v11 =	vunpack.i.l.s16.s32 v9;
	_ =	sdelay $0x1  }
0x2e8: {  	v12 =	vld [tilespmem:s10+$0xFFFFFFF0]  }
0x2e9: {  	v10 =	vld.idx.msk [tilespmem:v10+s3+$0x0], $0xffff;
	_ =	sdelay $0x1  }
0x2ea: {  	v11 =	vld.idx.msk [tilespmem:v11+s0+$0x0], $0xffff;
	_ =	sdelay $0x2  }
0x2eb: {  	v10 =	vmul.f32 v12, v10  }
0x2ec: {  	v8 =	vshrl.u32 v8, $0x10  }
0x2ed: {  	v10 =	vmul.f32 v10, v11;
	_ =	sdelay $0x1  }
0x2ee: {  	v10 =	vmul.f32 v10, v7;
	_ =	sdelay $0x1  }
0x2ef: {  	[tilespmem:v8+s2+$0x0] =	vst.idx.add.f32.msk $0xffff, v10  }
0x2f0: {  	v8 =	vld [tilespmem:s1+$0x0];
	_ =	sdelay $0x4  }
0x2f1: {  	v62 =	vand.u32 $0xFFFF, v8;
	_ =	sdelay $0x1  }
0x2f2: {  	v9 =	vunpack.i.u.s16.s32 v9;
	_ =	sdelay $0x1  }
0x2f3: {  	v63 =	vld [tilespmem:s10+$0x0]  }
0x2f4: {  	v10 =	vld.idx.msk [tilespmem:v62+s3+$0x0], $0xffff;
	_ =	sdelay $0x1  }
0x2f5: {  	v9 =	vld.idx.msk [tilespmem:v9+s0+$0x0], $0xffff;
	_ =	sdelay $0x2  }
0x2f6: {  	v10 =	vmul.f32 v63, v10  }
0x2f7: {  	p2 =	sne.s32 s16, $0x1;
	v8 =	vshrl.u32 v8, $0x10  }
.Ltmp28:
0x2f8: {  	v9 =	vmul.f32 v10, v9;
	(pc) =	sbr.rel @p2 .LBB2_35-.Ltmp28, $4  }
0x2f9: {  	_ = 	snop  }
0x2fa: {  	v9 =	vmul.f32 v9, v7  }
0x2fb: {  	s15 =	sadd.s32 $0x40, s15;
	s13 =	sadd.s32 $0x20, s13  }
0x2fc: {  	s16 =	sadd.s32 $0xFFFFFFFF, s16;
	s10 =	sadd.s32 $0x20, s10;
	s1 =	sadd.s32 $0x20, s1;
	[tilespmem:v8+s2+$0x0] =	vst.idx.add.f32.msk $0xffff, v9  }
.LBB2_36:
0x2fd: {  	s1 =	rddreg [dreg:$0xc];
	s6 =	simm.s32 $0xBBD8  }
0x2fe: {  	[spmem:s1] =	stream.linear.scatter [tilespmem:s6], [sflag:$0x3], $0x378, $0x38;
	[tilespmem:$0xDE50] =	vst v63  }
0x2ff: {  	s24 =	simm.s32 $0x0;
	s15 =	simm.s32 $0x40;
	_ =	swait.ge [sflag:s31], $0x378  }
0x300: {  	s8 =	simm.s32 $0x9F20;
	s13 =	sand.u32 $0x700, s24;
	[sflag:s31] =	ssyncset.done $0x0  }
0x301: {  	s10 =	sand.u32 $0xC0, s15;
	s6 =	sshrl.u32 s13, $0x1;
	[sflag:s31] =	ssyncadd.s32 $0xFFFFFC88  }
0x302: {  	s10 =	sshrl.u32 s10, $0x1;
	s6 =	sadd.s32 $0xA580, s6;
	v8 =	vld [tilespmem:s8+$0x0]  }
0x303: {  	s10 =	sor.u32 s10, s6  }
0x304: {  	s1 =	sand.u32 $0x80, s24;
	v9 =	vld [tilespmem:s10+$0x0]  }
0x305: {  	s1 =	sshrl.u32 s1, $0x1  }
0x306: {  	s1 =	sor.u32 s1, s6;
	v10 =	vld [tilespmem:s8+$0xFFFFFFE0]  }
0x307: {  	v11 =	vld [tilespmem:s1+$0x0];
	v7 =	vand.u32 $0xFFFF, v8;
	_ =	sdelay $0x1  }
0x308: {  	v12 =	vunpack.i.l.s16.s32 v9  }
0x309: {  	s6 =	simm.s32 $0xA920  }
0x30a: {  	v14 =	vld [tilespmem:s6+$0x0];
	v13 =	vand.u32 $0xFFFF, v10  }
0x30b: {  	v16 =	vunpack.i.l.s16.s32 v11;
	v15 =	vld.idx.msk [tilespmem:v7+s20+$0x0], $0xffff  }
0x30c: {  	v17 =	vld [tilespmem:s6+$0xFFFFFFE0]  }
0x30d: {  	s18 =	simm.s32 $0xC0;
	s16 =	sand.u32 $0x700, s15;
	v12 =	vld.idx.msk [tilespmem:v12+s0+$0x0], $0xffff  }
0x30e: {  	s1 =	sshrl.u32 s16, $0x1;
	s10 =	sand.u32 $0xC0, s18;
	v7 =	vld [tilespmem:$0xD600]  }
0x30f: {  	s13 =	sadd.s32 $0xA580, s1;
	s10 =	sshrl.u32 s10, $0x1;
	v13 =	vld.idx.msk [tilespmem:v13+s20+$0x0], $0xffff  }
0x310: {  	s24 =	simm.s32 $0x80;
	s10 =	sor.u32 s10, s13;
	v14 =	vmul.f32 v14, v15;
	v15 =	vld.idx.msk [tilespmem:v16+s0+$0x0], $0xffff  }
0x311: {  	v8 =	vshrl.u32 v8, $0x10;
	v16 =	vld [tilespmem:s10+$0x0];
	s10 =	sand.u32 $0x80, s24  }
0x312: {  	s1 =	simm.s32 $0x9F60;
	s10 =	sshrl.u32 s10, $0x1;
	v12 =	vmul.f32 v14, v12  }
0x313: {  	v14 =	vld [tilespmem:s1+$0x0];
	s10 =	sor.u32 s10, s13;
	s13 =	simm.s32 $0xA960  }
0x314: {  	v13 =	vmul.f32 v17, v13;
	v20 =	vld [tilespmem:s13+$0x0];
	v12 =	vmul.f32 v12, v7  }
0x315: {  	v10 =	vshrl.u32 v10, $0x10;
	v25 =	vld [tilespmem:s13+$0xFFFFFFE0]  }
0x316: {  	[tilespmem:v8+s21+$0x0] =	vst.idx.add.f32.msk $0xffff, v12;
	v8 =	vmul.f32 v13, v15  }
0x317: {  	v9 =	vunpack.i.u.s16.s32 v9;
	v12 =	vld [tilespmem:s8+$0x10]  }
0x318: {  	v13 =	vld [tilespmem:s1+$0xFFFFFFE0];
	v17 =	vand.u32 $0xFFFF, v14;
	v8 =	vmul.f32 v8, v7  }
0x319: {  	v15 =	vld [tilespmem:s10+$0x0]  }
0x31a: {  	[tilespmem:v10+s21+$0x0] =	vst.idx.add.f32.msk $0xffff, v8;
	v8 =	vunpack.i.l.s16.s32 v16  }
0x31b: {  	v23 =	vld [tilespmem:s6+$0x10]  }
0x31c: {  	v9 =	vld.idx.msk [tilespmem:v9+s0+$0x0], $0xffff;
	v10 =	vand.u32 $0xFFFF, v12  }
0x31d: {  	v17 =	vld.idx.msk [tilespmem:v17+s20+$0x0], $0xffff  }
0x31e: {  	v18 =	vld [tilespmem:s8+$0xFFFFFFF0];
	v21 =	vand.u32 $0xFFFF, v13  }
0x31f: {  	v11 =	vunpack.i.u.s16.s32 v11;
	v8 =	vld.idx.msk [tilespmem:v8+s0+$0x0], $0xffff  }
0x320: {  	s18 =	simm.s32 $0x140;
	v19 =	vld [tilespmem:s6+$0xFFFFFFF0];
	v22 =	vunpack.i.l.s16.s32 v15  }
0x321: {  	s16 =	simm.s32 $0x80;
	s8 =	sand.u32 $0xC0, s18;
	s18 =	simm.s32 $0xA9A0;
	v10 =	vld.idx.msk [tilespmem:v10+s20+$0x0], $0xffff  }
0x322: {  	s6 =	sand.u32 $0x700, s16;
	v26 =	vld [tilespmem:s18+$0x0];
	v17 =	vmul.f32 v20, v17  }
0x323: {  	s6 =	sshrl.u32 s6, $0x1;
	v24 =	vand.u32 $0xFFFF, v18;
	v21 =	vld.idx.msk [tilespmem:v21+s20+$0x0], $0xffff  }
0x324: {  	s8 =	sshrl.u32 s8, $0x1;
	s6 =	sadd.s32 $0xA580, s6;
	v20 =	vld.idx.msk [tilespmem:v11+s0+$0x0], $0xffff;
	v11 =	vshrl.u32 v14, $0x10;
	v8 =	vmul.f32 v17, v8  }
0x325: {  	s8 =	sor.u32 s8, s6;
	v14 =	vld.idx.msk [tilespmem:v22+s0+$0x0], $0xffff  }
0x326: {  	s16 =	simm.s32 $0x9FA0;
	v10 =	vmul.f32 v23, v10;
	v23 =	vmul.f32 v8, v7;
	v8 =	vld [tilespmem:s8+$0x0]  }
0x327: {  	v22 =	vshrl.u32 v12, $0x10;
	v12 =	vld [tilespmem:s16+$0x0]  }
0x328: {  	v17 =	vld.idx.msk [tilespmem:v24+s20+$0x0], $0xffff;
	v9 =	vmul.f32 v10, v9;
	v10 =	vmul.f32 v25, v21  }
0x329: {  	s24 =	simm.s32 $0x100;
	v13 =	vshrl.u32 v13, $0x10;
	[tilespmem:v11+s21+$0x0] =	vst.idx.add.f32.msk $0xffff, v23  }
0x32a: {  	s8 =	sand.u32 $0x80, s24;
	v9 =	vmul.f32 v9, v7;
	v11 =	vmul.f32 v10, v14;
	v10 =	vld [tilespmem:s1+$0x10]  }
0x32b: {  	s8 =	sshrl.u32 s8, $0x1;
	v14 =	vld [tilespmem:s16+$0xFFFFFFE0];
	v21 =	vunpack.i.l.s16.s32 v8  }
0x32c: {  	s6 =	sor.u32 s8, s6;
	[tilespmem:v22+s21+$0x0] =	vst.idx.add.f32.msk $0xffff, v9;
	v9 =	vunpack.i.u.s16.s32 v15;
	v11 =	vmul.f32 v11, v7  }
0x32d: {  	v22 =	vld [tilespmem:s6+$0x0];
	v15 =	vand.u32 $0xFFFF, v12  }
0x32e: {  	[tilespmem:v13+s21+$0x0] =	vst.idx.add.f32.msk $0xffff, v11  }
0x32f: {  	v16 =	vunpack.i.u.s16.s32 v16;
	v23 =	vld [tilespmem:s1+$0xFFFFFFF0]  }
0x330: {  	v24 =	vand.u32 $0xFFFF, v10;
	v21 =	vld.idx.msk [tilespmem:v21+s0+$0x0], $0xffff  }
0x331: {  	v11 =	vld.idx.msk [tilespmem:v9+s0+$0x0], $0xffff;
	v9 =	vmul.f32 v19, v17;
	v17 =	vand.u32 $0xFFFF, v14  }
0x332: {  	v27 =	vld.idx.msk [tilespmem:v15+s20+$0x0], $0xffff  }
0x333: {  	v15 =	vmul.f32 v9, v20;
	v20 =	vld [tilespmem:s13+$0x10]  }
0x334: {  	v9 =	vshrl.u32 v18, $0x10;
	v18 =	vld.idx.msk [tilespmem:v16+s0+$0x0], $0xffff  }
0x335: {  	v25 =	vunpack.i.l.s16.s32 v22;
	v16 =	vshrl.u32 v14, $0x10;
	v19 =	vld.idx.msk [tilespmem:v24+s20+$0x0], $0xffff  }
0x336: {  	v14 =	vunpack.i.u.s16.s32 v22;
	v22 =	vld.idx.msk [tilespmem:v17+s20+$0x0], $0xffff;
	v17 =	vshrl.u32 v23, $0x10;
	v23 =	vand.u32 $0xFFFF, v23;
	_ =	sdelay $0x1  }
0x337: {  	s28 =	simm.s32 $0x4;
	s29 =	simm.s32 $0x9FA0;
	v13 =	vld [tilespmem:s13+$0xFFFFFFF0]  }
0x338: {  	s10 =	simm.s32 $0x180;
	s1 =	simm.s32 $0xA9A0;
	s13 =	simm.s32 $0xC0;
	v24 =	vld [tilespmem:s18+$0xFFFFFFE0];
	v15 =	vmul.f32 v15, v7;
	v26 =	vmul.f32 v26, v27  }
.LBB2_37:
0x339: {  	s6 =	sand.u32 $0x700, s13;
	s8 =	sand.u32 $0x80, s10;
	s24 =	sadd.s32 $0x40, s10;
	v25 =	vld.idx.msk [tilespmem:v25+s0+$0x0], $0xffff;
	v27 =	vshrl.u32 v12, $0x10  }
0x33a: {  	s6 =	sshrl.u32 s6, $0x1;
	s8 =	sshrl.u32 s8, $0x1;
	s24 =	sand.u32 $0xC0, s24;
	v21 =	vmul.f32 v26, v21;
	v23 =	vld.idx.msk [tilespmem:v23+s20+$0x0], $0xffff;
	v19 =	vmul.f32 v20, v19  }
0x33b: {  	s16 =	sadd.s32 $0x40, s16;
	v20 =	vshrl.u32 v10, $0x10;
	s6 =	sadd.s32 $0xA580, s6;
	s24 =	sshrl.u32 s24, $0x1;
	[tilespmem:v9+s21+$0x0] =	vst.idx.add.f32.msk $0xffff, v15;
	v9 =	vmov v17  }
0x33c: {  	s8 =	sor.u32 s8, s6;
	s6 =	sor.u32 s24, s6;
	v12 =	vld [tilespmem:s16+$0x0];
	v10 =	vmul.f32 v21, v7;
	v15 =	vmul.f32 v19, v18  }
0x33d: {  	s28 =	sadd.s32 $0x2, s28;
	v17 =	vld [tilespmem:s6+$0x0];
	v18 =	vmul.f32 v24, v22  }
0x33e: {  	p2 =	slt.u32 s28, $0x30;
	[tilespmem:v27+s21+$0x0] =	vst.idx.add.f32.msk $0xffff, v10;
	v15 =	vmul.f32 v15, v7  }
0x33f: {  	v18 =	vmul.f32 v18, v25;
	v10 =	vld [tilespmem:s29+$0x10]  }
0x340: {  	v13 =	vmul.f32 v13, v23;
	[tilespmem:v20+s21+$0x0] =	vst.idx.add.f32.msk $0xffff, v15  }
0x341: {  	v19 =	vld [tilespmem:s16+$0xFFFFFFE0];
	v15 =	vmul.f32 v18, v7  }
0x342: {  	v11 =	vmul.f32 v13, v11;
	v18 =	vld [tilespmem:s8+$0x0]  }
0x343: {  	v20 =	vand.u32 $0xFFFF, v12;
	[tilespmem:v16+s21+$0x0] =	vst.idx.add.f32.msk $0xffff, v15  }
0x344: {  	v21 =	vunpack.i.l.s16.s32 v17;
	v15 =	vmul.f32 v11, v7;
	v22 =	vld [tilespmem:s29+$0xFFFFFFF0];
	s29 =	smov.u32 s16  }
0x345: {  	v24 =	vand.u32 $0xFFFF, v10;
	v13 =	vld [tilespmem:s18+$0xFFFFFFF0]  }
0x346: {  	s18 =	sadd.s32 $0x40, s18;
	v16 =	vshrl.u32 v19, $0x10;
	v26 =	vand.u32 $0xFFFF, v19;
	v11 =	vld.idx.msk [tilespmem:v14+s0+$0x0], $0xffff  }
0x347: {  	v14 =	vunpack.i.u.s16.s32 v18;
	v25 =	vunpack.i.l.s16.s32 v18;
	v27 =	vld [tilespmem:s18+$0x0];
	v18 =	vunpack.i.u.s16.s32 v8;
	v8 =	vmovc v17  }
0x348: {  	v28 =	vld.idx.msk [tilespmem:v20+s20+$0x0], $0xffff  }
0x349: {  	v21 =	vld.idx.msk [tilespmem:v21+s0+$0x0], $0xffff;
	v17 =	vshrl.u32 v22, $0x10;
	v23 =	vand.u32 $0xFFFF, v22  }
.Ltmp29:
0x34a: {  	v19 =	vld.idx.msk [tilespmem:v24+s20+$0x0], $0xffff;
	(pc) =	sbr.rel @p2 .LBB2_37-.Ltmp29, $4  }
0x34b: {  	v20 =	vld [tilespmem:s1+$0x10];
	s1 =	smov.u32 s18  }
0x34c: {  	v18 =	vld.idx.msk [tilespmem:v18+s0+$0x0], $0xffff  }
0x34d: {  	v22 =	vld.idx.msk [tilespmem:v26+s20+$0x0], $0xffff  }
0x34e: {  	s10 =	sadd.s32 $0x80, s10;
	s13 =	sadd.s32 $0x40, s13;
	v26 =	vmul.f32 v27, v28;
	v24 =	vld [tilespmem:s18+$0xFFFFFFE0]  }
0x34f: {  	_ =	sdelay $0x3  }
0x350: {  	v25 =	vld.idx.msk [tilespmem:v25+s0+$0x0], $0xffff;
	_ =	sdelay $0x1  }
0x351: {  	v12 =	vshrl.u32 v12, $0x10  }
0x352: {  	v21 =	vmul.f32 v26, v21;
	v22 =	vmul.f32 v24, v22;
	_ =	sdelay $0x1  }
0x353: {  	v21 =	vmul.f32 v21, v7;
	v22 =	vmul.f32 v22, v25;
	_ =	sdelay $0x1  }
0x354: {  	[tilespmem:v12+s21+$0x0] =	vst.idx.add.f32.msk $0xffff, v21;
	v57 =	vmul.f32 v22, v7  }
0x355: {  	v21 =	vld [tilespmem:s29+$0x10]  }
0x356: {  	[tilespmem:v16+s21+$0x0] =	vst.idx.add.f32.msk $0xffff, v57  }
0x357: {  	v12 =	vld [tilespmem:s29+$0xFFFFFFF0];
	_ =	sdelay $0x3  }
0x358: {  	v58 =	vand.u32 $0xFFFF, v21  }
0x359: {  	v59 =	vand.u32 $0xFFFF, v12  }
0x35a: {  	v23 =	vld.idx.msk [tilespmem:v23+s20+$0x0], $0xffff;
	v8 =	vunpack.i.u.s16.s32 v8  }
0x35b: {  	v61 =	vld [tilespmem:s1+$0x10]  }
0x35c: {  	v60 =	vld [tilespmem:s18+$0xFFFFFFF0]  }
0x35d: {  	v16 =	vld.idx.msk [tilespmem:v58+s20+$0x0], $0xffff  }
0x35e: {  	v22 =	vld.idx.msk [tilespmem:v59+s20+$0x0], $0xffff  }
0x35f: {  	v8 =	vld.idx.msk [tilespmem:v8+s0+$0x0], $0xffff  }
0x360: {  	v19 =	vmul.f32 v20, v19;
	v14 =	vld.idx.msk [tilespmem:v14+s0+$0x0], $0xffff  }
0x361: {  	v10 =	vshrl.u32 v10, $0x10;
	v13 =	vmul.f32 v13, v23  }
0x362: {  	v18 =	vmul.f32 v19, v18;
	v16 =	vmul.f32 v61, v16  }
0x363: {  	v11 =	vmul.f32 v13, v11;
	v62 =	vshrl.u32 v21, $0x10;
	v63 =	vmul.f32 v60, v22  }
0x364: {  	v18 =	vmul.f32 v18, v7;
	v12 =	vshrl.u32 v12, $0x10;
	v8 =	vmul.f32 v16, v8  }
0x365: {  	[tilespmem:v9+s21+$0x0] =	vst.idx.add.f32.msk $0xffff, v15;
	v9 =	vmul.f32 v11, v7;
	v11 =	vmul.f32 v63, v14  }
0x366: {  	[tilespmem:v10+s21+$0x0] =	vst.idx.add.f32.msk $0xffff, v18;
	v8 =	vmul.f32 v8, v7  }
0x367: {  	[tilespmem:v17+s21+$0x0] =	vst.idx.add.f32.msk $0xffff, v9;
	v7 =	vmul.f32 v11, v7  }
0x368: {  	[tilespmem:v62+s21+$0x0] =	vst.idx.add.f32.msk $0xffff, v8  }
0x369: {  	s29 =	simm.s32 $0x0;
	[tilespmem:v12+s21+$0x0] =	vst.idx.add.f32.msk $0xffff, v7  }
0x36a: {  	v7 =	vimm.f32 $0.0e+00;
	v8 =	vld [tilespmem:s29+$0xC080];
	[tilespmem:s29+$0xBF80] =	vst v3  }
.LBB2_39:
0x36b: {  	p2 =	sne.s32 s15, $0x300  }
.Ltmp30:
0x36c: {  	_ = 	snop;
	(pc) =	sbr.rel @p2 .LBB2_39-.Ltmp30, $3  }
0x36d: {  	_ =	sdelay $0x1  }
0x36e: {  	s1 =	sshra.s32 s15, $0x2;
	s15 =	sadd.s32 $0x40, s15;
	v7 =	vmax.f32 v7, v8  }
0x36f: {  	v8 =	vld [tilespmem:s1+$0xC080];
	[tilespmem:s1+$0xBF80] =	vst v3  }
0x370: {  	_ =	sdelay $0x3  }
0x371: {  	v7 =	vmax.f32 v7, v8  }
0x372: {  	v8 =	vperm.xlane v7, v1;
	_ =	sdelay $0x1  }
0x373: {  	v7 =	vmax.f32 v7, v8  }
0x374: {  	v8 =	vperm.xlane v7, v2;
	_ =	sdelay $0x1  }
0x375: {  	v7 =	vmax.f32 v7, v8;
	v8 =	vmov s22  }
0x376: {  	v9 =	vperm.xlane v7, v4;
	v8 =	vand.u32 $0xFFFFFFFE, v8  }
0x377: {  	v8 =	vbroadcast v8, $0x0  }
0x378: {  	v7 =	vmax.f32 v7, v9  }
0x379: {  	v9 =	vperm.xlane v7, v6;
	_ =	sdelay $0x1  }
0x37a: {  	v7 =	vmax.f32 v7, v9  }
0x37b: {  	s1 =	simm.s32 $0xD400;
	v7 =	vand.u32 $0x7F800000, v7  }
0x37c: {  	v63 =	vsub.s32 $0x7F000000, v7;
	[tilespmem:v8+s1+$0x0] =	vst.idx.msk $0x1, v7  }
0x37d: {  	[tilespmem:$0xD600] =	vst v63  }
0x37e: {  	[bflag:$0x0] =	sbarrier.arrive $0xFFFF  }
0x37f: {  	s28 =	rddreg [dreg:$0xd]  }
0x380: {  	[tilespmem:s2], [sflag:$0x3] =	stream.linear.gather [spmem:s28], $0x458, $0x38;
	[tilespmem:$0xDE50] =	vst v63  }
0x381: {  	_ =	swait.ge [sflag:s31], $0x458  }
0x382: {  	[sflag:s31] =	ssyncset.done $0x0  }
0x383: {  	s29 =	simm.s32 $0xD280;
	[sflag:s31] =	ssyncadd.s32 $0xFFFFFBA8  }
.LBB2_30:
0x384: {  	s1 =	simm.s32 $0xB7C0;
	s6 =	simm.s32 $0xAFC0  }
0x385: {  	v10 =	vld [tilespmem:s1+$0xFFFFFFC0];
	[tilespmem:s6+$0xFFFFFFC0] =	vst v3  }
0x386: {  	v11 =	vld [tilespmem:s1+$0xFFFFFFD0];
	[tilespmem:s6+$0xFFFFFFD0] =	vst v3  }
0x387: {  	v12 =	vld [tilespmem:s1+$0xFFFFFFE0];
	[tilespmem:s6+$0xFFFFFFE0] =	vst v3  }
0x388: {  	v7 =	vld [tilespmem:s1+$0xFFFFFFF0];
	[tilespmem:s6+$0xFFFFFFF0] =	vst v3  }
0x389: {  	v13 =	vimm.f32 $0.0e+00;
	v8 =	vld [tilespmem:s1+$0x0];
	[tilespmem:s6+$0x0] =	vst v3  }
0x38a: {  	v9 =	vld [tilespmem:s1+$0x10];
	[tilespmem:s6+$0x10] =	vst v3;
	v13 =	vmax.f32 v13, v10  }
0x38b: {  	v10 =	vld [tilespmem:s1+$0x20];
	[tilespmem:s6+$0x20] =	vst v3;
	v13 =	vmax.f32 v13, v11  }
0x38c: {  	s10 =	simm.s32 $0xB840;
	s13 =	simm.s32 $0xB040;
	v11 =	vld [tilespmem:s1+$0x30];
	s1 =	simm.s32 $0x0;
	[tilespmem:s6+$0x30] =	vst v3;
	v12 =	vmax.f32 v13, v12  }
.LBB2_31:
0x38d: {  	v13 =	vld [tilespmem:s10+$0xFFFFFFC0];
	[tilespmem:s13+$0xFFFFFFC0] =	vst v3;
	s1 =	sadd.s32 $0x8, s1;
	v7 =	vmax.f32 v12, v7  }
0x38e: {  	v12 =	vld [tilespmem:s10+$0xFFFFFFD0];
	[tilespmem:s13+$0xFFFFFFD0] =	vst v3;
	p2 =	slt.u32 s1, $0x78;
	v7 =	vmax.f32 v7, v8  }
0x38f: {  	v14 =	vld [tilespmem:s10+$0xFFFFFFE0];
	[tilespmem:s13+$0xFFFFFFE0] =	vst v3;
	v8 =	vmax.f32 v7, v9  }
.Ltmp31:
0x390: {  	v7 =	vld [tilespmem:s10+$0xFFFFFFF0];
	[tilespmem:s13+$0xFFFFFFF0] =	vst v3;
	v9 =	vmax.f32 v8, v10;
	(pc) =	sbr.rel @p2 .LBB2_31-.Ltmp31, $4  }
0x391: {  	v8 =	vld [tilespmem:s10+$0x0];
	[tilespmem:s13+$0x0] =	vst v3;
	v9 =	vmax.f32 v9, v11  }
0x392: {  	v10 =	vmax.f32 v9, v13;
	v9 =	vld [tilespmem:s10+$0x10];
	[tilespmem:s13+$0x10] =	vst v3  }
0x393: {  	v11 =	vmax.f32 v10, v12;
	v10 =	vld [tilespmem:s10+$0x20];
	[tilespmem:s13+$0x20] =	vst v3  }
0x394: {  	v12 =	vmax.f32 v11, v14;
	v11 =	vld [tilespmem:s10+$0x30];
	[tilespmem:s13+$0x30] =	vst v3;
	s10 =	sadd.s32 $0x80, s10;
	s13 =	sadd.s32 $0x80, s13  }
0x395: {  	v7 =	vmax.f32 v12, v7  }
0x396: {  	v7 =	vmax.f32 v7, v8  }
0x397: {  	v7 =	vmax.f32 v7, v9  }
0x398: {  	v7 =	vmax.f32 v7, v10  }
0x399: {  	v7 =	vmax.f32 v7, v11  }
0x39a: {  	v8 =	vperm.xlane v7, v1;
	_ =	sdelay $0x1  }
0x39b: {  	v7 =	vmax.f32 v7, v8  }
0x39c: {  	v8 =	vperm.xlane v7, v2;
	_ =	sdelay $0x1  }
0x39d: {  	v7 =	vmax.f32 v7, v8;
	v8 =	vmov s22  }
0x39e: {  	v62 =	vperm.xlane v7, v4;
	v8 =	vand.u32 $0xFFFFFFFE, v8  }
0x39f: {  	v8 =	vbroadcast v8, $0x0  }
0x3a0: {  	v7 =	vmax.f32 v7, v62  }
0x3a1: {  	v9 =	vperm.xlane v7, v6;
	_ =	sdelay $0x1  }
0x3a2: {  	v7 =	vmax.f32 v7, v9  }
0x3a3: {  	v7 =	vand.u32 $0x7F800000, v7  }
0x3a4: {  	v63 =	vsub.s32 $0x7F000000, v7;
	[tilespmem:v8+s29+$0x0] =	vst.idx.msk $0x1, v7  }
0x3a5: {  	[tilespmem:$0xD580] =	vst v63  }
.LBB2_49:
0x3a6: {  	s1 =	sadd.s32 $0x2, s22  }
0x3a7: {  	p2 =	sge.s32 s1, s12  }
0x3a8: {  	s6 =	sshll.u32 @!p2 s1, $0xB  }
0x3a9: {  	s1 =	sshll.u32 @!p2 s1, $0x7;
	s6 =	sand.u32 @!p2 $0x1FC000, s6  }
.Ltmp32:
0x3aa: {  	s1 =	sand.u32 @!p2 $0x300, s1;
	s6 =	sadd.s32 @!p2 s17, s6;
	(pc) =	sbr.rel @p6 .LBB2_82-.Ltmp32, $4  }
0x3ab: {  	s1 =	sor.u32 @!p2 s1, s6  }
0x3ac: {  	s8 =	simm.s32 @!p2 $0x400;
	s1 =	sshrl.u32 @!p2 s1, $0x3  }
0x3ad: {  	s10 =	simm.s32 @!p2 $0xC180;
	s6 =	simm.s32 @!p2 $0x80;
	s1 =	sadd.s32 @!p2 s7, s1  }
0x3ae: {  	[tilespmem:s10], [sflag:$0x1] =	stream.strided.gather @!p2 [hbm4b:s1+s6], $0x800, s8, s6, $0x38;
	[tilespmem:$0xDE50] =	vst v63  }
0x3af: {  	s1 =	simm.s32 $0x2  }
0x3b0: {  	_ =	swait.ge [sflag:s1], $0x800  }
0x3b1: {  	[sflag:s1] =	ssyncset.done $0x0  }
0x3b2: {  	s16 =	simm.s32 $0xC9C0;
	[sflag:s1] =	ssyncadd.s32 $0xFFFFF800  }
0x3b3: {  	v7 =	vld [tilespmem:s16+$0xFFFFFFD0]  }
0x3b4: {  	v8 =	vld [tilespmem:s16+$0x30]  }
0x3b5: {  	v9 =	vld [tilespmem:s16+$0x20]  }
0x3b6: {  	v10 =	vld [tilespmem:s16+$0x10]  }
0x3b7: {  	v11 =	vld [tilespmem:s16+$0xFFFFFFF0]  }
0x3b8: {  	v12 =	vld [tilespmem:s16+$0xFFFFFFC0]  }
0x3b9: {  	v13 =	vld [tilespmem:s16+$0x0]  }
0x3ba: {  	s15 =	simm.s32 $0xCA40;
	v14 =	vld [tilespmem:s16+$0xFFFFFFE0]  }
0x3bb: {  	v15 =	vld [tilespmem:s15+$0xFFFFFFD0]  }
0x3bc: {  	v17 =	vld [tilespmem:s15+$0x20];
	_ =	sdelay $0x1  }
0x3bd: {  	v7 =	vmax.f32 v7, $-3.000000000e+01  }
0x3be: {  	v9 =	vmax.f32 v9, $-3.000000000e+01;
	v8 =	vmax.f32 v8, $-3.000000000e+01;
	v11 =	vmax.f32 v11, $-3.000000000e+01  }
0x3bf: {  	v12 =	vmax.f32 v12, $-3.000000000e+01;
	v10 =	vmax.f32 v10, $-3.000000000e+01;
	v13 =	vmax.f32 v13, $-3.000000000e+01  }
0x3c0: {  	v14 =	vmax.f32 v14, $-3.000000000e+01;
	v15 =	vmax.f32 v15, $-3.000000000e+01;
	v17 =	vmax.f32 v17, $-3.000000000e+01  }
0x3c1: {  	v7 =	vmin.f32 v7, $3.000000000e+01;
	v9 =	vmin.f32 v9, $3.000000000e+01;
	v8 =	vmin.f32 v8, $3.000000000e+01  }
0x3c2: {  	v16 =	vld [tilespmem:s15+$0x30];
	v13 =	vmin.f32 v13, $3.000000000e+01;
	v9 =	vmul.f32 $1.442695020e+00, v9;
	v7 =	vmul.f32 $1.442695020e+00, v7  }
0x3c3: {  	v10 =	vmin.f32 v10, $3.000000000e+01;
	v8 =	vmul.f32 $1.442695020e+00, v8;
	v13 =	vmul.f32 $1.442695020e+00, v13  }
0x3c4: {  	v18 =	vld [tilespmem:s15+$0x10];
	v14 =	vmin.f32 v14, $3.000000000e+01;
	v10 =	vmul.f32 $1.442695020e+00, v10;
	(erf) = vpow2.f32 v9  }
0x3c5: {  	v11 =	vmin.f32 v11, $3.000000000e+01;
	v14 =	vmul.f32 $1.442695020e+00, v14;
	v9 =	vld [tilespmem:s15+$0xFFFFFFF0];
	(erf) = vpow2.f32 v7  }
0x3c6: {  	v12 =	vmin.f32 v12, $3.000000000e+01;
	v11 =	vmul.f32 $1.442695020e+00, v11;
	v7 =	vld [tilespmem:s15+$0xFFFFFFC0];
	(erf) = vpow2.f32 v10  }
0x3c7: {  	v16 =	vmax.f32 v16, $-3.000000000e+01;
	v12 =	vmul.f32 $1.442695020e+00, v12;
	v10 =	vld [tilespmem:s15+$0x0];
	(erf) = vpow2.f32 v8  }
0x3c8: {  	v8 =	vmin.f32 v15, $3.000000000e+01;
	v15 =	vmin.f32 v17, $3.000000000e+01;
	(erf) = vpow2.f32 v11;
	v11 =	vld [tilespmem:s15+$0xFFFFFFE0]  }
0x3c9: {  	v16 =	vmin.f32 v16, $3.000000000e+01;
	v15 =	vmul.f32 $1.442695020e+00, v15;
	v8 =	vmul.f32 $1.442695020e+00, v8  }
0x3ca: {  	s22 =	simm.s32 $0xCAC0;
	v9 =	vmax.f32 v9, $-3.000000000e+01;
	(erf) = vpow2.f32 v13;
	v13 =	vmul.f32 $1.442695020e+00, v16  }
0x3cb: {  	v17 =	vmax.f32 v7, $-3.000000000e+01;
	v7 =	vmax.f32 v18, $-3.000000000e+01;
	v18 =	vld [tilespmem:s22+$0xFFFFFFD0];
	(erf) = vpow2.f32 v14  }
0x3cc: {  	v16 =	vld [tilespmem:s22+$0x30];
	v19 =	vmin.f32 v9, $3.000000000e+01;
	v10 =	vmax.f32 v10, $-3.000000000e+01;
	v7 =	vmin.f32 v7, $3.000000000e+01  }
0x3cd: {  	v14 =	vld [tilespmem:s22+$0x20];
	(erf) = vpow2.f32 v12;
	v9 =	vmax.f32 v11, $-3.000000000e+01;
	v11 =	vmul.f32 $1.442695020e+00, v7  }
0x3ce: {  	v20 =	vld [tilespmem:s22+$0x10];
	v10 =	vmin.f32 v10, $3.000000000e+01;
	(erf) = vpow2.f32 v15  }
0x3cf: {  	v12 =	vpop (erf);
	v7 =	vmul.f32 $1.442695020e+00, v10;
	v10 =	vld [tilespmem:s22+$0xFFFFFFF0];
	(erf) = vpow2.f32 v8;
	v9 =	vmin.f32 v9, $3.000000000e+01  }
0x3d0: {  	[tilespmem:s16+$0x20] =	vst v12;
	v8 =	vpop (erf);
	v12 =	vmin.f32 v17, $3.000000000e+01;
	v17 =	vld [tilespmem:s22+$0xFFFFFFC0];
	(erf) = vpow2.f32 v11;
	v15 =	vmax.f32 v18, $-3.000000000e+01  }
0x3d1: {  	[tilespmem:s16+$0xFFFFFFD0] =	vst v8;
	v8 =	vmul.f32 $1.442695020e+00, v12;
	v12 =	vmul.f32 $1.442695020e+00, v19;
	v18 =	vmin.f32 v15, $3.000000000e+01;
	v15 =	vld [tilespmem:s22+$0x0];
	v11 =	vpop (erf)  }
0x3d2: {  	v16 =	vmax.f32 v16, $-3.000000000e+01;
	v14 =	vmax.f32 v14, $-3.000000000e+01;
	(erf) = vpow2.f32 v13;
	[tilespmem:s16+$0x10] =	vst v11;
	v11 =	vpop (erf)  }
0x3d3: {  	v9 =	vmul.f32 $1.442695020e+00, v9;
	v13 =	vmin.f32 v14, $3.000000000e+01;
	(erf) = vpow2.f32 v12;
	[tilespmem:s16+$0x30] =	vst v11;
	v11 =	vpop (erf)  }
0x3d4: {  	v16 =	vmin.f32 v16, $3.000000000e+01;
	v13 =	vmul.f32 $1.442695020e+00, v13;
	v12 =	vmul.f32 $1.442695020e+00, v18;
	[tilespmem:s16+$0xFFFFFFF0] =	vst v11;
	v19 =	vpop (erf);
	v11 =	vld [tilespmem:s22+$0xFFFFFFE0]  }
0x3d5: {  	s10 =	simm.s32 $0xCB40;
	s1 =	simm.s32 $0x10;
	v14 =	vmax.f32 v10, $-3.000000000e+01;
	v10 =	vmax.f32 v17, $-3.000000000e+01;
	v17 =	vmax.f32 v20, $-3.000000000e+01;
	[tilespmem:s16+$0x0] =	vst v19;
	v18 =	vpop (erf)  }
.LBB2_51:
0x3d6: {  	v19 =	vld [tilespmem:s10+$0xFFFFFFD0];
	s1 =	sadd.s32 $0x8, s1;
	v15 =	vmax.f32 v15, $-3.000000000e+01;
	v16 =	vmul.f32 $1.442695020e+00, v16;
	(erf) = vpow2.f32 v7;
	[tilespmem:s16+$0xFFFFFFE0] =	vst v18;
	v7 =	vpop (erf)  }
0x3d7: {  	v17 =	vmin.f32 v17, $3.000000000e+01;
	v18 =	vld [tilespmem:s10+$0x30];
	p2 =	slt.u32 s1, $0x78;
	v15 =	vmin.f32 v15, $3.000000000e+01;
	(erf) = vpow2.f32 v9;
	v9 =	vpop (erf);
	[tilespmem:s16+$0xFFFFFFC0] =	vst v7;
	s16 =	smov.u32 s15;
	s15 =	smov.u32 s22  }
0x3d8: {  	v14 =	vmin.f32 v14, $3.000000000e+01;
	s22 =	smov.u32 s10;
	v20 =	vld [tilespmem:s10+$0x20];
	v7 =	vmul.f32 $1.442695020e+00, v15;
	[tilespmem:s16+$0x20] =	vst v9;
	(erf) = vpow2.f32 v8;
	v8 =	vpop (erf)  }
0x3d9: {  	v15 =	vmul.f32 $1.442695020e+00, v17;
	v21 =	vld [tilespmem:s10+$0x10];
	v9 =	vmax.f32 v11, $-3.000000000e+01;
	(erf) = vpow2.f32 v13;
	[tilespmem:s16+$0xFFFFFFD0] =	vst v8;
	v8 =	vpop (erf)  }
0x3da: {  	v10 =	vmin.f32 v10, $3.000000000e+01;
	v13 =	vld [tilespmem:s10+$0xFFFFFFF0];
	v9 =	vmin.f32 v9, $3.000000000e+01;
	(erf) = vpow2.f32 v12;
	[tilespmem:s16+$0x10] =	vst v8  }
0x3db: {  	v12 =	vld [tilespmem:s10+$0xFFFFFFC0];
	v17 =	vmax.f32 v19, $-3.000000000e+01;
	v9 =	vmul.f32 $1.442695020e+00, v9;
	(erf) = vpow2.f32 v15;
	v11 =	vpop (erf)  }
.Ltmp33:
0x3dc: {  	v8 =	vmul.f32 $1.442695020e+00, v10;
	v10 =	vmul.f32 $1.442695020e+00, v14;
	v15 =	vld [tilespmem:s10+$0x0];
	[tilespmem:s16+$0x30] =	vst v11;
	v11 =	vpop (erf);
	(pc) =	sbr.rel @p2 .LBB2_51-.Ltmp33, $4  }
0x3dd: {  	v19 =	vmax.f32 v18, $-3.000000000e+01;
	v14 =	vmax.f32 v20, $-3.000000000e+01;
	(erf) = vpow2.f32 v16;
	[tilespmem:s16+$0xFFFFFFF0] =	vst v11  }
0x3de: {  	v17 =	vmin.f32 v17, $3.000000000e+01;
	v16 =	vmin.f32 v14, $3.000000000e+01;
	(erf) = vpow2.f32 v10  }
0x3df: {  	v11 =	vld [tilespmem:s10+$0xFFFFFFE0];
	v14 =	vmax.f32 v13, $-3.000000000e+01;
	v13 =	vmul.f32 $1.442695020e+00, v16;
	v16 =	vmin.f32 v19, $3.000000000e+01;
	v18 =	vpop (erf)  }
0x3e0: {  	s10 =	sadd.s32 $0x80, s10;
	v10 =	vmax.f32 v12, $-3.000000000e+01;
	v12 =	vmul.f32 $1.442695020e+00, v17;
	v17 =	vmax.f32 v21, $-3.000000000e+01;
	[tilespmem:s16+$0x0] =	vst v18;
	v18 =	vpop (erf)  }
0x3e1: {  	(erf) = vpow2.f32 v7  }
0x3e2: {  	v7 =	vmul.f32 $1.442695020e+00, v16;
	v55 =	vmin.f32 v17, $3.000000000e+01;
	(erf) = vpow2.f32 v9  }
0x3e3: {  	v14 =	vmin.f32 v14, $3.000000000e+01;
	v9 =	vmul.f32 $1.442695020e+00, v55;
	(erf) = vpow2.f32 v8  }
0x3e4: {  	[tilespmem:s16+$0xFFFFFFE0] =	vst v18;
	v56 =	vpop (erf);
	v59 =	vmul.f32 $1.442695020e+00, v14;
	v8 =	vmax.f32 v15, $-3.000000000e+01;
	(erf) = vpow2.f32 v13  }
0x3e5: {  	v57 =	vpop (erf);
	[tilespmem:s16+$0xFFFFFFC0] =	vst v56;
	v8 =	vmin.f32 v8, $3.000000000e+01;
	v11 =	vmax.f32 v11, $-3.000000000e+01;
	(erf) = vpow2.f32 v12  }
0x3e6: {  	[tilespmem:s15+$0x20] =	vst v57;
	v58 =	vpop (erf);
	v8 =	vmul.f32 $1.442695020e+00, v8;
	v11 =	vmin.f32 v11, $3.000000000e+01;
	(erf) = vpow2.f32 v9  }
0x3e7: {  	[tilespmem:s15+$0xFFFFFFD0] =	vst v58;
	v60 =	vpop (erf);
	v61 =	vmul.f32 $1.442695020e+00, v11;
	(erf) = vpow2.f32 v7;
	v7 =	vmin.f32 v10, $3.000000000e+01  }
0x3e8: {  	[tilespmem:s15+$0x10] =	vst v60;
	v62 =	vpop (erf);
	(erf) = vpow2.f32 v59;
	v7 =	vmul.f32 $1.442695020e+00, v7  }
0x3e9: {  	[tilespmem:s15+$0x30] =	vst v62;
	v63 =	vpop (erf);
	(erf) = vpow2.f32 v8  }
0x3ea: {  	[tilespmem:s15+$0xFFFFFFF0] =	vst v63;
	v8 =	vpop (erf);
	(erf) = vpow2.f32 v61  }
0x3eb: {  	[tilespmem:s15+$0x0] =	vst v8;
	v8 =	vpop (erf);
	(erf) = vpow2.f32 v7  }
0x3ec: {  	v7 =	vpop (erf);
	[tilespmem:s15+$0xFFFFFFE0] =	vst v8  }
0x3ed: {  	v8 =	vpop (erf);
	[tilespmem:s15+$0xFFFFFFC0] =	vst v7  }
0x3ee: {  	[tilespmem:s22+$0x20] =	vst v8;
	v7 =	vpop (erf)  }
0x3ef: {  	[tilespmem:s22+$0xFFFFFFD0] =	vst v7;
	v7 =	vpop (erf)  }
0x3f0: {  	[tilespmem:s22+$0x10] =	vst v7;
	v7 =	vpop (erf)  }
0x3f1: {  	[tilespmem:s22+$0x30] =	vst v7;
	v7 =	vpop (erf)  }
0x3f2: {  	[tilespmem:s22+$0xFFFFFFF0] =	vst v7;
	v7 =	vpop (erf)  }
0x3f3: {  	[tilespmem:s22+$0x0] =	vst v7;
	v7 =	vpop (erf)  }
0x3f4: {  	[tilespmem:s22+$0xFFFFFFE0] =	vst v7;
	v7 =	vpop (erf)  }
.Ltmp34:
0x3f5: {  	[tilespmem:s22+$0xFFFFFFC0] =	vst v7;
	(pc) =	sbr.rel @p1 .LBB2_67-.Ltmp34, $1  }
0x3f6: {  	v7 =	vld [tilespmem:$0xD580];
	_ =	sdelay $0x3  }
0x3f7: {  	s1 =	sld [smem:$0x7FC];
	_ =	sdelay $0x2  }
0x3f8: {  	p2 =	seq.s32 s1, $0x1  }
.Ltmp35:
0x3f9: {  	_ = 	snop;
	(pc) =	sbr.rel @p2 .LBB2_61-.Ltmp35, $1  }
0x3fa: {  	_ =	sdelay $0x3  }
0x3fb: {  	s6 =	simm.s32 $0x0  }
0x3fc: {  	s6 =	sand.u32 $0x1, s6  }
0x3fd: {  	s10 =	simm.s32 $0x40;
	s6 =	sadd.s32 $0x0, s6  }
0x3fe: {  	v8 =	vld [tilespmem:s10+$0x20];
	s13 =	sor.u32 $0xC0, s6  }
0x3ff: {  	s13 =	sshra.s32 s13, $0x1  }
0x400: {  	v10 =	vld [tilespmem:s13+$0x3F80]  }
0x401: {  	s8 =	simm.s32 $0x0;
	v11 =	vld [tilespmem:s10+$0xFFFFFFC0]  }
0x402: {  	s8 =	sand.u32 $0xFFFFFF80, s8;
	v12 =	vld [tilespmem:s10+$0xFFFFFFE0]  }
0x403: {  	v9 =	vld [tilespmem:s8+$0x3F80];
	v13 =	vand.u32 $0xFFFF, v8  }
0x404: {  	s1 =	simm.s32 $0x5FC0;
	v15 =	vld [tilespmem:s10+$0x0]  }
0x405: {  	v21 =	vld [tilespmem:s1+$0x20];
	s6 =	sor.u32 $0x80, s6;
	v17 =	vunpack.i.l.s16.s32 v10  }
0x406: {  	v18 =	vld [tilespmem:s8+$0x3FA0];
	s6 =	sshra.s32 s6, $0x1;
	v19 =	vand.u32 $0xFFFF, v11  }
0x407: {  	v16 =	vld [tilespmem:s6+$0x3F80];
	v20 =	vand.u32 $0xFFFF, v12  }
0x408: {  	v14 =	vunpack.i.l.s16.s32 v9;
	v13 =	vld.idx.msk [tilespmem:v13+s2+$0x0], $0xffff  }
0x409: {  	v25 =	vld [tilespmem:s1+$0xFFFFFFC0];
	v22 =	vand.u32 $0xFFFF, v15  }
0x40a: {  	v17 =	vld.idx.msk [tilespmem:v17+s9+$0x0], $0xffff  }
0x40b: {  	v19 =	vld.idx.msk [tilespmem:v19+s2+$0x0], $0xffff  }
0x40c: {  	v23 =	vunpack.i.l.s16.s32 v16;
	v20 =	vld.idx.msk [tilespmem:v20+s2+$0x0], $0xffff  }
0x40d: {  	v24 =	vunpack.i.l.s16.s32 v18;
	v14 =	vld.idx.msk [tilespmem:v14+s9+$0x0], $0xffff;
	v13 =	vmul.f32 v21, v13  }
0x40e: {  	v8 =	vshrl.u32 v8, $0x10;
	v21 =	vld.idx.msk [tilespmem:v22+s2+$0x0], $0xffff  }
0x40f: {  	v22 =	vld [tilespmem:s1+$0x0];
	v13 =	vmul.f32 v13, v17  }
0x410: {  	v17 =	vld [tilespmem:s1+$0xFFFFFFE0]  }
0x411: {  	v23 =	vld.idx.msk [tilespmem:v23+s9+$0x0], $0xffff;
	v19 =	vmul.f32 v25, v19;
	v13 =	vmul.f32 v13, v7  }
0x412: {  	v11 =	vshrl.u32 v11, $0x10;
	v24 =	vld.idx.msk [tilespmem:v24+s9+$0x0], $0xffff  }
0x413: {  	[tilespmem:v8+s3+$0x0] =	vst.idx.add.f32.msk $0xffff, v13;
	v8 =	vmul.f32 v19, v14  }
0x414: {  	v13 =	vmul.f32 v22, v21;
	v21 =	vld [tilespmem:s10+$0x30]  }
0x415: {  	v14 =	vshrl.u32 v15, $0x10;
	v15 =	vmul.f32 v17, v20;
	v8 =	vmul.f32 v8, v7  }
0x416: {  	v12 =	vshrl.u32 v12, $0x10;
	v25 =	vld [tilespmem:s1+$0x30];
	v13 =	vmul.f32 v13, v23  }
0x417: {  	v15 =	vmul.f32 v15, v24;
	[tilespmem:v11+s3+$0x0] =	vst.idx.add.f32.msk $0xffff, v8  }
0x418: {  	v8 =	vmul.f32 v13, v7;
	v11 =	vld [tilespmem:s10+$0xFFFFFFD0]  }
0x419: {  	v13 =	vmul.f32 v15, v7;
	v17 =	vld [tilespmem:s1+$0xFFFFFFD0];
	v15 =	vand.u32 $0xFFFF, v21  }
0x41a: {  	[tilespmem:v14+s3+$0x0] =	vst.idx.add.f32.msk $0xffff, v8;
	v8 =	vunpack.i.u.s16.s32 v10  }
0x41b: {  	[tilespmem:v12+s3+$0x0] =	vst.idx.add.f32.msk $0xffff, v13  }
0x41c: {  	v16 =	vunpack.i.u.s16.s32 v16;
	v19 =	vld [tilespmem:s10+$0xFFFFFFF0]  }
0x41d: {  	v14 =	vld [tilespmem:s10+$0x10];
	v10 =	vand.u32 $0xFFFF, v11  }
0x41e: {  	p3 =	sgt.s32 s25, $0x4;
	v24 =	vld.idx.msk [tilespmem:v15+s2+$0x0], $0xffff  }
.Ltmp36:
0x41f: {  	v20 =	vld.idx.msk [tilespmem:v8+s9+$0x0], $0xffff;
	(pc) =	sbr.rel @!p3 .LBB2_55-.Ltmp36, $4  }
0x420: {  	v15 =	vld [tilespmem:s1+$0x10]  }
0x421: {  	v21 =	vshrl.u32 v21, $0x10;
	v8 =	vshrl.u32 v19, $0x10;
	v23 =	vand.u32 $0xFFFF, v19;
	v19 =	vld.idx.msk [tilespmem:v16+s9+$0x0], $0xffff  }
0x422: {  	v12 =	vunpack.i.u.s16.s32 v9;
	v13 =	vunpack.i.u.s16.s32 v18;
	v9 =	vshrl.u32 v11, $0x10;
	v18 =	vld.idx.msk [tilespmem:v10+s2+$0x0], $0xffff  }
0x423: {  	p2 =	por $0x0, $0x0;
	v22 =	vand.u32 $0xFFFF, v14;
	v10 =	vshrl.u32 v14, $0x10;
	v14 =	vld [tilespmem:s1+$0xFFFFFFF0];
	v24 =	vmul.f32 v25, v24  }
0x424: {  	_ =	sdelay $0x3  }
0x425: {  	v11 =	vld.idx.msk [tilespmem:v22+s2+$0x0], $0xffff  }
0x426: {  	v12 =	vld.idx.msk [tilespmem:v12+s9+$0x0], $0xffff  }
0x427: {  	s1 =	simm.s32 $0x1;
	s15 =	simm.s32 $0xC0;
	v16 =	vmul.f32 v24, v20;
	v20 =	vld.idx.msk [tilespmem:v23+s2+$0x0], $0xffff  }
0x428: {  	s1 =	sand.u32 $0x1, s1;
	v22 =	vld [tilespmem:s15+$0x20]  }
0x429: {  	v24 =	vld [tilespmem:s15+$0xFFFFFFE0];
	s1 =	sadd.s32 $0x80, s1;
	v16 =	vmul.f32 v16, v7  }
0x42a: {  	v26 =	vld [tilespmem:s15+$0x0];
	s8 =	sor.u32 $0xC0, s1  }
0x42b: {  	s8 =	sshra.s32 s8, $0x1;
	[tilespmem:v21+s3+$0x0] =	vst.idx.add.f32.msk $0xffff, v16  }
0x42c: {  	s6 =	simm.s32 $0x40;
	s16 =	simm.s32 $0x6040;
	v16 =	vld [tilespmem:s8+$0x3F80]  }
0x42d: {  	s6 =	sand.u32 $0xFFFFFF80, s6;
	v33 =	vld [tilespmem:s16+$0x20]  }
0x42e: {  	v23 =	vld [tilespmem:s6+$0x3F80]  }
0x42f: {  	v21 =	vld [tilespmem:s15+$0xFFFFFFC0];
	v25 =	vand.u32 $0xFFFF, v22  }
0x430: {  	v29 =	vld [tilespmem:s6+$0x3FA0];
	v32 =	vand.u32 $0xFFFF, v24  }
0x431: {  	v61 =	vld [tilespmem:s16+$0xFFFFFFC0];
	s1 =	sor.u32 $0x80, s1;
	v30 =	vunpack.i.l.s16.s32 v16  }
0x432: {  	v17 =	vmul.f32 v17, v18;
	v18 =	vld [tilespmem:s16+$0xFFFFFFE0];
	s1 =	sshra.s32 s1, $0x1;
	v34 =	vand.u32 $0xFFFF, v26  }
0x433: {  	v28 =	vld [tilespmem:s1+$0x3F80];
	v27 =	vunpack.i.l.s16.s32 v23  }
0x434: {  	v31 =	vand.u32 $0xFFFF, v21;
	v25 =	vld.idx.msk [tilespmem:v25+s2+$0x0], $0xffff  }
0x435: {  	v36 =	vunpack.i.l.s16.s32 v29;
	v32 =	vld.idx.msk [tilespmem:v32+s2+$0x0], $0xffff  }
0x436: {  	v30 =	vld.idx.msk [tilespmem:v30+s9+$0x0], $0xffff  }
0x437: {  	v34 =	vld.idx.msk [tilespmem:v34+s2+$0x0], $0xffff  }
0x438: {  	v35 =	vunpack.i.l.s16.s32 v28;
	v27 =	vld.idx.msk [tilespmem:v27+s9+$0x0], $0xffff  }
0x439: {  	v31 =	vld.idx.msk [tilespmem:v31+s2+$0x0], $0xffff;
	v25 =	vmul.f32 v33, v25  }
0x43a: {  	v11 =	vmul.f32 v15, v11;
	v12 =	vmul.f32 v17, v12;
	v22 =	vshrl.u32 v22, $0x10;
	v63 =	vld.idx.msk [tilespmem:v36+s9+$0x0], $0xffff  }
0x43b: {  	v15 =	vmul.f32 v25, v30;
	v25 =	vld [tilespmem:s16+$0x0]  }
0x43c: {  	v11 =	vmul.f32 v11, v19;
	v12 =	vmul.f32 v12, v7  }
0x43d: {  	v19 =	vld.idx.msk [tilespmem:v35+s9+$0x0], $0xffff;
	v18 =	vmul.f32 v18, v32;
	v15 =	vmul.f32 v15, v7  }
0x43e: {  	v24 =	vshrl.u32 v24, $0x10;
	[tilespmem:v9+s3+$0x0] =	vst.idx.add.f32.msk $0xffff, v12;
	v62 =	vmul.f32 v61, v31  }
0x43f: {  	v11 =	vmul.f32 v11, v7;
	v21 =	vshrl.u32 v21, $0x10;
	v9 =	vmul.f32 v18, v63;
	[tilespmem:v22+s3+$0x0] =	vst.idx.add.f32.msk $0xffff, v15  }
0x440: {  	v15 =	vmul.f32 v62, v27;
	v17 =	vmul.f32 v25, v34;
	v25 =	vld [tilespmem:s15+$0x30]  }
0x441: {  	v13 =	vld.idx.msk [tilespmem:v13+s9+$0x0], $0xffff;
	v9 =	vmul.f32 v9, v7;
	v22 =	vshrl.u32 v26, $0x10  }
0x442: {  	[tilespmem:v10+s3+$0x0] =	vst.idx.add.f32.msk $0xffff, v11;
	v10 =	vmul.f32 v15, v7;
	v11 =	vmul.f32 v17, v19  }
0x443: {  	[tilespmem:v24+s3+$0x0] =	vst.idx.add.f32.msk $0xffff, v9  }
0x444: {  	[tilespmem:v21+s3+$0x0] =	vst.idx.add.f32.msk $0xffff, v10;
	v10 =	vmul.f32 v11, v7  }
0x445: {  	v18 =	vld [tilespmem:s15+$0xFFFFFFD0];
	v11 =	vand.u32 $0xFFFF, v25  }
0x446: {  	[tilespmem:v22+s3+$0x0] =	vst.idx.add.f32.msk $0xffff, v10  }
0x447: {  	v9 =	vunpack.i.u.s16.s32 v16;
	v16 =	vld [tilespmem:s15+$0x10]  }
0x448: {  	v19 =	vld [tilespmem:s15+$0xFFFFFFF0]  }
0x449: {  	v24 =	vld [tilespmem:s16+$0x30]  }
0x44a: {  	v10 =	vand.u32 $0xFFFF, v18;
	v21 =	vld.idx.msk [tilespmem:v11+s2+$0x0], $0xffff  }
0x44b: {  	p3 =	sgt.s32 s25, $0x8;
	v26 =	vunpack.i.u.s16.s32 v28;
	v17 =	vld [tilespmem:s16+$0xFFFFFFD0];
	v11 =	vmul.f32 v14, v20  }
.Ltmp37:
0x44c: {  	v20 =	vld.idx.msk [tilespmem:v9+s9+$0x0], $0xffff;
	v22 =	vand.u32 $0xFFFF, v16;
	(pc) =	sbr.rel @!p3 .LBB2_57-.Ltmp37, $4  }
0x44d: {  	v12 =	vunpack.i.u.s16.s32 v23;
	v15 =	vld [tilespmem:s16+$0x10];
	v23 =	vand.u32 $0xFFFF, v19;
	v9 =	vmul.f32 v11, v13  }
0x44e: {  	v14 =	vld [tilespmem:s16+$0xFFFFFFF0];
	v13 =	vunpack.i.u.s16.s32 v29  }
0x44f: {  	v11 =	vmul.f32 v9, v7;
	v9 =	vshrl.u32 v18, $0x10;
	v18 =	vld.idx.msk [tilespmem:v10+s2+$0x0], $0xffff;
	v24 =	vmul.f32 v24, v21  }
0x450: {  	s18 =	simm.s32 $0x8;
	s22 =	simm.s32 $0x100;
	p2 =	por $0x1, $0x1;
	v10 =	vshrl.u32 v16, $0x10;
	v16 =	vshrl.u32 v19, $0x10;
	v19 =	vld.idx.msk [tilespmem:v26+s9+$0x0], $0xffff;
	v21 =	vshrl.u32 v25, $0x10  }
.LBB2_58:
0x451: {  	s1 =	sshrl.u32 s22, $0x7;
	s6 =	sshra.s32 s22, $0x1;
	s18 =	sadd.s32 $0x4, s18;
	v22 =	vld.idx.msk [tilespmem:v22+s2+$0x0], $0xffff;
	v20 =	vmul.f32 v24, v20  }
0x452: {  	s1 =	sand.u32 $0x1, s1;
	s6 =	sand.u32 $0xFFFFFF80, s6;
	p3 =	slt.s32 s18, s25;
	v23 =	vld.idx.msk [tilespmem:v23+s2+$0x0], $0xffff  }
0x453: {  	s15 =	sadd.s32 $0x80, s15;
	v24 =	vld [tilespmem:s6+$0x3F80];
	s1 =	sadd.s32 s1, s22;
	v20 =	vmul.f32 v20, v7  }
0x454: {  	v17 =	vmul.f32 v17, v18;
	s8 =	sor.u32 $0x80, s1;
	s1 =	sor.u32 $0xC0, s1;
	v25 =	vld [tilespmem:s15+$0x20]  }
0x455: {  	s8 =	sshra.s32 s8, $0x1;
	s1 =	sshra.s32 s1, $0x1;
	[tilespmem:v21+s3+$0x0] =	vst.idx.add.f32.msk $0xffff, v20  }
0x456: {  	v18 =	vld [tilespmem:s1+$0x3F80]  }
0x457: {  	v15 =	vmul.f32 v15, v22;
	v20 =	vld [tilespmem:s15+$0xFFFFFFC0]  }
0x458: {  	v14 =	vmul.f32 v14, v23;
	v21 =	vunpack.i.u.s16.s32 v24;
	v22 =	vunpack.i.l.s16.s32 v24;
	v24 =	vld [tilespmem:s15+$0xFFFFFFE0]  }
0x459: {  	v15 =	vmul.f32 v15, v19;
	v23 =	vld [tilespmem:s15+$0x0];
	v26 =	vand.u32 $0xFFFF, v25  }
0x45a: {  	v19 =	vld [tilespmem:s8+$0x3F80]  }
0x45b: {  	v15 =	vmul.f32 v15, v7;
	v27 =	vld [tilespmem:s6+$0x3FA0];
	v28 =	vunpack.i.l.s16.s32 v18  }
0x45c: {  	v29 =	vshrl.u32 v20, $0x10;
	v20 =	vand.u32 $0xFFFF, v20;
	v30 =	vld.idx.msk [tilespmem:v12+s9+$0x0], $0xffff;
	v12 =	vmov v21  }
0x45d: {  	v21 =	vld.idx.msk [tilespmem:v22+s9+$0x0], $0xffff;
	v22 =	vshrl.u32 v24, $0x10;
	v24 =	vand.u32 $0xFFFF, v24  }
0x45e: {  	s16 =	sadd.s32 $0x80, s16;
	v31 =	vshrl.u32 v23, $0x10;
	v23 =	vand.u32 $0xFFFF, v23;
	v26 =	vld.idx.msk [tilespmem:v26+s2+$0x0], $0xffff  }
0x45f: {  	v32 =	vunpack.i.u.s16.s32 v19;
	v19 =	vunpack.i.l.s16.s32 v19;
	v33 =	vld [tilespmem:s16+$0x20]  }
0x460: {  	v34 =	vunpack.i.u.s16.s32 v27;
	v27 =	vunpack.i.l.s16.s32 v27;
	v28 =	vld.idx.msk [tilespmem:v28+s9+$0x0], $0xffff  }
0x461: {  	v20 =	vld.idx.msk [tilespmem:v20+s2+$0x0], $0xffff  }
0x462: {  	v17 =	vmul.f32 v17, v30;
	v24 =	vld.idx.msk [tilespmem:v24+s2+$0x0], $0xffff  }
0x463: {  	v23 =	vld.idx.msk [tilespmem:v23+s2+$0x0], $0xffff  }
0x464: {  	v17 =	vmul.f32 v17, v7;
	v30 =	vld [tilespmem:s16+$0xFFFFFFC0];
	v26 =	vmul.f32 v33, v26  }
0x465: {  	v25 =	vshrl.u32 v25, $0x10;
	v33 =	vld [tilespmem:s16+$0xFFFFFFE0]  }
0x466: {  	v35 =	vld [tilespmem:s16+$0x0];
	v26 =	vmul.f32 v26, v28  }
0x467: {  	v19 =	vld.idx.msk [tilespmem:v19+s9+$0x0], $0xffff  }
0x468: {  	v27 =	vld.idx.msk [tilespmem:v27+s9+$0x0], $0xffff;
	v26 =	vmul.f32 v26, v7  }
0x469: {  	v20 =	vmul.f32 v30, v20;
	v28 =	vld.idx.msk [tilespmem:v13+s9+$0x0], $0xffff;
	v13 =	vmov v34  }
0x46a: {  	v24 =	vmul.f32 v33, v24;
	[tilespmem:v25+s3+$0x0] =	vst.idx.add.f32.msk $0xffff, v26  }
0x46b: {  	v20 =	vmul.f32 v20, v21;
	v21 =	vmul.f32 v35, v23;
	v25 =	vld [tilespmem:s15+$0x30]  }
0x46c: {  	[tilespmem:v10+s3+$0x0] =	vst.idx.add.f32.msk $0xffff, v15  }
0x46d: {  	v10 =	vmul.f32 v20, v7;
	v15 =	vmul.f32 v21, v19;
	[tilespmem:v9+s3+$0x0] =	vst.idx.add.f32.msk $0xffff, v17  }
0x46e: {  	v9 =	vmul.f32 v24, v27;
	[tilespmem:v8+s3+$0x0] =	vst.idx.add.f32.msk $0xffff, v11;
	v8 =	vmov v16  }
0x46f: {  	v11 =	vmul.f32 v14, v28;
	[tilespmem:v29+s3+$0x0] =	vst.idx.add.f32.msk $0xffff, v10;
	v10 =	vmul.f32 v15, v7  }
0x470: {  	v9 =	vmul.f32 v9, v7;
	v14 =	vld [tilespmem:s15+$0xFFFFFFD0];
	v15 =	vand.u32 $0xFFFF, v25  }
0x471: {  	v11 =	vmul.f32 v11, v7;
	[tilespmem:v31+s3+$0x0] =	vst.idx.add.f32.msk $0xffff, v10  }
0x472: {  	v10 =	vunpack.i.u.s16.s32 v18;
	[tilespmem:v22+s3+$0x0] =	vst.idx.add.f32.msk $0xffff, v9  }
0x473: {  	v16 =	vld [tilespmem:s15+$0x10]  }
0x474: {  	v18 =	vld [tilespmem:s15+$0xFFFFFFF0]  }
0x475: {  	v9 =	vshrl.u32 v14, $0x10;
	v14 =	vand.u32 $0xFFFF, v14;
	v19 =	vld.idx.msk [tilespmem:v15+s2+$0x0], $0xffff  }
0x476: {  	v21 =	vld [tilespmem:s16+$0x30]  }
0x477: {  	v20 =	vld.idx.msk [tilespmem:v10+s9+$0x0], $0xffff  }
.Ltmp38:
0x478: {  	v10 =	vshrl.u32 v16, $0x10;
	v22 =	vand.u32 $0xFFFF, v16;
	v15 =	vld [tilespmem:s16+$0x10];
	(pc) =	sbr.rel @p3 .LBB2_58-.Ltmp38, $4  }
0x479: {  	v17 =	vld [tilespmem:s16+$0xFFFFFFD0];
	v16 =	vshrl.u32 v18, $0x10;
	v23 =	vand.u32 $0xFFFF, v18  }
0x47a: {  	v18 =	vld.idx.msk [tilespmem:v14+s2+$0x0], $0xffff  }
0x47b: {  	v14 =	vld [tilespmem:s16+$0xFFFFFFF0];
	v24 =	vmul.f32 v21, v19  }
0x47c: {  	s22 =	sadd.s32 $0x80, s22;
	v21 =	vshrl.u32 v25, $0x10;
	v19 =	vld.idx.msk [tilespmem:v32+s9+$0x0], $0xffff  }
0x47d: {  	v25 =	vmov v8;
	v8 =	vmov v16  }
.LBB2_60:
0x47e: {  	_ =	sdelay $0x3  }
0x47f: {  	v16 =	vld.idx.msk [tilespmem:v22+s2+$0x0], $0xffff  }
0x480: {  	v60 =	vld.idx.msk [tilespmem:v23+s2+$0x0], $0xffff  }
0x481: {  	v12 =	vld.idx.msk [tilespmem:v12+s9+$0x0], $0xffff;
	_ =	sdelay $0x1  }
0x482: {  	v13 =	vld.idx.msk [tilespmem:v13+s9+$0x0], $0xffff  }
0x483: {  	v61 =	vmul.f32 v17, v18  }
0x484: {  	v20 =	vmul.f32 v24, v20;
	v15 =	vmul.f32 v15, v16  }
0x485: {  	v14 =	vmul.f32 v14, v60;
	v12 =	vmul.f32 v61, v12  }
0x486: {  	v62 =	vmul.f32 v20, v7;
	v15 =	vmul.f32 v15, v19  }
0x487: {  	[tilespmem:v25+s3+$0x0] =	vst.idx.add.f32.msk @p2 $0xffff, v11;
	v12 =	vmul.f32 v12, v7;
	v13 =	vmul.f32 v14, v13  }
0x488: {  	[tilespmem:v21+s3+$0x0] =	vst.idx.add.f32.msk $0xffff, v62;
	v15 =	vmul.f32 v15, v7  }
0x489: {  	[tilespmem:v9+s3+$0x0] =	vst.idx.add.f32.msk $0xffff, v12;
	v63 =	vmul.f32 v13, v7  }
0x48a: {  	[tilespmem:v10+s3+$0x0] =	vst.idx.add.f32.msk $0xffff, v15  }
0x48b: {  	[tilespmem:v8+s3+$0x0] =	vst.idx.add.f32.msk $0xffff, v63  }
.LBB2_61:
0x48c: {  	s6 =	sld [smem:$0x7FD];
	_ =	sdelay $0x2  }
0x48d: {  	p2 =	seq.s32 s6, $0x1  }
.Ltmp39:
0x48e: {  	_ = 	snop;
	(pc) =	sbr.rel @p2 .LBB2_63-.Ltmp39, $4  }
0x48f: {  	s13 =	sld [smem:$0x7F9]  }
0x490: {  	s15 =	sld [smem:$0x7F8]  }
0x491: {  	s1 =	sld [smem:$0x7FB]  }
0x492: {  	s10 =	sld [smem:$0x7FA];
	s16 =	smov.u32 s25  }
.LBB2_62:
0x493: {  	s6 =	sand.u32 $0xFFFFFF00, s13;
	s8 =	sand.u32 $0xC0, s15  }
0x494: {  	v8 =	vld [tilespmem:s1+$0xFFFFFFF0];
	s6 =	sshra.s32 s6, $0x1;
	s8 =	sshrl.u32 s8, $0x1  }
0x495: {  	s6 =	sor.u32 s8, s6  }
0x496: {  	v9 =	vld [tilespmem:s6+$0x3F80];
	_ =	sdelay $0x2  }
0x497: {  	v10 =	vand.u32 $0xFFFF, v8;
	_ =	sdelay $0x1  }
0x498: {  	v11 =	vunpack.i.l.s16.s32 v9;
	_ =	sdelay $0x1  }
0x499: {  	v12 =	vld [tilespmem:s10+$0xFFFFFFF0]  }
0x49a: {  	v10 =	vld.idx.msk [tilespmem:v10+s2+$0x0], $0xffff;
	_ =	sdelay $0x1  }
0x49b: {  	v11 =	vld.idx.msk [tilespmem:v11+s9+$0x0], $0xffff;
	_ =	sdelay $0x2  }
0x49c: {  	v10 =	vmul.f32 v12, v10  }
0x49d: {  	v8 =	vshrl.u32 v8, $0x10  }
0x49e: {  	v10 =	vmul.f32 v10, v11;
	_ =	sdelay $0x1  }
0x49f: {  	v10 =	vmul.f32 v10, v7;
	_ =	sdelay $0x1  }
0x4a0: {  	[tilespmem:v8+s3+$0x0] =	vst.idx.add.f32.msk $0xffff, v10  }
0x4a1: {  	v8 =	vld [tilespmem:s1+$0x0];
	_ =	sdelay $0x4  }
0x4a2: {  	v62 =	vand.u32 $0xFFFF, v8;
	_ =	sdelay $0x1  }
0x4a3: {  	v9 =	vunpack.i.u.s16.s32 v9;
	_ =	sdelay $0x1  }
0x4a4: {  	v63 =	vld [tilespmem:s10+$0x0]  }
0x4a5: {  	v10 =	vld.idx.msk [tilespmem:v62+s2+$0x0], $0xffff;
	_ =	sdelay $0x1  }
0x4a6: {  	v9 =	vld.idx.msk [tilespmem:v9+s9+$0x0], $0xffff;
	_ =	sdelay $0x2  }
0x4a7: {  	s16 =	sadd.s32 $0x1, s16;
	v10 =	vmul.f32 v63, v10  }
0x4a8: {  	p2 =	slt.s32 s16, s23;
	v8 =	vshrl.u32 v8, $0x10  }
.Ltmp40:
0x4a9: {  	v9 =	vmul.f32 v10, v9;
	(pc) =	sbr.rel @p2 .LBB2_62-.Ltmp40, $4  }
0x4aa: {  	_ = 	snop  }
0x4ab: {  	v9 =	vmul.f32 v9, v7  }
0x4ac: {  	s15 =	sadd.s32 $0x40, s15  }
0x4ad: {  	s13 =	sadd.s32 $0x20, s13;
	s10 =	sadd.s32 $0x20, s10;
	s1 =	sadd.s32 $0x20, s1;
	[tilespmem:v8+s3+$0x0] =	vst.idx.add.f32.msk $0xffff, v9  }
.LBB2_63:
0x4ae: {  	s1 =	rddreg [dreg:$0x19]  }
0x4af: {  	[spmem:s1] =	stream.linear.scatter [tilespmem:s3], [sflag:$0x3], $0x458, $0x38;
	[tilespmem:$0xDE50] =	vst v63  }
0x4b0: {  	_ =	swait.ge [sflag:s31], $0x458  }
0x4b1: {  	[sflag:s31] =	ssyncset.done $0x0  }
0x4b2: {  	[sflag:s31] =	ssyncadd.s32 $0xFFFFFBA8  }
0x4b3: {  	[bflag:$0x0] =	sbarrier.arrive $0xFFFF  }
.Ltmp41:
0x4b4: {  	s6 =	simm.s32 $0xB3D8;
	s28 =	rddreg [dreg:$0x1a];
	(pc) =	sbr.rel .LBB2_64-.Ltmp41, $4  }
0x4b5: {  	[tilespmem:s6], [sflag:$0x3] =	stream.linear.gather [spmem:s28], $0x378, $0x38;
	[tilespmem:$0xDE50] =	vst v63  }
0x4b6: {  	_ =	swait.ge [sflag:s31], $0x378  }
0x4b7: {  	[sflag:s31] =	ssyncset.done $0x0  }
0x4b8: {  	[sflag:s31] =	ssyncadd.s32 $0xFFFFFC88  }
.LBB2_67:
.Ltmp42:
0x4b9: {  	(pc) =	sbr.rel @p4 .LBB2_68-.Ltmp42, $1  }
0x4ba: {  	_ =	sdelay $0x3  }
0x4bb: {  	s1 =	sadd.s32 $0x60, s30;
	s6 =	sadd.s32 $0xC0, s4  }
0x4bc: {  	s1 =	sand.u32 $0xFFFFFF00, s1;
	s6 =	sand.u32 $0xC0, s6  }
0x4bd: {  	v8 =	vld [tilespmem:s5+$0x20];
	s1 =	sshra.s32 s1, $0x1;
	s6 =	sshrl.u32 s6, $0x1  }
0x4be: {  	v10 =	vld [tilespmem:s5+$0xFFFFFFC0];
	s1 =	sor.u32 s6, s1  }
0x4bf: {  	s18 =	sadd.s32 $0x20, s30;
	s8 =	sadd.s32 $0x40, s4;
	s10 =	sadd.s32 $0x40, s30;
	v9 =	vld [tilespmem:s1+$0x3F80]  }
0x4c0: {  	s16 =	sadd.s32 $0x80, s4;
	v11 =	vld [tilespmem:s5+$0xFFFFFFE0];
	s13 =	sand.u32 $0xC0, s4;
	s15 =	sand.u32 $0xFFFFFF00, s30  }
0x4c1: {  	v12 =	vld [tilespmem:s5+$0x0];
	s22 =	sand.u32 $0xFFFFFF00, s18;
	s24 =	sand.u32 $0xC0, s8;
	s10 =	sand.u32 $0xFFFFFF00, s10  }
0x4c2: {  	v21 =	vld [tilespmem:s11+$0x20];
	s8 =	sand.u32 $0xC0, s16;
	s6 =	sshrl.u32 s24, $0x1;
	s1 =	sshra.s32 s22, $0x1;
	v13 =	vand.u32 $0xFFFF, v8  }
0x4c3: {  	v25 =	vld [tilespmem:s11+$0xFFFFFFC0];
	s10 =	sshra.s32 s10, $0x1;
	s8 =	sshrl.u32 s8, $0x1;
	s1 =	sor.u32 s6, s1  }
0x4c4: {  	s18 =	sshra.s32 s15, $0x1;
	s13 =	sshrl.u32 s13, $0x1;
	s8 =	sor.u32 s8, s10;
	v14 =	vld [tilespmem:s1+$0x3F80];
	v15 =	vunpack.i.l.s16.s32 v9  }
0x4c5: {  	s22 =	sor.u32 s13, s18;
	v17 =	vld [tilespmem:s8+$0x3F80];
	v16 =	vand.u32 $0xFFFF, v10  }
0x4c6: {  	v18 =	vand.u32 $0xFFFF, v11;
	v19 =	vld [tilespmem:s22+$0x3F80]  }
0x4c7: {  	v20 =	vand.u32 $0xFFFF, v12;
	v13 =	vld.idx.msk [tilespmem:v13+s2+$0x0], $0xffff  }
0x4c8: {  	v26 =	vld [tilespmem:s11+$0x0]  }
0x4c9: {  	v22 =	vunpack.i.l.s16.s32 v14;
	v15 =	vld.idx.msk [tilespmem:v15+s9+$0x0], $0xffff  }
0x4ca: {  	v23 =	vunpack.i.l.s16.s32 v17;
	v16 =	vld.idx.msk [tilespmem:v16+s2+$0x0], $0xffff  }
0x4cb: {  	v18 =	vld.idx.msk [tilespmem:v18+s2+$0x0], $0xffff;
	v24 =	vunpack.i.l.s16.s32 v19  }
0x4cc: {  	v20 =	vld.idx.msk [tilespmem:v20+s2+$0x0], $0xffff;
	v13 =	vmul.f32 v21, v13  }
0x4cd: {  	v21 =	vld [tilespmem:s11+$0xFFFFFFE0]  }
0x4ce: {  	v8 =	vshrl.u32 v8, $0x10;
	v13 =	vmul.f32 v13, v15;
	v15 =	vld.idx.msk [tilespmem:v22+s9+$0x0], $0xffff  }
0x4cf: {  	v22 =	vld.idx.msk [tilespmem:v23+s9+$0x0], $0xffff  }
0x4d0: {  	v23 =	vld.idx.msk [tilespmem:v24+s9+$0x0], $0xffff  }
0x4d1: {  	v13 =	vmul.f32 v13, v7;
	_ =	sdelay $0x1  }
0x4d2: {  	v16 =	vmul.f32 v25, v16;
	[tilespmem:v8+s3+$0x0] =	vst.idx.add.f32.msk $0xffff, v13  }
0x4d3: {  	v10 =	vshrl.u32 v10, $0x10;
	v8 =	vmul.f32 v21, v18;
	v13 =	vld [tilespmem:s5+$0x30]  }
0x4d4: {  	v11 =	vshrl.u32 v11, $0x10;
	v18 =	vmul.f32 v26, v20;
	v16 =	vmul.f32 v16, v23  }
0x4d5: {  	v12 =	vshrl.u32 v12, $0x10;
	v8 =	vmul.f32 v8, v15  }
0x4d6: {  	v15 =	vmul.f32 v18, v22;
	v16 =	vmul.f32 v16, v7  }
0x4d7: {  	v8 =	vmul.f32 v8, v7  }
0x4d8: {  	v15 =	vmul.f32 v15, v7;
	[tilespmem:v10+s3+$0x0] =	vst.idx.add.f32.msk $0xffff, v16;
	v18 =	vand.u32 $0xFFFF, v13  }
0x4d9: {  	[tilespmem:v11+s3+$0x0] =	vst.idx.add.f32.msk $0xffff, v8  }
0x4da: {  	[tilespmem:v12+s3+$0x0] =	vst.idx.add.f32.msk $0xffff, v15;
	v8 =	vunpack.i.u.s16.s32 v9  }
0x4db: {  	v12 =	vld [tilespmem:s11+$0x30]  }
0x4dc: {  	v11 =	vld [tilespmem:s5+$0xFFFFFFF0]  }
0x4dd: {  	s24 =	rddreg [dreg:$0x1c];
	v9 =	vld.idx.msk [tilespmem:v18+s2+$0x0], $0xffff  }
0x4de: {  	v20 =	vld [tilespmem:s5+$0x10];
	s1 =	sadd.s32 $0x4, s24  }
0x4df: {  	p3 =	slt.s32 s1, s26;
	v15 =	vld.idx.msk [tilespmem:v8+s9+$0x0], $0xffff;
	v8 =	vunpack.i.u.s16.s32 v14  }
.Ltmp43:
0x4e0: {  	v10 =	vld [tilespmem:s11+$0x10];
	(pc) =	sbr.rel @!p3 .LBB2_76-.Ltmp43, $4  }
0x4e1: {  	v18 =	vld [tilespmem:s5+$0xFFFFFFD0]  }
0x4e2: {  	v19 =	vunpack.i.u.s16.s32 v19;
	v16 =	vunpack.i.u.s16.s32 v17;
	v14 =	vld [tilespmem:s11+$0xFFFFFFF0];
	v21 =	vmul.f32 v12, v9  }
0x4e3: {  	s28 =	sadd.s32 $0x80, s30;
	v23 =	vshrl.u32 v13, $0x10;
	v22 =	vand.u32 $0xFFFF, v11;
	v9 =	vshrl.u32 v11, $0x10;
	v12 =	vld [tilespmem:s11+$0xFFFFFFD0]  }
0x4e4: {  	s29 =	sadd.s32 $0x80, s5;
	p2 =	por $0x0, $0x0;
	s18 =	sadd.s32 $0x100, s4;
	v17 =	vld.idx.msk [tilespmem:v8+s9+$0x0], $0xffff;
	v8 =	vshrl.u32 v20, $0x10;
	v20 =	vand.u32 $0xFFFF, v20;
	v24 =	vmul.f32 v21, v15  }
0x4e5: {  	s6 =	sadd.s32 $0x60, s28;
	s8 =	sadd.s32 $0xC0, s18  }
0x4e6: {  	s6 =	sand.u32 $0xFFFFFF00, s6;
	s8 =	sand.u32 $0xC0, s8  }
0x4e7: {  	v11 =	vld [tilespmem:s29+$0x20];
	s6 =	sshra.s32 s6, $0x1;
	s8 =	sshrl.u32 s8, $0x1  }
0x4e8: {  	s6 =	sor.u32 s8, s6  }
0x4e9: {  	v13 =	vld [tilespmem:s6+$0x3F80];
	_ =	sdelay $0x1  }
0x4ea: {  	v21 =	vld [tilespmem:s29+$0xFFFFFFC0];
	s15 =	sadd.s32 $0x20, s28;
	s16 =	sadd.s32 $0x40, s18;
	s22 =	sand.u32 $0xFFFFFF00, s28;
	v24 =	vmul.f32 v24, v7  }
0x4eb: {  	v25 =	vld [tilespmem:s29+$0xFFFFFFE0];
	s8 =	sand.u32 $0xC0, s16;
	s16 =	sand.u32 $0xC0, s18;
	s6 =	sand.u32 $0xFFFFFF00, s15;
	v15 =	vand.u32 $0xFFFF, v11  }
0x4ec: {  	[tilespmem:v23+s3+$0x0] =	vst.idx.add.f32.msk $0xffff, v24;
	s15 =	sadd.s32 $0x80, s11;
	s8 =	sshrl.u32 s8, $0x1;
	s6 =	sshra.s32 s6, $0x1  }
0x4ed: {  	v24 =	vld [tilespmem:s29+$0x0];
	s16 =	sshrl.u32 s16, $0x1;
	s6 =	sor.u32 s8, s6;
	s8 =	sshra.s32 s22, $0x1;
	v23 =	vunpack.i.l.s16.s32 v13  }
0x4ee: {  	v26 =	vld [tilespmem:s15+$0x20];
	s24 =	sor.u32 s16, s8  }
0x4ef: {  	v32 =	vld [tilespmem:s24+$0x3F80]  }
0x4f0: {  	s10 =	sadd.s32 $0x40, s28;
	s13 =	sadd.s32 $0x80, s18;
	v15 =	vld.idx.msk [tilespmem:v15+s2+$0x0], $0xffff  }
0x4f1: {  	v22 =	vld.idx.msk [tilespmem:v22+s2+$0x0], $0xffff;
	s10 =	sand.u32 $0xFFFFFF00, s10;
	s13 =	sand.u32 $0xC0, s13  }
0x4f2: {  	s10 =	sshra.s32 s10, $0x1;
	s13 =	sshrl.u32 s13, $0x1;
	v23 =	vld.idx.msk [tilespmem:v23+s9+$0x0], $0xffff  }
0x4f3: {  	v20 =	vld.idx.msk [tilespmem:v20+s2+$0x0], $0xffff;
	s10 =	sor.u32 s13, s10;
	v30 =	vand.u32 $0xFFFF, v24  }
0x4f4: {  	v31 =	vld [tilespmem:s10+$0x3F80];
	v27 =	vand.u32 $0xFFFF, v21  }
0x4f5: {  	v29 =	vld [tilespmem:s6+$0x3F80];
	v34 =	vunpack.i.l.s16.s32 v32;
	v15 =	vmul.f32 v26, v15  }
0x4f6: {  	v11 =	vshrl.u32 v11, $0x10;
	v33 =	vld [tilespmem:s15+$0xFFFFFFC0]  }
0x4f7: {  	v35 =	vld [tilespmem:s15+$0xFFFFFFE0];
	v15 =	vmul.f32 v15, v23  }
0x4f8: {  	v28 =	vand.u32 $0xFFFF, v25;
	v61 =	vld.idx.msk [tilespmem:v30+s2+$0x0], $0xffff  }
0x4f9: {  	v62 =	vunpack.i.l.s16.s32 v31;
	v26 =	vld.idx.msk [tilespmem:v27+s2+$0x0], $0xffff;
	v15 =	vmul.f32 v15, v7  }
0x4fa: {  	v14 =	vmul.f32 v14, v22;
	v22 =	vld.idx.msk [tilespmem:v34+s9+$0x0], $0xffff;
	v23 =	vunpack.i.l.s16.s32 v29  }
0x4fb: {  	[tilespmem:v11+s3+$0x0] =	vst.idx.add.f32.msk $0xffff, v15  }
0x4fc: {  	v11 =	vld [tilespmem:s15+$0x0]  }
0x4fd: {  	v27 =	vld.idx.msk [tilespmem:v28+s2+$0x0], $0xffff  }
0x4fe: {  	v14 =	vmul.f32 v14, v17;
	v30 =	vld.idx.msk [tilespmem:v62+s9+$0x0], $0xffff  }
0x4ff: {  	v17 =	vshrl.u32 v24, $0x10;
	v24 =	vmul.f32 v33, v26;
	v23 =	vld.idx.msk [tilespmem:v23+s9+$0x0], $0xffff  }
0x500: {  	v21 =	vshrl.u32 v21, $0x10;
	v14 =	vmul.f32 v14, v7;
	v63 =	vld [tilespmem:s29+$0x30]  }
0x501: {  	v16 =	vld.idx.msk [tilespmem:v16+s9+$0x0], $0xffff;
	v15 =	vand.u32 $0xFFFF, v18;
	v22 =	vmul.f32 v24, v22;
	v11 =	vmul.f32 v11, v61  }
0x502: {  	v19 =	vld.idx.msk [tilespmem:v19+s9+$0x0], $0xffff;
	v27 =	vmul.f32 v35, v27  }
0x503: {  	v25 =	vshrl.u32 v25, $0x10;
	[tilespmem:v9+s3+$0x0] =	vst.idx.add.f32.msk $0xffff, v14;
	v14 =	vmul.f32 v22, v7;
	v11 =	vmul.f32 v11, v30  }
0x504: {  	v10 =	vmul.f32 v10, v20;
	v20 =	vld [tilespmem:s15+$0x30];
	v23 =	vmul.f32 v27, v23  }
0x505: {  	[tilespmem:v21+s3+$0x0] =	vst.idx.add.f32.msk $0xffff, v14;
	v9 =	vmul.f32 v11, v7;
	v11 =	vand.u32 $0xFFFF, v63  }
0x506: {  	v15 =	vld.idx.msk [tilespmem:v15+s2+$0x0], $0xffff;
	v23 =	vmul.f32 v23, v7  }
0x507: {  	[tilespmem:v17+s3+$0x0] =	vst.idx.add.f32.msk $0xffff, v9;
	v9 =	vunpack.i.u.s16.s32 v13  }
0x508: {  	[tilespmem:v25+s3+$0x0] =	vst.idx.add.f32.msk $0xffff, v23  }
0x509: {  	v17 =	vld [tilespmem:s29+$0xFFFFFFF0]  }
0x50a: {  	v21 =	vld.idx.msk [tilespmem:v11+s2+$0x0], $0xffff  }
0x50b: {  	s16 =	sadd.s32 $0x4, s1;
	v26 =	vld [tilespmem:s29+$0x10]  }
0x50c: {  	p3 =	slt.s32 s16, s26;
	v12 =	vmul.f32 v12, v15;
	v25 =	vunpack.i.u.s16.s32 v29;
	v24 =	vld.idx.msk [tilespmem:v9+s9+$0x0], $0xffff  }
.Ltmp44:
0x50d: {  	v23 =	vshrl.u32 v63, $0x10;
	v11 =	vshrl.u32 v18, $0x10;
	v18 =	vld [tilespmem:s29+$0xFFFFFFD0];
	(pc) =	sbr.rel @!p3 .LBB2_78-.Ltmp44, $4  }
0x50e: {  	v14 =	vld [tilespmem:s15+$0xFFFFFFF0];
	v9 =	vmul.f32 v10, v16;
	v10 =	vmul.f32 v12, v19;
	v16 =	vunpack.i.u.s16.s32 v31  }
0x50f: {  	v19 =	vunpack.i.u.s16.s32 v32;
	v22 =	vand.u32 $0xFFFF, v17;
	v12 =	vld [tilespmem:s15+$0xFFFFFFD0];
	v27 =	vmul.f32 v20, v21  }
0x510: {  	s28 =	sadd.s32 $0x80, s28;
	v13 =	vmul.f32 v9, v7;
	v15 =	vmul.f32 v10, v7;
	v10 =	vld [tilespmem:s15+$0x10];
	v9 =	vshrl.u32 v17, $0x10  }
0x511: {  	p2 =	por $0x1, $0x1;
	s22 =	sadd.s32 $0x100, s18;
	s18 =	sadd.s32 $0x80, s29;
	v17 =	vld.idx.msk [tilespmem:v25+s9+$0x0], $0xffff;
	v21 =	vshrl.u32 v26, $0x10;
	v20 =	vand.u32 $0xFFFF, v26;
	v24 =	vmul.f32 v27, v24  }
.LBB2_79:
0x512: {  	v25 =	vld [tilespmem:s18+$0xFFFFFFC0];
	s1 =	sadd.s32 $0x60, s28;
	s6 =	sadd.s32 $0xC0, s22;
	s16 =	sadd.s32 $0x4, s16;
	v26 =	vshrl.u32 v18, $0x10;
	v18 =	vand.u32 $0xFFFF, v18  }
0x513: {  	v27 =	vld [tilespmem:s18+$0xFFFFFFE0];
	s1 =	sand.u32 $0xFFFFFF00, s1;
	s6 =	sand.u32 $0xC0, s6;
	p3 =	slt.s32 s16, s26;
	v24 =	vmul.f32 v24, v7  }
0x514: {  	s8 =	sadd.s32 $0x20, s28;
	s1 =	sshra.s32 s1, $0x1;
	s6 =	sshrl.u32 s6, $0x1;
	v28 =	vld [tilespmem:s18+$0x20]  }
0x515: {  	s10 =	sadd.s32 $0x40, s22;
	s13 =	sadd.s32 $0x40, s28;
	s1 =	sor.u32 s6, s1;
	[tilespmem:v23+s3+$0x0] =	vst.idx.add.f32.msk $0xffff, v24  }
0x516: {  	s6 =	sand.u32 $0xFFFFFF00, s8;
	s8 =	sand.u32 $0xC0, s10;
	s10 =	sadd.s32 $0x80, s22;
	v23 =	vld [tilespmem:s1+$0x3F80]  }
0x517: {  	s13 =	sand.u32 $0xFFFFFF00, s13;
	s1 =	sand.u32 $0xC0, s22;
	s10 =	sand.u32 $0xC0, s10;
	v24 =	vshrl.u32 v25, $0x10;
	v25 =	vand.u32 $0xFFFF, v25;
	v29 =	vld [tilespmem:s18+$0x0]  }
0x518: {  	s24 =	sand.u32 $0xFFFFFF00, s28;
	s6 =	sshra.s32 s6, $0x1;
	s8 =	sshrl.u32 s8, $0x1;
	v30 =	vshrl.u32 v27, $0x10;
	v27 =	vand.u32 $0xFFFF, v27;
	v22 =	vld.idx.msk [tilespmem:v22+s2+$0x0], $0xffff  }
0x519: {  	s24 =	sshra.s32 s24, $0x1;
	s13 =	sshra.s32 s13, $0x1;
	s10 =	sshrl.u32 s10, $0x1;
	v31 =	vand.u32 $0xFFFF, v28;
	v20 =	vld.idx.msk [tilespmem:v20+s2+$0x0], $0xffff  }
0x51a: {  	s1 =	sshrl.u32 s1, $0x1;
	s6 =	sor.u32 s8, s6;
	s8 =	sor.u32 s10, s13;
	v18 =	vld.idx.msk [tilespmem:v18+s2+$0x0], $0xffff  }
0x51b: {  	s1 =	sor.u32 s1, s24;
	v32 =	vld [tilespmem:s6+$0x3F80];
	v33 =	vunpack.i.l.s16.s32 v23  }
0x51c: {  	v34 =	vld [tilespmem:s8+$0x3F80];
	v35 =	vshrl.u32 v29, $0x10;
	v29 =	vand.u32 $0xFFFF, v29  }
0x51d: {  	v36 =	vld [tilespmem:s1+$0x3F80]  }
0x51e: {  	s15 =	sadd.s32 $0x80, s15;
	v14 =	vmul.f32 v14, v22;
	v31 =	vld.idx.msk [tilespmem:v31+s2+$0x0], $0xffff  }
0x51f: {  	v10 =	vmul.f32 v10, v20;
	v22 =	vld [tilespmem:s15+$0x20]  }
0x520: {  	v12 =	vmul.f32 v12, v18;
	v20 =	vunpack.i.u.s16.s32 v32;
	v32 =	vunpack.i.l.s16.s32 v32;
	v33 =	vld.idx.msk [tilespmem:v33+s9+$0x0], $0xffff  }
0x521: {  	v14 =	vmul.f32 v14, v17;
	v18 =	vld.idx.msk [tilespmem:v25+s2+$0x0], $0xffff;
	v25 =	vunpack.i.u.s16.s32 v34;
	v34 =	vunpack.i.l.s16.s32 v34  }
0x522: {  	v17 =	vunpack.i.u.s16.s32 v36;
	v36 =	vunpack.i.l.s16.s32 v36;
	v27 =	vld.idx.msk [tilespmem:v27+s2+$0x0], $0xffff  }
0x523: {  	v14 =	vmul.f32 v14, v7;
	v29 =	vld.idx.msk [tilespmem:v29+s2+$0x0], $0xffff  }
0x524: {  	v37 =	vld [tilespmem:s15+$0xFFFFFFC0];
	v22 =	vmul.f32 v22, v31  }
0x525: {  	v28 =	vshrl.u32 v28, $0x10;
	v31 =	vld [tilespmem:s15+$0xFFFFFFE0]  }
0x526: {  	v38 =	vld [tilespmem:s15+$0x0];
	v22 =	vmul.f32 v22, v33  }
0x527: {  	v32 =	vld.idx.msk [tilespmem:v32+s9+$0x0], $0xffff  }
0x528: {  	v33 =	vld.idx.msk [tilespmem:v34+s9+$0x0], $0xffff;
	v22 =	vmul.f32 v22, v7  }
0x529: {  	v34 =	vld.idx.msk [tilespmem:v36+s9+$0x0], $0xffff;
	v18 =	vmul.f32 v37, v18  }
0x52a: {  	v27 =	vmul.f32 v31, v27;
	[tilespmem:v28+s3+$0x0] =	vst.idx.add.f32.msk $0xffff, v22  }
0x52b: {  	v22 =	vmul.f32 v38, v29;
	v28 =	vld [tilespmem:s18+$0x30]  }
0x52c: {  	v29 =	vld.idx.msk [tilespmem:v16+s9+$0x0], $0xffff;
	v16 =	vmov v25  }
0x52d: {  	v25 =	vmul.f32 v27, v32;
	v27 =	vld.idx.msk [tilespmem:v19+s9+$0x0], $0xffff;
	v19 =	vmov v17  }
0x52e: {  	v17 =	vmul.f32 v22, v33;
	[tilespmem:v9+s3+$0x0] =	vst.idx.add.f32.msk $0xffff, v14  }
0x52f: {  	v9 =	vmul.f32 v18, v34;
	v14 =	vmul.f32 v25, v7;
	[tilespmem:v8+s3+$0x0] =	vst.idx.add.f32.msk $0xffff, v13;
	v8 =	vmov v21  }
0x530: {  	v13 =	vmul.f32 v17, v7;
	v17 =	vand.u32 $0xFFFF, v28;
	[tilespmem:v11+s3+$0x0] =	vst.idx.add.f32.msk $0xffff, v15;
	v11 =	vmov v26  }
0x531: {  	v9 =	vmul.f32 v9, v7;
	[tilespmem:v30+s3+$0x0] =	vst.idx.add.f32.msk $0xffff, v14  }
0x532: {  	v14 =	vunpack.i.u.s16.s32 v23;
	v10 =	vmul.f32 v10, v29;
	[tilespmem:v35+s3+$0x0] =	vst.idx.add.f32.msk $0xffff, v13  }
0x533: {  	[tilespmem:v24+s3+$0x0] =	vst.idx.add.f32.msk $0xffff, v9;
	v9 =	vmul.f32 v12, v27  }
0x534: {  	v13 =	vmul.f32 v10, v7;
	v12 =	vld [tilespmem:s18+$0xFFFFFFF0]  }
0x535: {  	v17 =	vld.idx.msk [tilespmem:v17+s2+$0x0], $0xffff;
	v15 =	vmul.f32 v9, v7  }
0x536: {  	v21 =	vld [tilespmem:s15+$0x30]  }
0x537: {  	v24 =	vld.idx.msk [tilespmem:v14+s9+$0x0], $0xffff  }
0x538: {  	v25 =	vld [tilespmem:s18+$0x10]  }
.Ltmp45:
0x539: {  	v18 =	vld [tilespmem:s18+$0xFFFFFFD0];
	v9 =	vshrl.u32 v12, $0x10;
	v22 =	vand.u32 $0xFFFF, v12;
	(pc) =	sbr.rel @p3 .LBB2_79-.Ltmp45, $4  }
0x53a: {  	v14 =	vld [tilespmem:s15+$0xFFFFFFF0]  }
0x53b: {  	v10 =	vld [tilespmem:s15+$0x10];
	v26 =	vmul.f32 v21, v17  }
0x53c: {  	v23 =	vshrl.u32 v28, $0x10;
	v12 =	vld [tilespmem:s15+$0xFFFFFFD0]  }
0x53d: {  	s28 =	sadd.s32 $0x80, s28;
	s22 =	sadd.s32 $0x100, s22;
	s18 =	sadd.s32 $0x80, s18;
	v17 =	vld.idx.msk [tilespmem:v20+s9+$0x0], $0xffff;
	v21 =	vshrl.u32 v25, $0x10;
	v20 =	vand.u32 $0xFFFF, v25;
	v24 =	vmul.f32 v26, v24  }
0x53e: {  	v25 =	vmov v8;
	v8 =	vmov v21;
	s29 =	simm.s32 $0xD280  }
.LBB2_81:
0x53f: {  	_ = 	snop  }
0x540: {  	v21 =	vand.u32 $0xFFFF, v18;
	_ =	sdelay $0x2  }
0x541: {  	v22 =	vld.idx.msk [tilespmem:v22+s2+$0x0], $0xffff  }
0x542: {  	v20 =	vld.idx.msk [tilespmem:v20+s2+$0x0], $0xffff  }
0x543: {  	v21 =	vld.idx.msk [tilespmem:v21+s2+$0x0], $0xffff  }
0x544: {  	v16 =	vld.idx.msk [tilespmem:v16+s9+$0x0], $0xffff  }
0x545: {  	v19 =	vld.idx.msk [tilespmem:v19+s9+$0x0], $0xffff  }
0x546: {  	v14 =	vmul.f32 v14, v22  }
0x547: {  	v10 =	vmul.f32 v10, v20  }
0x548: {  	v14 =	vmul.f32 v14, v17;
	v12 =	vmul.f32 v12, v21  }
0x549: {  	v61 =	vmul.f32 v24, v7;
	v62 =	vshrl.u32 v18, $0x10;
	[tilespmem:v25+s3+$0x0] =	vst.idx.add.f32.msk @p2 $0xffff, v13;
	v10 =	vmul.f32 v10, v16  }
0x54a: {  	[tilespmem:v11+s3+$0x0] =	vst.idx.add.f32.msk @p2 $0xffff, v15;
	v14 =	vmul.f32 v14, v7;
	v63 =	vmul.f32 v12, v19  }
0x54b: {  	[tilespmem:v23+s3+$0x0] =	vst.idx.add.f32.msk $0xffff, v61;
	v10 =	vmul.f32 v10, v7  }
0x54c: {  	[tilespmem:v9+s3+$0x0] =	vst.idx.add.f32.msk $0xffff, v14;
	v9 =	vmul.f32 v63, v7  }
0x54d: {  	[tilespmem:v8+s3+$0x0] =	vst.idx.add.f32.msk $0xffff, v10  }
0x54e: {  	[tilespmem:v62+s3+$0x0] =	vst.idx.add.f32.msk $0xffff, v9  }
.LBB2_68:
.Ltmp46:
0x54f: {  	s1 =	sld [smem:$0x7F7];
	(pc) =	sbr.rel @p5 .LBB2_70-.Ltmp46, $4  }
0x550: {  	s10 =	sld [smem:$0x7F6]  }
0x551: {  	s13 =	rddreg [dreg:$0x1f]  }
0x552: {  	s15 =	rddreg [dreg:$0x1e]  }
0x553: {  	s16 =	rddreg [dreg:$0x1d]  }
.LBB2_69:
0x554: {  	s6 =	sand.u32 $0xFFFFFF00, s13;
	s8 =	sand.u32 $0xC0, s15  }
0x555: {  	v8 =	vld [tilespmem:s1+$0xFFFFFFF0];
	s6 =	sshra.s32 s6, $0x1;
	s8 =	sshrl.u32 s8, $0x1  }
0x556: {  	s6 =	sor.u32 s8, s6  }
0x557: {  	v9 =	vld [tilespmem:s6+$0x3F80];
	_ =	sdelay $0x2  }
0x558: {  	v10 =	vand.u32 $0xFFFF, v8;
	_ =	sdelay $0x1  }
0x559: {  	v11 =	vunpack.i.l.s16.s32 v9;
	_ =	sdelay $0x1  }
0x55a: {  	v12 =	vld [tilespmem:s10+$0xFFFFFFF0]  }
0x55b: {  	v10 =	vld.idx.msk [tilespmem:v10+s2+$0x0], $0xffff;
	_ =	sdelay $0x1  }
0x55c: {  	v11 =	vld.idx.msk [tilespmem:v11+s9+$0x0], $0xffff;
	_ =	sdelay $0x2  }
0x55d: {  	v10 =	vmul.f32 v12, v10  }
0x55e: {  	v8 =	vshrl.u32 v8, $0x10  }
0x55f: {  	v10 =	vmul.f32 v10, v11;
	_ =	sdelay $0x1  }
0x560: {  	v10 =	vmul.f32 v10, v7;
	_ =	sdelay $0x1  }
0x561: {  	[tilespmem:v8+s3+$0x0] =	vst.idx.add.f32.msk $0xffff, v10  }
0x562: {  	v8 =	vld [tilespmem:s1+$0x0];
	_ =	sdelay $0x4  }
0x563: {  	v62 =	vand.u32 $0xFFFF, v8;
	_ =	sdelay $0x1  }
0x564: {  	v9 =	vunpack.i.u.s16.s32 v9;
	_ =	sdelay $0x1  }
0x565: {  	v63 =	vld [tilespmem:s10+$0x0]  }
0x566: {  	v10 =	vld.idx.msk [tilespmem:v62+s2+$0x0], $0xffff;
	_ =	sdelay $0x1  }
0x567: {  	v9 =	vld.idx.msk [tilespmem:v9+s9+$0x0], $0xffff;
	_ =	sdelay $0x2  }
0x568: {  	v10 =	vmul.f32 v63, v10  }
0x569: {  	p2 =	sne.s32 s16, $0x1;
	v8 =	vshrl.u32 v8, $0x10  }
.Ltmp47:
0x56a: {  	v9 =	vmul.f32 v10, v9;
	(pc) =	sbr.rel @p2 .LBB2_69-.Ltmp47, $4  }
0x56b: {  	_ = 	snop  }
0x56c: {  	v9 =	vmul.f32 v9, v7  }
0x56d: {  	s15 =	sadd.s32 $0x40, s15;
	s13 =	sadd.s32 $0x20, s13  }
0x56e: {  	s16 =	sadd.s32 $0xFFFFFFFF, s16;
	s10 =	sadd.s32 $0x20, s10;
	s1 =	sadd.s32 $0x20, s1;
	[tilespmem:v8+s3+$0x0] =	vst.idx.add.f32.msk $0xffff, v9  }
.LBB2_70:
0x56f: {  	s1 =	rddreg [dreg:$0xe];
	s6 =	simm.s32 $0xB3D8  }
0x570: {  	[spmem:s1] =	stream.linear.scatter [tilespmem:s6], [sflag:$0x3], $0x378, $0x38;
	[tilespmem:$0xDE50] =	vst v63  }
0x571: {  	s24 =	simm.s32 $0x0;
	s15 =	simm.s32 $0x40;
	_ =	swait.ge [sflag:s31], $0x378  }
0x572: {  	s8 =	simm.s32 $0x9F20;
	s13 =	sand.u32 $0x700, s24;
	[sflag:s31] =	ssyncset.done $0x0  }
0x573: {  	s10 =	sand.u32 $0xC0, s15;
	s6 =	sshrl.u32 s13, $0x1;
	[sflag:s31] =	ssyncadd.s32 $0xFFFFFC88  }
0x574: {  	s10 =	sshrl.u32 s10, $0x1;
	s6 =	sadd.s32 $0xA580, s6;
	v8 =	vld [tilespmem:s8+$0x0]  }
0x575: {  	s10 =	sor.u32 s10, s6  }
0x576: {  	v9 =	vld [tilespmem:s10+$0x0]  }
0x577: {  	s1 =	sand.u32 $0x80, s24  }
0x578: {  	s1 =	sshrl.u32 s1, $0x1;
	v10 =	vld [tilespmem:s8+$0xFFFFFFE0]  }
0x579: {  	s1 =	sor.u32 s1, s6;
	v7 =	vand.u32 $0xFFFF, v8  }
0x57a: {  	v11 =	vld [tilespmem:s1+$0x0]  }
0x57b: {  	v12 =	vunpack.i.l.s16.s32 v9  }
0x57c: {  	s16 =	simm.s32 $0xA920  }
0x57d: {  	v14 =	vld [tilespmem:s16+$0x0];
	v13 =	vand.u32 $0xFFFF, v10  }
0x57e: {  	v15 =	vld.idx.msk [tilespmem:v7+s21+$0x0], $0xffff  }
0x57f: {  	v17 =	vld [tilespmem:s16+$0xFFFFFFE0];
	v16 =	vunpack.i.l.s16.s32 v11  }
0x580: {  	v12 =	vld.idx.msk [tilespmem:v12+s9+$0x0], $0xffff  }
0x581: {  	s22 =	simm.s32 $0xC0;
	s18 =	sand.u32 $0x700, s15;
	v7 =	vld [tilespmem:$0xD600]  }
0x582: {  	s1 =	sshrl.u32 s18, $0x1;
	s10 =	sand.u32 $0xC0, s22;
	v13 =	vld.idx.msk [tilespmem:v13+s21+$0x0], $0xffff  }
0x583: {  	s13 =	sadd.s32 $0xA580, s1;
	s10 =	sshrl.u32 s10, $0x1;
	v14 =	vmul.f32 v14, v15  }
0x584: {  	s24 =	simm.s32 $0x80;
	s10 =	sor.u32 s10, s13;
	v8 =	vshrl.u32 v8, $0x10;
	v15 =	vld.idx.msk [tilespmem:v16+s9+$0x0], $0xffff  }
0x585: {  	s18 =	simm.s32 $0x80;
	s1 =	simm.s32 $0x9F60;
	v16 =	vld [tilespmem:s10+$0x0];
	s10 =	sand.u32 $0x80, s24;
	v12 =	vmul.f32 v14, v12  }
0x586: {  	s6 =	sand.u32 $0x700, s18;
	s18 =	simm.s32 $0xA9A0;
	s10 =	sshrl.u32 s10, $0x1;
	v14 =	vld [tilespmem:s1+$0x0]  }
0x587: {  	v26 =	vld [tilespmem:s18+$0x0];
	v13 =	vmul.f32 v17, v13;
	s10 =	sor.u32 s10, s13;
	s13 =	simm.s32 $0xA960;
	v12 =	vmul.f32 v12, v7  }
0x588: {  	v10 =	vshrl.u32 v10, $0x10;
	v20 =	vld [tilespmem:s13+$0x0]  }
0x589: {  	[tilespmem:v8+s20+$0x0] =	vst.idx.add.f32.msk $0xffff, v12;
	v8 =	vmul.f32 v13, v15  }
0x58a: {  	v12 =	vld [tilespmem:s8+$0x10]  }
0x58b: {  	v25 =	vld [tilespmem:s13+$0xFFFFFFE0];
	v17 =	vand.u32 $0xFFFF, v14;
	v8 =	vmul.f32 v8, v7  }
0x58c: {  	v13 =	vld [tilespmem:s1+$0xFFFFFFE0]  }
0x58d: {  	[tilespmem:v10+s20+$0x0] =	vst.idx.add.f32.msk $0xffff, v8;
	v8 =	vunpack.i.l.s16.s32 v16  }
0x58e: {  	v9 =	vunpack.i.u.s16.s32 v9;
	v15 =	vld [tilespmem:s10+$0x0]  }
0x58f: {  	v23 =	vld [tilespmem:s16+$0x10];
	v10 =	vand.u32 $0xFFFF, v12  }
0x590: {  	v17 =	vld.idx.msk [tilespmem:v17+s21+$0x0], $0xffff  }
0x591: {  	v18 =	vld [tilespmem:s8+$0xFFFFFFF0];
	v21 =	vand.u32 $0xFFFF, v13  }
0x592: {  	v11 =	vunpack.i.u.s16.s32 v11;
	v8 =	vld.idx.msk [tilespmem:v8+s9+$0x0], $0xffff  }
0x593: {  	v9 =	vld.idx.msk [tilespmem:v9+s9+$0x0], $0xffff;
	v22 =	vunpack.i.l.s16.s32 v15  }
0x594: {  	v10 =	vld.idx.msk [tilespmem:v10+s21+$0x0], $0xffff  }
0x595: {  	s22 =	simm.s32 $0x140;
	v19 =	vld [tilespmem:s16+$0xFFFFFFF0];
	v17 =	vmul.f32 v20, v17  }
0x596: {  	s6 =	sshrl.u32 s6, $0x1;
	s8 =	sand.u32 $0xC0, s22;
	v24 =	vand.u32 $0xFFFF, v18;
	v21 =	vld.idx.msk [tilespmem:v21+s21+$0x0], $0xffff  }
0x597: {  	s6 =	sadd.s32 $0xA580, s6;
	s8 =	sshrl.u32 s8, $0x1;
	v20 =	vld.idx.msk [tilespmem:v11+s9+$0x0], $0xffff;
	v11 =	vshrl.u32 v14, $0x10;
	v8 =	vmul.f32 v17, v8  }
0x598: {  	s8 =	sor.u32 s8, s6;
	v14 =	vld.idx.msk [tilespmem:v22+s9+$0x0], $0xffff  }
0x599: {  	s16 =	simm.s32 $0x9FA0;
	v10 =	vmul.f32 v23, v10;
	v23 =	vmul.f32 v8, v7;
	v8 =	vld [tilespmem:s8+$0x0]  }
0x59a: {  	v22 =	vshrl.u32 v12, $0x10;
	v12 =	vld [tilespmem:s16+$0x0]  }
0x59b: {  	v17 =	vld.idx.msk [tilespmem:v24+s21+$0x0], $0xffff;
	v9 =	vmul.f32 v10, v9;
	v10 =	vmul.f32 v25, v21  }
0x59c: {  	s24 =	simm.s32 $0x100;
	v13 =	vshrl.u32 v13, $0x10;
	[tilespmem:v11+s20+$0x0] =	vst.idx.add.f32.msk $0xffff, v23  }
0x59d: {  	s8 =	sand.u32 $0x80, s24;
	v9 =	vmul.f32 v9, v7;
	v11 =	vmul.f32 v10, v14;
	v10 =	vld [tilespmem:s1+$0x10]  }
0x59e: {  	s8 =	sshrl.u32 s8, $0x1;
	v14 =	vld [tilespmem:s16+$0xFFFFFFE0];
	v21 =	vunpack.i.l.s16.s32 v8  }
0x59f: {  	s6 =	sor.u32 s8, s6;
	[tilespmem:v22+s20+$0x0] =	vst.idx.add.f32.msk $0xffff, v9;
	v9 =	vunpack.i.u.s16.s32 v15;
	v11 =	vmul.f32 v11, v7  }
0x5a0: {  	v22 =	vld [tilespmem:s6+$0x0];
	v15 =	vand.u32 $0xFFFF, v12  }
0x5a1: {  	[tilespmem:v13+s20+$0x0] =	vst.idx.add.f32.msk $0xffff, v11  }
0x5a2: {  	v16 =	vunpack.i.u.s16.s32 v16;
	v23 =	vld [tilespmem:s1+$0xFFFFFFF0]  }
0x5a3: {  	v24 =	vand.u32 $0xFFFF, v10;
	v21 =	vld.idx.msk [tilespmem:v21+s9+$0x0], $0xffff  }
0x5a4: {  	v11 =	vld.idx.msk [tilespmem:v9+s9+$0x0], $0xffff;
	v9 =	vmul.f32 v19, v17;
	v17 =	vand.u32 $0xFFFF, v14  }
0x5a5: {  	v27 =	vld.idx.msk [tilespmem:v15+s21+$0x0], $0xffff  }
0x5a6: {  	v15 =	vmul.f32 v9, v20;
	v20 =	vld [tilespmem:s13+$0x10]  }
0x5a7: {  	v9 =	vshrl.u32 v18, $0x10;
	v18 =	vld.idx.msk [tilespmem:v16+s9+$0x0], $0xffff  }
0x5a8: {  	v25 =	vunpack.i.l.s16.s32 v22;
	v16 =	vshrl.u32 v14, $0x10;
	v19 =	vld.idx.msk [tilespmem:v24+s21+$0x0], $0xffff  }
0x5a9: {  	v14 =	vunpack.i.u.s16.s32 v22;
	v22 =	vld.idx.msk [tilespmem:v17+s21+$0x0], $0xffff;
	v17 =	vshrl.u32 v23, $0x10;
	v23 =	vand.u32 $0xFFFF, v23;
	_ =	sdelay $0x1  }
0x5aa: {  	s28 =	simm.s32 $0x9FA0;
	s10 =	simm.s32 $0x180;
	v13 =	vld [tilespmem:s13+$0xFFFFFFF0]  }
0x5ab: {  	s22 =	simm.s32 $0x4;
	s1 =	simm.s32 $0xA9A0;
	s13 =	simm.s32 $0xC0;
	v24 =	vld [tilespmem:s18+$0xFFFFFFE0];
	v15 =	vmul.f32 v15, v7;
	v26 =	vmul.f32 v26, v27  }
.LBB2_71:
0x5ac: {  	s6 =	sand.u32 $0x700, s13;
	s8 =	sand.u32 $0x80, s10;
	s24 =	sadd.s32 $0x40, s10;
	v25 =	vld.idx.msk [tilespmem:v25+s9+$0x0], $0xffff;
	v27 =	vshrl.u32 v12, $0x10  }
0x5ad: {  	s6 =	sshrl.u32 s6, $0x1;
	s8 =	sshrl.u32 s8, $0x1;
	s24 =	sand.u32 $0xC0, s24;
	v21 =	vmul.f32 v26, v21;
	v23 =	vld.idx.msk [tilespmem:v23+s21+$0x0], $0xffff;
	v19 =	vmul.f32 v20, v19  }
0x5ae: {  	s16 =	sadd.s32 $0x40, s16;
	v20 =	vshrl.u32 v10, $0x10;
	s6 =	sadd.s32 $0xA580, s6;
	s24 =	sshrl.u32 s24, $0x1;
	[tilespmem:v9+s20+$0x0] =	vst.idx.add.f32.msk $0xffff, v15;
	v9 =	vmov v17  }
0x5af: {  	s8 =	sor.u32 s8, s6;
	s6 =	sor.u32 s24, s6;
	v12 =	vld [tilespmem:s16+$0x0];
	v10 =	vmul.f32 v21, v7;
	v15 =	vmul.f32 v19, v18  }
0x5b0: {  	s22 =	sadd.s32 $0x2, s22;
	v17 =	vld [tilespmem:s6+$0x0];
	v18 =	vmul.f32 v24, v22  }
0x5b1: {  	p2 =	slt.u32 s22, $0x30;
	[tilespmem:v27+s20+$0x0] =	vst.idx.add.f32.msk $0xffff, v10;
	v15 =	vmul.f32 v15, v7  }
0x5b2: {  	v18 =	vmul.f32 v18, v25;
	v10 =	vld [tilespmem:s28+$0x10]  }
0x5b3: {  	v13 =	vmul.f32 v13, v23;
	[tilespmem:v20+s20+$0x0] =	vst.idx.add.f32.msk $0xffff, v15  }
0x5b4: {  	v19 =	vld [tilespmem:s16+$0xFFFFFFE0];
	v15 =	vmul.f32 v18, v7  }
0x5b5: {  	v11 =	vmul.f32 v13, v11;
	v18 =	vld [tilespmem:s8+$0x0]  }
0x5b6: {  	v20 =	vand.u32 $0xFFFF, v12;
	[tilespmem:v16+s20+$0x0] =	vst.idx.add.f32.msk $0xffff, v15  }
0x5b7: {  	v21 =	vunpack.i.l.s16.s32 v17;
	v15 =	vmul.f32 v11, v7;
	v22 =	vld [tilespmem:s28+$0xFFFFFFF0];
	s28 =	smov.u32 s16  }
0x5b8: {  	v24 =	vand.u32 $0xFFFF, v10;
	v13 =	vld [tilespmem:s18+$0xFFFFFFF0]  }
0x5b9: {  	s18 =	sadd.s32 $0x40, s18;
	v16 =	vshrl.u32 v19, $0x10;
	v26 =	vand.u32 $0xFFFF, v19;
	v11 =	vld.idx.msk [tilespmem:v14+s9+$0x0], $0xffff  }
0x5ba: {  	v14 =	vunpack.i.u.s16.s32 v18;
	v25 =	vunpack.i.l.s16.s32 v18;
	v27 =	vld [tilespmem:s18+$0x0];
	v18 =	vunpack.i.u.s16.s32 v8;
	v8 =	vmovc v17  }
0x5bb: {  	v28 =	vld.idx.msk [tilespmem:v20+s21+$0x0], $0xffff  }
0x5bc: {  	v21 =	vld.idx.msk [tilespmem:v21+s9+$0x0], $0xffff;
	v17 =	vshrl.u32 v22, $0x10;
	v23 =	vand.u32 $0xFFFF, v22  }
.Ltmp48:
0x5bd: {  	v19 =	vld.idx.msk [tilespmem:v24+s21+$0x0], $0xffff;
	(pc) =	sbr.rel @p2 .LBB2_71-.Ltmp48, $4  }
0x5be: {  	v20 =	vld [tilespmem:s1+$0x10];
	s1 =	smov.u32 s18  }
0x5bf: {  	v18 =	vld.idx.msk [tilespmem:v18+s9+$0x0], $0xffff  }
0x5c0: {  	v22 =	vld.idx.msk [tilespmem:v26+s21+$0x0], $0xffff  }
0x5c1: {  	s10 =	sadd.s32 $0x80, s10;
	s13 =	sadd.s32 $0x40, s13;
	v26 =	vmul.f32 v27, v28;
	v24 =	vld [tilespmem:s18+$0xFFFFFFE0]  }
0x5c2: {  	_ =	sdelay $0x3  }
0x5c3: {  	v25 =	vld.idx.msk [tilespmem:v25+s9+$0x0], $0xffff;
	_ =	sdelay $0x1  }
0x5c4: {  	v12 =	vshrl.u32 v12, $0x10  }
0x5c5: {  	v21 =	vmul.f32 v26, v21;
	v22 =	vmul.f32 v24, v22;
	_ =	sdelay $0x1  }
0x5c6: {  	v21 =	vmul.f32 v21, v7;
	v22 =	vmul.f32 v22, v25;
	_ =	sdelay $0x1  }
0x5c7: {  	[tilespmem:v12+s20+$0x0] =	vst.idx.add.f32.msk $0xffff, v21;
	v57 =	vmul.f32 v22, v7  }
0x5c8: {  	v21 =	vld [tilespmem:s28+$0x10]  }
0x5c9: {  	[tilespmem:v16+s20+$0x0] =	vst.idx.add.f32.msk $0xffff, v57  }
0x5ca: {  	v12 =	vld [tilespmem:s28+$0xFFFFFFF0];
	_ =	sdelay $0x3  }
0x5cb: {  	v58 =	vand.u32 $0xFFFF, v21  }
0x5cc: {  	v59 =	vand.u32 $0xFFFF, v12  }
0x5cd: {  	v23 =	vld.idx.msk [tilespmem:v23+s21+$0x0], $0xffff;
	v8 =	vunpack.i.u.s16.s32 v8  }
0x5ce: {  	v61 =	vld [tilespmem:s1+$0x10]  }
0x5cf: {  	v60 =	vld [tilespmem:s18+$0xFFFFFFF0]  }
0x5d0: {  	v16 =	vld.idx.msk [tilespmem:v58+s21+$0x0], $0xffff  }
0x5d1: {  	v22 =	vld.idx.msk [tilespmem:v59+s21+$0x0], $0xffff  }
0x5d2: {  	v8 =	vld.idx.msk [tilespmem:v8+s9+$0x0], $0xffff  }
0x5d3: {  	v19 =	vmul.f32 v20, v19;
	v14 =	vld.idx.msk [tilespmem:v14+s9+$0x0], $0xffff  }
0x5d4: {  	v10 =	vshrl.u32 v10, $0x10;
	v13 =	vmul.f32 v13, v23  }
0x5d5: {  	v18 =	vmul.f32 v19, v18;
	v16 =	vmul.f32 v61, v16  }
0x5d6: {  	v11 =	vmul.f32 v13, v11;
	v62 =	vshrl.u32 v21, $0x10;
	v63 =	vmul.f32 v60, v22  }
0x5d7: {  	v18 =	vmul.f32 v18, v7;
	v12 =	vshrl.u32 v12, $0x10;
	v8 =	vmul.f32 v16, v8  }
0x5d8: {  	[tilespmem:v9+s20+$0x0] =	vst.idx.add.f32.msk $0xffff, v15;
	v9 =	vmul.f32 v11, v7;
	v11 =	vmul.f32 v63, v14  }
0x5d9: {  	[tilespmem:v10+s20+$0x0] =	vst.idx.add.f32.msk $0xffff, v18;
	v8 =	vmul.f32 v8, v7  }
0x5da: {  	[tilespmem:v17+s20+$0x0] =	vst.idx.add.f32.msk $0xffff, v9;
	v7 =	vmul.f32 v11, v7  }
0x5db: {  	[tilespmem:v62+s20+$0x0] =	vst.idx.add.f32.msk $0xffff, v8  }
0x5dc: {  	s28 =	simm.s32 $0x0;
	[tilespmem:v12+s20+$0x0] =	vst.idx.add.f32.msk $0xffff, v7  }
0x5dd: {  	v7 =	vimm.f32 $0.0e+00;
	v8 =	vld [tilespmem:s28+$0xBF80];
	[tilespmem:s28+$0xC080] =	vst v3  }
.LBB2_73:
0x5de: {  	p2 =	sne.s32 s15, $0x300  }
.Ltmp49:
0x5df: {  	_ = 	snop;
	(pc) =	sbr.rel @p2 .LBB2_73-.Ltmp49, $3  }
0x5e0: {  	_ =	sdelay $0x1  }
0x5e1: {  	s1 =	sshra.s32 s15, $0x2;
	s15 =	sadd.s32 $0x40, s15;
	v7 =	vmax.f32 v7, v8  }
0x5e2: {  	v8 =	vld [tilespmem:s1+$0xBF80];
	[tilespmem:s1+$0xC080] =	vst v3  }
0x5e3: {  	_ =	sdelay $0x3  }
0x5e4: {  	v7 =	vmax.f32 v7, v8  }
0x5e5: {  	v8 =	vperm.xlane v7, v1;
	_ =	sdelay $0x1  }
0x5e6: {  	v7 =	vmax.f32 v7, v8  }
0x5e7: {  	v8 =	vperm.xlane v7, v2;
	_ =	sdelay $0x1  }
0x5e8: {  	v7 =	vmax.f32 v7, v8  }
0x5e9: {  	v8 =	vperm.xlane v7, v4;
	_ =	sdelay $0x1  }
0x5ea: {  	v7 =	vmax.f32 v7, v8;
	v8 =	vmov s19  }
0x5eb: {  	v9 =	vperm.xlane v7, v6;
	_ =	sdelay $0x1  }
0x5ec: {  	v7 =	vmax.f32 v7, v9  }
0x5ed: {  	s1 =	simm.s32 $0xD400;
	v7 =	vand.u32 $0x7F800000, v7  }
0x5ee: {  	v63 =	vsub.s32 $0x7F000000, v7;
	[tilespmem:v8+s1+$0x0] =	vst.idx.msk $0x1, v7  }
0x5ef: {  	[tilespmem:$0xD600] =	vst v63  }
0x5f0: {  	[bflag:$0x0] =	sbarrier.arrive $0xFFFF  }
0x5f1: {  	s28 =	rddreg [dreg:$0xf]  }
0x5f2: {  	[tilespmem:s3], [sflag:$0x3] =	stream.linear.gather [spmem:s28], $0x458, $0x38;
	[tilespmem:$0xDE50] =	vst v63  }
0x5f3: {  	_ =	swait.ge [sflag:s31], $0x458  }
0x5f4: {  	[sflag:s31] =	ssyncset.done $0x0  }
0x5f5: {  	[sflag:s31] =	ssyncadd.s32 $0xFFFFFBA8  }
.LBB2_64:
0x5f6: {  	s1 =	simm.s32 $0xAFC0;
	s6 =	simm.s32 $0xB7C0  }
0x5f7: {  	v10 =	vld [tilespmem:s1+$0xFFFFFFC0];
	[tilespmem:s6+$0xFFFFFFC0] =	vst v3  }
0x5f8: {  	v11 =	vld [tilespmem:s1+$0xFFFFFFD0];
	[tilespmem:s6+$0xFFFFFFD0] =	vst v3  }
0x5f9: {  	v12 =	vld [tilespmem:s1+$0xFFFFFFE0];
	[tilespmem:s6+$0xFFFFFFE0] =	vst v3  }
0x5fa: {  	v7 =	vld [tilespmem:s1+$0xFFFFFFF0];
	[tilespmem:s6+$0xFFFFFFF0] =	vst v3  }
0x5fb: {  	v13 =	vimm.f32 $0.0e+00;
	v8 =	vld [tilespmem:s1+$0x0];
	[tilespmem:s6+$0x0] =	vst v3  }
0x5fc: {  	v9 =	vld [tilespmem:s1+$0x10];
	[tilespmem:s6+$0x10] =	vst v3;
	v13 =	vmax.f32 v13, v10  }
0x5fd: {  	v10 =	vld [tilespmem:s1+$0x20];
	[tilespmem:s6+$0x20] =	vst v3;
	v13 =	vmax.f32 v13, v11  }
0x5fe: {  	s10 =	simm.s32 $0xB040;
	s13 =	simm.s32 $0xB840;
	v11 =	vld [tilespmem:s1+$0x30];
	s1 =	simm.s32 $0x0;
	[tilespmem:s6+$0x30] =	vst v3;
	v12 =	vmax.f32 v13, v12  }
.LBB2_65:
0x5ff: {  	v13 =	vld [tilespmem:s10+$0xFFFFFFC0];
	[tilespmem:s13+$0xFFFFFFC0] =	vst v3;
	s1 =	sadd.s32 $0x8, s1;
	v7 =	vmax.f32 v12, v7  }
0x600: {  	v12 =	vld [tilespmem:s10+$0xFFFFFFD0];
	[tilespmem:s13+$0xFFFFFFD0] =	vst v3;
	p2 =	slt.u32 s1, $0x78;
	v7 =	vmax.f32 v7, v8  }
0x601: {  	v14 =	vld [tilespmem:s10+$0xFFFFFFE0];
	[tilespmem:s13+$0xFFFFFFE0] =	vst v3;
	v8 =	vmax.f32 v7, v9  }
.Ltmp50:
0x602: {  	v7 =	vld [tilespmem:s10+$0xFFFFFFF0];
	[tilespmem:s13+$0xFFFFFFF0] =	vst v3;
	v9 =	vmax.f32 v8, v10;
	(pc) =	sbr.rel @p2 .LBB2_65-.Ltmp50, $4  }
0x603: {  	v8 =	vld [tilespmem:s10+$0x0];
	[tilespmem:s13+$0x0] =	vst v3;
	v9 =	vmax.f32 v9, v11  }
0x604: {  	v10 =	vmax.f32 v9, v13;
	v9 =	vld [tilespmem:s10+$0x10];
	[tilespmem:s13+$0x10] =	vst v3  }
0x605: {  	v11 =	vmax.f32 v10, v12;
	v10 =	vld [tilespmem:s10+$0x20];
	[tilespmem:s13+$0x20] =	vst v3  }
0x606: {  	v12 =	vmax.f32 v11, v14;
	v11 =	vld [tilespmem:s10+$0x30];
	[tilespmem:s13+$0x30] =	vst v3;
	s10 =	sadd.s32 $0x80, s10;
	s13 =	sadd.s32 $0x80, s13  }
0x607: {  	v7 =	vmax.f32 v12, v7  }
0x608: {  	v7 =	vmax.f32 v7, v8  }
0x609: {  	v7 =	vmax.f32 v7, v9  }
0x60a: {  	v7 =	vmax.f32 v7, v10  }
0x60b: {  	v7 =	vmax.f32 v7, v11  }
0x60c: {  	v8 =	vperm.xlane v7, v1;
	_ =	sdelay $0x1  }
0x60d: {  	v7 =	vmax.f32 v7, v8  }
0x60e: {  	v8 =	vperm.xlane v7, v2;
	_ =	sdelay $0x1  }
0x60f: {  	v7 =	vmax.f32 v7, v8  }
0x610: {  	v8 =	vperm.xlane v7, v4;
	_ =	sdelay $0x1  }
0x611: {  	v7 =	vmax.f32 v7, v8;
	v8 =	vmov s19  }
0x612: {  	v62 =	vperm.xlane v7, v6  }
.Ltmp51:
0x613: {  	_ = 	snop;
	(pc) =	sbr.rel .LBB2_83-.Ltmp51, $4  }
0x614: {  	v7 =	vmax.f32 v7, v62  }
0x615: {  	v7 =	vand.u32 $0x7F800000, v7  }
0x616: {  	v63 =	vsub.s32 $0x7F000000, v7;
	[tilespmem:v8+s29+$0x0] =	vst.idx.msk $0x1, v7  }
0x617: {  	[tilespmem:$0xD580] =	vst v63  }
.LBB2_21:
.Ltmp52:
0x618: {  	(pc) =	sbr.rel .LBB2_26-.Ltmp52, $2  }
0x619: {  	_ =	sdelay $0x2  }
0x61a: {  	_ = 	snop  }
.LBB2_55:
.Ltmp53:
0x61b: {  	(pc) =	sbr.rel .LBB2_60-.Ltmp53, $2  }
0x61c: {  	_ =	sdelay $0x2  }
0x61d: {  	_ = 	snop  }
.LBB2_23:
.Ltmp54:
0x61e: {  	(pc) =	sbr.rel .LBB2_26-.Ltmp54, $2  }
0x61f: {  	_ =	sdelay $0x2  }
0x620: {  	v25 =	vmov v8;
	v8 =	vmov v16  }
.LBB2_57:
.Ltmp55:
0x621: {  	(pc) =	sbr.rel .LBB2_60-.Ltmp55, $2  }
0x622: {  	_ =	sdelay $0x2  }
0x623: {  	v25 =	vmov v8;
	v8 =	vmov v16  }
.LBB2_42:
.Ltmp56:
0x624: {  	(pc) =	sbr.rel .LBB2_47-.Ltmp56, $2  }
0x625: {  	_ =	sdelay $0x2  }
0x626: {  	_ = 	snop  }
.LBB2_76:
.Ltmp57:
0x627: {  	(pc) =	sbr.rel .LBB2_81-.Ltmp57, $2  }
0x628: {  	_ =	sdelay $0x2  }
0x629: {  	s29 =	simm.s32 $0xD280  }
.LBB2_44:
.Ltmp58:
0x62a: {  	(pc) =	sbr.rel .LBB2_47-.Ltmp58, $2  }
0x62b: {  	_ =	sdelay $0x2  }
0x62c: {  	v25 =	vmov v8;
	v8 =	vmov v21  }
.LBB2_78:
.Ltmp59:
0x62d: {  	(pc) =	sbr.rel .LBB2_81-.Ltmp59, $2  }
0x62e: {  	_ =	sdelay $0x2  }
0x62f: {  	v25 =	vmov v8;
	v8 =	vmov v21;
	s29 =	simm.s32 $0xD280  }
.LBB2_84:
.Ltmp60:
0x630: {  	(pc) =	sbr.rel @p1 .LBB2_92-.Ltmp60, $3  }
0x631: {  	_ =	sdelay $0x1  }
0x632: {  	s1 =	sand.u32 $0x1, s12  }
0x633: {  	s8 =	simm.s32 $0x80;
	s16 =	simm.s32 $0x400;
	p2 =	sne.s32 s1, $0x0  }
.Ltmp61:
0x634: {  	(pc) =	sbr.rel @p2 .LBB2_89-.Ltmp61, $3  }
0x635: {  	_ = 	snop  }
0x636: {  	v7 =	vld [tilespmem:$0xD580];
	_ =	sdelay $0x1  }
0x637: {  	s4 =	simm.s32 $0xB7A0;
	s5 =	simm.s32 $0xFFFFFFFC;
	s1 =	simm.s32 $0xAFA0  }
0x638: {  	v8 =	vld [tilespmem:s1+$0xFFFFFFE0]  }
0x639: {  	v10 =	vld [tilespmem:s1+$0x10]  }
0x63a: {  	v11 =	vld [tilespmem:s1+$0x0];
	_ =	sdelay $0x1  }
0x63b: {  	v12 =	vld [tilespmem:s1+$0xFFFFFFF0]  }
0x63c: {  	s4 =	simm.s32 $0xAFE0;
	v13 =	vmul.f32 v8, v7  }
0x63d: {  	v9 =	vld [tilespmem:s4+$0xFFFFFFE0];
	v14 =	vmul.f32 v10, v7  }
0x63e: {  	v8 =	vld [tilespmem:s4+$0x10];
	[tilespmem:s1+$0xFFFFFFE0] =	vst v13;
	v13 =	vmul.f32 v11, v7  }
0x63f: {  	v10 =	vld [tilespmem:s4+$0x0];
	[tilespmem:s1+$0x10] =	vst v14  }
0x640: {  	s5 =	simm.s32 $0x4;
	v12 =	vmul.f32 v12, v7;
	v11 =	vld [tilespmem:s4+$0xFFFFFFF0];
	[tilespmem:s1+$0x0] =	vst v13  }
.LBB2_87:
0x641: {  	s5 =	sadd.s32 $0x4, s5  }
0x642: {  	[tilespmem:s1+$0xFFFFFFF0] =	vst v12;
	s1 =	smov.u32 s4;
	p2 =	slt.u32 s5, $0x7C  }
.Ltmp62:
0x643: {  	s4 =	sadd.s32 $0x40, s4;
	v12 =	vmul.f32 v9, v7;
	(pc) =	sbr.rel @p2 .LBB2_87-.Ltmp62, $4  }
0x644: {  	v9 =	vld [tilespmem:s4+$0xFFFFFFE0];
	v13 =	vmul.f32 v8, v7  }
0x645: {  	v8 =	vld [tilespmem:s4+$0x10];
	[tilespmem:s1+$0xFFFFFFE0] =	vst v12;
	v14 =	vmul.f32 v10, v7  }
0x646: {  	v10 =	vld [tilespmem:s4+$0x0];
	v12 =	vmul.f32 v11, v7;
	[tilespmem:s1+$0x10] =	vst v13  }
0x647: {  	v11 =	vld [tilespmem:s4+$0xFFFFFFF0];
	[tilespmem:s1+$0x0] =	vst v14  }
0x648: {  	_ = 	snop  }
0x649: {  	v9 =	vmul.f32 v9, v7  }
0x64a: {  	[tilespmem:s1+$0xFFFFFFF0] =	vst v12;
	v8 =	vmul.f32 v8, v7  }
0x64b: {  	[tilespmem:s4+$0xFFFFFFE0] =	vst v9;
	v63 =	vmul.f32 v10, v7  }
0x64c: {  	v7 =	vmul.f32 v11, v7;
	[tilespmem:s4+$0x10] =	vst v8  }
.Ltmp63:
0x64d: {  	[tilespmem:s4+$0x0] =	vst v63;
	(pc) =	sbr.rel .LBB2_101-.Ltmp63, $4  }
0x64e: {  	[tilespmem:s4+$0xFFFFFFF0] =	vst v7  }
0x64f: {  	s5 =	rddreg [dreg:$0x12]  }
0x650: {  	s10 =	rddreg [dreg:$0x13]  }
0x651: {  	s1 =	simm.s32 $0xD280;
	s4 =	simm.s32 $0xAF80;
	s11 =	rddreg [dreg:$0x1b]  }
.LBB2_92:
0x652: {  	s1 =	simm.s32 $0xC1A0  }
0x653: {  	v7 =	vld [tilespmem:$0xD600];
	[tilespmem:s1+$0xFFFFFFE0] =	vst v3  }
0x654: {  	[tilespmem:s1+$0x10] =	vst v3  }
0x655: {  	s4 =	simm.s32 $0x0;
	[tilespmem:s1+$0x0] =	vst v3  }
.LBB2_93:
0x656: {  	s4 =	sadd.s32 $0x4, s4  }
0x657: {  	[tilespmem:s1+$0xFFFFFFF0] =	vst v3;
	s1 =	sadd.s32 $0x40, s1;
	p3 =	slt.u32 s4, $0x7C  }
.Ltmp64:
0x658: {  	[tilespmem:s1+$0xFFFFFFE0] =	vst v3;
	(pc) =	sbr.rel @p3 .LBB2_93-.Ltmp64, $3  }
0x659: {  	_ =	sdelay $0x1  }
0x65a: {  	[tilespmem:s1+$0x10] =	vst v3  }
0x65b: {  	[tilespmem:s1+$0x0] =	vst v3  }
.Ltmp65:
0x65c: {  	(pc) =	sbr.rel @p2 .LBB2_98-.Ltmp65, $2  }
0x65d: {  	_ =	sdelay $0x2  }
0x65e: {  	[tilespmem:s1+$0xFFFFFFF0] =	vst v3;
	s1 =	simm.s32 $0x0  }
0x65f: {  	p2 =	por $0x0, $0x0  }
.Ltmp66:
0x660: {  	v8 =	vld [tilespmem:s1+$0xBF80];
	(pc) =	sbr.rel @p2 .LBB2_97-.Ltmp66, $2  }
0x661: {  	_ =	sdelay $0x2  }
0x662: {  	s4 =	simm.s32 $0x40  }
.LBB2_96:
0x663: {  	p2 =	seq.s32 s4, $0x300  }
.Ltmp67:
0x664: {  	_ = 	snop;
	(pc) =	sbr.rel @!p2 .LBB2_96-.Ltmp67, $4  }
0x665: {  	_ = 	snop  }
0x666: {  	s5 =	sshra.s32 s4, $0x2;
	s4 =	sadd.s32 $0x40, s4;
	v9 =	vmul.f32 v8, v7  }
0x667: {  	v8 =	vld [tilespmem:s5+$0xBF80]  }
0x668: {  	[tilespmem:s1+$0xC180] =	vst v9;
	s1 =	smov.u32 s5  }
.Ltmp68:
0x669: {  	_ = 	snop;
	(pc) =	sbr.rel .LBB2_97-.Ltmp68, $1  }
0x66a: {  	_ =	sdelay $0x3  }
.LBB2_89:
0x66b: {  	v8 =	vld [tilespmem:s4+$0xFFFFFFE0]  }
0x66c: {  	v10 =	vld [tilespmem:s4+$0x10]  }
0x66d: {  	v11 =	vld [tilespmem:s4+$0x0];
	_ =	sdelay $0x1  }
0x66e: {  	v12 =	vld [tilespmem:s4+$0xFFFFFFF0]  }
0x66f: {  	s4 =	sadd.s32 $0x40, s4;
	v13 =	vmul.f32 v8, v7  }
0x670: {  	v9 =	vld [tilespmem:s4+$0xFFFFFFE0];
	v14 =	vmul.f32 v10, v7  }
0x671: {  	v8 =	vld [tilespmem:s4+$0x10];
	[tilespmem:s1+$0xFFFFFFE0] =	vst v13;
	v13 =	vmul.f32 v11, v7  }
0x672: {  	s5 =	sadd.s32 $0x4, s5;
	v10 =	vld [tilespmem:s4+$0x0];
	[tilespmem:s1+$0x10] =	vst v14  }
0x673: {  	s5 =	sadd.s32 $0x4, s5;
	v12 =	vmul.f32 v12, v7;
	v11 =	vld [tilespmem:s4+$0xFFFFFFF0];
	[tilespmem:s1+$0x0] =	vst v13  }
.LBB2_90:
0x674: {  	s5 =	sadd.s32 $0x4, s5  }
0x675: {  	[tilespmem:s1+$0xFFFFFFF0] =	vst v12;
	s1 =	sadd.s32 $0x40, s1;
	p2 =	slt.u32 s5, $0x7C  }
.Ltmp69:
0x676: {  	s4 =	sadd.s32 $0x40, s4;
	v12 =	vmul.f32 v9, v7;
	(pc) =	sbr.rel @p2 .LBB2_90-.Ltmp69, $4  }
0x677: {  	v9 =	vld [tilespmem:s4+$0xFFFFFFE0];
	v13 =	vmul.f32 v8, v7  }
0x678: {  	v8 =	vld [tilespmem:s4+$0x10];
	[tilespmem:s1+$0xFFFFFFE0] =	vst v12;
	v14 =	vmul.f32 v10, v7  }
0x679: {  	v10 =	vld [tilespmem:s4+$0x0];
	v12 =	vmul.f32 v11, v7;
	[tilespmem:s1+$0x10] =	vst v13  }
0x67a: {  	v11 =	vld [tilespmem:s4+$0xFFFFFFF0];
	[tilespmem:s1+$0x0] =	vst v14  }
0x67b: {  	_ = 	snop  }
0x67c: {  	v9 =	vmul.f32 v9, v7  }
0x67d: {  	[tilespmem:s1+$0xFFFFFFF0] =	vst v12;
	s30 =	sadd.s32 $0x40, s1;
	v8 =	vmul.f32 v8, v7  }
0x67e: {  	[tilespmem:s30+$0xFFFFFFE0] =	vst v9;
	v63 =	vmul.f32 v10, v7  }
0x67f: {  	v7 =	vmul.f32 v11, v7;
	[tilespmem:s30+$0x10] =	vst v8  }
.Ltmp70:
0x680: {  	[tilespmem:s30+$0x0] =	vst v63;
	(pc) =	sbr.rel .LBB2_101-.Ltmp70, $4  }
0x681: {  	[tilespmem:s30+$0xFFFFFFF0] =	vst v7  }
0x682: {  	s5 =	rddreg [dreg:$0x12]  }
0x683: {  	s10 =	rddreg [dreg:$0x13]  }
0x684: {  	s1 =	simm.s32 $0xD280;
	s4 =	simm.s32 $0xAF80;
	s11 =	rddreg [dreg:$0x1b]  }
.LBB2_98:
0x685: {  	v8 =	vld [tilespmem:s1+$0xC080]  }
0x686: {  	s4 =	simm.s32 $0x40  }
.LBB2_99:
0x687: {  	p2 =	sne.s32 s4, $0x300  }
.Ltmp71:
0x688: {  	_ = 	snop;
	(pc) =	sbr.rel @p2 .LBB2_99-.Ltmp71, $4  }
0x689: {  	_ = 	snop  }
0x68a: {  	s5 =	sshra.s32 s4, $0x2;
	s4 =	sadd.s32 $0x40, s4;
	v9 =	vmul.f32 v8, v7  }
0x68b: {  	v8 =	vld [tilespmem:s5+$0xC080]  }
0x68c: {  	[tilespmem:s1+$0xC180] =	vst v9;
	s1 =	smov.u32 s5  }
0x68d: {  	_ =	sdelay $0x2  }
0x68e: {  	v7 =	vmul.f32 v8, v7  }
.Ltmp72:
0x68f: {  	_ = 	snop;
	(pc) =	sbr.rel .LBB2_101-.Ltmp72, $4  }
0x690: {  	[tilespmem:s1+$0xC180] =	vst v7  }
0x691: {  	s5 =	rddreg [dreg:$0x10]  }
0x692: {  	s10 =	rddreg [dreg:$0x11]  }
0x693: {  	s4 =	simm.s32 $0xC180;
	s1 =	simm.s32 $0xD400;
	s11 =	rddreg [dreg:$0x1b]  }
.LBB2_102:
0x694: {  	_ =	sfence.sel $0x180000  }
0x695: {  	[bflag:$0x0] =	sbarrier.arrive $0xFFFF  }
0x696: {  	_ =	strace $0x90000053  }
0x697: {  	s0 =	stileid.u32;
	[bflag:$0x2] =	sbarrier.arrive $0xFFFF  }
0x698: {  	p0 =	sne.s32 s0, $0x0;
	s0 =	rddreg [dreg:$0x6]  }
0x699: {  	s0 =	sadd.s32 @!p0 $0x100000, s0  }
0x69a: {  	[sflag:s0] =	ssyncadd.tile.s32 @!p0 $0x1;
	_ =	shalt  }
.Lfunc_end2:
_tile_overlayer_lowered:
.L_overlay_start_2:
0x69b: {  	(tag) =	ssettag $0x2  }
0x69c: {  	s0 =	rddreg [dreg:$0x0];
	s2 =	stileid.u32  }
0x69d: {  	s1 =	rddreg [dreg:$0x1];
	p0 =	sne.s32 s2, $0x0  }
0x69e: {  	s3 =	rddreg [dreg:$0x2];
	[bflag:$0x3] =	sbarrier.arrive $0xFFFF;
	s2 =	simm.s32 @!p0 $0x1C03  }
0x69f: {  	[timem:s3], [sflag:s2] =	dma.local @!p0 [hbm:s0], s1  }
0x6a0: {  	s0 =	simm.s32 @!p0 $0x3  }
0x6a1: {  	_ =	swait.ge @!p0 [sflag:s0], s1  }
0x6a2: {  	s1 =	ssub.s32 @!p0 $0x0, s1;
	[sflag:s0] =	ssyncset.done @!p0 $0x0  }
0x6a3: {  	[sflag:s0] =	ssyncadd.s32 @!p0 s1  }
0x6a4: {  	[bflag:$0x3] =	sbarrier.arrive $0xFFFF  }
0x6a5: {  	_ =	shalt  }

</sc_bundles>
